<compile_context>
chip_gen: v7x
topology: tpu7x:2x2x1
jax: 0.10.2.dev20260603
libtpu: 0.0.44.dev20260713+nightly
codegen_flags: <defaults>
</compile_context>

<pallas_src>
import jax
import jax.numpy as jnp
from jax import lax
from jax.experimental import pallas as pl
from jax.experimental.pallas import tpu as pltpu
from jax.experimental.pallas import tpu_sc as plsc

N = 10000
E = 320000
D = 128
NC = 2
NS = 16
NW = NC * NS
CH = 128
EPC = 80
NCHP = NW * EPC
EP = NCHP * CH
HEPC = EPC // 2
NA = 10240
NAD = 11000

_mesh = plsc.VectorSubcoreMesh(
    core_axis_name="c", subcore_axis_name="s", num_cores=NC, num_subcores=NS)


def _zero_vmem_2d(ref, rows):
    def body(i, carry):
        r = i // (D // 16)
        col = (i % (D // 16)) * 16
        ref[r, pl.ds(col, 16)] = jnp.zeros((16,), jnp.float32)
        return carry
    lax.fori_loop(0, rows * (D // 16), body, 0)


def _sc_degrees_body(srcd_hbm, dstd_hbm, out_hbm, sblk, dblk, ones, zbuf,
                     dsp_out, dsp_in, sem_a, sem_b):
    c = lax.axis_index("c")
    s = lax.axis_index("s")
    w = s * NC + c

    def fill_ones(i, carry):
        ones[pl.ds(i * 16, 16)] = jnp.full((16,), 1.0, jnp.float32)
        return carry
    lax.fori_loop(0, CH // 16, fill_ones, 0)

    def fill_zeros(i, carry):
        zbuf[pl.ds(i * 16, 16)] = jnp.zeros((16,), jnp.float32)
        return carry
    lax.fori_loop(0, 64, fill_zeros, 0)

    pltpu.sync_copy(srcd_hbm.at[pl.ds(w * EPC, EPC)], sblk)
    pltpu.sync_copy(dstd_hbm.at[pl.ds(w * EPC, EPC)], dblk)

    @pl.when(s < NAD // 1000)
    def _():
        pltpu.sync_copy(zbuf.at[pl.ds(0, 1000)], dsp_out.at[pl.ds(s * 1000, 1000)])
        pltpu.sync_copy(zbuf.at[pl.ds(0, 1000)], dsp_in.at[pl.ds(s * 1000, 1000)])
    plsc.subcore_barrier()

    def group(t, carry):
        ds_ = []
        for b in range(8):
            j = t * 8 + b
            ds_.append(pltpu.async_copy(ones, dsp_out.at[sblk.at[j]], sem_a,
                                        add=True))
            ds_.append(pltpu.async_copy(ones, dsp_in.at[dblk.at[j]], sem_b,
                                        add=True))
        for d in ds_:
            d.wait()
        return carry
    lax.fori_loop(0, EPC // 8, group, 0)
    plsc.subcore_barrier()

    @pl.when(s < 10)
    def _():
        pltpu.sync_copy(dsp_out.at[pl.ds(s * 1000, 1000)], zbuf.at[pl.ds(0, 1000)])
        pltpu.sync_copy(zbuf.at[pl.ds(0, 1000)],
                        out_hbm.at[pl.ds(c * 2 * N + s * 1000, 1000)])
        pltpu.sync_copy(dsp_in.at[pl.ds(s * 1000, 1000)], zbuf.at[pl.ds(0, 1000)])
        pltpu.sync_copy(zbuf.at[pl.ds(0, 1000)],
                        out_hbm.at[pl.ds(c * 2 * N + N + s * 1000, 1000)])


_sc_degrees = pl.kernel(
    _sc_degrees_body,
    out_type=jax.ShapeDtypeStruct((NC * 2 * N,), jnp.float32),
    mesh=_mesh,
    scratch_types=[
        pltpu.VMEM((EPC, CH), jnp.int32),
        pltpu.VMEM((EPC, CH), jnp.int32),
        pltpu.VMEM((CH,), jnp.float32),
        pltpu.VMEM((1024,), jnp.float32),
        pltpu.VMEM_SHARED((NAD,), jnp.float32),
        pltpu.VMEM_SHARED((NAD,), jnp.float32),
        pltpu.SemaphoreType.DMA,
        pltpu.SemaphoreType.DMA,
    ],
)


def _sc_scatter_body(g_hbm, srcg_hbm, dstg_hbm, out_hbm, sblk, dblk,
                     stage0, stage1, accum, sem0, sem1):
    c = lax.axis_index("c")
    s = lax.axis_index("s")
    w = s * NC + c

    _zero_vmem_2d(stage0, CH)
    for j in range(5):
        cidx = s + j * NS
        pltpu.sync_copy(stage0, accum.at[pl.ds(cidx * CH, CH)])
    plsc.subcore_barrier()

    for h in range(2):
        base = w * EPC + h * HEPC
        pltpu.sync_copy(srcg_hbm.at[pl.ds(base, HEPC)], sblk)
        pltpu.sync_copy(dstg_hbm.at[pl.ds(base, HEPC)], dblk)
        pltpu.async_copy(g_hbm.at[sblk.at[0]], stage0, sem0)

        def body(t, carry):
            e = 2 * t
            d1 = pltpu.async_copy(g_hbm.at[sblk.at[e + 1]], stage1, sem1)
            pltpu.make_async_copy(g_hbm.at[pl.ds(0, CH)], stage0, sem0).wait()
            pltpu.sync_copy(stage0, accum.at[dblk.at[e]], add=True)

            @pl.when(t < HEPC // 2 - 1)
            def _():
                pltpu.async_copy(g_hbm.at[sblk.at[e + 2]], stage0, sem0)

            d1.wait()
            pltpu.sync_copy(stage1, accum.at[dblk.at[e + 1]], add=True)
            return carry
        lax.fori_loop(0, HEPC // 2, body, 0)
    plsc.subcore_barrier()

    for j in range(8):
        cidx = s + j * NS
        @pl.when(cidx < 125)
        def _():
            rr = cidx * 80
            pltpu.sync_copy(accum.at[pl.ds(rr, 80)], stage0.at[pl.ds(0, 80)])
            pltpu.sync_copy(stage0.at[pl.ds(0, 80)], out_hbm.at[c, pl.ds(rr, 80)])


_sc_scatter = pl.kernel(
    _sc_scatter_body,
    out_type=jax.ShapeDtypeStruct((NC, N, D), jnp.float32),
    mesh=_mesh,
    scratch_types=[
        pltpu.VMEM((HEPC, CH), jnp.int32),
        pltpu.VMEM((HEPC, CH), jnp.int32),
        pltpu.VMEM((CH, D), jnp.float32),
        pltpu.VMEM((CH, D), jnp.float32),
        pltpu.VMEM_SHARED((NA, D), jnp.float32),
        pltpu.SemaphoreType.DMA,
        pltpu.SemaphoreType.DMA,
    ],
)


_BLK = 1000
_GRID = N // _BLK


def _stage1_body(x_ref, do0, do1, di0, di1, g_ref, no_ref, ni_ref):
    deg_o = do0[...] + do1[...]
    deg_i = di0[...] + di1[...]
    n_out = lax.rsqrt(jnp.maximum(deg_o, 1.0))
    n_in = lax.rsqrt(jnp.maximum(deg_i, 1.0))
    g_ref[...] = x_ref[...] * n_out
    no_ref[...] = n_out
    ni_ref[...] = n_in


_stage1 = pl.pallas_call(
    _stage1_body,
    grid=(_GRID,),
    in_specs=[
        pl.BlockSpec((_BLK, D), lambda i: (i, 0)),
        pl.BlockSpec((_BLK, 1), lambda i: (i, 0)),
        pl.BlockSpec((_BLK, 1), lambda i: (i, 0)),
        pl.BlockSpec((_BLK, 1), lambda i: (i, 0)),
        pl.BlockSpec((_BLK, 1), lambda i: (i, 0)),
    ],
    out_specs=[
        pl.BlockSpec((_BLK, D), lambda i: (i, 0)),
        pl.BlockSpec((_BLK, 1), lambda i: (i, 0)),
        pl.BlockSpec((_BLK, 1), lambda i: (i, 0)),
    ],
    out_shape=[
        jax.ShapeDtypeStruct((N, D), jnp.float32),
        jax.ShapeDtypeStruct((N, 1), jnp.float32),
        jax.ShapeDtypeStruct((N, 1), jnp.float32),
    ],
)


def _stage2_body(aggp_ref, ni_ref, no_ref, b_ref, w_ref, g_ref):
    agg = (aggp_ref[0] + aggp_ref[1]) * ni_ref[...]
    h = jnp.maximum(jnp.dot(agg, w_ref[...],
                            preferred_element_type=jnp.float32,
                            precision=lax.Precision.HIGHEST) + b_ref[...],
                    0.0)
    g_ref[...] = h * no_ref[...]


_stage2 = pl.pallas_call(
    _stage2_body,
    grid=(_GRID,),
    in_specs=[
        pl.BlockSpec((NC, _BLK, D), lambda i: (0, i, 0)),
        pl.BlockSpec((_BLK, 1), lambda i: (i, 0)),
        pl.BlockSpec((_BLK, 1), lambda i: (i, 0)),
        pl.BlockSpec((1, D), lambda i: (0, 0)),
        pl.BlockSpec((D, D), lambda i: (0, 0)),
    ],
    out_specs=pl.BlockSpec((_BLK, D), lambda i: (i, 0)),
    out_shape=jax.ShapeDtypeStruct((N, D), jnp.float32),
)


def _stage3_body(aggp_ref, ni_ref, b_ref, w_ref, wl_ref, bl_ref, out_ref,
                 acc_ref):
    i = pl.program_id(0)

    @pl.when(i == 0)
    def _():
        acc_ref[...] = jnp.zeros_like(acc_ref)

    agg = (aggp_ref[0] + aggp_ref[1]) * ni_ref[...]
    h = jnp.maximum(jnp.dot(agg, w_ref[...],
                            preferred_element_type=jnp.float32,
                            precision=lax.Precision.HIGHEST) + b_ref[...],
                    0.0)
    acc_ref[...] += jnp.sum(h, axis=0, keepdims=True)

    @pl.when(i == _GRID - 1)
    def _():
        pooled = acc_ref[...] / jnp.float32(N)
        out_ref[...] = jnp.dot(pooled, wl_ref[...],
                               preferred_element_type=jnp.float32,
                               precision=lax.Precision.HIGHEST) + bl_ref[...]


_stage3 = pl.pallas_call(
    _stage3_body,
    grid=(_GRID,),
    in_specs=[
        pl.BlockSpec((NC, _BLK, D), lambda i: (0, i, 0)),
        pl.BlockSpec((_BLK, 1), lambda i: (i, 0)),
        pl.BlockSpec((1, D), lambda i: (0, 0)),
        pl.BlockSpec((D, D), lambda i: (0, 0)),
        pl.BlockSpec((D, 1), lambda i: (0, 0)),
        pl.BlockSpec((1, 1), lambda i: (0, 0)),
    ],
    out_specs=pl.BlockSpec((1, 1), lambda i: (0, 0)),
    out_shape=jax.ShapeDtypeStruct((1, 1), jnp.float32),
    scratch_shapes=[pltpu.VMEM((1, D), jnp.float32)],
)


def kernel(x, edge_index, W1, b1, W2, b2, Wl, bl):
    src = edge_index[0].astype(jnp.int32)
    dst = edge_index[1].astype(jnp.int32)

    ar = jnp.arange(EP - E, dtype=jnp.int32)
    pad_dst = N + ar % (NA - N)
    pad_deg = N + ar % (NAD - N)
    pad_gat = (ar * 41) % N
    dstp = jnp.concatenate([dst, pad_dst]).reshape(NCHP, CH)
    srcd = jnp.concatenate([src, pad_deg]).reshape(NCHP, CH)
    srcg = jnp.concatenate([src, pad_gat]).reshape(NCHP, CH)

    degp = _sc_degrees(srcd, dstp).reshape(NC, 2, N)
    do0 = degp[0, 0].reshape(N, 1)
    do1 = degp[1, 0].reshape(N, 1)
    di0 = degp[0, 1].reshape(N, 1)
    di1 = degp[1, 1].reshape(N, 1)

    h0, n_out, n_in = _stage1(x, do0, do1, di0, di1)
    agg1p = _sc_scatter(h0, srcg, dstp)
    t2 = _stage2(agg1p, n_in, n_out, b1.reshape(1, D), W1)
    agg2p = _sc_scatter(t2, srcg, dstp)
    out = _stage3(agg2p, n_in, b2.reshape(1, D), W2, Wl, bl.reshape(1, 1))
    return out

# --- scband reference (transcript-rebuilt; emitter-appended) ---
"""Pipeline reference for scband-regressor-5454608466380 (READ-ONLY COPY).

The authoritative reference and input builder live on the scoring server;
editing this copy changes nothing except your own understanding.
"""

import jax, jax.numpy as jnp
import numpy as np

N_NODES = 10000
N_EDGES = 320000
D_IN = 128
D_HID = 128
D_OUT = 1


def setup_inputs(seed: int = 0) -> dict:
    key = jax.random.key(seed)
    ks = jax.random.split(key, 8)
    x = jax.random.normal(ks[0], (N_NODES, D_IN), dtype=jnp.float32)
    edge_index = jax.random.randint(ks[1], (2, N_EDGES), 0, N_NODES, dtype=jnp.int64)
    s1 = 1.0 / np.sqrt(D_IN)
    s2 = 1.0 / np.sqrt(D_HID)
    W1 = jax.random.uniform(ks[2], (D_IN, D_HID), dtype=jnp.float32, minval=-s1, maxval=s1)
    b1 = jnp.zeros((D_HID,), dtype=jnp.float32)
    W2 = jax.random.uniform(ks[3], (D_HID, D_HID), dtype=jnp.float32, minval=-s2, maxval=s2)
    b2 = jnp.zeros((D_HID,), dtype=jnp.float32)
    Wl = jax.random.uniform(ks[4], (D_HID, D_OUT), dtype=jnp.float32, minval=-s2, maxval=s2)
    bl = jnp.zeros((D_OUT,), dtype=jnp.float32)
    return {"x": x, "edge_index": edge_index, "W1": W1, "b1": b1, "W2": W2, "b2": b2, "Wl": Wl, "bl": bl}


def _graph_conv(h, src, dst, W, b, n_nodes):
    # DGL GraphConv with norm='both':
    # h' = D_in^{-1/2} A (D_out^{-1/2} h) W + b
    ones = jnp.ones((src.shape[0],), dtype=h.dtype)
    deg_out = jnp.zeros((n_nodes,), dtype=h.dtype).at[src].add(ones)
    deg_in = jnp.zeros((n_nodes,), dtype=h.dtype).at[dst].add(ones)
    norm_out = jax.lax.rsqrt(jnp.clip(deg_out, 1.0, None))
    norm_in = jax.lax.rsqrt(jnp.clip(deg_in, 1.0, None))
    h = h * norm_out[:, None]
    msgs = jnp.take(h, src, axis=0)
    agg = jnp.zeros((n_nodes, h.shape[1]), dtype=h.dtype).at[dst].add(msgs)
    agg = agg * norm_in[:, None]
    return agg @ W + b


def reference(x, edge_index, W1, b1, W2, b2, Wl, bl):
    src = edge_index[0]
    dst = edge_index[1]
    n = x.shape[0]
    h = _graph_conv(x, src, dst, W1, b1, n)
    h = jax.nn.relu(h)
    # dropout_p = 0.0 -> identity
    h = _graph_conv(h, src, dst, W2, b2, n)
    h = jax.nn.relu(h)
    pooled = jnp.mean(h, axis=0, keepdims=True)  # AvgPooling over the single graph
    out = pooled @ Wl + bl
    return out

if __name__ == "__main__":
    import jax
    _d = setup_inputs()
    print(jax.jit(kernel)(*tuple(_d.values())))

</pallas_src>

<mosaic_0001>
#map = affine_map<(d0, d1) -> (0, 0)>
#map1 = affine_map<(d0, d1) -> (0, 0, 0)>
module attributes {stable_mosaic.version = 14 : i64} {
  func.func @_sc_scatter_body(%arg0: i32, %arg1: i32, %arg2: memref<10000x128xf32, #tpu.memory_space<hbm>>, %arg3: memref<2560x128xi32, #tpu.memory_space<hbm>>, %arg4: memref<2560x128xi32, #tpu.memory_space<hbm>>, %arg5: memref<2x10000x128xf32, #tpu.memory_space<hbm>>, %arg6: memref<40x128xi32, #tpu.memory_space<vmem>>, %arg7: memref<40x128xi32, #tpu.memory_space<vmem>>, %arg8: memref<128x128xf32, #tpu.memory_space<vmem>>, %arg9: memref<128x128xf32, #tpu.memory_space<vmem>>, %arg10: memref<10240x128xf32, #tpu.memory_space<vmem_shared>>, %arg11: memref<!tpu.dma_semaphore, #tpu.memory_space<semaphore_mem>>, %arg12: memref<!tpu.dma_semaphore, #tpu.memory_space<semaphore_mem>>) attributes {dimension_semantics = [#tpu.dimension_semantics<core_parallel>, #tpu.dimension_semantics<subcore_parallel>], iteration_bounds = array<i64: 2, 16>, scalar_prefetch = 0 : i64, scratch_operands = 7 : i64, tpu.core_type = #tpu.core_type<sc_vector_subcore>, window_params = [{transform_indices = #map}, {transform_indices = #map}, {transform_indices = #map}, {transform_indices = #map1}]} {
    %mul3A = arith.constant 2 : i32
    %mul3A_0 = arith.muli %arg1, %mul3A : i32
    %add3A = arith.addi %mul3A_0, %arg0 : i32
    %scan3A = arith.constant 0 : i32
    %scan3A_1 = arith.constant 0 : i32
    %scan3A_2 = arith.constant 1024 : i32
    %scan3A_3 = arith.addi %scan3A_1, %scan3A_2 : i32
    %scan3A_4 = arith.constant 1 : i32
    scf.for %scan3A_113 = %scan3A_1 to %scan3A_3 step %scan3A_4  : i32 {
      %jit3A = arith.constant 8 : i32
      %div3A = arith.divsi %scan3A_113, %jit3A : i32
      %sign3A = arith.constant 0 : i32
      %sign3A_114 = arith.cmpi sgt, %scan3A_113, %sign3A : i32
      %sign3A_115 = arith.extui %sign3A_114 : i1 to i32
      %sign3A_116 = arith.constant 0 : i32
      %sign3A_117 = arith.cmpi slt, %scan3A_113, %sign3A_116 : i32
      %sign3A_118 = arith.extui %sign3A_117 : i1 to i32
      %sign3A_119 = arith.subi %sign3A_115, %sign3A_118 : i32
      %sign3A_120 = arith.constant 0 : i32
      %sign3A_121 = arith.cmpi sgt, %jit3A, %sign3A_120 : i32
      %sign3A_122 = arith.extui %sign3A_121 : i1 to i32
      %sign3A_123 = arith.constant 0 : i32
      %sign3A_124 = arith.cmpi slt, %jit3A, %sign3A_123 : i32
      %sign3A_125 = arith.extui %sign3A_124 : i1 to i32
      %sign3A_126 = arith.subi %sign3A_122, %sign3A_125 : i32
      %ne3A = arith.cmpi ne, %sign3A_119, %sign3A_126 : i32
      %rem3A = arith.remsi %scan3A_113, %jit3A : i32
      %ne3A_127 = arith.constant 0 : i32
      %ne3A_128 = arith.cmpi ne, %rem3A, %ne3A_127 : i32
      %and3A = arith.andi %ne3A, %ne3A_128 : i1
      %sub3A = arith.constant 1 : i32
      %sub3A_129 = arith.subi %div3A, %sub3A : i32
      %select_n3A = arith.select %and3A, %sub3A_129, %div3A : i32
      %jit3A_130 = arith.constant 8 : i32
      %eq3A = arith.constant 0 : i32
      %eq3A_131 = arith.cmpi eq, %jit3A_130, %eq3A : i32
      %jit3A_132 = arith.constant 1 : i32
      %select_n3A_133 = arith.select %eq3A_131, %jit3A_132, %jit3A_130 : i32
      %rem3A_134 = arith.remsi %scan3A_113, %select_n3A_133 : i32
      %ne3A_135 = arith.constant 0 : i32
      %ne3A_136 = arith.cmpi ne, %rem3A_134, %ne3A_135 : i32
      %lt3A_137 = arith.constant 0 : i32
      %lt3A_138 = arith.cmpi slt, %rem3A_134, %lt3A_137 : i32
      %lt3A_139 = arith.constant 0 : i32
      %lt3A_140 = arith.cmpi slt, %select_n3A_133, %lt3A_139 : i32
      %ne3A_141 = arith.xori %lt3A_138, %lt3A_140 : i1
      %and3A_142 = arith.andi %ne3A_141, %ne3A_136 : i1
      %add3A_143 = arith.addi %rem3A_134, %select_n3A_133 : i32
      %select_n3A_144 = arith.select %and3A_142, %add3A_143, %rem3A_134 : i32
      %mul3A_145 = arith.constant 16 : i32
      %mul3A_146 = arith.muli %select_n3A_144, %mul3A_145 : i32
      %broadcast_in_dim3A = arith.constant 0.000000e+00 : f32
      %broadcast_in_dim3A_147 = vector.broadcast %broadcast_in_dim3A : f32 to vector<16xf32>
      %swap3A = arith.index_cast %select_n3A : i32 to index
      %swap3A_148 = arith.index_cast %mul3A_146 : i32 to index
      %swap3A_149 = tpu.vector_load %arg8[%swap3A, %swap3A_148] {strides = array<i32>} : memref<128x128xf32, #tpu.memory_space<vmem>>, vector<1x16xf32>,
      %swap3A_150 = vector.shape_cast %swap3A_149 : vector<1x16xf32> to vector<16xf32>
      %swap3A_151 = vector.shape_cast %broadcast_in_dim3A_147 : vector<16xf32> to vector<1x16xf32>
      tpu.vector_store %arg8[%swap3A, %swap3A_148], %swap3A_151 {strides = array<i32>} : memref<128x128xf32, #tpu.memory_space<vmem>>, vector<1x16xf32>,
    }
    %scan3A_5 = arith.constant 1024 : i32
    %add3A_6 = arith.constant 0 : i32
    %add3A_7 = arith.addi %arg1, %add3A_6 : i32
    %mul3A_8 = arith.constant 128 : i32
    %mul3A_9 = arith.muli %add3A_7, %mul3A_8 : i32
    "tpu.region"() ({
      %run_scoped3A = tpu.sem_alloc : memref<!tpu.dma_semaphore, #tpu.memory_space<semaphore_mem>>
      %dma_start3A_113 = arith.constant 0 : i32
      %dma_start3A_114 = tpu.memref_slice %arg10[%mul3A_9, %dma_start3A_113] : memref<10240x128xf32, #tpu.memory_space<vmem_shared>> -> memref<128x128xf32, #tpu.memory_space<vmem_shared>>
      %dma_start3A_115 = arith.constant 0 : i32
      %dma_start3A_116 = tpu.memref_slice %arg10[%mul3A_9, %dma_start3A_115] : memref<10240x128xf32, #tpu.memory_space<vmem_shared>> -> memref<128x128xf32, #tpu.memory_space<vmem_shared>>
      tpu.enqueue_dma source(%arg8 : memref<128x128xf32, #tpu.memory_space<vmem>>) target(%dma_start3A_116 : memref<128x128xf32, #tpu.memory_space<vmem_shared>>) target_semaphore(%run_scoped3A : memref<!tpu.dma_semaphore, #tpu.memory_space<semaphore_mem>>)
      %dma_wait3A = arith.constant 0 : i32
      %dma_wait3A_117 = tpu.memref_slice %arg10[%mul3A_9, %dma_wait3A] : memref<10240x128xf32, #tpu.memory_space<vmem_shared>> -> memref<128x128xf32, #tpu.memory_space<vmem_shared>>
      %dma_wait3A_118 = arith.constant 0 : i32
      %dma_wait3A_119 = tpu.memref_slice %arg10[%mul3A_9, %dma_wait3A_118] : memref<10240x128xf32, #tpu.memory_space<vmem_shared>> -> memref<128x128xf32, #tpu.memory_space<vmem_shared>>
      tpu.wait_dma2 semaphore(%run_scoped3A : memref<!tpu.dma_semaphore, #tpu.memory_space<semaphore_mem>>) src(%arg8 : memref<128x128xf32, #tpu.memory_space<vmem>>) dst(%dma_wait3A_119 : memref<128x128xf32, #tpu.memory_space<vmem_shared>>)
      tpu.yield
    }) : () -> ()
    %add3A_10 = arith.constant 16 : i32
    %add3A_11 = arith.addi %arg1, %add3A_10 : i32
    %mul3A_12 = arith.constant 128 : i32
    %mul3A_13 = arith.muli %add3A_11, %mul3A_12 : i32
    "tpu.region"() ({
      %run_scoped3A = tpu.sem_alloc : memref<!tpu.dma_semaphore, #tpu.memory_space<semaphore_mem>>
      %dma_start3A_113 = arith.constant 0 : i32
      %dma_start3A_114 = tpu.memref_slice %arg10[%mul3A_13, %dma_start3A_113] : memref<10240x128xf32, #tpu.memory_space<vmem_shared>> -> memref<128x128xf32, #tpu.memory_space<vmem_shared>>
      %dma_start3A_115 = arith.constant 0 : i32
      %dma_start3A_116 = tpu.memref_slice %arg10[%mul3A_13, %dma_start3A_115] : memref<10240x128xf32, #tpu.memory_space<vmem_shared>> -> memref<128x128xf32, #tpu.memory_space<vmem_shared>>
      tpu.enqueue_dma source(%arg8 : memref<128x128xf32, #tpu.memory_space<vmem>>) target(%dma_start3A_116 : memref<128x128xf32, #tpu.memory_space<vmem_shared>>) target_semaphore(%run_scoped3A : memref<!tpu.dma_semaphore, #tpu.memory_space<semaphore_mem>>)
      %dma_wait3A = arith.constant 0 : i32
      %dma_wait3A_117 = tpu.memref_slice %arg10[%mul3A_13, %dma_wait3A] : memref<10240x128xf32, #tpu.memory_space<vmem_shared>> -> memref<128x128xf32, #tpu.memory_space<vmem_shared>>
      %dma_wait3A_118 = arith.constant 0 : i32
      %dma_wait3A_119 = tpu.memref_slice %arg10[%mul3A_13, %dma_wait3A_118] : memref<10240x128xf32, #tpu.memory_space<vmem_shared>> -> memref<128x128xf32, #tpu.memory_space<vmem_shared>>
      tpu.wait_dma2 semaphore(%run_scoped3A : memref<!tpu.dma_semaphore, #tpu.memory_space<semaphore_mem>>) src(%arg8 : memref<128x128xf32, #tpu.memory_space<vmem>>) dst(%dma_wait3A_119 : memref<128x128xf32, #tpu.memory_space<vmem_shared>>)
      tpu.yield
    }) : () -> ()
    %add3A_14 = arith.constant 32 : i32
    %add3A_15 = arith.addi %arg1, %add3A_14 : i32
    %mul3A_16 = arith.constant 128 : i32
    %mul3A_17 = arith.muli %add3A_15, %mul3A_16 : i32
    "tpu.region"() ({
      %run_scoped3A = tpu.sem_alloc : memref<!tpu.dma_semaphore, #tpu.memory_space<semaphore_mem>>
      %dma_start3A_113 = arith.constant 0 : i32
      %dma_start3A_114 = tpu.memref_slice %arg10[%mul3A_17, %dma_start3A_113] : memref<10240x128xf32, #tpu.memory_space<vmem_shared>> -> memref<128x128xf32, #tpu.memory_space<vmem_shared>>
      %dma_start3A_115 = arith.constant 0 : i32
      %dma_start3A_116 = tpu.memref_slice %arg10[%mul3A_17, %dma_start3A_115] : memref<10240x128xf32, #tpu.memory_space<vmem_shared>> -> memref<128x128xf32, #tpu.memory_space<vmem_shared>>
      tpu.enqueue_dma source(%arg8 : memref<128x128xf32, #tpu.memory_space<vmem>>) target(%dma_start3A_116 : memref<128x128xf32, #tpu.memory_space<vmem_shared>>) target_semaphore(%run_scoped3A : memref<!tpu.dma_semaphore, #tpu.memory_space<semaphore_mem>>)
      %dma_wait3A = arith.constant 0 : i32
      %dma_wait3A_117 = tpu.memref_slice %arg10[%mul3A_17, %dma_wait3A] : memref<10240x128xf32, #tpu.memory_space<vmem_shared>> -> memref<128x128xf32, #tpu.memory_space<vmem_shared>>
      %dma_wait3A_118 = arith.constant 0 : i32
      %dma_wait3A_119 = tpu.memref_slice %arg10[%mul3A_17, %dma_wait3A_118] : memref<10240x128xf32, #tpu.memory_space<vmem_shared>> -> memref<128x128xf32, #tpu.memory_space<vmem_shared>>
      tpu.wait_dma2 semaphore(%run_scoped3A : memref<!tpu.dma_semaphore, #tpu.memory_space<semaphore_mem>>) src(%arg8 : memref<128x128xf32, #tpu.memory_space<vmem>>) dst(%dma_wait3A_119 : memref<128x128xf32, #tpu.memory_space<vmem_shared>>)
      tpu.yield
    }) : () -> ()
    %add3A_18 = arith.constant 48 : i32
    %add3A_19 = arith.addi %arg1, %add3A_18 : i32
    %mul3A_20 = arith.constant 128 : i32
    %mul3A_21 = arith.muli %add3A_19, %mul3A_20 : i32
    "tpu.region"() ({
      %run_scoped3A = tpu.sem_alloc : memref<!tpu.dma_semaphore, #tpu.memory_space<semaphore_mem>>
      %dma_start3A_113 = arith.constant 0 : i32
      %dma_start3A_114 = tpu.memref_slice %arg10[%mul3A_21, %dma_start3A_113] : memref<10240x128xf32, #tpu.memory_space<vmem_shared>> -> memref<128x128xf32, #tpu.memory_space<vmem_shared>>
      %dma_start3A_115 = arith.constant 0 : i32
      %dma_start3A_116 = tpu.memref_slice %arg10[%mul3A_21, %dma_start3A_115] : memref<10240x128xf32, #tpu.memory_space<vmem_shared>> -> memref<128x128xf32, #tpu.memory_space<vmem_shared>>
      tpu.enqueue_dma source(%arg8 : memref<128x128xf32, #tpu.memory_space<vmem>>) target(%dma_start3A_116 : memref<128x128xf32, #tpu.memory_space<vmem_shared>>) target_semaphore(%run_scoped3A : memref<!tpu.dma_semaphore, #tpu.memory_space<semaphore_mem>>)
      %dma_wait3A = arith.constant 0 : i32
      %dma_wait3A_117 = tpu.memref_slice %arg10[%mul3A_21, %dma_wait3A] : memref<10240x128xf32, #tpu.memory_space<vmem_shared>> -> memref<128x128xf32, #tpu.memory_space<vmem_shared>>
      %dma_wait3A_118 = arith.constant 0 : i32
      %dma_wait3A_119 = tpu.memref_slice %arg10[%mul3A_21, %dma_wait3A_118] : memref<10240x128xf32, #tpu.memory_space<vmem_shared>> -> memref<128x128xf32, #tpu.memory_space<vmem_shared>>
      tpu.wait_dma2 semaphore(%run_scoped3A : memref<!tpu.dma_semaphore, #tpu.memory_space<semaphore_mem>>) src(%arg8 : memref<128x128xf32, #tpu.memory_space<vmem>>) dst(%dma_wait3A_119 : memref<128x128xf32, #tpu.memory_space<vmem_shared>>)
      tpu.yield
    }) : () -> ()
    %add3A_22 = arith.constant 64 : i32
    %add3A_23 = arith.addi %arg1, %add3A_22 : i32
    %mul3A_24 = arith.constant 128 : i32
    %mul3A_25 = arith.muli %add3A_23, %mul3A_24 : i32
    "tpu.region"() ({
      %run_scoped3A = tpu.sem_alloc : memref<!tpu.dma_semaphore, #tpu.memory_space<semaphore_mem>>
      %dma_start3A_113 = arith.constant 0 : i32
      %dma_start3A_114 = tpu.memref_slice %arg10[%mul3A_25, %dma_start3A_113] : memref<10240x128xf32, #tpu.memory_space<vmem_shared>> -> memref<128x128xf32, #tpu.memory_space<vmem_shared>>
      %dma_start3A_115 = arith.constant 0 : i32
      %dma_start3A_116 = tpu.memref_slice %arg10[%mul3A_25, %dma_start3A_115] : memref<10240x128xf32, #tpu.memory_space<vmem_shared>> -> memref<128x128xf32, #tpu.memory_space<vmem_shared>>
      tpu.enqueue_dma source(%arg8 : memref<128x128xf32, #tpu.memory_space<vmem>>) target(%dma_start3A_116 : memref<128x128xf32, #tpu.memory_space<vmem_shared>>) target_semaphore(%run_scoped3A : memref<!tpu.dma_semaphore, #tpu.memory_space<semaphore_mem>>)
      %dma_wait3A = arith.constant 0 : i32
      %dma_wait3A_117 = tpu.memref_slice %arg10[%mul3A_25, %dma_wait3A] : memref<10240x128xf32, #tpu.memory_space<vmem_shared>> -> memref<128x128xf32, #tpu.memory_space<vmem_shared>>
      %dma_wait3A_118 = arith.constant 0 : i32
      %dma_wait3A_119 = tpu.memref_slice %arg10[%mul3A_25, %dma_wait3A_118] : memref<10240x128xf32, #tpu.memory_space<vmem_shared>> -> memref<128x128xf32, #tpu.memory_space<vmem_shared>>
      tpu.wait_dma2 semaphore(%run_scoped3A : memref<!tpu.dma_semaphore, #tpu.memory_space<semaphore_mem>>) src(%arg8 : memref<128x128xf32, #tpu.memory_space<vmem>>) dst(%dma_wait3A_119 : memref<128x128xf32, #tpu.memory_space<vmem_shared>>)
      tpu.yield
    }) : () -> ()
    %barrier3A = arith.constant 0 : index
    tpu.barrier barrier_id(%barrier3A)
    %mul3A_26 = arith.constant 80 : i32
    %mul3A_27 = arith.muli %add3A, %mul3A_26 : i32
    %add3A_28 = arith.constant 0 : i32
    %add3A_29 = arith.addi %mul3A_27, %add3A_28 : i32
    "tpu.region"() ({
      %run_scoped3A = tpu.sem_alloc : memref<!tpu.dma_semaphore, #tpu.memory_space<semaphore_mem>>
      %dma_start3A_113 = arith.constant 0 : i32
      %dma_start3A_114 = tpu.memref_slice %arg3[%add3A_29, %dma_start3A_113] : memref<2560x128xi32, #tpu.memory_space<hbm>> -> memref<40x128xi32, #tpu.memory_space<hbm>>
      %dma_start3A_115 = arith.constant 0 : i32
      %dma_start3A_116 = tpu.memref_slice %arg3[%add3A_29, %dma_start3A_115] : memref<2560x128xi32, #tpu.memory_space<hbm>> -> memref<40x128xi32, #tpu.memory_space<hbm>>
      tpu.enqueue_dma source(%dma_start3A_116 : memref<40x128xi32, #tpu.memory_space<hbm>>) target(%arg6 : memref<40x128xi32, #tpu.memory_space<vmem>>) target_semaphore(%run_scoped3A : memref<!tpu.dma_semaphore, #tpu.memory_space<semaphore_mem>>)
      %dma_wait3A = arith.constant 0 : i32
      %dma_wait3A_117 = tpu.memref_slice %arg3[%add3A_29, %dma_wait3A] : memref<2560x128xi32, #tpu.memory_space<hbm>> -> memref<40x128xi32, #tpu.memory_space<hbm>>
      %dma_wait3A_118 = arith.constant 0 : i32
      %dma_wait3A_119 = tpu.memref_slice %arg3[%add3A_29, %dma_wait3A_118] : memref<2560x128xi32, #tpu.memory_space<hbm>> -> memref<40x128xi32, #tpu.memory_space<hbm>>
      tpu.wait_dma2 semaphore(%run_scoped3A : memref<!tpu.dma_semaphore, #tpu.memory_space<semaphore_mem>>) src(%dma_wait3A_119 : memref<40x128xi32, #tpu.memory_space<hbm>>) dst(%arg6 : memref<40x128xi32, #tpu.memory_space<vmem>>)
      tpu.yield
    }) : () -> ()
    "tpu.region"() ({
      %run_scoped3A = tpu.sem_alloc : memref<!tpu.dma_semaphore, #tpu.memory_space<semaphore_mem>>
      %dma_start3A_113 = arith.constant 0 : i32
      %dma_start3A_114 = tpu.memref_slice %arg4[%add3A_29, %dma_start3A_113] : memref<2560x128xi32, #tpu.memory_space<hbm>> -> memref<40x128xi32, #tpu.memory_space<hbm>>
      %dma_start3A_115 = arith.constant 0 : i32
      %dma_start3A_116 = tpu.memref_slice %arg4[%add3A_29, %dma_start3A_115] : memref<2560x128xi32, #tpu.memory_space<hbm>> -> memref<40x128xi32, #tpu.memory_space<hbm>>
      tpu.enqueue_dma source(%dma_start3A_116 : memref<40x128xi32, #tpu.memory_space<hbm>>) target(%arg7 : memref<40x128xi32, #tpu.memory_space<vmem>>) target_semaphore(%run_scoped3A : memref<!tpu.dma_semaphore, #tpu.memory_space<semaphore_mem>>)
      %dma_wait3A = arith.constant 0 : i32
      %dma_wait3A_117 = tpu.memref_slice %arg4[%add3A_29, %dma_wait3A] : memref<2560x128xi32, #tpu.memory_space<hbm>> -> memref<40x128xi32, #tpu.memory_space<hbm>>
      %dma_wait3A_118 = arith.constant 0 : i32
      %dma_wait3A_119 = tpu.memref_slice %arg4[%add3A_29, %dma_wait3A_118] : memref<2560x128xi32, #tpu.memory_space<hbm>> -> memref<40x128xi32, #tpu.memory_space<hbm>>
      tpu.wait_dma2 semaphore(%run_scoped3A : memref<!tpu.dma_semaphore, #tpu.memory_space<semaphore_mem>>) src(%dma_wait3A_119 : memref<40x128xi32, #tpu.memory_space<hbm>>) dst(%arg7 : memref<40x128xi32, #tpu.memory_space<vmem>>)
      tpu.yield
    }) : () -> ()
    %dma_start3A = arith.constant 0 : i32
    %dma_start3A_30 = arith.constant 0 : i32
    %dma_start3A_31 = tpu.memref_slice %arg6[%dma_start3A, %dma_start3A_30] : memref<40x128xi32, #tpu.memory_space<vmem>> -> memref<1x128xi32, #tpu.memory_space<vmem>>
    %dma_start3A_32 = tpu.memref_squeeze %dma_start3A_31 : memref<1x128xi32, #tpu.memory_space<vmem>> -> memref<128xi32, #tpu.memory_space<vmem>>
    %dma_start3A_33 = arith.constant 0 : i32
    %dma_start3A_34 = arith.constant 0 : i32
    %dma_start3A_35 = tpu.memref_slice %arg2[%dma_start3A_33, %dma_start3A_34] : memref<10000x128xf32, #tpu.memory_space<hbm>> -> memref<10000x128xf32, #tpu.memory_space<hbm>>
    tpu.enqueue_indirect_dma source(%dma_start3A_35 : memref<10000x128xf32, #tpu.memory_space<hbm>>) target(%arg8 : memref<128x128xf32, #tpu.memory_space<vmem>>) offsets(%dma_start3A_32 : memref<128xi32, #tpu.memory_space<vmem>>) semaphore(%arg11 : memref<!tpu.dma_semaphore, #tpu.memory_space<semaphore_mem>>)
    %scan3A_36 = arith.constant 0 : i32
    %scan3A_37 = arith.constant 0 : i32
    %scan3A_38 = arith.constant 20 : i32
    %scan3A_39 = arith.addi %scan3A_37, %scan3A_38 : i32
    %scan3A_40 = arith.constant 1 : i32
    scf.for %scan3A_113 = %scan3A_37 to %scan3A_39 step %scan3A_40  : i32 {
      %mul3A_114 = arith.constant 2 : i32
      %mul3A_115 = arith.muli %mul3A_114, %scan3A_113 : i32
      %add3A_116 = arith.constant 1 : i32
      %add3A_117 = arith.addi %mul3A_115, %add3A_116 : i32
      %dma_start3A_118 = arith.constant 0 : i32
      %dma_start3A_119 = tpu.memref_slice %arg6[%add3A_117, %dma_start3A_118] : memref<40x128xi32, #tpu.memory_space<vmem>> -> memref<1x128xi32, #tpu.memory_space<vmem>>
      %dma_start3A_120 = tpu.memref_squeeze %dma_start3A_119 : memref<1x128xi32, #tpu.memory_space<vmem>> -> memref<128xi32, #tpu.memory_space<vmem>>
      %dma_start3A_121 = arith.constant 0 : i32
      %dma_start3A_122 = arith.constant 0 : i32
      %dma_start3A_123 = tpu.memref_slice %arg2[%dma_start3A_121, %dma_start3A_122] : memref<10000x128xf32, #tpu.memory_space<hbm>> -> memref<10000x128xf32, #tpu.memory_space<hbm>>
      tpu.enqueue_indirect_dma source(%dma_start3A_123 : memref<10000x128xf32, #tpu.memory_space<hbm>>) target(%arg9 : memref<128x128xf32, #tpu.memory_space<vmem>>) offsets(%dma_start3A_120 : memref<128xi32, #tpu.memory_space<vmem>>) semaphore(%arg12 : memref<!tpu.dma_semaphore, #tpu.memory_space<semaphore_mem>>)
      %dma_wait3A = arith.constant 0 : i32
      %dma_wait3A_124 = arith.constant 0 : i32
      %dma_wait3A_125 = tpu.memref_slice %arg2[%dma_wait3A, %dma_wait3A_124] : memref<10000x128xf32, #tpu.memory_space<hbm>> -> memref<128x128xf32, #tpu.memory_space<hbm>>
      %dma_wait3A_126 = arith.constant 0 : i32
      %dma_wait3A_127 = arith.constant 0 : i32
      %dma_wait3A_128 = tpu.memref_slice %arg2[%dma_wait3A_126, %dma_wait3A_127] : memref<10000x128xf32, #tpu.memory_space<hbm>> -> memref<128x128xf32, #tpu.memory_space<hbm>>
      tpu.wait_dma2 semaphore(%arg11 : memref<!tpu.dma_semaphore, #tpu.memory_space<semaphore_mem>>) src(%dma_wait3A_128 : memref<128x128xf32, #tpu.memory_space<hbm>>) dst(%arg8 : memref<128x128xf32, #tpu.memory_space<vmem>>)
      "tpu.region"() ({
        %run_scoped3A = tpu.sem_alloc : memref<!tpu.dma_semaphore, #tpu.memory_space<semaphore_mem>>
        %dma_start3A_142 = arith.constant 0 : i32
        %dma_start3A_143 = tpu.memref_slice %arg7[%mul3A_115, %dma_start3A_142] : memref<40x128xi32, #tpu.memory_space<vmem>> -> memref<1x128xi32, #tpu.memory_space<vmem>>
        %dma_start3A_144 = tpu.memref_squeeze %dma_start3A_143 : memref<1x128xi32, #tpu.memory_space<vmem>> -> memref<128xi32, #tpu.memory_space<vmem>>
        %dma_start3A_145 = arith.constant 0 : i32
        %dma_start3A_146 = arith.constant 0 : i32
        %dma_start3A_147 = tpu.memref_slice %arg10[%dma_start3A_145, %dma_start3A_146] : memref<10240x128xf32, #tpu.memory_space<vmem_shared>> -> memref<10240x128xf32, #tpu.memory_space<vmem_shared>>
        tpu.enqueue_indirect_dma source(%arg8 : memref<128x128xf32, #tpu.memory_space<vmem>>) target(%dma_start3A_147 : memref<10240x128xf32, #tpu.memory_space<vmem_shared>>) offsets(%dma_start3A_144 : memref<128xi32, #tpu.memory_space<vmem>>) semaphore(%run_scoped3A : memref<!tpu.dma_semaphore, #tpu.memory_space<semaphore_mem>>) {add = true}
        %dma_wait3A_148 = arith.constant 0 : i32
        %dma_wait3A_149 = tpu.memref_slice %arg7[%mul3A_115, %dma_wait3A_148] : memref<40x128xi32, #tpu.memory_space<vmem>> -> memref<1x128xi32, #tpu.memory_space<vmem>>
        %dma_wait3A_150 = tpu.memref_squeeze %dma_wait3A_149 : memref<1x128xi32, #tpu.memory_space<vmem>> -> memref<128xi32, #tpu.memory_space<vmem>>
        %dma_wait3A_151 = arith.constant 0 : i32
        %dma_wait3A_152 = arith.constant 0 : i32
        %dma_wait3A_153 = tpu.memref_slice %arg10[%dma_wait3A_151, %dma_wait3A_152] : memref<10240x128xf32, #tpu.memory_space<vmem_shared>> -> memref<10240x128xf32, #tpu.memory_space<vmem_shared>>
        tpu.wait_indirect_dma semaphore(%run_scoped3A : memref<!tpu.dma_semaphore, #tpu.memory_space<semaphore_mem>>) src(%arg8 : memref<128x128xf32, #tpu.memory_space<vmem>>) dst(%dma_wait3A_153 : memref<10240x128xf32, #tpu.memory_space<vmem_shared>>)
        tpu.yield
      }) : () -> ()
      %lt3A_129 = arith.constant 19 : i32
      %lt3A_130 = arith.cmpi slt, %scan3A_113, %lt3A_129 : i32
      %convert_element_type3A_131 = arith.extui %lt3A_130 : i1 to i32
      %cond3A_132 = arith.constant 0 : i32
      %cond3A_133 = arith.cmpi ne, %convert_element_type3A_131, %cond3A_132 : i32
      scf.if %cond3A_133 {
        %add3A_142 = arith.constant 2 : i32
        %add3A_143 = arith.addi %mul3A_115, %add3A_142 : i32
        %dma_start3A_144 = arith.constant 0 : i32
        %dma_start3A_145 = tpu.memref_slice %arg6[%add3A_143, %dma_start3A_144] : memref<40x128xi32, #tpu.memory_space<vmem>> -> memref<1x128xi32, #tpu.memory_space<vmem>>
        %dma_start3A_146 = tpu.memref_squeeze %dma_start3A_145 : memref<1x128xi32, #tpu.memory_space<vmem>> -> memref<128xi32, #tpu.memory_space<vmem>>
        %dma_start3A_147 = arith.constant 0 : i32
        %dma_start3A_148 = arith.constant 0 : i32
        %dma_start3A_149 = tpu.memref_slice %arg2[%dma_start3A_147, %dma_start3A_148] : memref<10000x128xf32, #tpu.memory_space<hbm>> -> memref<10000x128xf32, #tpu.memory_space<hbm>>
        tpu.enqueue_indirect_dma source(%dma_start3A_149 : memref<10000x128xf32, #tpu.memory_space<hbm>>) target(%arg8 : memref<128x128xf32, #tpu.memory_space<vmem>>) offsets(%dma_start3A_146 : memref<128xi32, #tpu.memory_space<vmem>>) semaphore(%arg11 : memref<!tpu.dma_semaphore, #tpu.memory_space<semaphore_mem>>)
      } else {
      }
      %dma_wait3A_134 = arith.constant 0 : i32
      %dma_wait3A_135 = tpu.memref_slice %arg6[%add3A_117, %dma_wait3A_134] : memref<40x128xi32, #tpu.memory_space<vmem>> -> memref<1x128xi32, #tpu.memory_space<vmem>>
      %dma_wait3A_136 = tpu.memref_squeeze %dma_wait3A_135 : memref<1x128xi32, #tpu.memory_space<vmem>> -> memref<128xi32, #tpu.memory_space<vmem>>
      %dma_wait3A_137 = arith.constant 0 : i32
      %dma_wait3A_138 = arith.constant 0 : i32
      %dma_wait3A_139 = tpu.memref_slice %arg2[%dma_wait3A_137, %dma_wait3A_138] : memref<10000x128xf32, #tpu.memory_space<hbm>> -> memref<10000x128xf32, #tpu.memory_space<hbm>>
      tpu.wait_indirect_dma semaphore(%arg12 : memref<!tpu.dma_semaphore, #tpu.memory_space<semaphore_mem>>) src(%dma_wait3A_139 : memref<10000x128xf32, #tpu.memory_space<hbm>>) dst(%arg9 : memref<128x128xf32, #tpu.memory_space<vmem>>)
      %add3A_140 = arith.constant 1 : i32
      %add3A_141 = arith.addi %mul3A_115, %add3A_140 : i32
      "tpu.region"() ({
        %run_scoped3A = tpu.sem_alloc : memref<!tpu.dma_semaphore, #tpu.memory_space<semaphore_mem>>
        %dma_start3A_142 = arith.constant 0 : i32
        %dma_start3A_143 = tpu.memref_slice %arg7[%add3A_141, %dma_start3A_142] : memref<40x128xi32, #tpu.memory_space<vmem>> -> memref<1x128xi32, #tpu.memory_space<vmem>>
        %dma_start3A_144 = tpu.memref_squeeze %dma_start3A_143 : memref<1x128xi32, #tpu.memory_space<vmem>> -> memref<128xi32, #tpu.memory_space<vmem>>
        %dma_start3A_145 = arith.constant 0 : i32
        %dma_start3A_146 = arith.constant 0 : i32
        %dma_start3A_147 = tpu.memref_slice %arg10[%dma_start3A_145, %dma_start3A_146] : memref<10240x128xf32, #tpu.memory_space<vmem_shared>> -> memref<10240x128xf32, #tpu.memory_space<vmem_shared>>
        tpu.enqueue_indirect_dma source(%arg9 : memref<128x128xf32, #tpu.memory_space<vmem>>) target(%dma_start3A_147 : memref<10240x128xf32, #tpu.memory_space<vmem_shared>>) offsets(%dma_start3A_144 : memref<128xi32, #tpu.memory_space<vmem>>) semaphore(%run_scoped3A : memref<!tpu.dma_semaphore, #tpu.memory_space<semaphore_mem>>) {add = true}
        %dma_wait3A_148 = arith.constant 0 : i32
        %dma_wait3A_149 = tpu.memref_slice %arg7[%add3A_141, %dma_wait3A_148] : memref<40x128xi32, #tpu.memory_space<vmem>> -> memref<1x128xi32, #tpu.memory_space<vmem>>
        %dma_wait3A_150 = tpu.memref_squeeze %dma_wait3A_149 : memref<1x128xi32, #tpu.memory_space<vmem>> -> memref<128xi32, #tpu.memory_space<vmem>>
        %dma_wait3A_151 = arith.constant 0 : i32
        %dma_wait3A_152 = arith.constant 0 : i32
        %dma_wait3A_153 = tpu.memref_slice %arg10[%dma_wait3A_151, %dma_wait3A_152] : memref<10240x128xf32, #tpu.memory_space<vmem_shared>> -> memref<10240x128xf32, #tpu.memory_space<vmem_shared>>
        tpu.wait_indirect_dma semaphore(%run_scoped3A : memref<!tpu.dma_semaphore, #tpu.memory_space<semaphore_mem>>) src(%arg9 : memref<128x128xf32, #tpu.memory_space<vmem>>) dst(%dma_wait3A_153 : memref<10240x128xf32, #tpu.memory_space<vmem_shared>>)
        tpu.yield
      }) : () -> ()
    }
    %scan3A_41 = arith.constant 20 : i32
    %mul3A_42 = arith.constant 80 : i32
    %mul3A_43 = arith.muli %add3A, %mul3A_42 : i32
    %add3A_44 = arith.constant 40 : i32
    %add3A_45 = arith.addi %mul3A_43, %add3A_44 : i32
    "tpu.region"() ({
      %run_scoped3A = tpu.sem_alloc : memref<!tpu.dma_semaphore, #tpu.memory_space<semaphore_mem>>
      %dma_start3A_113 = arith.constant 0 : i32
      %dma_start3A_114 = tpu.memref_slice %arg3[%add3A_45, %dma_start3A_113] : memref<2560x128xi32, #tpu.memory_space<hbm>> -> memref<40x128xi32, #tpu.memory_space<hbm>>
      %dma_start3A_115 = arith.constant 0 : i32
      %dma_start3A_116 = tpu.memref_slice %arg3[%add3A_45, %dma_start3A_115] : memref<2560x128xi32, #tpu.memory_space<hbm>> -> memref<40x128xi32, #tpu.memory_space<hbm>>
      tpu.enqueue_dma source(%dma_start3A_116 : memref<40x128xi32, #tpu.memory_space<hbm>>) target(%arg6 : memref<40x128xi32, #tpu.memory_space<vmem>>) target_semaphore(%run_scoped3A : memref<!tpu.dma_semaphore, #tpu.memory_space<semaphore_mem>>)
      %dma_wait3A = arith.constant 0 : i32
      %dma_wait3A_117 = tpu.memref_slice %arg3[%add3A_45, %dma_wait3A] : memref<2560x128xi32, #tpu.memory_space<hbm>> -> memref<40x128xi32, #tpu.memory_space<hbm>>
      %dma_wait3A_118 = arith.constant 0 : i32
      %dma_wait3A_119 = tpu.memref_slice %arg3[%add3A_45, %dma_wait3A_118] : memref<2560x128xi32, #tpu.memory_space<hbm>> -> memref<40x128xi32, #tpu.memory_space<hbm>>
      tpu.wait_dma2 semaphore(%run_scoped3A : memref<!tpu.dma_semaphore, #tpu.memory_space<semaphore_mem>>) src(%dma_wait3A_119 : memref<40x128xi32, #tpu.memory_space<hbm>>) dst(%arg6 : memref<40x128xi32, #tpu.memory_space<vmem>>)
      tpu.yield
    }) : () -> ()
    "tpu.region"() ({
      %run_scoped3A = tpu.sem_alloc : memref<!tpu.dma_semaphore, #tpu.memory_space<semaphore_mem>>
      %dma_start3A_113 = arith.constant 0 : i32
      %dma_start3A_114 = tpu.memref_slice %arg4[%add3A_45, %dma_start3A_113] : memref<2560x128xi32, #tpu.memory_space<hbm>> -> memref<40x128xi32, #tpu.memory_space<hbm>>
      %dma_start3A_115 = arith.constant 0 : i32
      %dma_start3A_116 = tpu.memref_slice %arg4[%add3A_45, %dma_start3A_115] : memref<2560x128xi32, #tpu.memory_space<hbm>> -> memref<40x128xi32, #tpu.memory_space<hbm>>
      tpu.enqueue_dma source(%dma_start3A_116 : memref<40x128xi32, #tpu.memory_space<hbm>>) target(%arg7 : memref<40x128xi32, #tpu.memory_space<vmem>>) target_semaphore(%run_scoped3A : memref<!tpu.dma_semaphore, #tpu.memory_space<semaphore_mem>>)
      %dma_wait3A = arith.constant 0 : i32
      %dma_wait3A_117 = tpu.memref_slice %arg4[%add3A_45, %dma_wait3A] : memref<2560x128xi32, #tpu.memory_space<hbm>> -> memref<40x128xi32, #tpu.memory_space<hbm>>
      %dma_wait3A_118 = arith.constant 0 : i32
      %dma_wait3A_119 = tpu.memref_slice %arg4[%add3A_45, %dma_wait3A_118] : memref<2560x128xi32, #tpu.memory_space<hbm>> -> memref<40x128xi32, #tpu.memory_space<hbm>>
      tpu.wait_dma2 semaphore(%run_scoped3A : memref<!tpu.dma_semaphore, #tpu.memory_space<semaphore_mem>>) src(%dma_wait3A_119 : memref<40x128xi32, #tpu.memory_space<hbm>>) dst(%arg7 : memref<40x128xi32, #tpu.memory_space<vmem>>)
      tpu.yield
    }) : () -> ()
    %dma_start3A_46 = arith.constant 0 : i32
    %dma_start3A_47 = arith.constant 0 : i32
    %dma_start3A_48 = tpu.memref_slice %arg6[%dma_start3A_46, %dma_start3A_47] : memref<40x128xi32, #tpu.memory_space<vmem>> -> memref<1x128xi32, #tpu.memory_space<vmem>>
    %dma_start3A_49 = tpu.memref_squeeze %dma_start3A_48 : memref<1x128xi32, #tpu.memory_space<vmem>> -> memref<128xi32, #tpu.memory_space<vmem>>
    %dma_start3A_50 = arith.constant 0 : i32
    %dma_start3A_51 = arith.constant 0 : i32
    %dma_start3A_52 = tpu.memref_slice %arg2[%dma_start3A_50, %dma_start3A_51] : memref<10000x128xf32, #tpu.memory_space<hbm>> -> memref<10000x128xf32, #tpu.memory_space<hbm>>
    tpu.enqueue_indirect_dma source(%dma_start3A_52 : memref<10000x128xf32, #tpu.memory_space<hbm>>) target(%arg8 : memref<128x128xf32, #tpu.memory_space<vmem>>) offsets(%dma_start3A_49 : memref<128xi32, #tpu.memory_space<vmem>>) semaphore(%arg11 : memref<!tpu.dma_semaphore, #tpu.memory_space<semaphore_mem>>)
    %scan3A_53 = arith.constant 0 : i32
    %scan3A_54 = arith.constant 0 : i32
    %scan3A_55 = arith.constant 20 : i32
    %scan3A_56 = arith.addi %scan3A_54, %scan3A_55 : i32
    %scan3A_57 = arith.constant 1 : i32
    scf.for %scan3A_113 = %scan3A_54 to %scan3A_56 step %scan3A_57  : i32 {
      %mul3A_114 = arith.constant 2 : i32
      %mul3A_115 = arith.muli %mul3A_114, %scan3A_113 : i32
      %add3A_116 = arith.constant 1 : i32
      %add3A_117 = arith.addi %mul3A_115, %add3A_116 : i32
      %dma_start3A_118 = arith.constant 0 : i32
      %dma_start3A_119 = tpu.memref_slice %arg6[%add3A_117, %dma_start3A_118] : memref<40x128xi32, #tpu.memory_space<vmem>> -> memref<1x128xi32, #tpu.memory_space<vmem>>
      %dma_start3A_120 = tpu.memref_squeeze %dma_start3A_119 : memref<1x128xi32, #tpu.memory_space<vmem>> -> memref<128xi32, #tpu.memory_space<vmem>>
      %dma_start3A_121 = arith.constant 0 : i32
      %dma_start3A_122 = arith.constant 0 : i32
      %dma_start3A_123 = tpu.memref_slice %arg2[%dma_start3A_121, %dma_start3A_122] : memref<10000x128xf32, #tpu.memory_space<hbm>> -> memref<10000x128xf32, #tpu.memory_space<hbm>>
      tpu.enqueue_indirect_dma source(%dma_start3A_123 : memref<10000x128xf32, #tpu.memory_space<hbm>>) target(%arg9 : memref<128x128xf32, #tpu.memory_space<vmem>>) offsets(%dma_start3A_120 : memref<128xi32, #tpu.memory_space<vmem>>) semaphore(%arg12 : memref<!tpu.dma_semaphore, #tpu.memory_space<semaphore_mem>>)
      %dma_wait3A = arith.constant 0 : i32
      %dma_wait3A_124 = arith.constant 0 : i32
      %dma_wait3A_125 = tpu.memref_slice %arg2[%dma_wait3A, %dma_wait3A_124] : memref<10000x128xf32, #tpu.memory_space<hbm>> -> memref<128x128xf32, #tpu.memory_space<hbm>>
      %dma_wait3A_126 = arith.constant 0 : i32
      %dma_wait3A_127 = arith.constant 0 : i32
      %dma_wait3A_128 = tpu.memref_slice %arg2[%dma_wait3A_126, %dma_wait3A_127] : memref<10000x128xf32, #tpu.memory_space<hbm>> -> memref<128x128xf32, #tpu.memory_space<hbm>>
      tpu.wait_dma2 semaphore(%arg11 : memref<!tpu.dma_semaphore, #tpu.memory_space<semaphore_mem>>) src(%dma_wait3A_128 : memref<128x128xf32, #tpu.memory_space<hbm>>) dst(%arg8 : memref<128x128xf32, #tpu.memory_space<vmem>>)
      "tpu.region"() ({
        %run_scoped3A = tpu.sem_alloc : memref<!tpu.dma_semaphore, #tpu.memory_space<semaphore_mem>>
        %dma_start3A_142 = arith.constant 0 : i32
        %dma_start3A_143 = tpu.memref_slice %arg7[%mul3A_115, %dma_start3A_142] : memref<40x128xi32, #tpu.memory_space<vmem>> -> memref<1x128xi32, #tpu.memory_space<vmem>>
        %dma_start3A_144 = tpu.memref_squeeze %dma_start3A_143 : memref<1x128xi32, #tpu.memory_space<vmem>> -> memref<128xi32, #tpu.memory_space<vmem>>
        %dma_start3A_145 = arith.constant 0 : i32
        %dma_start3A_146 = arith.constant 0 : i32
        %dma_start3A_147 = tpu.memref_slice %arg10[%dma_start3A_145, %dma_start3A_146] : memref<10240x128xf32, #tpu.memory_space<vmem_shared>> -> memref<10240x128xf32, #tpu.memory_space<vmem_shared>>
        tpu.enqueue_indirect_dma source(%arg8 : memref<128x128xf32, #tpu.memory_space<vmem>>) target(%dma_start3A_147 : memref<10240x128xf32, #tpu.memory_space<vmem_shared>>) offsets(%dma_start3A_144 : memref<128xi32, #tpu.memory_space<vmem>>) semaphore(%run_scoped3A : memref<!tpu.dma_semaphore, #tpu.memory_space<semaphore_mem>>) {add = true}
        %dma_wait3A_148 = arith.constant 0 : i32
        %dma_wait3A_149 = tpu.memref_slice %arg7[%mul3A_115, %dma_wait3A_148] : memref<40x128xi32, #tpu.memory_space<vmem>> -> memref<1x128xi32, #tpu.memory_space<vmem>>
        %dma_wait3A_150 = tpu.memref_squeeze %dma_wait3A_149 : memref<1x128xi32, #tpu.memory_space<vmem>> -> memref<128xi32, #tpu.memory_space<vmem>>
        %dma_wait3A_151 = arith.constant 0 : i32
        %dma_wait3A_152 = arith.constant 0 : i32
        %dma_wait3A_153 = tpu.memref_slice %arg10[%dma_wait3A_151, %dma_wait3A_152] : memref<10240x128xf32, #tpu.memory_space<vmem_shared>> -> memref<10240x128xf32, #tpu.memory_space<vmem_shared>>
        tpu.wait_indirect_dma semaphore(%run_scoped3A : memref<!tpu.dma_semaphore, #tpu.memory_space<semaphore_mem>>) src(%arg8 : memref<128x128xf32, #tpu.memory_space<vmem>>) dst(%dma_wait3A_153 : memref<10240x128xf32, #tpu.memory_space<vmem_shared>>)
        tpu.yield
      }) : () -> ()
      %lt3A_129 = arith.constant 19 : i32
      %lt3A_130 = arith.cmpi slt, %scan3A_113, %lt3A_129 : i32
      %convert_element_type3A_131 = arith.extui %lt3A_130 : i1 to i32
      %cond3A_132 = arith.constant 0 : i32
      %cond3A_133 = arith.cmpi ne, %convert_element_type3A_131, %cond3A_132 : i32
      scf.if %cond3A_133 {
        %add3A_142 = arith.constant 2 : i32
        %add3A_143 = arith.addi %mul3A_115, %add3A_142 : i32
        %dma_start3A_144 = arith.constant 0 : i32
        %dma_start3A_145 = tpu.memref_slice %arg6[%add3A_143, %dma_start3A_144] : memref<40x128xi32, #tpu.memory_space<vmem>> -> memref<1x128xi32, #tpu.memory_space<vmem>>
        %dma_start3A_146 = tpu.memref_squeeze %dma_start3A_145 : memref<1x128xi32, #tpu.memory_space<vmem>> -> memref<128xi32, #tpu.memory_space<vmem>>
        %dma_start3A_147 = arith.constant 0 : i32
        %dma_start3A_148 = arith.constant 0 : i32
        %dma_start3A_149 = tpu.memref_slice %arg2[%dma_start3A_147, %dma_start3A_148] : memref<10000x128xf32, #tpu.memory_space<hbm>> -> memref<10000x128xf32, #tpu.memory_space<hbm>>
        tpu.enqueue_indirect_dma source(%dma_start3A_149 : memref<10000x128xf32, #tpu.memory_space<hbm>>) target(%arg8 : memref<128x128xf32, #tpu.memory_space<vmem>>) offsets(%dma_start3A_146 : memref<128xi32, #tpu.memory_space<vmem>>) semaphore(%arg11 : memref<!tpu.dma_semaphore, #tpu.memory_space<semaphore_mem>>)
      } else {
      }
      %dma_wait3A_134 = arith.constant 0 : i32
      %dma_wait3A_135 = tpu.memref_slice %arg6[%add3A_117, %dma_wait3A_134] : memref<40x128xi32, #tpu.memory_space<vmem>> -> memref<1x128xi32, #tpu.memory_space<vmem>>
      %dma_wait3A_136 = tpu.memref_squeeze %dma_wait3A_135 : memref<1x128xi32, #tpu.memory_space<vmem>> -> memref<128xi32, #tpu.memory_space<vmem>>
      %dma_wait3A_137 = arith.constant 0 : i32
      %dma_wait3A_138 = arith.constant 0 : i32
      %dma_wait3A_139 = tpu.memref_slice %arg2[%dma_wait3A_137, %dma_wait3A_138] : memref<10000x128xf32, #tpu.memory_space<hbm>> -> memref<10000x128xf32, #tpu.memory_space<hbm>>
      tpu.wait_indirect_dma semaphore(%arg12 : memref<!tpu.dma_semaphore, #tpu.memory_space<semaphore_mem>>) src(%dma_wait3A_139 : memref<10000x128xf32, #tpu.memory_space<hbm>>) dst(%arg9 : memref<128x128xf32, #tpu.memory_space<vmem>>)
      %add3A_140 = arith.constant 1 : i32
      %add3A_141 = arith.addi %mul3A_115, %add3A_140 : i32
      "tpu.region"() ({
        %run_scoped3A = tpu.sem_alloc : memref<!tpu.dma_semaphore, #tpu.memory_space<semaphore_mem>>
        %dma_start3A_142 = arith.constant 0 : i32
        %dma_start3A_143 = tpu.memref_slice %arg7[%add3A_141, %dma_start3A_142] : memref<40x128xi32, #tpu.memory_space<vmem>> -> memref<1x128xi32, #tpu.memory_space<vmem>>
        %dma_start3A_144 = tpu.memref_squeeze %dma_start3A_143 : memref<1x128xi32, #tpu.memory_space<vmem>> -> memref<128xi32, #tpu.memory_space<vmem>>
        %dma_start3A_145 = arith.constant 0 : i32
        %dma_start3A_146 = arith.constant 0 : i32
        %dma_start3A_147 = tpu.memref_slice %arg10[%dma_start3A_145, %dma_start3A_146] : memref<10240x128xf32, #tpu.memory_space<vmem_shared>> -> memref<10240x128xf32, #tpu.memory_space<vmem_shared>>
        tpu.enqueue_indirect_dma source(%arg9 : memref<128x128xf32, #tpu.memory_space<vmem>>) target(%dma_start3A_147 : memref<10240x128xf32, #tpu.memory_space<vmem_shared>>) offsets(%dma_start3A_144 : memref<128xi32, #tpu.memory_space<vmem>>) semaphore(%run_scoped3A : memref<!tpu.dma_semaphore, #tpu.memory_space<semaphore_mem>>) {add = true}
        %dma_wait3A_148 = arith.constant 0 : i32
        %dma_wait3A_149 = tpu.memref_slice %arg7[%add3A_141, %dma_wait3A_148] : memref<40x128xi32, #tpu.memory_space<vmem>> -> memref<1x128xi32, #tpu.memory_space<vmem>>
        %dma_wait3A_150 = tpu.memref_squeeze %dma_wait3A_149 : memref<1x128xi32, #tpu.memory_space<vmem>> -> memref<128xi32, #tpu.memory_space<vmem>>
        %dma_wait3A_151 = arith.constant 0 : i32
        %dma_wait3A_152 = arith.constant 0 : i32
        %dma_wait3A_153 = tpu.memref_slice %arg10[%dma_wait3A_151, %dma_wait3A_152] : memref<10240x128xf32, #tpu.memory_space<vmem_shared>> -> memref<10240x128xf32, #tpu.memory_space<vmem_shared>>
        tpu.wait_indirect_dma semaphore(%run_scoped3A : memref<!tpu.dma_semaphore, #tpu.memory_space<semaphore_mem>>) src(%arg9 : memref<128x128xf32, #tpu.memory_space<vmem>>) dst(%dma_wait3A_153 : memref<10240x128xf32, #tpu.memory_space<vmem_shared>>)
        tpu.yield
      }) : () -> ()
    }
    %scan3A_58 = arith.constant 20 : i32
    %barrier3A_59 = arith.constant 0 : index
    tpu.barrier barrier_id(%barrier3A_59)
    %add3A_60 = arith.constant 0 : i32
    %add3A_61 = arith.addi %arg1, %add3A_60 : i32
    %lt3A = arith.constant 125 : i32
    %lt3A_62 = arith.cmpi slt, %add3A_61, %lt3A : i32
    %convert_element_type3A = arith.extui %lt3A_62 : i1 to i32
    %cond3A = arith.constant 0 : i32
    %cond3A_63 = arith.cmpi ne, %convert_element_type3A, %cond3A : i32
    scf.if %cond3A_63 {
      %mul3A_113 = arith.constant 80 : i32
      %mul3A_114 = arith.muli %add3A_61, %mul3A_113 : i32
      "tpu.region"() ({
        %run_scoped3A = tpu.sem_alloc : memref<!tpu.dma_semaphore, #tpu.memory_space<semaphore_mem>>
        %dma_start3A_115 = arith.constant 0 : i32
        %dma_start3A_116 = arith.constant 0 : i32
        %dma_start3A_117 = tpu.memref_slice %arg8[%dma_start3A_115, %dma_start3A_116] : memref<128x128xf32, #tpu.memory_space<vmem>> -> memref<80x128xf32, #tpu.memory_space<vmem>>
        %dma_start3A_118 = arith.constant 0 : i32
        %dma_start3A_119 = tpu.memref_slice %arg10[%mul3A_114, %dma_start3A_118] : memref<10240x128xf32, #tpu.memory_space<vmem_shared>> -> memref<80x128xf32, #tpu.memory_space<vmem_shared>>
        %dma_start3A_120 = arith.constant 0 : i32
        %dma_start3A_121 = arith.constant 0 : i32
        %dma_start3A_122 = tpu.memref_slice %arg8[%dma_start3A_120, %dma_start3A_121] : memref<128x128xf32, #tpu.memory_space<vmem>> -> memref<80x128xf32, #tpu.memory_space<vmem>>
        %dma_start3A_123 = arith.constant 0 : i32
        %dma_start3A_124 = tpu.memref_slice %arg10[%mul3A_114, %dma_start3A_123] : memref<10240x128xf32, #tpu.memory_space<vmem_shared>> -> memref<80x128xf32, #tpu.memory_space<vmem_shared>>
        tpu.enqueue_dma source(%dma_start3A_124 : memref<80x128xf32, #tpu.memory_space<vmem_shared>>) target(%dma_start3A_122 : memref<80x128xf32, #tpu.memory_space<vmem>>) target_semaphore(%run_scoped3A : memref<!tpu.dma_semaphore, #tpu.memory_space<semaphore_mem>>)
        %dma_wait3A = arith.constant 0 : i32
        %dma_wait3A_125 = arith.constant 0 : i32
        %dma_wait3A_126 = tpu.memref_slice %arg8[%dma_wait3A, %dma_wait3A_125] : memref<128x128xf32, #tpu.memory_space<vmem>> -> memref<80x128xf32, #tpu.memory_space<vmem>>
        %dma_wait3A_127 = arith.constant 0 : i32
        %dma_wait3A_128 = tpu.memref_slice %arg10[%mul3A_114, %dma_wait3A_127] : memref<10240x128xf32, #tpu.memory_space<vmem_shared>> -> memref<80x128xf32, #tpu.memory_space<vmem_shared>>
        %dma_wait3A_129 = arith.constant 0 : i32
        %dma_wait3A_130 = arith.constant 0 : i32
        %dma_wait3A_131 = tpu.memref_slice %arg8[%dma_wait3A_129, %dma_wait3A_130] : memref<128x128xf32, #tpu.memory_space<vmem>> -> memref<80x128xf32, #tpu.memory_space<vmem>>
        %dma_wait3A_132 = arith.constant 0 : i32
        %dma_wait3A_133 = tpu.memref_slice %arg10[%mul3A_114, %dma_wait3A_132] : memref<10240x128xf32, #tpu.memory_space<vmem_shared>> -> memref<80x128xf32, #tpu.memory_space<vmem_shared>>
        tpu.wait_dma2 semaphore(%run_scoped3A : memref<!tpu.dma_semaphore, #tpu.memory_space<semaphore_mem>>) src(%dma_wait3A_133 : memref<80x128xf32, #tpu.memory_space<vmem_shared>>) dst(%dma_wait3A_131 : memref<80x128xf32, #tpu.memory_space<vmem>>)
        tpu.yield
      }) : () -> ()
      "tpu.region"() ({
        %run_scoped3A = tpu.sem_alloc : memref<!tpu.dma_semaphore, #tpu.memory_space<semaphore_mem>>
        %dma_start3A_115 = arith.constant 0 : i32
        %dma_start3A_116 = arith.constant 0 : i32
        %dma_start3A_117 = tpu.memref_slice %arg8[%dma_start3A_115, %dma_start3A_116] : memref<128x128xf32, #tpu.memory_space<vmem>> -> memref<80x128xf32, #tpu.memory_space<vmem>>
        %dma_start3A_118 = arith.constant 0 : i32
        %dma_start3A_119 = tpu.memref_slice %arg5[%arg0, %mul3A_114, %dma_start3A_118] : memref<2x10000x128xf32, #tpu.memory_space<hbm>> -> memref<1x80x128xf32, #tpu.memory_space<hbm>>
        %dma_start3A_120 = tpu.memref_squeeze %dma_start3A_119 : memref<1x80x128xf32, #tpu.memory_space<hbm>> -> memref<80x128xf32, #tpu.memory_space<hbm>>
        %dma_start3A_121 = arith.constant 0 : i32
        %dma_start3A_122 = tpu.memref_slice %arg5[%arg0, %mul3A_114, %dma_start3A_121] : memref<2x10000x128xf32, #tpu.memory_space<hbm>> -> memref<1x80x128xf32, #tpu.memory_space<hbm>>
        %dma_start3A_123 = tpu.memref_squeeze %dma_start3A_122 : memref<1x80x128xf32, #tpu.memory_space<hbm>> -> memref<80x128xf32, #tpu.memory_space<hbm>>
        %dma_start3A_124 = arith.constant 0 : i32
        %dma_start3A_125 = arith.constant 0 : i32
        %dma_start3A_126 = tpu.memref_slice %arg8[%dma_start3A_124, %dma_start3A_125] : memref<128x128xf32, #tpu.memory_space<vmem>> -> memref<80x128xf32, #tpu.memory_space<vmem>>
        tpu.enqueue_dma source(%dma_start3A_126 : memref<80x128xf32, #tpu.memory_space<vmem>>) target(%dma_start3A_123 : memref<80x128xf32, #tpu.memory_space<hbm>>) target_semaphore(%run_scoped3A : memref<!tpu.dma_semaphore, #tpu.memory_space<semaphore_mem>>)
        %dma_wait3A = arith.constant 0 : i32
        %dma_wait3A_127 = arith.constant 0 : i32
        %dma_wait3A_128 = tpu.memref_slice %arg8[%dma_wait3A, %dma_wait3A_127] : memref<128x128xf32, #tpu.memory_space<vmem>> -> memref<80x128xf32, #tpu.memory_space<vmem>>
        %dma_wait3A_129 = arith.constant 0 : i32
        %dma_wait3A_130 = tpu.memref_slice %arg5[%arg0, %mul3A_114, %dma_wait3A_129] : memref<2x10000x128xf32, #tpu.memory_space<hbm>> -> memref<1x80x128xf32, #tpu.memory_space<hbm>>
        %dma_wait3A_131 = tpu.memref_squeeze %dma_wait3A_130 : memref<1x80x128xf32, #tpu.memory_space<hbm>> -> memref<80x128xf32, #tpu.memory_space<hbm>>
        %dma_wait3A_132 = arith.constant 0 : i32
        %dma_wait3A_133 = tpu.memref_slice %arg5[%arg0, %mul3A_114, %dma_wait3A_132] : memref<2x10000x128xf32, #tpu.memory_space<hbm>> -> memref<1x80x128xf32, #tpu.memory_space<hbm>>
        %dma_wait3A_134 = tpu.memref_squeeze %dma_wait3A_133 : memref<1x80x128xf32, #tpu.memory_space<hbm>> -> memref<80x128xf32, #tpu.memory_space<hbm>>
        %dma_wait3A_135 = arith.constant 0 : i32
        %dma_wait3A_136 = arith.constant 0 : i32
        %dma_wait3A_137 = tpu.memref_slice %arg8[%dma_wait3A_135, %dma_wait3A_136] : memref<128x128xf32, #tpu.memory_space<vmem>> -> memref<80x128xf32, #tpu.memory_space<vmem>>
        tpu.wait_dma2 semaphore(%run_scoped3A : memref<!tpu.dma_semaphore, #tpu.memory_space<semaphore_mem>>) src(%dma_wait3A_137 : memref<80x128xf32, #tpu.memory_space<vmem>>) dst(%dma_wait3A_134 : memref<80x128xf32, #tpu.memory_space<hbm>>)
        tpu.yield
      }) : () -> ()
    } else {
    }
    %add3A_64 = arith.constant 16 : i32
    %add3A_65 = arith.addi %arg1, %add3A_64 : i32
    %lt3A_66 = arith.constant 125 : i32
    %lt3A_67 = arith.cmpi slt, %add3A_65, %lt3A_66 : i32
    %convert_element_type3A_68 = arith.extui %lt3A_67 : i1 to i32
    %cond3A_69 = arith.constant 0 : i32
    %cond3A_70 = arith.cmpi ne, %convert_element_type3A_68, %cond3A_69 : i32
    scf.if %cond3A_70 {
      %mul3A_113 = arith.constant 80 : i32
      %mul3A_114 = arith.muli %add3A_65, %mul3A_113 : i32
      "tpu.region"() ({
        %run_scoped3A = tpu.sem_alloc : memref<!tpu.dma_semaphore, #tpu.memory_space<semaphore_mem>>
        %dma_start3A_115 = arith.constant 0 : i32
        %dma_start3A_116 = arith.constant 0 : i32
        %dma_start3A_117 = tpu.memref_slice %arg8[%dma_start3A_115, %dma_start3A_116] : memref<128x128xf32, #tpu.memory_space<vmem>> -> memref<80x128xf32, #tpu.memory_space<vmem>>
        %dma_start3A_118 = arith.constant 0 : i32
        %dma_start3A_119 = tpu.memref_slice %arg10[%mul3A_114, %dma_start3A_118] : memref<10240x128xf32, #tpu.memory_space<vmem_shared>> -> memref<80x128xf32, #tpu.memory_space<vmem_shared>>
        %dma_start3A_120 = arith.constant 0 : i32
        %dma_start3A_121 = arith.constant 0 : i32
        %dma_start3A_122 = tpu.memref_slice %arg8[%dma_start3A_120, %dma_start3A_121] : memref<128x128xf32, #tpu.memory_space<vmem>> -> memref<80x128xf32, #tpu.memory_space<vmem>>
        %dma_start3A_123 = arith.constant 0 : i32
        %dma_start3A_124 = tpu.memref_slice %arg10[%mul3A_114, %dma_start3A_123] : memref<10240x128xf32, #tpu.memory_space<vmem_shared>> -> memref<80x128xf32, #tpu.memory_space<vmem_shared>>
        tpu.enqueue_dma source(%dma_start3A_124 : memref<80x128xf32, #tpu.memory_space<vmem_shared>>) target(%dma_start3A_122 : memref<80x128xf32, #tpu.memory_space<vmem>>) target_semaphore(%run_scoped3A : memref<!tpu.dma_semaphore, #tpu.memory_space<semaphore_mem>>)
        %dma_wait3A = arith.constant 0 : i32
        %dma_wait3A_125 = arith.constant 0 : i32
        %dma_wait3A_126 = tpu.memref_slice %arg8[%dma_wait3A, %dma_wait3A_125] : memref<128x128xf32, #tpu.memory_space<vmem>> -> memref<80x128xf32, #tpu.memory_space<vmem>>
        %dma_wait3A_127 = arith.constant 0 : i32
        %dma_wait3A_128 = tpu.memref_slice %arg10[%mul3A_114, %dma_wait3A_127] : memref<10240x128xf32, #tpu.memory_space<vmem_shared>> -> memref<80x128xf32, #tpu.memory_space<vmem_shared>>
        %dma_wait3A_129 = arith.constant 0 : i32
        %dma_wait3A_130 = arith.constant 0 : i32
        %dma_wait3A_131 = tpu.memref_slice %arg8[%dma_wait3A_129, %dma_wait3A_130] : memref<128x128xf32, #tpu.memory_space<vmem>> -> memref<80x128xf32, #tpu.memory_space<vmem>>
        %dma_wait3A_132 = arith.constant 0 : i32
        %dma_wait3A_133 = tpu.memref_slice %arg10[%mul3A_114, %dma_wait3A_132] : memref<10240x128xf32, #tpu.memory_space<vmem_shared>> -> memref<80x128xf32, #tpu.memory_space<vmem_shared>>
        tpu.wait_dma2 semaphore(%run_scoped3A : memref<!tpu.dma_semaphore, #tpu.memory_space<semaphore_mem>>) src(%dma_wait3A_133 : memref<80x128xf32, #tpu.memory_space<vmem_shared>>) dst(%dma_wait3A_131 : memref<80x128xf32, #tpu.memory_space<vmem>>)
        tpu.yield
      }) : () -> ()
      "tpu.region"() ({
        %run_scoped3A = tpu.sem_alloc : memref<!tpu.dma_semaphore, #tpu.memory_space<semaphore_mem>>
        %dma_start3A_115 = arith.constant 0 : i32
        %dma_start3A_116 = arith.constant 0 : i32
        %dma_start3A_117 = tpu.memref_slice %arg8[%dma_start3A_115, %dma_start3A_116] : memref<128x128xf32, #tpu.memory_space<vmem>> -> memref<80x128xf32, #tpu.memory_space<vmem>>
        %dma_start3A_118 = arith.constant 0 : i32
        %dma_start3A_119 = tpu.memref_slice %arg5[%arg0, %mul3A_114, %dma_start3A_118] : memref<2x10000x128xf32, #tpu.memory_space<hbm>> -> memref<1x80x128xf32, #tpu.memory_space<hbm>>
        %dma_start3A_120 = tpu.memref_squeeze %dma_start3A_119 : memref<1x80x128xf32, #tpu.memory_space<hbm>> -> memref<80x128xf32, #tpu.memory_space<hbm>>
        %dma_start3A_121 = arith.constant 0 : i32
        %dma_start3A_122 = tpu.memref_slice %arg5[%arg0, %mul3A_114, %dma_start3A_121] : memref<2x10000x128xf32, #tpu.memory_space<hbm>> -> memref<1x80x128xf32, #tpu.memory_space<hbm>>
        %dma_start3A_123 = tpu.memref_squeeze %dma_start3A_122 : memref<1x80x128xf32, #tpu.memory_space<hbm>> -> memref<80x128xf32, #tpu.memory_space<hbm>>
        %dma_start3A_124 = arith.constant 0 : i32
        %dma_start3A_125 = arith.constant 0 : i32
        %dma_start3A_126 = tpu.memref_slice %arg8[%dma_start3A_124, %dma_start3A_125] : memref<128x128xf32, #tpu.memory_space<vmem>> -> memref<80x128xf32, #tpu.memory_space<vmem>>
        tpu.enqueue_dma source(%dma_start3A_126 : memref<80x128xf32, #tpu.memory_space<vmem>>) target(%dma_start3A_123 : memref<80x128xf32, #tpu.memory_space<hbm>>) target_semaphore(%run_scoped3A : memref<!tpu.dma_semaphore, #tpu.memory_space<semaphore_mem>>)
        %dma_wait3A = arith.constant 0 : i32
        %dma_wait3A_127 = arith.constant 0 : i32
        %dma_wait3A_128 = tpu.memref_slice %arg8[%dma_wait3A, %dma_wait3A_127] : memref<128x128xf32, #tpu.memory_space<vmem>> -> memref<80x128xf32, #tpu.memory_space<vmem>>
        %dma_wait3A_129 = arith.constant 0 : i32
        %dma_wait3A_130 = tpu.memref_slice %arg5[%arg0, %mul3A_114, %dma_wait3A_129] : memref<2x10000x128xf32, #tpu.memory_space<hbm>> -> memref<1x80x128xf32, #tpu.memory_space<hbm>>
        %dma_wait3A_131 = tpu.memref_squeeze %dma_wait3A_130 : memref<1x80x128xf32, #tpu.memory_space<hbm>> -> memref<80x128xf32, #tpu.memory_space<hbm>>
        %dma_wait3A_132 = arith.constant 0 : i32
        %dma_wait3A_133 = tpu.memref_slice %arg5[%arg0, %mul3A_114, %dma_wait3A_132] : memref<2x10000x128xf32, #tpu.memory_space<hbm>> -> memref<1x80x128xf32, #tpu.memory_space<hbm>>
        %dma_wait3A_134 = tpu.memref_squeeze %dma_wait3A_133 : memref<1x80x128xf32, #tpu.memory_space<hbm>> -> memref<80x128xf32, #tpu.memory_space<hbm>>
        %dma_wait3A_135 = arith.constant 0 : i32
        %dma_wait3A_136 = arith.constant 0 : i32
        %dma_wait3A_137 = tpu.memref_slice %arg8[%dma_wait3A_135, %dma_wait3A_136] : memref<128x128xf32, #tpu.memory_space<vmem>> -> memref<80x128xf32, #tpu.memory_space<vmem>>
        tpu.wait_dma2 semaphore(%run_scoped3A : memref<!tpu.dma_semaphore, #tpu.memory_space<semaphore_mem>>) src(%dma_wait3A_137 : memref<80x128xf32, #tpu.memory_space<vmem>>) dst(%dma_wait3A_134 : memref<80x128xf32, #tpu.memory_space<hbm>>)
        tpu.yield
      }) : () -> ()
    } else {
    }
    %add3A_71 = arith.constant 32 : i32
    %add3A_72 = arith.addi %arg1, %add3A_71 : i32
    %lt3A_73 = arith.constant 125 : i32
    %lt3A_74 = arith.cmpi slt, %add3A_72, %lt3A_73 : i32
    %convert_element_type3A_75 = arith.extui %lt3A_74 : i1 to i32
    %cond3A_76 = arith.constant 0 : i32
    %cond3A_77 = arith.cmpi ne, %convert_element_type3A_75, %cond3A_76 : i32
    scf.if %cond3A_77 {
      %mul3A_113 = arith.constant 80 : i32
      %mul3A_114 = arith.muli %add3A_72, %mul3A_113 : i32
      "tpu.region"() ({
        %run_scoped3A = tpu.sem_alloc : memref<!tpu.dma_semaphore, #tpu.memory_space<semaphore_mem>>
        %dma_start3A_115 = arith.constant 0 : i32
        %dma_start3A_116 = arith.constant 0 : i32
        %dma_start3A_117 = tpu.memref_slice %arg8[%dma_start3A_115, %dma_start3A_116] : memref<128x128xf32, #tpu.memory_space<vmem>> -> memref<80x128xf32, #tpu.memory_space<vmem>>
        %dma_start3A_118 = arith.constant 0 : i32
        %dma_start3A_119 = tpu.memref_slice %arg10[%mul3A_114, %dma_start3A_118] : memref<10240x128xf32, #tpu.memory_space<vmem_shared>> -> memref<80x128xf32, #tpu.memory_space<vmem_shared>>
        %dma_start3A_120 = arith.constant 0 : i32
        %dma_start3A_121 = arith.constant 0 : i32
        %dma_start3A_122 = tpu.memref_slice %arg8[%dma_start3A_120, %dma_start3A_121] : memref<128x128xf32, #tpu.memory_space<vmem>> -> memref<80x128xf32, #tpu.memory_space<vmem>>
        %dma_start3A_123 = arith.constant 0 : i32
        %dma_start3A_124 = tpu.memref_slice %arg10[%mul3A_114, %dma_start3A_123] : memref<10240x128xf32, #tpu.memory_space<vmem_shared>> -> memref<80x128xf32, #tpu.memory_space<vmem_shared>>
        tpu.enqueue_dma source(%dma_start3A_124 : memref<80x128xf32, #tpu.memory_space<vmem_shared>>) target(%dma_start3A_122 : memref<80x128xf32, #tpu.memory_space<vmem>>) target_semaphore(%run_scoped3A : memref<!tpu.dma_semaphore, #tpu.memory_space<semaphore_mem>>)
        %dma_wait3A = arith.constant 0 : i32
        %dma_wait3A_125 = arith.constant 0 : i32
        %dma_wait3A_126 = tpu.memref_slice %arg8[%dma_wait3A, %dma_wait3A_125] : memref<128x128xf32, #tpu.memory_space<vmem>> -> memref<80x128xf32, #tpu.memory_space<vmem>>
        %dma_wait3A_127 = arith.constant 0 : i32
        %dma_wait3A_128 = tpu.memref_slice %arg10[%mul3A_114, %dma_wait3A_127] : memref<10240x128xf32, #tpu.memory_space<vmem_shared>> -> memref<80x128xf32, #tpu.memory_space<vmem_shared>>
        %dma_wait3A_129 = arith.constant 0 : i32
        %dma_wait3A_130 = arith.constant 0 : i32
        %dma_wait3A_131 = tpu.memref_slice %arg8[%dma_wait3A_129, %dma_wait3A_130] : memref<128x128xf32, #tpu.memory_space<vmem>> -> memref<80x128xf32, #tpu.memory_space<vmem>>
        %dma_wait3A_132 = arith.constant 0 : i32
        %dma_wait3A_133 = tpu.memref_slice %arg10[%mul3A_114, %dma_wait3A_132] : memref<10240x128xf32, #tpu.memory_space<vmem_shared>> -> memref<80x128xf32, #tpu.memory_space<vmem_shared>>
        tpu.wait_dma2 semaphore(%run_scoped3A : memref<!tpu.dma_semaphore, #tpu.memory_space<semaphore_mem>>) src(%dma_wait3A_133 : memref<80x128xf32, #tpu.memory_space<vmem_shared>>) dst(%dma_wait3A_131 : memref<80x128xf32, #tpu.memory_space<vmem>>)
        tpu.yield
      }) : () -> ()
      "tpu.region"() ({
        %run_scoped3A = tpu.sem_alloc : memref<!tpu.dma_semaphore, #tpu.memory_space<semaphore_mem>>
        %dma_start3A_115 = arith.constant 0 : i32
        %dma_start3A_116 = arith.constant 0 : i32
        %dma_start3A_117 = tpu.memref_slice %arg8[%dma_start3A_115, %dma_start3A_116] : memref<128x128xf32, #tpu.memory_space<vmem>> -> memref<80x128xf32, #tpu.memory_space<vmem>>
        %dma_start3A_118 = arith.constant 0 : i32
        %dma_start3A_119 = tpu.memref_slice %arg5[%arg0, %mul3A_114, %dma_start3A_118] : memref<2x10000x128xf32, #tpu.memory_space<hbm>> -> memref<1x80x128xf32, #tpu.memory_space<hbm>>
        %dma_start3A_120 = tpu.memref_squeeze %dma_start3A_119 : memref<1x80x128xf32, #tpu.memory_space<hbm>> -> memref<80x128xf32, #tpu.memory_space<hbm>>
        %dma_start3A_121 = arith.constant 0 : i32
        %dma_start3A_122 = tpu.memref_slice %arg5[%arg0, %mul3A_114, %dma_start3A_121] : memref<2x10000x128xf32, #tpu.memory_space<hbm>> -> memref<1x80x128xf32, #tpu.memory_space<hbm>>
        %dma_start3A_123 = tpu.memref_squeeze %dma_start3A_122 : memref<1x80x128xf32, #tpu.memory_space<hbm>> -> memref<80x128xf32, #tpu.memory_space<hbm>>
        %dma_start3A_124 = arith.constant 0 : i32
        %dma_start3A_125 = arith.constant 0 : i32
        %dma_start3A_126 = tpu.memref_slice %arg8[%dma_start3A_124, %dma_start3A_125] : memref<128x128xf32, #tpu.memory_space<vmem>> -> memref<80x128xf32, #tpu.memory_space<vmem>>
        tpu.enqueue_dma source(%dma_start3A_126 : memref<80x128xf32, #tpu.memory_space<vmem>>) target(%dma_start3A_123 : memref<80x128xf32, #tpu.memory_space<hbm>>) target_semaphore(%run_scoped3A : memref<!tpu.dma_semaphore, #tpu.memory_space<semaphore_mem>>)
        %dma_wait3A = arith.constant 0 : i32
        %dma_wait3A_127 = arith.constant 0 : i32
        %dma_wait3A_128 = tpu.memref_slice %arg8[%dma_wait3A, %dma_wait3A_127] : memref<128x128xf32, #tpu.memory_space<vmem>> -> memref<80x128xf32, #tpu.memory_space<vmem>>
        %dma_wait3A_129 = arith.constant 0 : i32
        %dma_wait3A_130 = tpu.memref_slice %arg5[%arg0, %mul3A_114, %dma_wait3A_129] : memref<2x10000x128xf32, #tpu.memory_space<hbm>> -> memref<1x80x128xf32, #tpu.memory_space<hbm>>
        %dma_wait3A_131 = tpu.memref_squeeze %dma_wait3A_130 : memref<1x80x128xf32, #tpu.memory_space<hbm>> -> memref<80x128xf32, #tpu.memory_space<hbm>>
        %dma_wait3A_132 = arith.constant 0 : i32
        %dma_wait3A_133 = tpu.memref_slice %arg5[%arg0, %mul3A_114, %dma_wait3A_132] : memref<2x10000x128xf32, #tpu.memory_space<hbm>> -> memref<1x80x128xf32, #tpu.memory_space<hbm>>
        %dma_wait3A_134 = tpu.memref_squeeze %dma_wait3A_133 : memref<1x80x128xf32, #tpu.memory_space<hbm>> -> memref<80x128xf32, #tpu.memory_space<hbm>>
        %dma_wait3A_135 = arith.constant 0 : i32
        %dma_wait3A_136 = arith.constant 0 : i32
        %dma_wait3A_137 = tpu.memref_slice %arg8[%dma_wait3A_135, %dma_wait3A_136] : memref<128x128xf32, #tpu.memory_space<vmem>> -> memref<80x128xf32, #tpu.memory_space<vmem>>
        tpu.wait_dma2 semaphore(%run_scoped3A : memref<!tpu.dma_semaphore, #tpu.memory_space<semaphore_mem>>) src(%dma_wait3A_137 : memref<80x128xf32, #tpu.memory_space<vmem>>) dst(%dma_wait3A_134 : memref<80x128xf32, #tpu.memory_space<hbm>>)
        tpu.yield
      }) : () -> ()
    } else {
    }
    %add3A_78 = arith.constant 48 : i32
    %add3A_79 = arith.addi %arg1, %add3A_78 : i32
    %lt3A_80 = arith.constant 125 : i32
    %lt3A_81 = arith.cmpi slt, %add3A_79, %lt3A_80 : i32
    %convert_element_type3A_82 = arith.extui %lt3A_81 : i1 to i32
    %cond3A_83 = arith.constant 0 : i32
    %cond3A_84 = arith.cmpi ne, %convert_element_type3A_82, %cond3A_83 : i32
    scf.if %cond3A_84 {
      %mul3A_113 = arith.constant 80 : i32
      %mul3A_114 = arith.muli %add3A_79, %mul3A_113 : i32
      "tpu.region"() ({
        %run_scoped3A = tpu.sem_alloc : memref<!tpu.dma_semaphore, #tpu.memory_space<semaphore_mem>>
        %dma_start3A_115 = arith.constant 0 : i32
        %dma_start3A_116 = arith.constant 0 : i32
        %dma_start3A_117 = tpu.memref_slice %arg8[%dma_start3A_115, %dma_start3A_116] : memref<128x128xf32, #tpu.memory_space<vmem>> -> memref<80x128xf32, #tpu.memory_space<vmem>>
        %dma_start3A_118 = arith.constant 0 : i32
        %dma_start3A_119 = tpu.memref_slice %arg10[%mul3A_114, %dma_start3A_118] : memref<10240x128xf32, #tpu.memory_space<vmem_shared>> -> memref<80x128xf32, #tpu.memory_space<vmem_shared>>
        %dma_start3A_120 = arith.constant 0 : i32
        %dma_start3A_121 = arith.constant 0 : i32
        %dma_start3A_122 = tpu.memref_slice %arg8[%dma_start3A_120, %dma_start3A_121] : memref<128x128xf32, #tpu.memory_space<vmem>> -> memref<80x128xf32, #tpu.memory_space<vmem>>
        %dma_start3A_123 = arith.constant 0 : i32
        %dma_start3A_124 = tpu.memref_slice %arg10[%mul3A_114, %dma_start3A_123] : memref<10240x128xf32, #tpu.memory_space<vmem_shared>> -> memref<80x128xf32, #tpu.memory_space<vmem_shared>>
        tpu.enqueue_dma source(%dma_start3A_124 : memref<80x128xf32, #tpu.memory_space<vmem_shared>>) target(%dma_start3A_122 : memref<80x128xf32, #tpu.memory_space<vmem>>) target_semaphore(%run_scoped3A : memref<!tpu.dma_semaphore, #tpu.memory_space<semaphore_mem>>)
        %dma_wait3A = arith.constant 0 : i32
        %dma_wait3A_125 = arith.constant 0 : i32
        %dma_wait3A_126 = tpu.memref_slice %arg8[%dma_wait3A, %dma_wait3A_125] : memref<128x128xf32, #tpu.memory_space<vmem>> -> memref<80x128xf32, #tpu.memory_space<vmem>>
        %dma_wait3A_127 = arith.constant 0 : i32
        %dma_wait3A_128 = tpu.memref_slice %arg10[%mul3A_114, %dma_wait3A_127] : memref<10240x128xf32, #tpu.memory_space<vmem_shared>> -> memref<80x128xf32, #tpu.memory_space<vmem_shared>>
        %dma_wait3A_129 = arith.constant 0 : i32
        %dma_wait3A_130 = arith.constant 0 : i32
        %dma_wait3A_131 = tpu.memref_slice %arg8[%dma_wait3A_129, %dma_wait3A_130] : memref<128x128xf32, #tpu.memory_space<vmem>> -> memref<80x128xf32, #tpu.memory_space<vmem>>
        %dma_wait3A_132 = arith.constant 0 : i32
        %dma_wait3A_133 = tpu.memref_slice %arg10[%mul3A_114, %dma_wait3A_132] : memref<10240x128xf32, #tpu.memory_space<vmem_shared>> -> memref<80x128xf32, #tpu.memory_space<vmem_shared>>
        tpu.wait_dma2 semaphore(%run_scoped3A : memref<!tpu.dma_semaphore, #tpu.memory_space<semaphore_mem>>) src(%dma_wait3A_133 : memref<80x128xf32, #tpu.memory_space<vmem_shared>>) dst(%dma_wait3A_131 : memref<80x128xf32, #tpu.memory_space<vmem>>)
        tpu.yield
      }) : () -> ()
      "tpu.region"() ({
        %run_scoped3A = tpu.sem_alloc : memref<!tpu.dma_semaphore, #tpu.memory_space<semaphore_mem>>
        %dma_start3A_115 = arith.constant 0 : i32
        %dma_start3A_116 = arith.constant 0 : i32
        %dma_start3A_117 = tpu.memref_slice %arg8[%dma_start3A_115, %dma_start3A_116] : memref<128x128xf32, #tpu.memory_space<vmem>> -> memref<80x128xf32, #tpu.memory_space<vmem>>
        %dma_start3A_118 = arith.constant 0 : i32
        %dma_start3A_119 = tpu.memref_slice %arg5[%arg0, %mul3A_114, %dma_start3A_118] : memref<2x10000x128xf32, #tpu.memory_space<hbm>> -> memref<1x80x128xf32, #tpu.memory_space<hbm>>
        %dma_start3A_120 = tpu.memref_squeeze %dma_start3A_119 : memref<1x80x128xf32, #tpu.memory_space<hbm>> -> memref<80x128xf32, #tpu.memory_space<hbm>>
        %dma_start3A_121 = arith.constant 0 : i32
        %dma_start3A_122 = tpu.memref_slice %arg5[%arg0, %mul3A_114, %dma_start3A_121] : memref<2x10000x128xf32, #tpu.memory_space<hbm>> -> memref<1x80x128xf32, #tpu.memory_space<hbm>>
        %dma_start3A_123 = tpu.memref_squeeze %dma_start3A_122 : memref<1x80x128xf32, #tpu.memory_space<hbm>> -> memref<80x128xf32, #tpu.memory_space<hbm>>
        %dma_start3A_124 = arith.constant 0 : i32
        %dma_start3A_125 = arith.constant 0 : i32
        %dma_start3A_126 = tpu.memref_slice %arg8[%dma_start3A_124, %dma_start3A_125] : memref<128x128xf32, #tpu.memory_space<vmem>> -> memref<80x128xf32, #tpu.memory_space<vmem>>
        tpu.enqueue_dma source(%dma_start3A_126 : memref<80x128xf32, #tpu.memory_space<vmem>>) target(%dma_start3A_123 : memref<80x128xf32, #tpu.memory_space<hbm>>) target_semaphore(%run_scoped3A : memref<!tpu.dma_semaphore, #tpu.memory_space<semaphore_mem>>)
        %dma_wait3A = arith.constant 0 : i32
        %dma_wait3A_127 = arith.constant 0 : i32
        %dma_wait3A_128 = tpu.memref_slice %arg8[%dma_wait3A, %dma_wait3A_127] : memref<128x128xf32, #tpu.memory_space<vmem>> -> memref<80x128xf32, #tpu.memory_space<vmem>>
        %dma_wait3A_129 = arith.constant 0 : i32
        %dma_wait3A_130 = tpu.memref_slice %arg5[%arg0, %mul3A_114, %dma_wait3A_129] : memref<2x10000x128xf32, #tpu.memory_space<hbm>> -> memref<1x80x128xf32, #tpu.memory_space<hbm>>
        %dma_wait3A_131 = tpu.memref_squeeze %dma_wait3A_130 : memref<1x80x128xf32, #tpu.memory_space<hbm>> -> memref<80x128xf32, #tpu.memory_space<hbm>>
        %dma_wait3A_132 = arith.constant 0 : i32
        %dma_wait3A_133 = tpu.memref_slice %arg5[%arg0, %mul3A_114, %dma_wait3A_132] : memref<2x10000x128xf32, #tpu.memory_space<hbm>> -> memref<1x80x128xf32, #tpu.memory_space<hbm>>
        %dma_wait3A_134 = tpu.memref_squeeze %dma_wait3A_133 : memref<1x80x128xf32, #tpu.memory_space<hbm>> -> memref<80x128xf32, #tpu.memory_space<hbm>>
        %dma_wait3A_135 = arith.constant 0 : i32
        %dma_wait3A_136 = arith.constant 0 : i32
        %dma_wait3A_137 = tpu.memref_slice %arg8[%dma_wait3A_135, %dma_wait3A_136] : memref<128x128xf32, #tpu.memory_space<vmem>> -> memref<80x128xf32, #tpu.memory_space<vmem>>
        tpu.wait_dma2 semaphore(%run_scoped3A : memref<!tpu.dma_semaphore, #tpu.memory_space<semaphore_mem>>) src(%dma_wait3A_137 : memref<80x128xf32, #tpu.memory_space<vmem>>) dst(%dma_wait3A_134 : memref<80x128xf32, #tpu.memory_space<hbm>>)
        tpu.yield
      }) : () -> ()
    } else {
    }
    %add3A_85 = arith.constant 64 : i32
    %add3A_86 = arith.addi %arg1, %add3A_85 : i32
    %lt3A_87 = arith.constant 125 : i32
    %lt3A_88 = arith.cmpi slt, %add3A_86, %lt3A_87 : i32
    %convert_element_type3A_89 = arith.extui %lt3A_88 : i1 to i32
    %cond3A_90 = arith.constant 0 : i32
    %cond3A_91 = arith.cmpi ne, %convert_element_type3A_89, %cond3A_90 : i32
    scf.if %cond3A_91 {
      %mul3A_113 = arith.constant 80 : i32
      %mul3A_114 = arith.muli %add3A_86, %mul3A_113 : i32
      "tpu.region"() ({
        %run_scoped3A = tpu.sem_alloc : memref<!tpu.dma_semaphore, #tpu.memory_space<semaphore_mem>>
        %dma_start3A_115 = arith.constant 0 : i32
        %dma_start3A_116 = arith.constant 0 : i32
        %dma_start3A_117 = tpu.memref_slice %arg8[%dma_start3A_115, %dma_start3A_116] : memref<128x128xf32, #tpu.memory_space<vmem>> -> memref<80x128xf32, #tpu.memory_space<vmem>>
        %dma_start3A_118 = arith.constant 0 : i32
        %dma_start3A_119 = tpu.memref_slice %arg10[%mul3A_114, %dma_start3A_118] : memref<10240x128xf32, #tpu.memory_space<vmem_shared>> -> memref<80x128xf32, #tpu.memory_space<vmem_shared>>
        %dma_start3A_120 = arith.constant 0 : i32
        %dma_start3A_121 = arith.constant 0 : i32
        %dma_start3A_122 = tpu.memref_slice %arg8[%dma_start3A_120, %dma_start3A_121] : memref<128x128xf32, #tpu.memory_space<vmem>> -> memref<80x128xf32, #tpu.memory_space<vmem>>
        %dma_start3A_123 = arith.constant 0 : i32
        %dma_start3A_124 = tpu.memref_slice %arg10[%mul3A_114, %dma_start3A_123] : memref<10240x128xf32, #tpu.memory_space<vmem_shared>> -> memref<80x128xf32, #tpu.memory_space<vmem_shared>>
        tpu.enqueue_dma source(%dma_start3A_124 : memref<80x128xf32, #tpu.memory_space<vmem_shared>>) target(%dma_start3A_122 : memref<80x128xf32, #tpu.memory_space<vmem>>) target_semaphore(%run_scoped3A : memref<!tpu.dma_semaphore, #tpu.memory_space<semaphore_mem>>)
        %dma_wait3A = arith.constant 0 : i32
        %dma_wait3A_125 = arith.constant 0 : i32
        %dma_wait3A_126 = tpu.memref_slice %arg8[%dma_wait3A, %dma_wait3A_125] : memref<128x128xf32, #tpu.memory_space<vmem>> -> memref<80x128xf32, #tpu.memory_space<vmem>>
        %dma_wait3A_127 = arith.constant 0 : i32
        %dma_wait3A_128 = tpu.memref_slice %arg10[%mul3A_114, %dma_wait3A_127] : memref<10240x128xf32, #tpu.memory_space<vmem_shared>> -> memref<80x128xf32, #tpu.memory_space<vmem_shared>>
        %dma_wait3A_129 = arith.constant 0 : i32
        %dma_wait3A_130 = arith.constant 0 : i32
        %dma_wait3A_131 = tpu.memref_slice %arg8[%dma_wait3A_129, %dma_wait3A_130] : memref<128x128xf32, #tpu.memory_space<vmem>> -> memref<80x128xf32, #tpu.memory_space<vmem>>
        %dma_wait3A_132 = arith.constant 0 : i32
        %dma_wait3A_133 = tpu.memref_slice %arg10[%mul3A_114, %dma_wait3A_132] : memref<10240x128xf32, #tpu.memory_space<vmem_shared>> -> memref<80x128xf32, #tpu.memory_space<vmem_shared>>
        tpu.wait_dma2 semaphore(%run_scoped3A : memref<!tpu.dma_semaphore, #tpu.memory_space<semaphore_mem>>) src(%dma_wait3A_133 : memref<80x128xf32, #tpu.memory_space<vmem_shared>>) dst(%dma_wait3A_131 : memref<80x128xf32, #tpu.memory_space<vmem>>)
        tpu.yield
      }) : () -> ()
      "tpu.region"() ({
        %run_scoped3A = tpu.sem_alloc : memref<!tpu.dma_semaphore, #tpu.memory_space<semaphore_mem>>
        %dma_start3A_115 = arith.constant 0 : i32
        %dma_start3A_116 = arith.constant 0 : i32
        %dma_start3A_117 = tpu.memref_slice %arg8[%dma_start3A_115, %dma_start3A_116] : memref<128x128xf32, #tpu.memory_space<vmem>> -> memref<80x128xf32, #tpu.memory_space<vmem>>
        %dma_start3A_118 = arith.constant 0 : i32
        %dma_start3A_119 = tpu.memref_slice %arg5[%arg0, %mul3A_114, %dma_start3A_118] : memref<2x10000x128xf32, #tpu.memory_space<hbm>> -> memref<1x80x128xf32, #tpu.memory_space<hbm>>
        %dma_start3A_120 = tpu.memref_squeeze %dma_start3A_119 : memref<1x80x128xf32, #tpu.memory_space<hbm>> -> memref<80x128xf32, #tpu.memory_space<hbm>>
        %dma_start3A_121 = arith.constant 0 : i32
        %dma_start3A_122 = tpu.memref_slice %arg5[%arg0, %mul3A_114, %dma_start3A_121] : memref<2x10000x128xf32, #tpu.memory_space<hbm>> -> memref<1x80x128xf32, #tpu.memory_space<hbm>>
        %dma_start3A_123 = tpu.memref_squeeze %dma_start3A_122 : memref<1x80x128xf32, #tpu.memory_space<hbm>> -> memref<80x128xf32, #tpu.memory_space<hbm>>
        %dma_start3A_124 = arith.constant 0 : i32
        %dma_start3A_125 = arith.constant 0 : i32
        %dma_start3A_126 = tpu.memref_slice %arg8[%dma_start3A_124, %dma_start3A_125] : memref<128x128xf32, #tpu.memory_space<vmem>> -> memref<80x128xf32, #tpu.memory_space<vmem>>
        tpu.enqueue_dma source(%dma_start3A_126 : memref<80x128xf32, #tpu.memory_space<vmem>>) target(%dma_start3A_123 : memref<80x128xf32, #tpu.memory_space<hbm>>) target_semaphore(%run_scoped3A : memref<!tpu.dma_semaphore, #tpu.memory_space<semaphore_mem>>)
        %dma_wait3A = arith.constant 0 : i32
        %dma_wait3A_127 = arith.constant 0 : i32
        %dma_wait3A_128 = tpu.memref_slice %arg8[%dma_wait3A, %dma_wait3A_127] : memref<128x128xf32, #tpu.memory_space<vmem>> -> memref<80x128xf32, #tpu.memory_space<vmem>>
        %dma_wait3A_129 = arith.constant 0 : i32
        %dma_wait3A_130 = tpu.memref_slice %arg5[%arg0, %mul3A_114, %dma_wait3A_129] : memref<2x10000x128xf32, #tpu.memory_space<hbm>> -> memref<1x80x128xf32, #tpu.memory_space<hbm>>
        %dma_wait3A_131 = tpu.memref_squeeze %dma_wait3A_130 : memref<1x80x128xf32, #tpu.memory_space<hbm>> -> memref<80x128xf32, #tpu.memory_space<hbm>>
        %dma_wait3A_132 = arith.constant 0 : i32
        %dma_wait3A_133 = tpu.memref_slice %arg5[%arg0, %mul3A_114, %dma_wait3A_132] : memref<2x10000x128xf32, #tpu.memory_space<hbm>> -> memref<1x80x128xf32, #tpu.memory_space<hbm>>
        %dma_wait3A_134 = tpu.memref_squeeze %dma_wait3A_133 : memref<1x80x128xf32, #tpu.memory_space<hbm>> -> memref<80x128xf32, #tpu.memory_space<hbm>>
        %dma_wait3A_135 = arith.constant 0 : i32
        %dma_wait3A_136 = arith.constant 0 : i32
        %dma_wait3A_137 = tpu.memref_slice %arg8[%dma_wait3A_135, %dma_wait3A_136] : memref<128x128xf32, #tpu.memory_space<vmem>> -> memref<80x128xf32, #tpu.memory_space<vmem>>
        tpu.wait_dma2 semaphore(%run_scoped3A : memref<!tpu.dma_semaphore, #tpu.memory_space<semaphore_mem>>) src(%dma_wait3A_137 : memref<80x128xf32, #tpu.memory_space<vmem>>) dst(%dma_wait3A_134 : memref<80x128xf32, #tpu.memory_space<hbm>>)
        tpu.yield
      }) : () -> ()
    } else {
    }
    %add3A_92 = arith.constant 80 : i32
    %add3A_93 = arith.addi %arg1, %add3A_92 : i32
    %lt3A_94 = arith.constant 125 : i32
    %lt3A_95 = arith.cmpi slt, %add3A_93, %lt3A_94 : i32
    %convert_element_type3A_96 = arith.extui %lt3A_95 : i1 to i32
    %cond3A_97 = arith.constant 0 : i32
    %cond3A_98 = arith.cmpi ne, %convert_element_type3A_96, %cond3A_97 : i32
    scf.if %cond3A_98 {
      %mul3A_113 = arith.constant 80 : i32
      %mul3A_114 = arith.muli %add3A_93, %mul3A_113 : i32
      "tpu.region"() ({
        %run_scoped3A = tpu.sem_alloc : memref<!tpu.dma_semaphore, #tpu.memory_space<semaphore_mem>>
        %dma_start3A_115 = arith.constant 0 : i32
        %dma_start3A_116 = arith.constant 0 : i32
        %dma_start3A_117 = tpu.memref_slice %arg8[%dma_start3A_115, %dma_start3A_116] : memref<128x128xf32, #tpu.memory_space<vmem>> -> memref<80x128xf32, #tpu.memory_space<vmem>>
        %dma_start3A_118 = arith.constant 0 : i32
        %dma_start3A_119 = tpu.memref_slice %arg10[%mul3A_114, %dma_start3A_118] : memref<10240x128xf32, #tpu.memory_space<vmem_shared>> -> memref<80x128xf32, #tpu.memory_space<vmem_shared>>
        %dma_start3A_120 = arith.constant 0 : i32
        %dma_start3A_121 = arith.constant 0 : i32
        %dma_start3A_122 = tpu.memref_slice %arg8[%dma_start3A_120, %dma_start3A_121] : memref<128x128xf32, #tpu.memory_space<vmem>> -> memref<80x128xf32, #tpu.memory_space<vmem>>
        %dma_start3A_123 = arith.constant 0 : i32
        %dma_start3A_124 = tpu.memref_slice %arg10[%mul3A_114, %dma_start3A_123] : memref<10240x128xf32, #tpu.memory_space<vmem_shared>> -> memref<80x128xf32, #tpu.memory_space<vmem_shared>>
        tpu.enqueue_dma source(%dma_start3A_124 : memref<80x128xf32, #tpu.memory_space<vmem_shared>>) target(%dma_start3A_122 : memref<80x128xf32, #tpu.memory_space<vmem>>) target_semaphore(%run_scoped3A : memref<!tpu.dma_semaphore, #tpu.memory_space<semaphore_mem>>)
        %dma_wait3A = arith.constant 0 : i32
        %dma_wait3A_125 = arith.constant 0 : i32
        %dma_wait3A_126 = tpu.memref_slice %arg8[%dma_wait3A, %dma_wait3A_125] : memref<128x128xf32, #tpu.memory_space<vmem>> -> memref<80x128xf32, #tpu.memory_space<vmem>>
        %dma_wait3A_127 = arith.constant 0 : i32
        %dma_wait3A_128 = tpu.memref_slice %arg10[%mul3A_114, %dma_wait3A_127] : memref<10240x128xf32, #tpu.memory_space<vmem_shared>> -> memref<80x128xf32, #tpu.memory_space<vmem_shared>>
        %dma_wait3A_129 = arith.constant 0 : i32
        %dma_wait3A_130 = arith.constant 0 : i32
        %dma_wait3A_131 = tpu.memref_slice %arg8[%dma_wait3A_129, %dma_wait3A_130] : memref<128x128xf32, #tpu.memory_space<vmem>> -> memref<80x128xf32, #tpu.memory_space<vmem>>
        %dma_wait3A_132 = arith.constant 0 : i32
        %dma_wait3A_133 = tpu.memref_slice %arg10[%mul3A_114, %dma_wait3A_132] : memref<10240x128xf32, #tpu.memory_space<vmem_shared>> -> memref<80x128xf32, #tpu.memory_space<vmem_shared>>
        tpu.wait_dma2 semaphore(%run_scoped3A : memref<!tpu.dma_semaphore, #tpu.memory_space<semaphore_mem>>) src(%dma_wait3A_133 : memref<80x128xf32, #tpu.memory_space<vmem_shared>>) dst(%dma_wait3A_131 : memref<80x128xf32, #tpu.memory_space<vmem>>)
        tpu.yield
      }) : () -> ()
      "tpu.region"() ({
        %run_scoped3A = tpu.sem_alloc : memref<!tpu.dma_semaphore, #tpu.memory_space<semaphore_mem>>
        %dma_start3A_115 = arith.constant 0 : i32
        %dma_start3A_116 = arith.constant 0 : i32
        %dma_start3A_117 = tpu.memref_slice %arg8[%dma_start3A_115, %dma_start3A_116] : memref<128x128xf32, #tpu.memory_space<vmem>> -> memref<80x128xf32, #tpu.memory_space<vmem>>
        %dma_start3A_118 = arith.constant 0 : i32
        %dma_start3A_119 = tpu.memref_slice %arg5[%arg0, %mul3A_114, %dma_start3A_118] : memref<2x10000x128xf32, #tpu.memory_space<hbm>> -> memref<1x80x128xf32, #tpu.memory_space<hbm>>
        %dma_start3A_120 = tpu.memref_squeeze %dma_start3A_119 : memref<1x80x128xf32, #tpu.memory_space<hbm>> -> memref<80x128xf32, #tpu.memory_space<hbm>>
        %dma_start3A_121 = arith.constant 0 : i32
        %dma_start3A_122 = tpu.memref_slice %arg5[%arg0, %mul3A_114, %dma_start3A_121] : memref<2x10000x128xf32, #tpu.memory_space<hbm>> -> memref<1x80x128xf32, #tpu.memory_space<hbm>>
        %dma_start3A_123 = tpu.memref_squeeze %dma_start3A_122 : memref<1x80x128xf32, #tpu.memory_space<hbm>> -> memref<80x128xf32, #tpu.memory_space<hbm>>
        %dma_start3A_124 = arith.constant 0 : i32
        %dma_start3A_125 = arith.constant 0 : i32
        %dma_start3A_126 = tpu.memref_slice %arg8[%dma_start3A_124, %dma_start3A_125] : memref<128x128xf32, #tpu.memory_space<vmem>> -> memref<80x128xf32, #tpu.memory_space<vmem>>
        tpu.enqueue_dma source(%dma_start3A_126 : memref<80x128xf32, #tpu.memory_space<vmem>>) target(%dma_start3A_123 : memref<80x128xf32, #tpu.memory_space<hbm>>) target_semaphore(%run_scoped3A : memref<!tpu.dma_semaphore, #tpu.memory_space<semaphore_mem>>)
        %dma_wait3A = arith.constant 0 : i32
        %dma_wait3A_127 = arith.constant 0 : i32
        %dma_wait3A_128 = tpu.memref_slice %arg8[%dma_wait3A, %dma_wait3A_127] : memref<128x128xf32, #tpu.memory_space<vmem>> -> memref<80x128xf32, #tpu.memory_space<vmem>>
        %dma_wait3A_129 = arith.constant 0 : i32
        %dma_wait3A_130 = tpu.memref_slice %arg5[%arg0, %mul3A_114, %dma_wait3A_129] : memref<2x10000x128xf32, #tpu.memory_space<hbm>> -> memref<1x80x128xf32, #tpu.memory_space<hbm>>
        %dma_wait3A_131 = tpu.memref_squeeze %dma_wait3A_130 : memref<1x80x128xf32, #tpu.memory_space<hbm>> -> memref<80x128xf32, #tpu.memory_space<hbm>>
        %dma_wait3A_132 = arith.constant 0 : i32
        %dma_wait3A_133 = tpu.memref_slice %arg5[%arg0, %mul3A_114, %dma_wait3A_132] : memref<2x10000x128xf32, #tpu.memory_space<hbm>> -> memref<1x80x128xf32, #tpu.memory_space<hbm>>
        %dma_wait3A_134 = tpu.memref_squeeze %dma_wait3A_133 : memref<1x80x128xf32, #tpu.memory_space<hbm>> -> memref<80x128xf32, #tpu.memory_space<hbm>>
        %dma_wait3A_135 = arith.constant 0 : i32
        %dma_wait3A_136 = arith.constant 0 : i32
        %dma_wait3A_137 = tpu.memref_slice %arg8[%dma_wait3A_135, %dma_wait3A_136] : memref<128x128xf32, #tpu.memory_space<vmem>> -> memref<80x128xf32, #tpu.memory_space<vmem>>
        tpu.wait_dma2 semaphore(%run_scoped3A : memref<!tpu.dma_semaphore, #tpu.memory_space<semaphore_mem>>) src(%dma_wait3A_137 : memref<80x128xf32, #tpu.memory_space<vmem>>) dst(%dma_wait3A_134 : memref<80x128xf32, #tpu.memory_space<hbm>>)
        tpu.yield
      }) : () -> ()
    } else {
    }
    %add3A_99 = arith.constant 96 : i32
    %add3A_100 = arith.addi %arg1, %add3A_99 : i32
    %lt3A_101 = arith.constant 125 : i32
    %lt3A_102 = arith.cmpi slt, %add3A_100, %lt3A_101 : i32
    %convert_element_type3A_103 = arith.extui %lt3A_102 : i1 to i32
    %cond3A_104 = arith.constant 0 : i32
    %cond3A_105 = arith.cmpi ne, %convert_element_type3A_103, %cond3A_104 : i32
    scf.if %cond3A_105 {
      %mul3A_113 = arith.constant 80 : i32
      %mul3A_114 = arith.muli %add3A_100, %mul3A_113 : i32
      "tpu.region"() ({
        %run_scoped3A = tpu.sem_alloc : memref<!tpu.dma_semaphore, #tpu.memory_space<semaphore_mem>>
        %dma_start3A_115 = arith.constant 0 : i32
        %dma_start3A_116 = arith.constant 0 : i32
        %dma_start3A_117 = tpu.memref_slice %arg8[%dma_start3A_115, %dma_start3A_116] : memref<128x128xf32, #tpu.memory_space<vmem>> -> memref<80x128xf32, #tpu.memory_space<vmem>>
        %dma_start3A_118 = arith.constant 0 : i32
        %dma_start3A_119 = tpu.memref_slice %arg10[%mul3A_114, %dma_start3A_118] : memref<10240x128xf32, #tpu.memory_space<vmem_shared>> -> memref<80x128xf32, #tpu.memory_space<vmem_shared>>
        %dma_start3A_120 = arith.constant 0 : i32
        %dma_start3A_121 = arith.constant 0 : i32
        %dma_start3A_122 = tpu.memref_slice %arg8[%dma_start3A_120, %dma_start3A_121] : memref<128x128xf32, #tpu.memory_space<vmem>> -> memref<80x128xf32, #tpu.memory_space<vmem>>
        %dma_start3A_123 = arith.constant 0 : i32
        %dma_start3A_124 = tpu.memref_slice %arg10[%mul3A_114, %dma_start3A_123] : memref<10240x128xf32, #tpu.memory_space<vmem_shared>> -> memref<80x128xf32, #tpu.memory_space<vmem_shared>>
        tpu.enqueue_dma source(%dma_start3A_124 : memref<80x128xf32, #tpu.memory_space<vmem_shared>>) target(%dma_start3A_122 : memref<80x128xf32, #tpu.memory_space<vmem>>) target_semaphore(%run_scoped3A : memref<!tpu.dma_semaphore, #tpu.memory_space<semaphore_mem>>)
        %dma_wait3A = arith.constant 0 : i32
        %dma_wait3A_125 = arith.constant 0 : i32
        %dma_wait3A_126 = tpu.memref_slice %arg8[%dma_wait3A, %dma_wait3A_125] : memref<128x128xf32, #tpu.memory_space<vmem>> -> memref<80x128xf32, #tpu.memory_space<vmem>>
        %dma_wait3A_127 = arith.constant 0 : i32
        %dma_wait3A_128 = tpu.memref_slice %arg10[%mul3A_114, %dma_wait3A_127] : memref<10240x128xf32, #tpu.memory_space<vmem_shared>> -> memref<80x128xf32, #tpu.memory_space<vmem_shared>>
        %dma_wait3A_129 = arith.constant 0 : i32
        %dma_wait3A_130 = arith.constant 0 : i32
        %dma_wait3A_131 = tpu.memref_slice %arg8[%dma_wait3A_129, %dma_wait3A_130] : memref<128x128xf32, #tpu.memory_space<vmem>> -> memref<80x128xf32, #tpu.memory_space<vmem>>
        %dma_wait3A_132 = arith.constant 0 : i32
        %dma_wait3A_133 = tpu.memref_slice %arg10[%mul3A_114, %dma_wait3A_132] : memref<10240x128xf32, #tpu.memory_space<vmem_shared>> -> memref<80x128xf32, #tpu.memory_space<vmem_shared>>
        tpu.wait_dma2 semaphore(%run_scoped3A : memref<!tpu.dma_semaphore, #tpu.memory_space<semaphore_mem>>) src(%dma_wait3A_133 : memref<80x128xf32, #tpu.memory_space<vmem_shared>>) dst(%dma_wait3A_131 : memref<80x128xf32, #tpu.memory_space<vmem>>)
        tpu.yield
      }) : () -> ()
      "tpu.region"() ({
        %run_scoped3A = tpu.sem_alloc : memref<!tpu.dma_semaphore, #tpu.memory_space<semaphore_mem>>
        %dma_start3A_115 = arith.constant 0 : i32
        %dma_start3A_116 = arith.constant 0 : i32
        %dma_start3A_117 = tpu.memref_slice %arg8[%dma_start3A_115, %dma_start3A_116] : memref<128x128xf32, #tpu.memory_space<vmem>> -> memref<80x128xf32, #tpu.memory_space<vmem>>
        %dma_start3A_118 = arith.constant 0 : i32
        %dma_start3A_119 = tpu.memref_slice %arg5[%arg0, %mul3A_114, %dma_start3A_118] : memref<2x10000x128xf32, #tpu.memory_space<hbm>> -> memref<1x80x128xf32, #tpu.memory_space<hbm>>
        %dma_start3A_120 = tpu.memref_squeeze %dma_start3A_119 : memref<1x80x128xf32, #tpu.memory_space<hbm>> -> memref<80x128xf32, #tpu.memory_space<hbm>>
        %dma_start3A_121 = arith.constant 0 : i32
        %dma_start3A_122 = tpu.memref_slice %arg5[%arg0, %mul3A_114, %dma_start3A_121] : memref<2x10000x128xf32, #tpu.memory_space<hbm>> -> memref<1x80x128xf32, #tpu.memory_space<hbm>>
        %dma_start3A_123 = tpu.memref_squeeze %dma_start3A_122 : memref<1x80x128xf32, #tpu.memory_space<hbm>> -> memref<80x128xf32, #tpu.memory_space<hbm>>
        %dma_start3A_124 = arith.constant 0 : i32
        %dma_start3A_125 = arith.constant 0 : i32
        %dma_start3A_126 = tpu.memref_slice %arg8[%dma_start3A_124, %dma_start3A_125] : memref<128x128xf32, #tpu.memory_space<vmem>> -> memref<80x128xf32, #tpu.memory_space<vmem>>
        tpu.enqueue_dma source(%dma_start3A_126 : memref<80x128xf32, #tpu.memory_space<vmem>>) target(%dma_start3A_123 : memref<80x128xf32, #tpu.memory_space<hbm>>) target_semaphore(%run_scoped3A : memref<!tpu.dma_semaphore, #tpu.memory_space<semaphore_mem>>)
        %dma_wait3A = arith.constant 0 : i32
        %dma_wait3A_127 = arith.constant 0 : i32
        %dma_wait3A_128 = tpu.memref_slice %arg8[%dma_wait3A, %dma_wait3A_127] : memref<128x128xf32, #tpu.memory_space<vmem>> -> memref<80x128xf32, #tpu.memory_space<vmem>>
        %dma_wait3A_129 = arith.constant 0 : i32
        %dma_wait3A_130 = tpu.memref_slice %arg5[%arg0, %mul3A_114, %dma_wait3A_129] : memref<2x10000x128xf32, #tpu.memory_space<hbm>> -> memref<1x80x128xf32, #tpu.memory_space<hbm>>
        %dma_wait3A_131 = tpu.memref_squeeze %dma_wait3A_130 : memref<1x80x128xf32, #tpu.memory_space<hbm>> -> memref<80x128xf32, #tpu.memory_space<hbm>>
        %dma_wait3A_132 = arith.constant 0 : i32
        %dma_wait3A_133 = tpu.memref_slice %arg5[%arg0, %mul3A_114, %dma_wait3A_132] : memref<2x10000x128xf32, #tpu.memory_space<hbm>> -> memref<1x80x128xf32, #tpu.memory_space<hbm>>
        %dma_wait3A_134 = tpu.memref_squeeze %dma_wait3A_133 : memref<1x80x128xf32, #tpu.memory_space<hbm>> -> memref<80x128xf32, #tpu.memory_space<hbm>>
        %dma_wait3A_135 = arith.constant 0 : i32
        %dma_wait3A_136 = arith.constant 0 : i32
        %dma_wait3A_137 = tpu.memref_slice %arg8[%dma_wait3A_135, %dma_wait3A_136] : memref<128x128xf32, #tpu.memory_space<vmem>> -> memref<80x128xf32, #tpu.memory_space<vmem>>
        tpu.wait_dma2 semaphore(%run_scoped3A : memref<!tpu.dma_semaphore, #tpu.memory_space<semaphore_mem>>) src(%dma_wait3A_137 : memref<80x128xf32, #tpu.memory_space<vmem>>) dst(%dma_wait3A_134 : memref<80x128xf32, #tpu.memory_space<hbm>>)
        tpu.yield
      }) : () -> ()
    } else {
    }
    %add3A_106 = arith.constant 112 : i32
    %add3A_107 = arith.addi %arg1, %add3A_106 : i32
    %lt3A_108 = arith.constant 125 : i32
    %lt3A_109 = arith.cmpi slt, %add3A_107, %lt3A_108 : i32
    %convert_element_type3A_110 = arith.extui %lt3A_109 : i1 to i32
    %cond3A_111 = arith.constant 0 : i32
    %cond3A_112 = arith.cmpi ne, %convert_element_type3A_110, %cond3A_111 : i32
    scf.if %cond3A_112 {
      %mul3A_113 = arith.constant 80 : i32
      %mul3A_114 = arith.muli %add3A_107, %mul3A_113 : i32
      "tpu.region"() ({
        %run_scoped3A = tpu.sem_alloc : memref<!tpu.dma_semaphore, #tpu.memory_space<semaphore_mem>>
        %dma_start3A_115 = arith.constant 0 : i32
        %dma_start3A_116 = arith.constant 0 : i32
        %dma_start3A_117 = tpu.memref_slice %arg8[%dma_start3A_115, %dma_start3A_116] : memref<128x128xf32, #tpu.memory_space<vmem>> -> memref<80x128xf32, #tpu.memory_space<vmem>>
        %dma_start3A_118 = arith.constant 0 : i32
        %dma_start3A_119 = tpu.memref_slice %arg10[%mul3A_114, %dma_start3A_118] : memref<10240x128xf32, #tpu.memory_space<vmem_shared>> -> memref<80x128xf32, #tpu.memory_space<vmem_shared>>
        %dma_start3A_120 = arith.constant 0 : i32
        %dma_start3A_121 = arith.constant 0 : i32
        %dma_start3A_122 = tpu.memref_slice %arg8[%dma_start3A_120, %dma_start3A_121] : memref<128x128xf32, #tpu.memory_space<vmem>> -> memref<80x128xf32, #tpu.memory_space<vmem>>
        %dma_start3A_123 = arith.constant 0 : i32
        %dma_start3A_124 = tpu.memref_slice %arg10[%mul3A_114, %dma_start3A_123] : memref<10240x128xf32, #tpu.memory_space<vmem_shared>> -> memref<80x128xf32, #tpu.memory_space<vmem_shared>>
        tpu.enqueue_dma source(%dma_start3A_124 : memref<80x128xf32, #tpu.memory_space<vmem_shared>>) target(%dma_start3A_122 : memref<80x128xf32, #tpu.memory_space<vmem>>) target_semaphore(%run_scoped3A : memref<!tpu.dma_semaphore, #tpu.memory_space<semaphore_mem>>)
        %dma_wait3A = arith.constant 0 : i32
        %dma_wait3A_125 = arith.constant 0 : i32
        %dma_wait3A_126 = tpu.memref_slice %arg8[%dma_wait3A, %dma_wait3A_125] : memref<128x128xf32, #tpu.memory_space<vmem>> -> memref<80x128xf32, #tpu.memory_space<vmem>>
        %dma_wait3A_127 = arith.constant 0 : i32
        %dma_wait3A_128 = tpu.memref_slice %arg10[%mul3A_114, %dma_wait3A_127] : memref<10240x128xf32, #tpu.memory_space<vmem_shared>> -> memref<80x128xf32, #tpu.memory_space<vmem_shared>>
        %dma_wait3A_129 = arith.constant 0 : i32
        %dma_wait3A_130 = arith.constant 0 : i32
        %dma_wait3A_131 = tpu.memref_slice %arg8[%dma_wait3A_129, %dma_wait3A_130] : memref<128x128xf32, #tpu.memory_space<vmem>> -> memref<80x128xf32, #tpu.memory_space<vmem>>
        %dma_wait3A_132 = arith.constant 0 : i32
        %dma_wait3A_133 = tpu.memref_slice %arg10[%mul3A_114, %dma_wait3A_132] : memref<10240x128xf32, #tpu.memory_space<vmem_shared>> -> memref<80x128xf32, #tpu.memory_space<vmem_shared>>
        tpu.wait_dma2 semaphore(%run_scoped3A : memref<!tpu.dma_semaphore, #tpu.memory_space<semaphore_mem>>) src(%dma_wait3A_133 : memref<80x128xf32, #tpu.memory_space<vmem_shared>>) dst(%dma_wait3A_131 : memref<80x128xf32, #tpu.memory_space<vmem>>)
        tpu.yield
      }) : () -> ()
      "tpu.region"() ({
        %run_scoped3A = tpu.sem_alloc : memref<!tpu.dma_semaphore, #tpu.memory_space<semaphore_mem>>
        %dma_start3A_115 = arith.constant 0 : i32
        %dma_start3A_116 = arith.constant 0 : i32
        %dma_start3A_117 = tpu.memref_slice %arg8[%dma_start3A_115, %dma_start3A_116] : memref<128x128xf32, #tpu.memory_space<vmem>> -> memref<80x128xf32, #tpu.memory_space<vmem>>
        %dma_start3A_118 = arith.constant 0 : i32
        %dma_start3A_119 = tpu.memref_slice %arg5[%arg0, %mul3A_114, %dma_start3A_118] : memref<2x10000x128xf32, #tpu.memory_space<hbm>> -> memref<1x80x128xf32, #tpu.memory_space<hbm>>
        %dma_start3A_120 = tpu.memref_squeeze %dma_start3A_119 : memref<1x80x128xf32, #tpu.memory_space<hbm>> -> memref<80x128xf32, #tpu.memory_space<hbm>>
        %dma_start3A_121 = arith.constant 0 : i32
        %dma_start3A_122 = tpu.memref_slice %arg5[%arg0, %mul3A_114, %dma_start3A_121] : memref<2x10000x128xf32, #tpu.memory_space<hbm>> -> memref<1x80x128xf32, #tpu.memory_space<hbm>>
        %dma_start3A_123 = tpu.memref_squeeze %dma_start3A_122 : memref<1x80x128xf32, #tpu.memory_space<hbm>> -> memref<80x128xf32, #tpu.memory_space<hbm>>
        %dma_start3A_124 = arith.constant 0 : i32
        %dma_start3A_125 = arith.constant 0 : i32
        %dma_start3A_126 = tpu.memref_slice %arg8[%dma_start3A_124, %dma_start3A_125] : memref<128x128xf32, #tpu.memory_space<vmem>> -> memref<80x128xf32, #tpu.memory_space<vmem>>
        tpu.enqueue_dma source(%dma_start3A_126 : memref<80x128xf32, #tpu.memory_space<vmem>>) target(%dma_start3A_123 : memref<80x128xf32, #tpu.memory_space<hbm>>) target_semaphore(%run_scoped3A : memref<!tpu.dma_semaphore, #tpu.memory_space<semaphore_mem>>)
        %dma_wait3A = arith.constant 0 : i32
        %dma_wait3A_127 = arith.constant 0 : i32
        %dma_wait3A_128 = tpu.memref_slice %arg8[%dma_wait3A, %dma_wait3A_127] : memref<128x128xf32, #tpu.memory_space<vmem>> -> memref<80x128xf32, #tpu.memory_space<vmem>>
        %dma_wait3A_129 = arith.constant 0 : i32
        %dma_wait3A_130 = tpu.memref_slice %arg5[%arg0, %mul3A_114, %dma_wait3A_129] : memref<2x10000x128xf32, #tpu.memory_space<hbm>> -> memref<1x80x128xf32, #tpu.memory_space<hbm>>
        %dma_wait3A_131 = tpu.memref_squeeze %dma_wait3A_130 : memref<1x80x128xf32, #tpu.memory_space<hbm>> -> memref<80x128xf32, #tpu.memory_space<hbm>>
        %dma_wait3A_132 = arith.constant 0 : i32
        %dma_wait3A_133 = tpu.memref_slice %arg5[%arg0, %mul3A_114, %dma_wait3A_132] : memref<2x10000x128xf32, #tpu.memory_space<hbm>> -> memref<1x80x128xf32, #tpu.memory_space<hbm>>
        %dma_wait3A_134 = tpu.memref_squeeze %dma_wait3A_133 : memref<1x80x128xf32, #tpu.memory_space<hbm>> -> memref<80x128xf32, #tpu.memory_space<hbm>>
        %dma_wait3A_135 = arith.constant 0 : i32
        %dma_wait3A_136 = arith.constant 0 : i32
        %dma_wait3A_137 = tpu.memref_slice %arg8[%dma_wait3A_135, %dma_wait3A_136] : memref<128x128xf32, #tpu.memory_space<vmem>> -> memref<80x128xf32, #tpu.memory_space<vmem>>
        tpu.wait_dma2 semaphore(%run_scoped3A : memref<!tpu.dma_semaphore, #tpu.memory_space<semaphore_mem>>) src(%dma_wait3A_137 : memref<80x128xf32, #tpu.memory_space<vmem>>) dst(%dma_wait3A_134 : memref<80x128xf32, #tpu.memory_space<hbm>>)
        tpu.yield
      }) : () -> ()
    } else {
    }
    return
  }
}

#map = affine_map<(d0, d1) -> (0, 0)>
#map1 = affine_map<(d0, d1) -> (0)>
module attributes {stable_mosaic.version = 14 : i64} {
  func.func @_sc_degrees_body(%arg0: i32, %arg1: i32, %arg2: memref<2560x128xi32, #tpu.memory_space<hbm>>, %arg3: memref<2560x128xi32, #tpu.memory_space<hbm>>, %arg4: memref<40000xf32, #tpu.memory_space<hbm>>, %arg5: memref<80x128xi32, #tpu.memory_space<vmem>>, %arg6: memref<80x128xi32, #tpu.memory_space<vmem>>, %arg7: memref<128xf32, #tpu.memory_space<vmem>>, %arg8: memref<1024xf32, #tpu.memory_space<vmem>>, %arg9: memref<11000xf32, #tpu.memory_space<vmem_shared>>, %arg10: memref<11000xf32, #tpu.memory_space<vmem_shared>>, %arg11: memref<!tpu.dma_semaphore, #tpu.memory_space<semaphore_mem>>, %arg12: memref<!tpu.dma_semaphore, #tpu.memory_space<semaphore_mem>>) attributes {dimension_semantics = [#tpu.dimension_semantics<core_parallel>, #tpu.dimension_semantics<subcore_parallel>], iteration_bounds = array<i64: 2, 16>, scalar_prefetch = 0 : i64, scratch_operands = 8 : i64, tpu.core_type = #tpu.core_type<sc_vector_subcore>, window_params = [{transform_indices = #map}, {transform_indices = #map}, {transform_indices = #map1}]} {
    %mul3A = arith.constant 2 : i32
    %mul3A_0 = arith.muli %arg1, %mul3A : i32
    %add3A = arith.addi %mul3A_0, %arg0 : i32
    %scan3A = arith.constant 0 : i32
    %scan3A_1 = arith.constant 0 : i32
    %scan3A_2 = arith.constant 8 : i32
    %scan3A_3 = arith.addi %scan3A_1, %scan3A_2 : i32
    %scan3A_4 = arith.constant 1 : i32
    scf.for %scan3A_30 = %scan3A_1 to %scan3A_3 step %scan3A_4  : i32 {
      %broadcast_in_dim3A = arith.constant 1.000000e+00 : f32
      %broadcast_in_dim3A_31 = vector.broadcast %broadcast_in_dim3A : f32 to vector<16xf32>
      %mul3A_32 = arith.constant 16 : i32
      %mul3A_33 = arith.muli %scan3A_30, %mul3A_32 : i32
      %swap3A = arith.index_cast %mul3A_33 : i32 to index
      %swap3A_34 = tpu.vector_load %arg7[%swap3A] {strides = array<i32>} : memref<128xf32, #tpu.memory_space<vmem>>, vector<16xf32>,
      %swap3A_35 = vector.shape_cast %swap3A_34 : vector<16xf32> to vector<16xf32>
      %swap3A_36 = vector.shape_cast %broadcast_in_dim3A_31 : vector<16xf32> to vector<16xf32>
      tpu.vector_store %arg7[%swap3A], %swap3A_36 {strides = array<i32>} : memref<128xf32, #tpu.memory_space<vmem>>, vector<16xf32>,
    }
    %scan3A_5 = arith.constant 8 : i32
    %scan3A_6 = arith.constant 0 : i32
    %scan3A_7 = arith.constant 0 : i32
    %scan3A_8 = arith.constant 64 : i32
    %scan3A_9 = arith.addi %scan3A_7, %scan3A_8 : i32
    %scan3A_10 = arith.constant 1 : i32
    scf.for %scan3A_30 = %scan3A_7 to %scan3A_9 step %scan3A_10  : i32 {
      %broadcast_in_dim3A = arith.constant 0.000000e+00 : f32
      %broadcast_in_dim3A_31 = vector.broadcast %broadcast_in_dim3A : f32 to vector<16xf32>
      %mul3A_32 = arith.constant 16 : i32
      %mul3A_33 = arith.muli %scan3A_30, %mul3A_32 : i32
      %swap3A = arith.index_cast %mul3A_33 : i32 to index
      %swap3A_34 = tpu.vector_load %arg8[%swap3A] {strides = array<i32>} : memref<1024xf32, #tpu.memory_space<vmem>>, vector<16xf32>,
      %swap3A_35 = vector.shape_cast %swap3A_34 : vector<16xf32> to vector<16xf32>
      %swap3A_36 = vector.shape_cast %broadcast_in_dim3A_31 : vector<16xf32> to vector<16xf32>
      tpu.vector_store %arg8[%swap3A], %swap3A_36 {strides = array<i32>} : memref<1024xf32, #tpu.memory_space<vmem>>, vector<16xf32>,
    }
    %scan3A_11 = arith.constant 64 : i32
    %mul3A_12 = arith.constant 80 : i32
    %mul3A_13 = arith.muli %add3A, %mul3A_12 : i32
    "tpu.region"() ({
      %run_scoped3A = tpu.sem_alloc : memref<!tpu.dma_semaphore, #tpu.memory_space<semaphore_mem>>
      %dma_start3A = arith.constant 0 : i32
      %dma_start3A_30 = tpu.memref_slice %arg2[%mul3A_13, %dma_start3A] : memref<2560x128xi32, #tpu.memory_space<hbm>> -> memref<80x128xi32, #tpu.memory_space<hbm>>
      %dma_start3A_31 = arith.constant 0 : i32
      %dma_start3A_32 = tpu.memref_slice %arg2[%mul3A_13, %dma_start3A_31] : memref<2560x128xi32, #tpu.memory_space<hbm>> -> memref<80x128xi32, #tpu.memory_space<hbm>>
      tpu.enqueue_dma source(%dma_start3A_32 : memref<80x128xi32, #tpu.memory_space<hbm>>) target(%arg5 : memref<80x128xi32, #tpu.memory_space<vmem>>) target_semaphore(%run_scoped3A : memref<!tpu.dma_semaphore, #tpu.memory_space<semaphore_mem>>)
      %dma_wait3A = arith.constant 0 : i32
      %dma_wait3A_33 = tpu.memref_slice %arg2[%mul3A_13, %dma_wait3A] : memref<2560x128xi32, #tpu.memory_space<hbm>> -> memref<80x128xi32, #tpu.memory_space<hbm>>
      %dma_wait3A_34 = arith.constant 0 : i32
      %dma_wait3A_35 = tpu.memref_slice %arg2[%mul3A_13, %dma_wait3A_34] : memref<2560x128xi32, #tpu.memory_space<hbm>> -> memref<80x128xi32, #tpu.memory_space<hbm>>
      tpu.wait_dma2 semaphore(%run_scoped3A : memref<!tpu.dma_semaphore, #tpu.memory_space<semaphore_mem>>) src(%dma_wait3A_35 : memref<80x128xi32, #tpu.memory_space<hbm>>) dst(%arg5 : memref<80x128xi32, #tpu.memory_space<vmem>>)
      tpu.yield
    }) : () -> ()
    %mul3A_14 = arith.constant 80 : i32
    %mul3A_15 = arith.muli %add3A, %mul3A_14 : i32
    "tpu.region"() ({
      %run_scoped3A = tpu.sem_alloc : memref<!tpu.dma_semaphore, #tpu.memory_space<semaphore_mem>>
      %dma_start3A = arith.constant 0 : i32
      %dma_start3A_30 = tpu.memref_slice %arg3[%mul3A_15, %dma_start3A] : memref<2560x128xi32, #tpu.memory_space<hbm>> -> memref<80x128xi32, #tpu.memory_space<hbm>>
      %dma_start3A_31 = arith.constant 0 : i32
      %dma_start3A_32 = tpu.memref_slice %arg3[%mul3A_15, %dma_start3A_31] : memref<2560x128xi32, #tpu.memory_space<hbm>> -> memref<80x128xi32, #tpu.memory_space<hbm>>
      tpu.enqueue_dma source(%dma_start3A_32 : memref<80x128xi32, #tpu.memory_space<hbm>>) target(%arg6 : memref<80x128xi32, #tpu.memory_space<vmem>>) target_semaphore(%run_scoped3A : memref<!tpu.dma_semaphore, #tpu.memory_space<semaphore_mem>>)
      %dma_wait3A = arith.constant 0 : i32
      %dma_wait3A_33 = tpu.memref_slice %arg3[%mul3A_15, %dma_wait3A] : memref<2560x128xi32, #tpu.memory_space<hbm>> -> memref<80x128xi32, #tpu.memory_space<hbm>>
      %dma_wait3A_34 = arith.constant 0 : i32
      %dma_wait3A_35 = tpu.memref_slice %arg3[%mul3A_15, %dma_wait3A_34] : memref<2560x128xi32, #tpu.memory_space<hbm>> -> memref<80x128xi32, #tpu.memory_space<hbm>>
      tpu.wait_dma2 semaphore(%run_scoped3A : memref<!tpu.dma_semaphore, #tpu.memory_space<semaphore_mem>>) src(%dma_wait3A_35 : memref<80x128xi32, #tpu.memory_space<hbm>>) dst(%arg6 : memref<80x128xi32, #tpu.memory_space<vmem>>)
      tpu.yield
    }) : () -> ()
    %lt3A = arith.constant 11 : i32
    %lt3A_16 = arith.cmpi slt, %arg1, %lt3A : i32
    %convert_element_type3A = arith.extui %lt3A_16 : i1 to i32
    %cond3A = arith.constant 0 : i32
    %cond3A_17 = arith.cmpi ne, %convert_element_type3A, %cond3A : i32
    scf.if %cond3A_17 {
      %mul3A_30 = arith.constant 1000 : i32
      %mul3A_31 = arith.muli %arg1, %mul3A_30 : i32
      "tpu.region"() ({
        %run_scoped3A = tpu.sem_alloc : memref<!tpu.dma_semaphore, #tpu.memory_space<semaphore_mem>>
        %dma_start3A = arith.constant 0 : i32
        %dma_start3A_34 = tpu.memref_slice %arg8[%dma_start3A] : memref<1024xf32, #tpu.memory_space<vmem>> -> memref<1000xf32, #tpu.memory_space<vmem>>
        %dma_start3A_35 = tpu.memref_slice %arg9[%mul3A_31] : memref<11000xf32, #tpu.memory_space<vmem_shared>> -> memref<1000xf32, #tpu.memory_space<vmem_shared>>
        %dma_start3A_36 = tpu.memref_slice %arg9[%mul3A_31] : memref<11000xf32, #tpu.memory_space<vmem_shared>> -> memref<1000xf32, #tpu.memory_space<vmem_shared>>
        %dma_start3A_37 = arith.constant 0 : i32
        %dma_start3A_38 = tpu.memref_slice %arg8[%dma_start3A_37] : memref<1024xf32, #tpu.memory_space<vmem>> -> memref<1000xf32, #tpu.memory_space<vmem>>
        tpu.enqueue_dma source(%dma_start3A_38 : memref<1000xf32, #tpu.memory_space<vmem>>) target(%dma_start3A_36 : memref<1000xf32, #tpu.memory_space<vmem_shared>>) target_semaphore(%run_scoped3A : memref<!tpu.dma_semaphore, #tpu.memory_space<semaphore_mem>>)
        %dma_wait3A = arith.constant 0 : i32
        %dma_wait3A_39 = tpu.memref_slice %arg8[%dma_wait3A] : memref<1024xf32, #tpu.memory_space<vmem>> -> memref<1000xf32, #tpu.memory_space<vmem>>
        %dma_wait3A_40 = tpu.memref_slice %arg9[%mul3A_31] : memref<11000xf32, #tpu.memory_space<vmem_shared>> -> memref<1000xf32, #tpu.memory_space<vmem_shared>>
        %dma_wait3A_41 = tpu.memref_slice %arg9[%mul3A_31] : memref<11000xf32, #tpu.memory_space<vmem_shared>> -> memref<1000xf32, #tpu.memory_space<vmem_shared>>
        %dma_wait3A_42 = arith.constant 0 : i32
        %dma_wait3A_43 = tpu.memref_slice %arg8[%dma_wait3A_42] : memref<1024xf32, #tpu.memory_space<vmem>> -> memref<1000xf32, #tpu.memory_space<vmem>>
        tpu.wait_dma2 semaphore(%run_scoped3A : memref<!tpu.dma_semaphore, #tpu.memory_space<semaphore_mem>>) src(%dma_wait3A_43 : memref<1000xf32, #tpu.memory_space<vmem>>) dst(%dma_wait3A_41 : memref<1000xf32, #tpu.memory_space<vmem_shared>>)
        tpu.yield
      }) : () -> ()
      %mul3A_32 = arith.constant 1000 : i32
      %mul3A_33 = arith.muli %arg1, %mul3A_32 : i32
      "tpu.region"() ({
        %run_scoped3A = tpu.sem_alloc : memref<!tpu.dma_semaphore, #tpu.memory_space<semaphore_mem>>
        %dma_start3A = arith.constant 0 : i32
        %dma_start3A_34 = tpu.memref_slice %arg8[%dma_start3A] : memref<1024xf32, #tpu.memory_space<vmem>> -> memref<1000xf32, #tpu.memory_space<vmem>>
        %dma_start3A_35 = tpu.memref_slice %arg10[%mul3A_33] : memref<11000xf32, #tpu.memory_space<vmem_shared>> -> memref<1000xf32, #tpu.memory_space<vmem_shared>>
        %dma_start3A_36 = tpu.memref_slice %arg10[%mul3A_33] : memref<11000xf32, #tpu.memory_space<vmem_shared>> -> memref<1000xf32, #tpu.memory_space<vmem_shared>>
        %dma_start3A_37 = arith.constant 0 : i32
        %dma_start3A_38 = tpu.memref_slice %arg8[%dma_start3A_37] : memref<1024xf32, #tpu.memory_space<vmem>> -> memref<1000xf32, #tpu.memory_space<vmem>>
        tpu.enqueue_dma source(%dma_start3A_38 : memref<1000xf32, #tpu.memory_space<vmem>>) target(%dma_start3A_36 : memref<1000xf32, #tpu.memory_space<vmem_shared>>) target_semaphore(%run_scoped3A : memref<!tpu.dma_semaphore, #tpu.memory_space<semaphore_mem>>)
        %dma_wait3A = arith.constant 0 : i32
        %dma_wait3A_39 = tpu.memref_slice %arg8[%dma_wait3A] : memref<1024xf32, #tpu.memory_space<vmem>> -> memref<1000xf32, #tpu.memory_space<vmem>>
        %dma_wait3A_40 = tpu.memref_slice %arg10[%mul3A_33] : memref<11000xf32, #tpu.memory_space<vmem_shared>> -> memref<1000xf32, #tpu.memory_space<vmem_shared>>
        %dma_wait3A_41 = tpu.memref_slice %arg10[%mul3A_33] : memref<11000xf32, #tpu.memory_space<vmem_shared>> -> memref<1000xf32, #tpu.memory_space<vmem_shared>>
        %dma_wait3A_42 = arith.constant 0 : i32
        %dma_wait3A_43 = tpu.memref_slice %arg8[%dma_wait3A_42] : memref<1024xf32, #tpu.memory_space<vmem>> -> memref<1000xf32, #tpu.memory_space<vmem>>
        tpu.wait_dma2 semaphore(%run_scoped3A : memref<!tpu.dma_semaphore, #tpu.memory_space<semaphore_mem>>) src(%dma_wait3A_43 : memref<1000xf32, #tpu.memory_space<vmem>>) dst(%dma_wait3A_41 : memref<1000xf32, #tpu.memory_space<vmem_shared>>)
        tpu.yield
      }) : () -> ()
    } else {
    }
    %barrier3A = arith.constant 0 : index
    tpu.barrier barrier_id(%barrier3A)
    %scan3A_18 = arith.constant 0 : i32
    %scan3A_19 = arith.constant 0 : i32
    %scan3A_20 = arith.constant 10 : i32
    %scan3A_21 = arith.addi %scan3A_19, %scan3A_20 : i32
    %scan3A_22 = arith.constant 1 : i32
    scf.for %scan3A_30 = %scan3A_19 to %scan3A_21 step %scan3A_22  : i32 {
      %mul3A_31 = arith.constant 8 : i32
      %mul3A_32 = arith.muli %scan3A_30, %mul3A_31 : i32
      %add3A_33 = arith.constant 0 : i32
      %add3A_34 = arith.addi %mul3A_32, %add3A_33 : i32
      %dma_start3A = arith.constant 0 : i32
      %dma_start3A_35 = tpu.memref_slice %arg5[%add3A_34, %dma_start3A] : memref<80x128xi32, #tpu.memory_space<vmem>> -> memref<1x128xi32, #tpu.memory_space<vmem>>
      %dma_start3A_36 = tpu.memref_squeeze %dma_start3A_35 : memref<1x128xi32, #tpu.memory_space<vmem>> -> memref<128xi32, #tpu.memory_space<vmem>>
      %dma_start3A_37 = arith.constant 0 : i32
      %dma_start3A_38 = tpu.memref_slice %arg9[%dma_start3A_37] : memref<11000xf32, #tpu.memory_space<vmem_shared>> -> memref<11000xf32, #tpu.memory_space<vmem_shared>>
      tpu.enqueue_indirect_dma source(%arg7 : memref<128xf32, #tpu.memory_space<vmem>>) target(%dma_start3A_38 : memref<11000xf32, #tpu.memory_space<vmem_shared>>) offsets(%dma_start3A_36 : memref<128xi32, #tpu.memory_space<vmem>>) semaphore(%arg11 : memref<!tpu.dma_semaphore, #tpu.memory_space<semaphore_mem>>) {add = true}
      %dma_start3A_39 = arith.constant 0 : i32
      %dma_start3A_40 = tpu.memref_slice %arg6[%add3A_34, %dma_start3A_39] : memref<80x128xi32, #tpu.memory_space<vmem>> -> memref<1x128xi32, #tpu.memory_space<vmem>>
      %dma_start3A_41 = tpu.memref_squeeze %dma_start3A_40 : memref<1x128xi32, #tpu.memory_space<vmem>> -> memref<128xi32, #tpu.memory_space<vmem>>
      %dma_start3A_42 = arith.constant 0 : i32
      %dma_start3A_43 = tpu.memref_slice %arg10[%dma_start3A_42] : memref<11000xf32, #tpu.memory_space<vmem_shared>> -> memref<11000xf32, #tpu.memory_space<vmem_shared>>
      tpu.enqueue_indirect_dma source(%arg7 : memref<128xf32, #tpu.memory_space<vmem>>) target(%dma_start3A_43 : memref<11000xf32, #tpu.memory_space<vmem_shared>>) offsets(%dma_start3A_41 : memref<128xi32, #tpu.memory_space<vmem>>) semaphore(%arg12 : memref<!tpu.dma_semaphore, #tpu.memory_space<semaphore_mem>>) {add = true}
      %mul3A_44 = arith.constant 8 : i32
      %mul3A_45 = arith.muli %scan3A_30, %mul3A_44 : i32
      %add3A_46 = arith.constant 1 : i32
      %add3A_47 = arith.addi %mul3A_45, %add3A_46 : i32
      %dma_start3A_48 = arith.constant 0 : i32
      %dma_start3A_49 = tpu.memref_slice %arg5[%add3A_47, %dma_start3A_48] : memref<80x128xi32, #tpu.memory_space<vmem>> -> memref<1x128xi32, #tpu.memory_space<vmem>>
      %dma_start3A_50 = tpu.memref_squeeze %dma_start3A_49 : memref<1x128xi32, #tpu.memory_space<vmem>> -> memref<128xi32, #tpu.memory_space<vmem>>
      %dma_start3A_51 = arith.constant 0 : i32
      %dma_start3A_52 = tpu.memref_slice %arg9[%dma_start3A_51] : memref<11000xf32, #tpu.memory_space<vmem_shared>> -> memref<11000xf32, #tpu.memory_space<vmem_shared>>
      tpu.enqueue_indirect_dma source(%arg7 : memref<128xf32, #tpu.memory_space<vmem>>) target(%dma_start3A_52 : memref<11000xf32, #tpu.memory_space<vmem_shared>>) offsets(%dma_start3A_50 : memref<128xi32, #tpu.memory_space<vmem>>) semaphore(%arg11 : memref<!tpu.dma_semaphore, #tpu.memory_space<semaphore_mem>>) {add = true}
      %dma_start3A_53 = arith.constant 0 : i32
      %dma_start3A_54 = tpu.memref_slice %arg6[%add3A_47, %dma_start3A_53] : memref<80x128xi32, #tpu.memory_space<vmem>> -> memref<1x128xi32, #tpu.memory_space<vmem>>
      %dma_start3A_55 = tpu.memref_squeeze %dma_start3A_54 : memref<1x128xi32, #tpu.memory_space<vmem>> -> memref<128xi32, #tpu.memory_space<vmem>>
      %dma_start3A_56 = arith.constant 0 : i32
      %dma_start3A_57 = tpu.memref_slice %arg10[%dma_start3A_56] : memref<11000xf32, #tpu.memory_space<vmem_shared>> -> memref<11000xf32, #tpu.memory_space<vmem_shared>>
      tpu.enqueue_indirect_dma source(%arg7 : memref<128xf32, #tpu.memory_space<vmem>>) target(%dma_start3A_57 : memref<11000xf32, #tpu.memory_space<vmem_shared>>) offsets(%dma_start3A_55 : memref<128xi32, #tpu.memory_space<vmem>>) semaphore(%arg12 : memref<!tpu.dma_semaphore, #tpu.memory_space<semaphore_mem>>) {add = true}
      %mul3A_58 = arith.constant 8 : i32
      %mul3A_59 = arith.muli %scan3A_30, %mul3A_58 : i32
      %add3A_60 = arith.constant 2 : i32
      %add3A_61 = arith.addi %mul3A_59, %add3A_60 : i32
      %dma_start3A_62 = arith.constant 0 : i32
      %dma_start3A_63 = tpu.memref_slice %arg5[%add3A_61, %dma_start3A_62] : memref<80x128xi32, #tpu.memory_space<vmem>> -> memref<1x128xi32, #tpu.memory_space<vmem>>
      %dma_start3A_64 = tpu.memref_squeeze %dma_start3A_63 : memref<1x128xi32, #tpu.memory_space<vmem>> -> memref<128xi32, #tpu.memory_space<vmem>>
      %dma_start3A_65 = arith.constant 0 : i32
      %dma_start3A_66 = tpu.memref_slice %arg9[%dma_start3A_65] : memref<11000xf32, #tpu.memory_space<vmem_shared>> -> memref<11000xf32, #tpu.memory_space<vmem_shared>>
      tpu.enqueue_indirect_dma source(%arg7 : memref<128xf32, #tpu.memory_space<vmem>>) target(%dma_start3A_66 : memref<11000xf32, #tpu.memory_space<vmem_shared>>) offsets(%dma_start3A_64 : memref<128xi32, #tpu.memory_space<vmem>>) semaphore(%arg11 : memref<!tpu.dma_semaphore, #tpu.memory_space<semaphore_mem>>) {add = true}
      %dma_start3A_67 = arith.constant 0 : i32
      %dma_start3A_68 = tpu.memref_slice %arg6[%add3A_61, %dma_start3A_67] : memref<80x128xi32, #tpu.memory_space<vmem>> -> memref<1x128xi32, #tpu.memory_space<vmem>>
      %dma_start3A_69 = tpu.memref_squeeze %dma_start3A_68 : memref<1x128xi32, #tpu.memory_space<vmem>> -> memref<128xi32, #tpu.memory_space<vmem>>
      %dma_start3A_70 = arith.constant 0 : i32
      %dma_start3A_71 = tpu.memref_slice %arg10[%dma_start3A_70] : memref<11000xf32, #tpu.memory_space<vmem_shared>> -> memref<11000xf32, #tpu.memory_space<vmem_shared>>
      tpu.enqueue_indirect_dma source(%arg7 : memref<128xf32, #tpu.memory_space<vmem>>) target(%dma_start3A_71 : memref<11000xf32, #tpu.memory_space<vmem_shared>>) offsets(%dma_start3A_69 : memref<128xi32, #tpu.memory_space<vmem>>) semaphore(%arg12 : memref<!tpu.dma_semaphore, #tpu.memory_space<semaphore_mem>>) {add = true}
      %mul3A_72 = arith.constant 8 : i32
      %mul3A_73 = arith.muli %scan3A_30, %mul3A_72 : i32
      %add3A_74 = arith.constant 3 : i32
      %add3A_75 = arith.addi %mul3A_73, %add3A_74 : i32
      %dma_start3A_76 = arith.constant 0 : i32
      %dma_start3A_77 = tpu.memref_slice %arg5[%add3A_75, %dma_start3A_76] : memref<80x128xi32, #tpu.memory_space<vmem>> -> memref<1x128xi32, #tpu.memory_space<vmem>>
      %dma_start3A_78 = tpu.memref_squeeze %dma_start3A_77 : memref<1x128xi32, #tpu.memory_space<vmem>> -> memref<128xi32, #tpu.memory_space<vmem>>
      %dma_start3A_79 = arith.constant 0 : i32
      %dma_start3A_80 = tpu.memref_slice %arg9[%dma_start3A_79] : memref<11000xf32, #tpu.memory_space<vmem_shared>> -> memref<11000xf32, #tpu.memory_space<vmem_shared>>
      tpu.enqueue_indirect_dma source(%arg7 : memref<128xf32, #tpu.memory_space<vmem>>) target(%dma_start3A_80 : memref<11000xf32, #tpu.memory_space<vmem_shared>>) offsets(%dma_start3A_78 : memref<128xi32, #tpu.memory_space<vmem>>) semaphore(%arg11 : memref<!tpu.dma_semaphore, #tpu.memory_space<semaphore_mem>>) {add = true}
      %dma_start3A_81 = arith.constant 0 : i32
      %dma_start3A_82 = tpu.memref_slice %arg6[%add3A_75, %dma_start3A_81] : memref<80x128xi32, #tpu.memory_space<vmem>> -> memref<1x128xi32, #tpu.memory_space<vmem>>
      %dma_start3A_83 = tpu.memref_squeeze %dma_start3A_82 : memref<1x128xi32, #tpu.memory_space<vmem>> -> memref<128xi32, #tpu.memory_space<vmem>>
      %dma_start3A_84 = arith.constant 0 : i32
      %dma_start3A_85 = tpu.memref_slice %arg10[%dma_start3A_84] : memref<11000xf32, #tpu.memory_space<vmem_shared>> -> memref<11000xf32, #tpu.memory_space<vmem_shared>>
      tpu.enqueue_indirect_dma source(%arg7 : memref<128xf32, #tpu.memory_space<vmem>>) target(%dma_start3A_85 : memref<11000xf32, #tpu.memory_space<vmem_shared>>) offsets(%dma_start3A_83 : memref<128xi32, #tpu.memory_space<vmem>>) semaphore(%arg12 : memref<!tpu.dma_semaphore, #tpu.memory_space<semaphore_mem>>) {add = true}
      %mul3A_86 = arith.constant 8 : i32
      %mul3A_87 = arith.muli %scan3A_30, %mul3A_86 : i32
      %add3A_88 = arith.constant 4 : i32
      %add3A_89 = arith.addi %mul3A_87, %add3A_88 : i32
      %dma_start3A_90 = arith.constant 0 : i32
      %dma_start3A_91 = tpu.memref_slice %arg5[%add3A_89, %dma_start3A_90] : memref<80x128xi32, #tpu.memory_space<vmem>> -> memref<1x128xi32, #tpu.memory_space<vmem>>
      %dma_start3A_92 = tpu.memref_squeeze %dma_start3A_91 : memref<1x128xi32, #tpu.memory_space<vmem>> -> memref<128xi32, #tpu.memory_space<vmem>>
      %dma_start3A_93 = arith.constant 0 : i32
      %dma_start3A_94 = tpu.memref_slice %arg9[%dma_start3A_93] : memref<11000xf32, #tpu.memory_space<vmem_shared>> -> memref<11000xf32, #tpu.memory_space<vmem_shared>>
      tpu.enqueue_indirect_dma source(%arg7 : memref<128xf32, #tpu.memory_space<vmem>>) target(%dma_start3A_94 : memref<11000xf32, #tpu.memory_space<vmem_shared>>) offsets(%dma_start3A_92 : memref<128xi32, #tpu.memory_space<vmem>>) semaphore(%arg11 : memref<!tpu.dma_semaphore, #tpu.memory_space<semaphore_mem>>) {add = true}
      %dma_start3A_95 = arith.constant 0 : i32
      %dma_start3A_96 = tpu.memref_slice %arg6[%add3A_89, %dma_start3A_95] : memref<80x128xi32, #tpu.memory_space<vmem>> -> memref<1x128xi32, #tpu.memory_space<vmem>>
      %dma_start3A_97 = tpu.memref_squeeze %dma_start3A_96 : memref<1x128xi32, #tpu.memory_space<vmem>> -> memref<128xi32, #tpu.memory_space<vmem>>
      %dma_start3A_98 = arith.constant 0 : i32
      %dma_start3A_99 = tpu.memref_slice %arg10[%dma_start3A_98] : memref<11000xf32, #tpu.memory_space<vmem_shared>> -> memref<11000xf32, #tpu.memory_space<vmem_shared>>
      tpu.enqueue_indirect_dma source(%arg7 : memref<128xf32, #tpu.memory_space<vmem>>) target(%dma_start3A_99 : memref<11000xf32, #tpu.memory_space<vmem_shared>>) offsets(%dma_start3A_97 : memref<128xi32, #tpu.memory_space<vmem>>) semaphore(%arg12 : memref<!tpu.dma_semaphore, #tpu.memory_space<semaphore_mem>>) {add = true}
      %mul3A_100 = arith.constant 8 : i32
      %mul3A_101 = arith.muli %scan3A_30, %mul3A_100 : i32
      %add3A_102 = arith.constant 5 : i32
      %add3A_103 = arith.addi %mul3A_101, %add3A_102 : i32
      %dma_start3A_104 = arith.constant 0 : i32
      %dma_start3A_105 = tpu.memref_slice %arg5[%add3A_103, %dma_start3A_104] : memref<80x128xi32, #tpu.memory_space<vmem>> -> memref<1x128xi32, #tpu.memory_space<vmem>>
      %dma_start3A_106 = tpu.memref_squeeze %dma_start3A_105 : memref<1x128xi32, #tpu.memory_space<vmem>> -> memref<128xi32, #tpu.memory_space<vmem>>
      %dma_start3A_107 = arith.constant 0 : i32
      %dma_start3A_108 = tpu.memref_slice %arg9[%dma_start3A_107] : memref<11000xf32, #tpu.memory_space<vmem_shared>> -> memref<11000xf32, #tpu.memory_space<vmem_shared>>
      tpu.enqueue_indirect_dma source(%arg7 : memref<128xf32, #tpu.memory_space<vmem>>) target(%dma_start3A_108 : memref<11000xf32, #tpu.memory_space<vmem_shared>>) offsets(%dma_start3A_106 : memref<128xi32, #tpu.memory_space<vmem>>) semaphore(%arg11 : memref<!tpu.dma_semaphore, #tpu.memory_space<semaphore_mem>>) {add = true}
      %dma_start3A_109 = arith.constant 0 : i32
      %dma_start3A_110 = tpu.memref_slice %arg6[%add3A_103, %dma_start3A_109] : memref<80x128xi32, #tpu.memory_space<vmem>> -> memref<1x128xi32, #tpu.memory_space<vmem>>
      %dma_start3A_111 = tpu.memref_squeeze %dma_start3A_110 : memref<1x128xi32, #tpu.memory_space<vmem>> -> memref<128xi32, #tpu.memory_space<vmem>>
      %dma_start3A_112 = arith.constant 0 : i32
      %dma_start3A_113 = tpu.memref_slice %arg10[%dma_start3A_112] : memref<11000xf32, #tpu.memory_space<vmem_shared>> -> memref<11000xf32, #tpu.memory_space<vmem_shared>>
      tpu.enqueue_indirect_dma source(%arg7 : memref<128xf32, #tpu.memory_space<vmem>>) target(%dma_start3A_113 : memref<11000xf32, #tpu.memory_space<vmem_shared>>) offsets(%dma_start3A_111 : memref<128xi32, #tpu.memory_space<vmem>>) semaphore(%arg12 : memref<!tpu.dma_semaphore, #tpu.memory_space<semaphore_mem>>) {add = true}
      %mul3A_114 = arith.constant 8 : i32
      %mul3A_115 = arith.muli %scan3A_30, %mul3A_114 : i32
      %add3A_116 = arith.constant 6 : i32
      %add3A_117 = arith.addi %mul3A_115, %add3A_116 : i32
      %dma_start3A_118 = arith.constant 0 : i32
      %dma_start3A_119 = tpu.memref_slice %arg5[%add3A_117, %dma_start3A_118] : memref<80x128xi32, #tpu.memory_space<vmem>> -> memref<1x128xi32, #tpu.memory_space<vmem>>
      %dma_start3A_120 = tpu.memref_squeeze %dma_start3A_119 : memref<1x128xi32, #tpu.memory_space<vmem>> -> memref<128xi32, #tpu.memory_space<vmem>>
      %dma_start3A_121 = arith.constant 0 : i32
      %dma_start3A_122 = tpu.memref_slice %arg9[%dma_start3A_121] : memref<11000xf32, #tpu.memory_space<vmem_shared>> -> memref<11000xf32, #tpu.memory_space<vmem_shared>>
      tpu.enqueue_indirect_dma source(%arg7 : memref<128xf32, #tpu.memory_space<vmem>>) target(%dma_start3A_122 : memref<11000xf32, #tpu.memory_space<vmem_shared>>) offsets(%dma_start3A_120 : memref<128xi32, #tpu.memory_space<vmem>>) semaphore(%arg11 : memref<!tpu.dma_semaphore, #tpu.memory_space<semaphore_mem>>) {add = true}
      %dma_start3A_123 = arith.constant 0 : i32
      %dma_start3A_124 = tpu.memref_slice %arg6[%add3A_117, %dma_start3A_123] : memref<80x128xi32, #tpu.memory_space<vmem>> -> memref<1x128xi32, #tpu.memory_space<vmem>>
      %dma_start3A_125 = tpu.memref_squeeze %dma_start3A_124 : memref<1x128xi32, #tpu.memory_space<vmem>> -> memref<128xi32, #tpu.memory_space<vmem>>
      %dma_start3A_126 = arith.constant 0 : i32
      %dma_start3A_127 = tpu.memref_slice %arg10[%dma_start3A_126] : memref<11000xf32, #tpu.memory_space<vmem_shared>> -> memref<11000xf32, #tpu.memory_space<vmem_shared>>
      tpu.enqueue_indirect_dma source(%arg7 : memref<128xf32, #tpu.memory_space<vmem>>) target(%dma_start3A_127 : memref<11000xf32, #tpu.memory_space<vmem_shared>>) offsets(%dma_start3A_125 : memref<128xi32, #tpu.memory_space<vmem>>) semaphore(%arg12 : memref<!tpu.dma_semaphore, #tpu.memory_space<semaphore_mem>>) {add = true}
      %mul3A_128 = arith.constant 8 : i32
      %mul3A_129 = arith.muli %scan3A_30, %mul3A_128 : i32
      %add3A_130 = arith.constant 7 : i32
      %add3A_131 = arith.addi %mul3A_129, %add3A_130 : i32
      %dma_start3A_132 = arith.constant 0 : i32
      %dma_start3A_133 = tpu.memref_slice %arg5[%add3A_131, %dma_start3A_132] : memref<80x128xi32, #tpu.memory_space<vmem>> -> memref<1x128xi32, #tpu.memory_space<vmem>>
      %dma_start3A_134 = tpu.memref_squeeze %dma_start3A_133 : memref<1x128xi32, #tpu.memory_space<vmem>> -> memref<128xi32, #tpu.memory_space<vmem>>
      %dma_start3A_135 = arith.constant 0 : i32
      %dma_start3A_136 = tpu.memref_slice %arg9[%dma_start3A_135] : memref<11000xf32, #tpu.memory_space<vmem_shared>> -> memref<11000xf32, #tpu.memory_space<vmem_shared>>
      tpu.enqueue_indirect_dma source(%arg7 : memref<128xf32, #tpu.memory_space<vmem>>) target(%dma_start3A_136 : memref<11000xf32, #tpu.memory_space<vmem_shared>>) offsets(%dma_start3A_134 : memref<128xi32, #tpu.memory_space<vmem>>) semaphore(%arg11 : memref<!tpu.dma_semaphore, #tpu.memory_space<semaphore_mem>>) {add = true}
      %dma_start3A_137 = arith.constant 0 : i32
      %dma_start3A_138 = tpu.memref_slice %arg6[%add3A_131, %dma_start3A_137] : memref<80x128xi32, #tpu.memory_space<vmem>> -> memref<1x128xi32, #tpu.memory_space<vmem>>
      %dma_start3A_139 = tpu.memref_squeeze %dma_start3A_138 : memref<1x128xi32, #tpu.memory_space<vmem>> -> memref<128xi32, #tpu.memory_space<vmem>>
      %dma_start3A_140 = arith.constant 0 : i32
      %dma_start3A_141 = tpu.memref_slice %arg10[%dma_start3A_140] : memref<11000xf32, #tpu.memory_space<vmem_shared>> -> memref<11000xf32, #tpu.memory_space<vmem_shared>>
      tpu.enqueue_indirect_dma source(%arg7 : memref<128xf32, #tpu.memory_space<vmem>>) target(%dma_start3A_141 : memref<11000xf32, #tpu.memory_space<vmem_shared>>) offsets(%dma_start3A_139 : memref<128xi32, #tpu.memory_space<vmem>>) semaphore(%arg12 : memref<!tpu.dma_semaphore, #tpu.memory_space<semaphore_mem>>) {add = true}
      %dma_wait3A = arith.constant 0 : i32
      %dma_wait3A_142 = tpu.memref_slice %arg5[%add3A_34, %dma_wait3A] : memref<80x128xi32, #tpu.memory_space<vmem>> -> memref<1x128xi32, #tpu.memory_space<vmem>>
      %dma_wait3A_143 = tpu.memref_squeeze %dma_wait3A_142 : memref<1x128xi32, #tpu.memory_space<vmem>> -> memref<128xi32, #tpu.memory_space<vmem>>
      %dma_wait3A_144 = arith.constant 0 : i32
      %dma_wait3A_145 = tpu.memref_slice %arg9[%dma_wait3A_144] : memref<11000xf32, #tpu.memory_space<vmem_shared>> -> memref<11000xf32, #tpu.memory_space<vmem_shared>>
      tpu.wait_indirect_dma semaphore(%arg11 : memref<!tpu.dma_semaphore, #tpu.memory_space<semaphore_mem>>) src(%arg7 : memref<128xf32, #tpu.memory_space<vmem>>) dst(%dma_wait3A_145 : memref<11000xf32, #tpu.memory_space<vmem_shared>>)
      %dma_wait3A_146 = arith.constant 0 : i32
      %dma_wait3A_147 = tpu.memref_slice %arg6[%add3A_34, %dma_wait3A_146] : memref<80x128xi32, #tpu.memory_space<vmem>> -> memref<1x128xi32, #tpu.memory_space<vmem>>
      %dma_wait3A_148 = tpu.memref_squeeze %dma_wait3A_147 : memref<1x128xi32, #tpu.memory_space<vmem>> -> memref<128xi32, #tpu.memory_space<vmem>>
      %dma_wait3A_149 = arith.constant 0 : i32
      %dma_wait3A_150 = tpu.memref_slice %arg10[%dma_wait3A_149] : memref<11000xf32, #tpu.memory_space<vmem_shared>> -> memref<11000xf32, #tpu.memory_space<vmem_shared>>
      tpu.wait_indirect_dma semaphore(%arg12 : memref<!tpu.dma_semaphore, #tpu.memory_space<semaphore_mem>>) src(%arg7 : memref<128xf32, #tpu.memory_space<vmem>>) dst(%dma_wait3A_150 : memref<11000xf32, #tpu.memory_space<vmem_shared>>)
      %dma_wait3A_151 = arith.constant 0 : i32
      %dma_wait3A_152 = tpu.memref_slice %arg5[%add3A_47, %dma_wait3A_151] : memref<80x128xi32, #tpu.memory_space<vmem>> -> memref<1x128xi32, #tpu.memory_space<vmem>>
      %dma_wait3A_153 = tpu.memref_squeeze %dma_wait3A_152 : memref<1x128xi32, #tpu.memory_space<vmem>> -> memref<128xi32, #tpu.memory_space<vmem>>
      %dma_wait3A_154 = arith.constant 0 : i32
      %dma_wait3A_155 = tpu.memref_slice %arg9[%dma_wait3A_154] : memref<11000xf32, #tpu.memory_space<vmem_shared>> -> memref<11000xf32, #tpu.memory_space<vmem_shared>>
      tpu.wait_indirect_dma semaphore(%arg11 : memref<!tpu.dma_semaphore, #tpu.memory_space<semaphore_mem>>) src(%arg7 : memref<128xf32, #tpu.memory_space<vmem>>) dst(%dma_wait3A_155 : memref<11000xf32, #tpu.memory_space<vmem_shared>>)
      %dma_wait3A_156 = arith.constant 0 : i32
      %dma_wait3A_157 = tpu.memref_slice %arg6[%add3A_47, %dma_wait3A_156] : memref<80x128xi32, #tpu.memory_space<vmem>> -> memref<1x128xi32, #tpu.memory_space<vmem>>
      %dma_wait3A_158 = tpu.memref_squeeze %dma_wait3A_157 : memref<1x128xi32, #tpu.memory_space<vmem>> -> memref<128xi32, #tpu.memory_space<vmem>>
      %dma_wait3A_159 = arith.constant 0 : i32
      %dma_wait3A_160 = tpu.memref_slice %arg10[%dma_wait3A_159] : memref<11000xf32, #tpu.memory_space<vmem_shared>> -> memref<11000xf32, #tpu.memory_space<vmem_shared>>
      tpu.wait_indirect_dma semaphore(%arg12 : memref<!tpu.dma_semaphore, #tpu.memory_space<semaphore_mem>>) src(%arg7 : memref<128xf32, #tpu.memory_space<vmem>>) dst(%dma_wait3A_160 : memref<11000xf32, #tpu.memory_space<vmem_shared>>)
      %dma_wait3A_161 = arith.constant 0 : i32
      %dma_wait3A_162 = tpu.memref_slice %arg5[%add3A_61, %dma_wait3A_161] : memref<80x128xi32, #tpu.memory_space<vmem>> -> memref<1x128xi32, #tpu.memory_space<vmem>>
      %dma_wait3A_163 = tpu.memref_squeeze %dma_wait3A_162 : memref<1x128xi32, #tpu.memory_space<vmem>> -> memref<128xi32, #tpu.memory_space<vmem>>
      %dma_wait3A_164 = arith.constant 0 : i32
      %dma_wait3A_165 = tpu.memref_slice %arg9[%dma_wait3A_164] : memref<11000xf32, #tpu.memory_space<vmem_shared>> -> memref<11000xf32, #tpu.memory_space<vmem_shared>>
      tpu.wait_indirect_dma semaphore(%arg11 : memref<!tpu.dma_semaphore, #tpu.memory_space<semaphore_mem>>) src(%arg7 : memref<128xf32, #tpu.memory_space<vmem>>) dst(%dma_wait3A_165 : memref<11000xf32, #tpu.memory_space<vmem_shared>>)
      %dma_wait3A_166 = arith.constant 0 : i32
      %dma_wait3A_167 = tpu.memref_slice %arg6[%add3A_61, %dma_wait3A_166] : memref<80x128xi32, #tpu.memory_space<vmem>> -> memref<1x128xi32, #tpu.memory_space<vmem>>
      %dma_wait3A_168 = tpu.memref_squeeze %dma_wait3A_167 : memref<1x128xi32, #tpu.memory_space<vmem>> -> memref<128xi32, #tpu.memory_space<vmem>>
      %dma_wait3A_169 = arith.constant 0 : i32
      %dma_wait3A_170 = tpu.memref_slice %arg10[%dma_wait3A_169] : memref<11000xf32, #tpu.memory_space<vmem_shared>> -> memref<11000xf32, #tpu.memory_space<vmem_shared>>
      tpu.wait_indirect_dma semaphore(%arg12 : memref<!tpu.dma_semaphore, #tpu.memory_space<semaphore_mem>>) src(%arg7 : memref<128xf32, #tpu.memory_space<vmem>>) dst(%dma_wait3A_170 : memref<11000xf32, #tpu.memory_space<vmem_shared>>)
      %dma_wait3A_171 = arith.constant 0 : i32
      %dma_wait3A_172 = tpu.memref_slice %arg5[%add3A_75, %dma_wait3A_171] : memref<80x128xi32, #tpu.memory_space<vmem>> -> memref<1x128xi32, #tpu.memory_space<vmem>>
      %dma_wait3A_173 = tpu.memref_squeeze %dma_wait3A_172 : memref<1x128xi32, #tpu.memory_space<vmem>> -> memref<128xi32, #tpu.memory_space<vmem>>
      %dma_wait3A_174 = arith.constant 0 : i32
      %dma_wait3A_175 = tpu.memref_slice %arg9[%dma_wait3A_174] : memref<11000xf32, #tpu.memory_space<vmem_shared>> -> memref<11000xf32, #tpu.memory_space<vmem_shared>>
      tpu.wait_indirect_dma semaphore(%arg11 : memref<!tpu.dma_semaphore, #tpu.memory_space<semaphore_mem>>) src(%arg7 : memref<128xf32, #tpu.memory_space<vmem>>) dst(%dma_wait3A_175 : memref<11000xf32, #tpu.memory_space<vmem_shared>>)
      %dma_wait3A_176 = arith.constant 0 : i32
      %dma_wait3A_177 = tpu.memref_slice %arg6[%add3A_75, %dma_wait3A_176] : memref<80x128xi32, #tpu.memory_space<vmem>> -> memref<1x128xi32, #tpu.memory_space<vmem>>
      %dma_wait3A_178 = tpu.memref_squeeze %dma_wait3A_177 : memref<1x128xi32, #tpu.memory_space<vmem>> -> memref<128xi32, #tpu.memory_space<vmem>>
      %dma_wait3A_179 = arith.constant 0 : i32
      %dma_wait3A_180 = tpu.memref_slice %arg10[%dma_wait3A_179] : memref<11000xf32, #tpu.memory_space<vmem_shared>> -> memref<11000xf32, #tpu.memory_space<vmem_shared>>
      tpu.wait_indirect_dma semaphore(%arg12 : memref<!tpu.dma_semaphore, #tpu.memory_space<semaphore_mem>>) src(%arg7 : memref<128xf32, #tpu.memory_space<vmem>>) dst(%dma_wait3A_180 : memref<11000xf32, #tpu.memory_space<vmem_shared>>)
      %dma_wait3A_181 = arith.constant 0 : i32
      %dma_wait3A_182 = tpu.memref_slice %arg5[%add3A_89, %dma_wait3A_181] : memref<80x128xi32, #tpu.memory_space<vmem>> -> memref<1x128xi32, #tpu.memory_space<vmem>>
      %dma_wait3A_183 = tpu.memref_squeeze %dma_wait3A_182 : memref<1x128xi32, #tpu.memory_space<vmem>> -> memref<128xi32, #tpu.memory_space<vmem>>
      %dma_wait3A_184 = arith.constant 0 : i32
      %dma_wait3A_185 = tpu.memref_slice %arg9[%dma_wait3A_184] : memref<11000xf32, #tpu.memory_space<vmem_shared>> -> memref<11000xf32, #tpu.memory_space<vmem_shared>>
      tpu.wait_indirect_dma semaphore(%arg11 : memref<!tpu.dma_semaphore, #tpu.memory_space<semaphore_mem>>) src(%arg7 : memref<128xf32, #tpu.memory_space<vmem>>) dst(%dma_wait3A_185 : memref<11000xf32, #tpu.memory_space<vmem_shared>>)
      %dma_wait3A_186 = arith.constant 0 : i32
      %dma_wait3A_187 = tpu.memref_slice %arg6[%add3A_89, %dma_wait3A_186] : memref<80x128xi32, #tpu.memory_space<vmem>> -> memref<1x128xi32, #tpu.memory_space<vmem>>
      %dma_wait3A_188 = tpu.memref_squeeze %dma_wait3A_187 : memref<1x128xi32, #tpu.memory_space<vmem>> -> memref<128xi32, #tpu.memory_space<vmem>>
      %dma_wait3A_189 = arith.constant 0 : i32
      %dma_wait3A_190 = tpu.memref_slice %arg10[%dma_wait3A_189] : memref<11000xf32, #tpu.memory_space<vmem_shared>> -> memref<11000xf32, #tpu.memory_space<vmem_shared>>
      tpu.wait_indirect_dma semaphore(%arg12 : memref<!tpu.dma_semaphore, #tpu.memory_space<semaphore_mem>>) src(%arg7 : memref<128xf32, #tpu.memory_space<vmem>>) dst(%dma_wait3A_190 : memref<11000xf32, #tpu.memory_space<vmem_shared>>)
      %dma_wait3A_191 = arith.constant 0 : i32
      %dma_wait3A_192 = tpu.memref_slice %arg5[%add3A_103, %dma_wait3A_191] : memref<80x128xi32, #tpu.memory_space<vmem>> -> memref<1x128xi32, #tpu.memory_space<vmem>>
      %dma_wait3A_193 = tpu.memref_squeeze %dma_wait3A_192 : memref<1x128xi32, #tpu.memory_space<vmem>> -> memref<128xi32, #tpu.memory_space<vmem>>
      %dma_wait3A_194 = arith.constant 0 : i32
      %dma_wait3A_195 = tpu.memref_slice %arg9[%dma_wait3A_194] : memref<11000xf32, #tpu.memory_space<vmem_shared>> -> memref<11000xf32, #tpu.memory_space<vmem_shared>>
      tpu.wait_indirect_dma semaphore(%arg11 : memref<!tpu.dma_semaphore, #tpu.memory_space<semaphore_mem>>) src(%arg7 : memref<128xf32, #tpu.memory_space<vmem>>) dst(%dma_wait3A_195 : memref<11000xf32, #tpu.memory_space<vmem_shared>>)
      %dma_wait3A_196 = arith.constant 0 : i32
      %dma_wait3A_197 = tpu.memref_slice %arg6[%add3A_103, %dma_wait3A_196] : memref<80x128xi32, #tpu.memory_space<vmem>> -> memref<1x128xi32, #tpu.memory_space<vmem>>
      %dma_wait3A_198 = tpu.memref_squeeze %dma_wait3A_197 : memref<1x128xi32, #tpu.memory_space<vmem>> -> memref<128xi32, #tpu.memory_space<vmem>>
      %dma_wait3A_199 = arith.constant 0 : i32
      %dma_wait3A_200 = tpu.memref_slice %arg10[%dma_wait3A_199] : memref<11000xf32, #tpu.memory_space<vmem_shared>> -> memref<11000xf32, #tpu.memory_space<vmem_shared>>
      tpu.wait_indirect_dma semaphore(%arg12 : memref<!tpu.dma_semaphore, #tpu.memory_space<semaphore_mem>>) src(%arg7 : memref<128xf32, #tpu.memory_space<vmem>>) dst(%dma_wait3A_200 : memref<11000xf32, #tpu.memory_space<vmem_shared>>)
      %dma_wait3A_201 = arith.constant 0 : i32
      %dma_wait3A_202 = tpu.memref_slice %arg5[%add3A_117, %dma_wait3A_201] : memref<80x128xi32, #tpu.memory_space<vmem>> -> memref<1x128xi32, #tpu.memory_space<vmem>>
      %dma_wait3A_203 = tpu.memref_squeeze %dma_wait3A_202 : memref<1x128xi32, #tpu.memory_space<vmem>> -> memref<128xi32, #tpu.memory_space<vmem>>
      %dma_wait3A_204 = arith.constant 0 : i32
      %dma_wait3A_205 = tpu.memref_slice %arg9[%dma_wait3A_204] : memref<11000xf32, #tpu.memory_space<vmem_shared>> -> memref<11000xf32, #tpu.memory_space<vmem_shared>>
      tpu.wait_indirect_dma semaphore(%arg11 : memref<!tpu.dma_semaphore, #tpu.memory_space<semaphore_mem>>) src(%arg7 : memref<128xf32, #tpu.memory_space<vmem>>) dst(%dma_wait3A_205 : memref<11000xf32, #tpu.memory_space<vmem_shared>>)
      %dma_wait3A_206 = arith.constant 0 : i32
      %dma_wait3A_207 = tpu.memref_slice %arg6[%add3A_117, %dma_wait3A_206] : memref<80x128xi32, #tpu.memory_space<vmem>> -> memref<1x128xi32, #tpu.memory_space<vmem>>
      %dma_wait3A_208 = tpu.memref_squeeze %dma_wait3A_207 : memref<1x128xi32, #tpu.memory_space<vmem>> -> memref<128xi32, #tpu.memory_space<vmem>>
      %dma_wait3A_209 = arith.constant 0 : i32
      %dma_wait3A_210 = tpu.memref_slice %arg10[%dma_wait3A_209] : memref<11000xf32, #tpu.memory_space<vmem_shared>> -> memref<11000xf32, #tpu.memory_space<vmem_shared>>
      tpu.wait_indirect_dma semaphore(%arg12 : memref<!tpu.dma_semaphore, #tpu.memory_space<semaphore_mem>>) src(%arg7 : memref<128xf32, #tpu.memory_space<vmem>>) dst(%dma_wait3A_210 : memref<11000xf32, #tpu.memory_space<vmem_shared>>)
      %dma_wait3A_211 = arith.constant 0 : i32
      %dma_wait3A_212 = tpu.memref_slice %arg5[%add3A_131, %dma_wait3A_211] : memref<80x128xi32, #tpu.memory_space<vmem>> -> memref<1x128xi32, #tpu.memory_space<vmem>>
      %dma_wait3A_213 = tpu.memref_squeeze %dma_wait3A_212 : memref<1x128xi32, #tpu.memory_space<vmem>> -> memref<128xi32, #tpu.memory_space<vmem>>
      %dma_wait3A_214 = arith.constant 0 : i32
      %dma_wait3A_215 = tpu.memref_slice %arg9[%dma_wait3A_214] : memref<11000xf32, #tpu.memory_space<vmem_shared>> -> memref<11000xf32, #tpu.memory_space<vmem_shared>>
      tpu.wait_indirect_dma semaphore(%arg11 : memref<!tpu.dma_semaphore, #tpu.memory_space<semaphore_mem>>) src(%arg7 : memref<128xf32, #tpu.memory_space<vmem>>) dst(%dma_wait3A_215 : memref<11000xf32, #tpu.memory_space<vmem_shared>>)
      %dma_wait3A_216 = arith.constant 0 : i32
      %dma_wait3A_217 = tpu.memref_slice %arg6[%add3A_131, %dma_wait3A_216] : memref<80x128xi32, #tpu.memory_space<vmem>> -> memref<1x128xi32, #tpu.memory_space<vmem>>
      %dma_wait3A_218 = tpu.memref_squeeze %dma_wait3A_217 : memref<1x128xi32, #tpu.memory_space<vmem>> -> memref<128xi32, #tpu.memory_space<vmem>>
      %dma_wait3A_219 = arith.constant 0 : i32
      %dma_wait3A_220 = tpu.memref_slice %arg10[%dma_wait3A_219] : memref<11000xf32, #tpu.memory_space<vmem_shared>> -> memref<11000xf32, #tpu.memory_space<vmem_shared>>
      tpu.wait_indirect_dma semaphore(%arg12 : memref<!tpu.dma_semaphore, #tpu.memory_space<semaphore_mem>>) src(%arg7 : memref<128xf32, #tpu.memory_space<vmem>>) dst(%dma_wait3A_220 : memref<11000xf32, #tpu.memory_space<vmem_shared>>)
    }
    %scan3A_23 = arith.constant 10 : i32
    %barrier3A_24 = arith.constant 0 : index
    tpu.barrier barrier_id(%barrier3A_24)
    %lt3A_25 = arith.constant 10 : i32
    %lt3A_26 = arith.cmpi slt, %arg1, %lt3A_25 : i32
    %convert_element_type3A_27 = arith.extui %lt3A_26 : i1 to i32
    %cond3A_28 = arith.constant 0 : i32
    %cond3A_29 = arith.cmpi ne, %convert_element_type3A_27, %cond3A_28 : i32
    scf.if %cond3A_29 {
      %mul3A_30 = arith.constant 1000 : i32
      %mul3A_31 = arith.muli %arg1, %mul3A_30 : i32
      "tpu.region"() ({
        %run_scoped3A = tpu.sem_alloc : memref<!tpu.dma_semaphore, #tpu.memory_space<semaphore_mem>>
        %dma_start3A = arith.constant 0 : i32
        %dma_start3A_50 = tpu.memref_slice %arg8[%dma_start3A] : memref<1024xf32, #tpu.memory_space<vmem>> -> memref<1000xf32, #tpu.memory_space<vmem>>
        %dma_start3A_51 = tpu.memref_slice %arg9[%mul3A_31] : memref<11000xf32, #tpu.memory_space<vmem_shared>> -> memref<1000xf32, #tpu.memory_space<vmem_shared>>
        %dma_start3A_52 = arith.constant 0 : i32
        %dma_start3A_53 = tpu.memref_slice %arg8[%dma_start3A_52] : memref<1024xf32, #tpu.memory_space<vmem>> -> memref<1000xf32, #tpu.memory_space<vmem>>
        %dma_start3A_54 = tpu.memref_slice %arg9[%mul3A_31] : memref<11000xf32, #tpu.memory_space<vmem_shared>> -> memref<1000xf32, #tpu.memory_space<vmem_shared>>
        tpu.enqueue_dma source(%dma_start3A_54 : memref<1000xf32, #tpu.memory_space<vmem_shared>>) target(%dma_start3A_53 : memref<1000xf32, #tpu.memory_space<vmem>>) target_semaphore(%run_scoped3A : memref<!tpu.dma_semaphore, #tpu.memory_space<semaphore_mem>>)
        %dma_wait3A = arith.constant 0 : i32
        %dma_wait3A_55 = tpu.memref_slice %arg8[%dma_wait3A] : memref<1024xf32, #tpu.memory_space<vmem>> -> memref<1000xf32, #tpu.memory_space<vmem>>
        %dma_wait3A_56 = tpu.memref_slice %arg9[%mul3A_31] : memref<11000xf32, #tpu.memory_space<vmem_shared>> -> memref<1000xf32, #tpu.memory_space<vmem_shared>>
        %dma_wait3A_57 = arith.constant 0 : i32
        %dma_wait3A_58 = tpu.memref_slice %arg8[%dma_wait3A_57] : memref<1024xf32, #tpu.memory_space<vmem>> -> memref<1000xf32, #tpu.memory_space<vmem>>
        %dma_wait3A_59 = tpu.memref_slice %arg9[%mul3A_31] : memref<11000xf32, #tpu.memory_space<vmem_shared>> -> memref<1000xf32, #tpu.memory_space<vmem_shared>>
        tpu.wait_dma2 semaphore(%run_scoped3A : memref<!tpu.dma_semaphore, #tpu.memory_space<semaphore_mem>>) src(%dma_wait3A_59 : memref<1000xf32, #tpu.memory_space<vmem_shared>>) dst(%dma_wait3A_58 : memref<1000xf32, #tpu.memory_space<vmem>>)
        tpu.yield
      }) : () -> ()
      %mul3A_32 = arith.constant 2 : i32
      %mul3A_33 = arith.muli %arg0, %mul3A_32 : i32
      %mul3A_34 = arith.constant 10000 : i32
      %mul3A_35 = arith.muli %mul3A_33, %mul3A_34 : i32
      %mul3A_36 = arith.constant 1000 : i32
      %mul3A_37 = arith.muli %arg1, %mul3A_36 : i32
      %add3A_38 = arith.addi %mul3A_35, %mul3A_37 : i32
      "tpu.region"() ({
        %run_scoped3A = tpu.sem_alloc : memref<!tpu.dma_semaphore, #tpu.memory_space<semaphore_mem>>
        %dma_start3A = arith.constant 0 : i32
        %dma_start3A_50 = tpu.memref_slice %arg8[%dma_start3A] : memref<1024xf32, #tpu.memory_space<vmem>> -> memref<1000xf32, #tpu.memory_space<vmem>>
        %dma_start3A_51 = tpu.memref_slice %arg4[%add3A_38] : memref<40000xf32, #tpu.memory_space<hbm>> -> memref<1000xf32, #tpu.memory_space<hbm>>
        %dma_start3A_52 = tpu.memref_slice %arg4[%add3A_38] : memref<40000xf32, #tpu.memory_space<hbm>> -> memref<1000xf32, #tpu.memory_space<hbm>>
        %dma_start3A_53 = arith.constant 0 : i32
        %dma_start3A_54 = tpu.memref_slice %arg8[%dma_start3A_53] : memref<1024xf32, #tpu.memory_space<vmem>> -> memref<1000xf32, #tpu.memory_space<vmem>>
        tpu.enqueue_dma source(%dma_start3A_54 : memref<1000xf32, #tpu.memory_space<vmem>>) target(%dma_start3A_52 : memref<1000xf32, #tpu.memory_space<hbm>>) target_semaphore(%run_scoped3A : memref<!tpu.dma_semaphore, #tpu.memory_space<semaphore_mem>>)
        %dma_wait3A = arith.constant 0 : i32
        %dma_wait3A_55 = tpu.memref_slice %arg8[%dma_wait3A] : memref<1024xf32, #tpu.memory_space<vmem>> -> memref<1000xf32, #tpu.memory_space<vmem>>
        %dma_wait3A_56 = tpu.memref_slice %arg4[%add3A_38] : memref<40000xf32, #tpu.memory_space<hbm>> -> memref<1000xf32, #tpu.memory_space<hbm>>
        %dma_wait3A_57 = tpu.memref_slice %arg4[%add3A_38] : memref<40000xf32, #tpu.memory_space<hbm>> -> memref<1000xf32, #tpu.memory_space<hbm>>
        %dma_wait3A_58 = arith.constant 0 : i32
        %dma_wait3A_59 = tpu.memref_slice %arg8[%dma_wait3A_58] : memref<1024xf32, #tpu.memory_space<vmem>> -> memref<1000xf32, #tpu.memory_space<vmem>>
        tpu.wait_dma2 semaphore(%run_scoped3A : memref<!tpu.dma_semaphore, #tpu.memory_space<semaphore_mem>>) src(%dma_wait3A_59 : memref<1000xf32, #tpu.memory_space<vmem>>) dst(%dma_wait3A_57 : memref<1000xf32, #tpu.memory_space<hbm>>)
        tpu.yield
      }) : () -> ()
      %mul3A_39 = arith.constant 1000 : i32
      %mul3A_40 = arith.muli %arg1, %mul3A_39 : i32
      "tpu.region"() ({
        %run_scoped3A = tpu.sem_alloc : memref<!tpu.dma_semaphore, #tpu.memory_space<semaphore_mem>>
        %dma_start3A = arith.constant 0 : i32
        %dma_start3A_50 = tpu.memref_slice %arg8[%dma_start3A] : memref<1024xf32, #tpu.memory_space<vmem>> -> memref<1000xf32, #tpu.memory_space<vmem>>
        %dma_start3A_51 = tpu.memref_slice %arg10[%mul3A_40] : memref<11000xf32, #tpu.memory_space<vmem_shared>> -> memref<1000xf32, #tpu.memory_space<vmem_shared>>
        %dma_start3A_52 = arith.constant 0 : i32
        %dma_start3A_53 = tpu.memref_slice %arg8[%dma_start3A_52] : memref<1024xf32, #tpu.memory_space<vmem>> -> memref<1000xf32, #tpu.memory_space<vmem>>
        %dma_start3A_54 = tpu.memref_slice %arg10[%mul3A_40] : memref<11000xf32, #tpu.memory_space<vmem_shared>> -> memref<1000xf32, #tpu.memory_space<vmem_shared>>
        tpu.enqueue_dma source(%dma_start3A_54 : memref<1000xf32, #tpu.memory_space<vmem_shared>>) target(%dma_start3A_53 : memref<1000xf32, #tpu.memory_space<vmem>>) target_semaphore(%run_scoped3A : memref<!tpu.dma_semaphore, #tpu.memory_space<semaphore_mem>>)
        %dma_wait3A = arith.constant 0 : i32
        %dma_wait3A_55 = tpu.memref_slice %arg8[%dma_wait3A] : memref<1024xf32, #tpu.memory_space<vmem>> -> memref<1000xf32, #tpu.memory_space<vmem>>
        %dma_wait3A_56 = tpu.memref_slice %arg10[%mul3A_40] : memref<11000xf32, #tpu.memory_space<vmem_shared>> -> memref<1000xf32, #tpu.memory_space<vmem_shared>>
        %dma_wait3A_57 = arith.constant 0 : i32
        %dma_wait3A_58 = tpu.memref_slice %arg8[%dma_wait3A_57] : memref<1024xf32, #tpu.memory_space<vmem>> -> memref<1000xf32, #tpu.memory_space<vmem>>
        %dma_wait3A_59 = tpu.memref_slice %arg10[%mul3A_40] : memref<11000xf32, #tpu.memory_space<vmem_shared>> -> memref<1000xf32, #tpu.memory_space<vmem_shared>>
        tpu.wait_dma2 semaphore(%run_scoped3A : memref<!tpu.dma_semaphore, #tpu.memory_space<semaphore_mem>>) src(%dma_wait3A_59 : memref<1000xf32, #tpu.memory_space<vmem_shared>>) dst(%dma_wait3A_58 : memref<1000xf32, #tpu.memory_space<vmem>>)
        tpu.yield
      }) : () -> ()
      %mul3A_41 = arith.constant 2 : i32
      %mul3A_42 = arith.muli %arg0, %mul3A_41 : i32
      %mul3A_43 = arith.constant 10000 : i32
      %mul3A_44 = arith.muli %mul3A_42, %mul3A_43 : i32
      %add3A_45 = arith.constant 10000 : i32
      %add3A_46 = arith.addi %mul3A_44, %add3A_45 : i32
      %mul3A_47 = arith.constant 1000 : i32
      %mul3A_48 = arith.muli %arg1, %mul3A_47 : i32
      %add3A_49 = arith.addi %add3A_46, %mul3A_48 : i32
      "tpu.region"() ({
        %run_scoped3A = tpu.sem_alloc : memref<!tpu.dma_semaphore, #tpu.memory_space<semaphore_mem>>
        %dma_start3A = arith.constant 0 : i32
        %dma_start3A_50 = tpu.memref_slice %arg8[%dma_start3A] : memref<1024xf32, #tpu.memory_space<vmem>> -> memref<1000xf32, #tpu.memory_space<vmem>>
        %dma_start3A_51 = tpu.memref_slice %arg4[%add3A_49] : memref<40000xf32, #tpu.memory_space<hbm>> -> memref<1000xf32, #tpu.memory_space<hbm>>
        %dma_start3A_52 = tpu.memref_slice %arg4[%add3A_49] : memref<40000xf32, #tpu.memory_space<hbm>> -> memref<1000xf32, #tpu.memory_space<hbm>>
        %dma_start3A_53 = arith.constant 0 : i32
        %dma_start3A_54 = tpu.memref_slice %arg8[%dma_start3A_53] : memref<1024xf32, #tpu.memory_space<vmem>> -> memref<1000xf32, #tpu.memory_space<vmem>>
        tpu.enqueue_dma source(%dma_start3A_54 : memref<1000xf32, #tpu.memory_space<vmem>>) target(%dma_start3A_52 : memref<1000xf32, #tpu.memory_space<hbm>>) target_semaphore(%run_scoped3A : memref<!tpu.dma_semaphore, #tpu.memory_space<semaphore_mem>>)
        %dma_wait3A = arith.constant 0 : i32
        %dma_wait3A_55 = tpu.memref_slice %arg8[%dma_wait3A] : memref<1024xf32, #tpu.memory_space<vmem>> -> memref<1000xf32, #tpu.memory_space<vmem>>
        %dma_wait3A_56 = tpu.memref_slice %arg4[%add3A_49] : memref<40000xf32, #tpu.memory_space<hbm>> -> memref<1000xf32, #tpu.memory_space<hbm>>
        %dma_wait3A_57 = tpu.memref_slice %arg4[%add3A_49] : memref<40000xf32, #tpu.memory_space<hbm>> -> memref<1000xf32, #tpu.memory_space<hbm>>
        %dma_wait3A_58 = arith.constant 0 : i32
        %dma_wait3A_59 = tpu.memref_slice %arg8[%dma_wait3A_58] : memref<1024xf32, #tpu.memory_space<vmem>> -> memref<1000xf32, #tpu.memory_space<vmem>>
        tpu.wait_dma2 semaphore(%run_scoped3A : memref<!tpu.dma_semaphore, #tpu.memory_space<semaphore_mem>>) src(%dma_wait3A_59 : memref<1000xf32, #tpu.memory_space<vmem>>) dst(%dma_wait3A_57 : memref<1000xf32, #tpu.memory_space<hbm>>)
        tpu.yield
      }) : () -> ()
    } else {
    }
    return
  }
}

#map = affine_map<(d0, d1) -> (0, 0)>
#map1 = affine_map<(d0, d1) -> (0, 0, 0)>
module attributes {stable_mosaic.version = 14 : i64} {
  func.func @_sc_scatter_body(%arg0: i32, %arg1: i32, %arg2: memref<10000x128xf32, #tpu.memory_space<hbm>>, %arg3: memref<2560x128xi32, #tpu.memory_space<hbm>>, %arg4: memref<2560x128xi32, #tpu.memory_space<hbm>>, %arg5: memref<2x10000x128xf32, #tpu.memory_space<hbm>>, %arg6: memref<40x128xi32, #tpu.memory_space<vmem>>, %arg7: memref<40x128xi32, #tpu.memory_space<vmem>>, %arg8: memref<128x128xf32, #tpu.memory_space<vmem>>, %arg9: memref<128x128xf32, #tpu.memory_space<vmem>>, %arg10: memref<10240x128xf32, #tpu.memory_space<vmem_shared>>, %arg11: memref<!tpu.dma_semaphore, #tpu.memory_space<semaphore_mem>>, %arg12: memref<!tpu.dma_semaphore, #tpu.memory_space<semaphore_mem>>) attributes {dimension_semantics = [#tpu.dimension_semantics<core_parallel>, #tpu.dimension_semantics<subcore_parallel>], iteration_bounds = array<i64: 2, 16>, scalar_prefetch = 0 : i64, scratch_operands = 7 : i64, tpu.core_type = #tpu.core_type<sc_vector_subcore>, window_params = [{transform_indices = #map}, {transform_indices = #map}, {transform_indices = #map}, {transform_indices = #map1}]} {
    %mul3A = arith.constant 2 : i32
    %mul3A_0 = arith.muli %arg1, %mul3A : i32
    %add3A = arith.addi %mul3A_0, %arg0 : i32
    %scan3A = arith.constant 0 : i32
    %scan3A_1 = arith.constant 0 : i32
    %scan3A_2 = arith.constant 1024 : i32
    %scan3A_3 = arith.addi %scan3A_1, %scan3A_2 : i32
    %scan3A_4 = arith.constant 1 : i32
    scf.for %scan3A_113 = %scan3A_1 to %scan3A_3 step %scan3A_4  : i32 {
      %jit3A = arith.constant 8 : i32
      %div3A = arith.divsi %scan3A_113, %jit3A : i32
      %sign3A = arith.constant 0 : i32
      %sign3A_114 = arith.cmpi sgt, %scan3A_113, %sign3A : i32
      %sign3A_115 = arith.extui %sign3A_114 : i1 to i32
      %sign3A_116 = arith.constant 0 : i32
      %sign3A_117 = arith.cmpi slt, %scan3A_113, %sign3A_116 : i32
      %sign3A_118 = arith.extui %sign3A_117 : i1 to i32
      %sign3A_119 = arith.subi %sign3A_115, %sign3A_118 : i32
      %sign3A_120 = arith.constant 0 : i32
      %sign3A_121 = arith.cmpi sgt, %jit3A, %sign3A_120 : i32
      %sign3A_122 = arith.extui %sign3A_121 : i1 to i32
      %sign3A_123 = arith.constant 0 : i32
      %sign3A_124 = arith.cmpi slt, %jit3A, %sign3A_123 : i32
      %sign3A_125 = arith.extui %sign3A_124 : i1 to i32
      %sign3A_126 = arith.subi %sign3A_122, %sign3A_125 : i32
      %ne3A = arith.cmpi ne, %sign3A_119, %sign3A_126 : i32
      %rem3A = arith.remsi %scan3A_113, %jit3A : i32
      %ne3A_127 = arith.constant 0 : i32
      %ne3A_128 = arith.cmpi ne, %rem3A, %ne3A_127 : i32
      %and3A = arith.andi %ne3A, %ne3A_128 : i1
      %sub3A = arith.constant 1 : i32
      %sub3A_129 = arith.subi %div3A, %sub3A : i32
      %select_n3A = arith.select %and3A, %sub3A_129, %div3A : i32
      %jit3A_130 = arith.constant 8 : i32
      %eq3A = arith.constant 0 : i32
      %eq3A_131 = arith.cmpi eq, %jit3A_130, %eq3A : i32
      %jit3A_132 = arith.constant 1 : i32
      %select_n3A_133 = arith.select %eq3A_131, %jit3A_132, %jit3A_130 : i32
      %rem3A_134 = arith.remsi %scan3A_113, %select_n3A_133 : i32
      %ne3A_135 = arith.constant 0 : i32
      %ne3A_136 = arith.cmpi ne, %rem3A_134, %ne3A_135 : i32
      %lt3A_137 = arith.constant 0 : i32
      %lt3A_138 = arith.cmpi slt, %rem3A_134, %lt3A_137 : i32
      %lt3A_139 = arith.constant 0 : i32
      %lt3A_140 = arith.cmpi slt, %select_n3A_133, %lt3A_139 : i32
      %ne3A_141 = arith.xori %lt3A_138, %lt3A_140 : i1
      %and3A_142 = arith.andi %ne3A_141, %ne3A_136 : i1
      %add3A_143 = arith.addi %rem3A_134, %select_n3A_133 : i32
      %select_n3A_144 = arith.select %and3A_142, %add3A_143, %rem3A_134 : i32
      %mul3A_145 = arith.constant 16 : i32
      %mul3A_146 = arith.muli %select_n3A_144, %mul3A_145 : i32
      %broadcast_in_dim3A = arith.constant 0.000000e+00 : f32
      %broadcast_in_dim3A_147 = vector.broadcast %broadcast_in_dim3A : f32 to vector<16xf32>
      %swap3A = arith.index_cast %select_n3A : i32 to index
      %swap3A_148 = arith.index_cast %mul3A_146 : i32 to index
      %swap3A_149 = tpu.vector_load %arg8[%swap3A, %swap3A_148] {strides = array<i32>} : memref<128x128xf32, #tpu.memory_space<vmem>>, vector<1x16xf32>,
      %swap3A_150 = vector.shape_cast %swap3A_149 : vector<1x16xf32> to vector<16xf32>
      %swap3A_151 = vector.shape_cast %broadcast_in_dim3A_147 : vector<16xf32> to vector<1x16xf32>
      tpu.vector_store %arg8[%swap3A, %swap3A_148], %swap3A_151 {strides = array<i32>} : memref<128x128xf32, #tpu.memory_space<vmem>>, vector<1x16xf32>,
    }
    %scan3A_5 = arith.constant 1024 : i32
    %add3A_6 = arith.constant 0 : i32
    %add3A_7 = arith.addi %arg1, %add3A_6 : i32
    %mul3A_8 = arith.constant 128 : i32
    %mul3A_9 = arith.muli %add3A_7, %mul3A_8 : i32
    "tpu.region"() ({
      %run_scoped3A = tpu.sem_alloc : memref<!tpu.dma_semaphore, #tpu.memory_space<semaphore_mem>>
      %dma_start3A_113 = arith.constant 0 : i32
      %dma_start3A_114 = tpu.memref_slice %arg10[%mul3A_9, %dma_start3A_113] : memref<10240x128xf32, #tpu.memory_space<vmem_shared>> -> memref<128x128xf32, #tpu.memory_space<vmem_shared>>
      %dma_start3A_115 = arith.constant 0 : i32
      %dma_start3A_116 = tpu.memref_slice %arg10[%mul3A_9, %dma_start3A_115] : memref<10240x128xf32, #tpu.memory_space<vmem_shared>> -> memref<128x128xf32, #tpu.memory_space<vmem_shared>>
      tpu.enqueue_dma source(%arg8 : memref<128x128xf32, #tpu.memory_space<vmem>>) target(%dma_start3A_116 : memref<128x128xf32, #tpu.memory_space<vmem_shared>>) target_semaphore(%run_scoped3A : memref<!tpu.dma_semaphore, #tpu.memory_space<semaphore_mem>>)
      %dma_wait3A = arith.constant 0 : i32
      %dma_wait3A_117 = tpu.memref_slice %arg10[%mul3A_9, %dma_wait3A] : memref<10240x128xf32, #tpu.memory_space<vmem_shared>> -> memref<128x128xf32, #tpu.memory_space<vmem_shared>>
      %dma_wait3A_118 = arith.constant 0 : i32
      %dma_wait3A_119 = tpu.memref_slice %arg10[%mul3A_9, %dma_wait3A_118] : memref<10240x128xf32, #tpu.memory_space<vmem_shared>> -> memref<128x128xf32, #tpu.memory_space<vmem_shared>>
      tpu.wait_dma2 semaphore(%run_scoped3A : memref<!tpu.dma_semaphore, #tpu.memory_space<semaphore_mem>>) src(%arg8 : memref<128x128xf32, #tpu.memory_space<vmem>>) dst(%dma_wait3A_119 : memref<128x128xf32, #tpu.memory_space<vmem_shared>>)
      tpu.yield
    }) : () -> ()
    %add3A_10 = arith.constant 16 : i32
    %add3A_11 = arith.addi %arg1, %add3A_10 : i32
    %mul3A_12 = arith.constant 128 : i32
    %mul3A_13 = arith.muli %add3A_11, %mul3A_12 : i32
    "tpu.region"() ({
      %run_scoped3A = tpu.sem_alloc : memref<!tpu.dma_semaphore, #tpu.memory_space<semaphore_mem>>
      %dma_start3A_113 = arith.constant 0 : i32
      %dma_start3A_114 = tpu.memref_slice %arg10[%mul3A_13, %dma_start3A_113] : memref<10240x128xf32, #tpu.memory_space<vmem_shared>> -> memref<128x128xf32, #tpu.memory_space<vmem_shared>>
      %dma_start3A_115 = arith.constant 0 : i32
      %dma_start3A_116 = tpu.memref_slice %arg10[%mul3A_13, %dma_start3A_115] : memref<10240x128xf32, #tpu.memory_space<vmem_shared>> -> memref<128x128xf32, #tpu.memory_space<vmem_shared>>
      tpu.enqueue_dma source(%arg8 : memref<128x128xf32, #tpu.memory_space<vmem>>) target(%dma_start3A_116 : memref<128x128xf32, #tpu.memory_space<vmem_shared>>) target_semaphore(%run_scoped3A : memref<!tpu.dma_semaphore, #tpu.memory_space<semaphore_mem>>)
      %dma_wait3A = arith.constant 0 : i32
      %dma_wait3A_117 = tpu.memref_slice %arg10[%mul3A_13, %dma_wait3A] : memref<10240x128xf32, #tpu.memory_space<vmem_shared>> -> memref<128x128xf32, #tpu.memory_space<vmem_shared>>
      %dma_wait3A_118 = arith.constant 0 : i32
      %dma_wait3A_119 = tpu.memref_slice %arg10[%mul3A_13, %dma_wait3A_118] : memref<10240x128xf32, #tpu.memory_space<vmem_shared>> -> memref<128x128xf32, #tpu.memory_space<vmem_shared>>
      tpu.wait_dma2 semaphore(%run_scoped3A : memref<!tpu.dma_semaphore, #tpu.memory_space<semaphore_mem>>) src(%arg8 : memref<128x128xf32, #tpu.memory_space<vmem>>) dst(%dma_wait3A_119 : memref<128x128xf32, #tpu.memory_space<vmem_shared>>)
      tpu.yield
    }) : () -> ()
    %add3A_14 = arith.constant 32 : i32
    %add3A_15 = arith.addi %arg1, %add3A_14 : i32
    %mul3A_16 = arith.constant 128 : i32
    %mul3A_17 = arith.muli %add3A_15, %mul3A_16 : i32
    "tpu.region"() ({
      %run_scoped3A = tpu.sem_alloc : memref<!tpu.dma_semaphore, #tpu.memory_space<semaphore_mem>>
      %dma_start3A_113 = arith.constant 0 : i32
      %dma_start3A_114 = tpu.memref_slice %arg10[%mul3A_17, %dma_start3A_113] : memref<10240x128xf32, #tpu.memory_space<vmem_shared>> -> memref<128x128xf32, #tpu.memory_space<vmem_shared>>
      %dma_start3A_115 = arith.constant 0 : i32
      %dma_start3A_116 = tpu.memref_slice %arg10[%mul3A_17, %dma_start3A_115] : memref<10240x128xf32, #tpu.memory_space<vmem_shared>> -> memref<128x128xf32, #tpu.memory_space<vmem_shared>>
      tpu.enqueue_dma source(%arg8 : memref<128x128xf32, #tpu.memory_space<vmem>>) target(%dma_start3A_116 : memref<128x128xf32, #tpu.memory_space<vmem_shared>>) target_semaphore(%run_scoped3A : memref<!tpu.dma_semaphore, #tpu.memory_space<semaphore_mem>>)
      %dma_wait3A = arith.constant 0 : i32
      %dma_wait3A_117 = tpu.memref_slice %arg10[%mul3A_17, %dma_wait3A] : memref<10240x128xf32, #tpu.memory_space<vmem_shared>> -> memref<128x128xf32, #tpu.memory_space<vmem_shared>>
      %dma_wait3A_118 = arith.constant 0 : i32
      %dma_wait3A_119 = tpu.memref_slice %arg10[%mul3A_17, %dma_wait3A_118] : memref<10240x128xf32, #tpu.memory_space<vmem_shared>> -> memref<128x128xf32, #tpu.memory_space<vmem_shared>>
      tpu.wait_dma2 semaphore(%run_scoped3A : memref<!tpu.dma_semaphore, #tpu.memory_space<semaphore_mem>>) src(%arg8 : memref<128x128xf32, #tpu.memory_space<vmem>>) dst(%dma_wait3A_119 : memref<128x128xf32, #tpu.memory_space<vmem_shared>>)
      tpu.yield
    }) : () -> ()
    %add3A_18 = arith.constant 48 : i32
    %add3A_19 = arith.addi %arg1, %add3A_18 : i32
    %mul3A_20 = arith.constant 128 : i32
    %mul3A_21 = arith.muli %add3A_19, %mul3A_20 : i32
    "tpu.region"() ({
      %run_scoped3A = tpu.sem_alloc : memref<!tpu.dma_semaphore, #tpu.memory_space<semaphore_mem>>
      %dma_start3A_113 = arith.constant 0 : i32
      %dma_start3A_114 = tpu.memref_slice %arg10[%mul3A_21, %dma_start3A_113] : memref<10240x128xf32, #tpu.memory_space<vmem_shared>> -> memref<128x128xf32, #tpu.memory_space<vmem_shared>>
      %dma_start3A_115 = arith.constant 0 : i32
      %dma_start3A_116 = tpu.memref_slice %arg10[%mul3A_21, %dma_start3A_115] : memref<10240x128xf32, #tpu.memory_space<vmem_shared>> -> memref<128x128xf32, #tpu.memory_space<vmem_shared>>
      tpu.enqueue_dma source(%arg8 : memref<128x128xf32, #tpu.memory_space<vmem>>) target(%dma_start3A_116 : memref<128x128xf32, #tpu.memory_space<vmem_shared>>) target_semaphore(%run_scoped3A : memref<!tpu.dma_semaphore, #tpu.memory_space<semaphore_mem>>)
      %dma_wait3A = arith.constant 0 : i32
      %dma_wait3A_117 = tpu.memref_slice %arg10[%mul3A_21, %dma_wait3A] : memref<10240x128xf32, #tpu.memory_space<vmem_shared>> -> memref<128x128xf32, #tpu.memory_space<vmem_shared>>
      %dma_wait3A_118 = arith.constant 0 : i32
      %dma_wait3A_119 = tpu.memref_slice %arg10[%mul3A_21, %dma_wait3A_118] : memref<10240x128xf32, #tpu.memory_space<vmem_shared>> -> memref<128x128xf32, #tpu.memory_space<vmem_shared>>
      tpu.wait_dma2 semaphore(%run_scoped3A : memref<!tpu.dma_semaphore, #tpu.memory_space<semaphore_mem>>) src(%arg8 : memref<128x128xf32, #tpu.memory_space<vmem>>) dst(%dma_wait3A_119 : memref<128x128xf32, #tpu.memory_space<vmem_shared>>)
      tpu.yield
    }) : () -> ()
    %add3A_22 = arith.constant 64 : i32
    %add3A_23 = arith.addi %arg1, %add3A_22 : i32
    %mul3A_24 = arith.constant 128 : i32
    %mul3A_25 = arith.muli %add3A_23, %mul3A_24 : i32
    "tpu.region"() ({
      %run_scoped3A = tpu.sem_alloc : memref<!tpu.dma_semaphore, #tpu.memory_space<semaphore_mem>>
      %dma_start3A_113 = arith.constant 0 : i32
      %dma_start3A_114 = tpu.memref_slice %arg10[%mul3A_25, %dma_start3A_113] : memref<10240x128xf32, #tpu.memory_space<vmem_shared>> -> memref<128x128xf32, #tpu.memory_space<vmem_shared>>
      %dma_start3A_115 = arith.constant 0 : i32
      %dma_start3A_116 = tpu.memref_slice %arg10[%mul3A_25, %dma_start3A_115] : memref<10240x128xf32, #tpu.memory_space<vmem_shared>> -> memref<128x128xf32, #tpu.memory_space<vmem_shared>>
      tpu.enqueue_dma source(%arg8 : memref<128x128xf32, #tpu.memory_space<vmem>>) target(%dma_start3A_116 : memref<128x128xf32, #tpu.memory_space<vmem_shared>>) target_semaphore(%run_scoped3A : memref<!tpu.dma_semaphore, #tpu.memory_space<semaphore_mem>>)
      %dma_wait3A = arith.constant 0 : i32
      %dma_wait3A_117 = tpu.memref_slice %arg10[%mul3A_25, %dma_wait3A] : memref<10240x128xf32, #tpu.memory_space<vmem_shared>> -> memref<128x128xf32, #tpu.memory_space<vmem_shared>>
      %dma_wait3A_118 = arith.constant 0 : i32
      %dma_wait3A_119 = tpu.memref_slice %arg10[%mul3A_25, %dma_wait3A_118] : memref<10240x128xf32, #tpu.memory_space<vmem_shared>> -> memref<128x128xf32, #tpu.memory_space<vmem_shared>>
      tpu.wait_dma2 semaphore(%run_scoped3A : memref<!tpu.dma_semaphore, #tpu.memory_space<semaphore_mem>>) src(%arg8 : memref<128x128xf32, #tpu.memory_space<vmem>>) dst(%dma_wait3A_119 : memref<128x128xf32, #tpu.memory_space<vmem_shared>>)
      tpu.yield
    }) : () -> ()
    %barrier3A = arith.constant 0 : index
    tpu.barrier barrier_id(%barrier3A)
    %mul3A_26 = arith.constant 80 : i32
    %mul3A_27 = arith.muli %add3A, %mul3A_26 : i32
    %add3A_28 = arith.constant 0 : i32
    %add3A_29 = arith.addi %mul3A_27, %add3A_28 : i32
    "tpu.region"() ({
      %run_scoped3A = tpu.sem_alloc : memref<!tpu.dma_semaphore, #tpu.memory_space<semaphore_mem>>
      %dma_start3A_113 = arith.constant 0 : i32
      %dma_start3A_114 = tpu.memref_slice %arg3[%add3A_29, %dma_start3A_113] : memref<2560x128xi32, #tpu.memory_space<hbm>> -> memref<40x128xi32, #tpu.memory_space<hbm>>
      %dma_start3A_115 = arith.constant 0 : i32
      %dma_start3A_116 = tpu.memref_slice %arg3[%add3A_29, %dma_start3A_115] : memref<2560x128xi32, #tpu.memory_space<hbm>> -> memref<40x128xi32, #tpu.memory_space<hbm>>
      tpu.enqueue_dma source(%dma_start3A_116 : memref<40x128xi32, #tpu.memory_space<hbm>>) target(%arg6 : memref<40x128xi32, #tpu.memory_space<vmem>>) target_semaphore(%run_scoped3A : memref<!tpu.dma_semaphore, #tpu.memory_space<semaphore_mem>>)
      %dma_wait3A = arith.constant 0 : i32
      %dma_wait3A_117 = tpu.memref_slice %arg3[%add3A_29, %dma_wait3A] : memref<2560x128xi32, #tpu.memory_space<hbm>> -> memref<40x128xi32, #tpu.memory_space<hbm>>
      %dma_wait3A_118 = arith.constant 0 : i32
      %dma_wait3A_119 = tpu.memref_slice %arg3[%add3A_29, %dma_wait3A_118] : memref<2560x128xi32, #tpu.memory_space<hbm>> -> memref<40x128xi32, #tpu.memory_space<hbm>>
      tpu.wait_dma2 semaphore(%run_scoped3A : memref<!tpu.dma_semaphore, #tpu.memory_space<semaphore_mem>>) src(%dma_wait3A_119 : memref<40x128xi32, #tpu.memory_space<hbm>>) dst(%arg6 : memref<40x128xi32, #tpu.memory_space<vmem>>)
      tpu.yield
    }) : () -> ()
    "tpu.region"() ({
      %run_scoped3A = tpu.sem_alloc : memref<!tpu.dma_semaphore, #tpu.memory_space<semaphore_mem>>
      %dma_start3A_113 = arith.constant 0 : i32
      %dma_start3A_114 = tpu.memref_slice %arg4[%add3A_29, %dma_start3A_113] : memref<2560x128xi32, #tpu.memory_space<hbm>> -> memref<40x128xi32, #tpu.memory_space<hbm>>
      %dma_start3A_115 = arith.constant 0 : i32
      %dma_start3A_116 = tpu.memref_slice %arg4[%add3A_29, %dma_start3A_115] : memref<2560x128xi32, #tpu.memory_space<hbm>> -> memref<40x128xi32, #tpu.memory_space<hbm>>
      tpu.enqueue_dma source(%dma_start3A_116 : memref<40x128xi32, #tpu.memory_space<hbm>>) target(%arg7 : memref<40x128xi32, #tpu.memory_space<vmem>>) target_semaphore(%run_scoped3A : memref<!tpu.dma_semaphore, #tpu.memory_space<semaphore_mem>>)
      %dma_wait3A = arith.constant 0 : i32
      %dma_wait3A_117 = tpu.memref_slice %arg4[%add3A_29, %dma_wait3A] : memref<2560x128xi32, #tpu.memory_space<hbm>> -> memref<40x128xi32, #tpu.memory_space<hbm>>
      %dma_wait3A_118 = arith.constant 0 : i32
      %dma_wait3A_119 = tpu.memref_slice %arg4[%add3A_29, %dma_wait3A_118] : memref<2560x128xi32, #tpu.memory_space<hbm>> -> memref<40x128xi32, #tpu.memory_space<hbm>>
      tpu.wait_dma2 semaphore(%run_scoped3A : memref<!tpu.dma_semaphore, #tpu.memory_space<semaphore_mem>>) src(%dma_wait3A_119 : memref<40x128xi32, #tpu.memory_space<hbm>>) dst(%arg7 : memref<40x128xi32, #tpu.memory_space<vmem>>)
      tpu.yield
    }) : () -> ()
    %dma_start3A = arith.constant 0 : i32
    %dma_start3A_30 = arith.constant 0 : i32
    %dma_start3A_31 = tpu.memref_slice %arg6[%dma_start3A, %dma_start3A_30] : memref<40x128xi32, #tpu.memory_space<vmem>> -> memref<1x128xi32, #tpu.memory_space<vmem>>
    %dma_start3A_32 = tpu.memref_squeeze %dma_start3A_31 : memref<1x128xi32, #tpu.memory_space<vmem>> -> memref<128xi32, #tpu.memory_space<vmem>>
    %dma_start3A_33 = arith.constant 0 : i32
    %dma_start3A_34 = arith.constant 0 : i32
    %dma_start3A_35 = tpu.memref_slice %arg2[%dma_start3A_33, %dma_start3A_34] : memref<10000x128xf32, #tpu.memory_space<hbm>> -> memref<10000x128xf32, #tpu.memory_space<hbm>>
    tpu.enqueue_indirect_dma source(%dma_start3A_35 : memref<10000x128xf32, #tpu.memory_space<hbm>>) target(%arg8 : memref<128x128xf32, #tpu.memory_space<vmem>>) offsets(%dma_start3A_32 : memref<128xi32, #tpu.memory_space<vmem>>) semaphore(%arg11 : memref<!tpu.dma_semaphore, #tpu.memory_space<semaphore_mem>>)
    %scan3A_36 = arith.constant 0 : i32
    %scan3A_37 = arith.constant 0 : i32
    %scan3A_38 = arith.constant 20 : i32
    %scan3A_39 = arith.addi %scan3A_37, %scan3A_38 : i32
    %scan3A_40 = arith.constant 1 : i32
    scf.for %scan3A_113 = %scan3A_37 to %scan3A_39 step %scan3A_40  : i32 {
      %mul3A_114 = arith.constant 2 : i32
      %mul3A_115 = arith.muli %mul3A_114, %scan3A_113 : i32
      %add3A_116 = arith.constant 1 : i32
      %add3A_117 = arith.addi %mul3A_115, %add3A_116 : i32
      %dma_start3A_118 = arith.constant 0 : i32
      %dma_start3A_119 = tpu.memref_slice %arg6[%add3A_117, %dma_start3A_118] : memref<40x128xi32, #tpu.memory_space<vmem>> -> memref<1x128xi32, #tpu.memory_space<vmem>>
      %dma_start3A_120 = tpu.memref_squeeze %dma_start3A_119 : memref<1x128xi32, #tpu.memory_space<vmem>> -> memref<128xi32, #tpu.memory_space<vmem>>
      %dma_start3A_121 = arith.constant 0 : i32
      %dma_start3A_122 = arith.constant 0 : i32
      %dma_start3A_123 = tpu.memref_slice %arg2[%dma_start3A_121, %dma_start3A_122] : memref<10000x128xf32, #tpu.memory_space<hbm>> -> memref<10000x128xf32, #tpu.memory_space<hbm>>
      tpu.enqueue_indirect_dma source(%dma_start3A_123 : memref<10000x128xf32, #tpu.memory_space<hbm>>) target(%arg9 : memref<128x128xf32, #tpu.memory_space<vmem>>) offsets(%dma_start3A_120 : memref<128xi32, #tpu.memory_space<vmem>>) semaphore(%arg12 : memref<!tpu.dma_semaphore, #tpu.memory_space<semaphore_mem>>)
      %dma_wait3A = arith.constant 0 : i32
      %dma_wait3A_124 = arith.constant 0 : i32
      %dma_wait3A_125 = tpu.memref_slice %arg2[%dma_wait3A, %dma_wait3A_124] : memref<10000x128xf32, #tpu.memory_space<hbm>> -> memref<128x128xf32, #tpu.memory_space<hbm>>
      %dma_wait3A_126 = arith.constant 0 : i32
      %dma_wait3A_127 = arith.constant 0 : i32
      %dma_wait3A_128 = tpu.memref_slice %arg2[%dma_wait3A_126, %dma_wait3A_127] : memref<10000x128xf32, #tpu.memory_space<hbm>> -> memref<128x128xf32, #tpu.memory_space<hbm>>
      tpu.wait_dma2 semaphore(%arg11 : memref<!tpu.dma_semaphore, #tpu.memory_space<semaphore_mem>>) src(%dma_wait3A_128 : memref<128x128xf32, #tpu.memory_space<hbm>>) dst(%arg8 : memref<128x128xf32, #tpu.memory_space<vmem>>)
      "tpu.region"() ({
        %run_scoped3A = tpu.sem_alloc : memref<!tpu.dma_semaphore, #tpu.memory_space<semaphore_mem>>
        %dma_start3A_142 = arith.constant 0 : i32
        %dma_start3A_143 = tpu.memref_slice %arg7[%mul3A_115, %dma_start3A_142] : memref<40x128xi32, #tpu.memory_space<vmem>> -> memref<1x128xi32, #tpu.memory_space<vmem>>
        %dma_start3A_144 = tpu.memref_squeeze %dma_start3A_143 : memref<1x128xi32, #tpu.memory_space<vmem>> -> memref<128xi32, #tpu.memory_space<vmem>>
        %dma_start3A_145 = arith.constant 0 : i32
        %dma_start3A_146 = arith.constant 0 : i32
        %dma_start3A_147 = tpu.memref_slice %arg10[%dma_start3A_145, %dma_start3A_146] : memref<10240x128xf32, #tpu.memory_space<vmem_shared>> -> memref<10240x128xf32, #tpu.memory_space<vmem_shared>>
        tpu.enqueue_indirect_dma source(%arg8 : memref<128x128xf32, #tpu.memory_space<vmem>>) target(%dma_start3A_147 : memref<10240x128xf32, #tpu.memory_space<vmem_shared>>) offsets(%dma_start3A_144 : memref<128xi32, #tpu.memory_space<vmem>>) semaphore(%run_scoped3A : memref<!tpu.dma_semaphore, #tpu.memory_space<semaphore_mem>>) {add = true}
        %dma_wait3A_148 = arith.constant 0 : i32
        %dma_wait3A_149 = tpu.memref_slice %arg7[%mul3A_115, %dma_wait3A_148] : memref<40x128xi32, #tpu.memory_space<vmem>> -> memref<1x128xi32, #tpu.memory_space<vmem>>
        %dma_wait3A_150 = tpu.memref_squeeze %dma_wait3A_149 : memref<1x128xi32, #tpu.memory_space<vmem>> -> memref<128xi32, #tpu.memory_space<vmem>>
        %dma_wait3A_151 = arith.constant 0 : i32
        %dma_wait3A_152 = arith.constant 0 : i32
        %dma_wait3A_153 = tpu.memref_slice %arg10[%dma_wait3A_151, %dma_wait3A_152] : memref<10240x128xf32, #tpu.memory_space<vmem_shared>> -> memref<10240x128xf32, #tpu.memory_space<vmem_shared>>
        tpu.wait_indirect_dma semaphore(%run_scoped3A : memref<!tpu.dma_semaphore, #tpu.memory_space<semaphore_mem>>) src(%arg8 : memref<128x128xf32, #tpu.memory_space<vmem>>) dst(%dma_wait3A_153 : memref<10240x128xf32, #tpu.memory_space<vmem_shared>>)
        tpu.yield
      }) : () -> ()
      %lt3A_129 = arith.constant 19 : i32
      %lt3A_130 = arith.cmpi slt, %scan3A_113, %lt3A_129 : i32
      %convert_element_type3A_131 = arith.extui %lt3A_130 : i1 to i32
      %cond3A_132 = arith.constant 0 : i32
      %cond3A_133 = arith.cmpi ne, %convert_element_type3A_131, %cond3A_132 : i32
      scf.if %cond3A_133 {
        %add3A_142 = arith.constant 2 : i32
        %add3A_143 = arith.addi %mul3A_115, %add3A_142 : i32
        %dma_start3A_144 = arith.constant 0 : i32
        %dma_start3A_145 = tpu.memref_slice %arg6[%add3A_143, %dma_start3A_144] : memref<40x128xi32, #tpu.memory_space<vmem>> -> memref<1x128xi32, #tpu.memory_space<vmem>>
        %dma_start3A_146 = tpu.memref_squeeze %dma_start3A_145 : memref<1x128xi32, #tpu.memory_space<vmem>> -> memref<128xi32, #tpu.memory_space<vmem>>
        %dma_start3A_147 = arith.constant 0 : i32
        %dma_start3A_148 = arith.constant 0 : i32
        %dma_start3A_149 = tpu.memref_slice %arg2[%dma_start3A_147, %dma_start3A_148] : memref<10000x128xf32, #tpu.memory_space<hbm>> -> memref<10000x128xf32, #tpu.memory_space<hbm>>
        tpu.enqueue_indirect_dma source(%dma_start3A_149 : memref<10000x128xf32, #tpu.memory_space<hbm>>) target(%arg8 : memref<128x128xf32, #tpu.memory_space<vmem>>) offsets(%dma_start3A_146 : memref<128xi32, #tpu.memory_space<vmem>>) semaphore(%arg11 : memref<!tpu.dma_semaphore, #tpu.memory_space<semaphore_mem>>)
      } else {
      }
      %dma_wait3A_134 = arith.constant 0 : i32
      %dma_wait3A_135 = tpu.memref_slice %arg6[%add3A_117, %dma_wait3A_134] : memref<40x128xi32, #tpu.memory_space<vmem>> -> memref<1x128xi32, #tpu.memory_space<vmem>>
      %dma_wait3A_136 = tpu.memref_squeeze %dma_wait3A_135 : memref<1x128xi32, #tpu.memory_space<vmem>> -> memref<128xi32, #tpu.memory_space<vmem>>
      %dma_wait3A_137 = arith.constant 0 : i32
      %dma_wait3A_138 = arith.constant 0 : i32
      %dma_wait3A_139 = tpu.memref_slice %arg2[%dma_wait3A_137, %dma_wait3A_138] : memref<10000x128xf32, #tpu.memory_space<hbm>> -> memref<10000x128xf32, #tpu.memory_space<hbm>>
      tpu.wait_indirect_dma semaphore(%arg12 : memref<!tpu.dma_semaphore, #tpu.memory_space<semaphore_mem>>) src(%dma_wait3A_139 : memref<10000x128xf32, #tpu.memory_space<hbm>>) dst(%arg9 : memref<128x128xf32, #tpu.memory_space<vmem>>)
      %add3A_140 = arith.constant 1 : i32
      %add3A_141 = arith.addi %mul3A_115, %add3A_140 : i32
      "tpu.region"() ({
        %run_scoped3A = tpu.sem_alloc : memref<!tpu.dma_semaphore, #tpu.memory_space<semaphore_mem>>
        %dma_start3A_142 = arith.constant 0 : i32
        %dma_start3A_143 = tpu.memref_slice %arg7[%add3A_141, %dma_start3A_142] : memref<40x128xi32, #tpu.memory_space<vmem>> -> memref<1x128xi32, #tpu.memory_space<vmem>>
        %dma_start3A_144 = tpu.memref_squeeze %dma_start3A_143 : memref<1x128xi32, #tpu.memory_space<vmem>> -> memref<128xi32, #tpu.memory_space<vmem>>
        %dma_start3A_145 = arith.constant 0 : i32
        %dma_start3A_146 = arith.constant 0 : i32
        %dma_start3A_147 = tpu.memref_slice %arg10[%dma_start3A_145, %dma_start3A_146] : memref<10240x128xf32, #tpu.memory_space<vmem_shared>> -> memref<10240x128xf32, #tpu.memory_space<vmem_shared>>
        tpu.enqueue_indirect_dma source(%arg9 : memref<128x128xf32, #tpu.memory_space<vmem>>) target(%dma_start3A_147 : memref<10240x128xf32, #tpu.memory_space<vmem_shared>>) offsets(%dma_start3A_144 : memref<128xi32, #tpu.memory_space<vmem>>) semaphore(%run_scoped3A : memref<!tpu.dma_semaphore, #tpu.memory_space<semaphore_mem>>) {add = true}
        %dma_wait3A_148 = arith.constant 0 : i32
        %dma_wait3A_149 = tpu.memref_slice %arg7[%add3A_141, %dma_wait3A_148] : memref<40x128xi32, #tpu.memory_space<vmem>> -> memref<1x128xi32, #tpu.memory_space<vmem>>
        %dma_wait3A_150 = tpu.memref_squeeze %dma_wait3A_149 : memref<1x128xi32, #tpu.memory_space<vmem>> -> memref<128xi32, #tpu.memory_space<vmem>>
        %dma_wait3A_151 = arith.constant 0 : i32
        %dma_wait3A_152 = arith.constant 0 : i32
        %dma_wait3A_153 = tpu.memref_slice %arg10[%dma_wait3A_151, %dma_wait3A_152] : memref<10240x128xf32, #tpu.memory_space<vmem_shared>> -> memref<10240x128xf32, #tpu.memory_space<vmem_shared>>
        tpu.wait_indirect_dma semaphore(%run_scoped3A : memref<!tpu.dma_semaphore, #tpu.memory_space<semaphore_mem>>) src(%arg9 : memref<128x128xf32, #tpu.memory_space<vmem>>) dst(%dma_wait3A_153 : memref<10240x128xf32, #tpu.memory_space<vmem_shared>>)
        tpu.yield
      }) : () -> ()
    }
    %scan3A_41 = arith.constant 20 : i32
    %mul3A_42 = arith.constant 80 : i32
    %mul3A_43 = arith.muli %add3A, %mul3A_42 : i32
    %add3A_44 = arith.constant 40 : i32
    %add3A_45 = arith.addi %mul3A_43, %add3A_44 : i32
    "tpu.region"() ({
      %run_scoped3A = tpu.sem_alloc : memref<!tpu.dma_semaphore, #tpu.memory_space<semaphore_mem>>
      %dma_start3A_113 = arith.constant 0 : i32
      %dma_start3A_114 = tpu.memref_slice %arg3[%add3A_45, %dma_start3A_113] : memref<2560x128xi32, #tpu.memory_space<hbm>> -> memref<40x128xi32, #tpu.memory_space<hbm>>
      %dma_start3A_115 = arith.constant 0 : i32
      %dma_start3A_116 = tpu.memref_slice %arg3[%add3A_45, %dma_start3A_115] : memref<2560x128xi32, #tpu.memory_space<hbm>> -> memref<40x128xi32, #tpu.memory_space<hbm>>
      tpu.enqueue_dma source(%dma_start3A_116 : memref<40x128xi32, #tpu.memory_space<hbm>>) target(%arg6 : memref<40x128xi32, #tpu.memory_space<vmem>>) target_semaphore(%run_scoped3A : memref<!tpu.dma_semaphore, #tpu.memory_space<semaphore_mem>>)
      %dma_wait3A = arith.constant 0 : i32
      %dma_wait3A_117 = tpu.memref_slice %arg3[%add3A_45, %dma_wait3A] : memref<2560x128xi32, #tpu.memory_space<hbm>> -> memref<40x128xi32, #tpu.memory_space<hbm>>
      %dma_wait3A_118 = arith.constant 0 : i32
      %dma_wait3A_119 = tpu.memref_slice %arg3[%add3A_45, %dma_wait3A_118] : memref<2560x128xi32, #tpu.memory_space<hbm>> -> memref<40x128xi32, #tpu.memory_space<hbm>>
      tpu.wait_dma2 semaphore(%run_scoped3A : memref<!tpu.dma_semaphore, #tpu.memory_space<semaphore_mem>>) src(%dma_wait3A_119 : memref<40x128xi32, #tpu.memory_space<hbm>>) dst(%arg6 : memref<40x128xi32, #tpu.memory_space<vmem>>)
      tpu.yield
    }) : () -> ()
    "tpu.region"() ({
      %run_scoped3A = tpu.sem_alloc : memref<!tpu.dma_semaphore, #tpu.memory_space<semaphore_mem>>
      %dma_start3A_113 = arith.constant 0 : i32
      %dma_start3A_114 = tpu.memref_slice %arg4[%add3A_45, %dma_start3A_113] : memref<2560x128xi32, #tpu.memory_space<hbm>> -> memref<40x128xi32, #tpu.memory_space<hbm>>
      %dma_start3A_115 = arith.constant 0 : i32
      %dma_start3A_116 = tpu.memref_slice %arg4[%add3A_45, %dma_start3A_115] : memref<2560x128xi32, #tpu.memory_space<hbm>> -> memref<40x128xi32, #tpu.memory_space<hbm>>
      tpu.enqueue_dma source(%dma_start3A_116 : memref<40x128xi32, #tpu.memory_space<hbm>>) target(%arg7 : memref<40x128xi32, #tpu.memory_space<vmem>>) target_semaphore(%run_scoped3A : memref<!tpu.dma_semaphore, #tpu.memory_space<semaphore_mem>>)
      %dma_wait3A = arith.constant 0 : i32
      %dma_wait3A_117 = tpu.memref_slice %arg4[%add3A_45, %dma_wait3A] : memref<2560x128xi32, #tpu.memory_space<hbm>> -> memref<40x128xi32, #tpu.memory_space<hbm>>
      %dma_wait3A_118 = arith.constant 0 : i32
      %dma_wait3A_119 = tpu.memref_slice %arg4[%add3A_45, %dma_wait3A_118] : memref<2560x128xi32, #tpu.memory_space<hbm>> -> memref<40x128xi32, #tpu.memory_space<hbm>>
      tpu.wait_dma2 semaphore(%run_scoped3A : memref<!tpu.dma_semaphore, #tpu.memory_space<semaphore_mem>>) src(%dma_wait3A_119 : memref<40x128xi32, #tpu.memory_space<hbm>>) dst(%arg7 : memref<40x128xi32, #tpu.memory_space<vmem>>)
      tpu.yield
    }) : () -> ()
    %dma_start3A_46 = arith.constant 0 : i32
    %dma_start3A_47 = arith.constant 0 : i32
    %dma_start3A_48 = tpu.memref_slice %arg6[%dma_start3A_46, %dma_start3A_47] : memref<40x128xi32, #tpu.memory_space<vmem>> -> memref<1x128xi32, #tpu.memory_space<vmem>>
    %dma_start3A_49 = tpu.memref_squeeze %dma_start3A_48 : memref<1x128xi32, #tpu.memory_space<vmem>> -> memref<128xi32, #tpu.memory_space<vmem>>
    %dma_start3A_50 = arith.constant 0 : i32
    %dma_start3A_51 = arith.constant 0 : i32
    %dma_start3A_52 = tpu.memref_slice %arg2[%dma_start3A_50, %dma_start3A_51] : memref<10000x128xf32, #tpu.memory_space<hbm>> -> memref<10000x128xf32, #tpu.memory_space<hbm>>
    tpu.enqueue_indirect_dma source(%dma_start3A_52 : memref<10000x128xf32, #tpu.memory_space<hbm>>) target(%arg8 : memref<128x128xf32, #tpu.memory_space<vmem>>) offsets(%dma_start3A_49 : memref<128xi32, #tpu.memory_space<vmem>>) semaphore(%arg11 : memref<!tpu.dma_semaphore, #tpu.memory_space<semaphore_mem>>)
    %scan3A_53 = arith.constant 0 : i32
    %scan3A_54 = arith.constant 0 : i32
    %scan3A_55 = arith.constant 20 : i32
    %scan3A_56 = arith.addi %scan3A_54, %scan3A_55 : i32
    %scan3A_57 = arith.constant 1 : i32
    scf.for %scan3A_113 = %scan3A_54 to %scan3A_56 step %scan3A_57  : i32 {
      %mul3A_114 = arith.constant 2 : i32
      %mul3A_115 = arith.muli %mul3A_114, %scan3A_113 : i32
      %add3A_116 = arith.constant 1 : i32
      %add3A_117 = arith.addi %mul3A_115, %add3A_116 : i32
      %dma_start3A_118 = arith.constant 0 : i32
      %dma_start3A_119 = tpu.memref_slice %arg6[%add3A_117, %dma_start3A_118] : memref<40x128xi32, #tpu.memory_space<vmem>> -> memref<1x128xi32, #tpu.memory_space<vmem>>
      %dma_start3A_120 = tpu.memref_squeeze %dma_start3A_119 : memref<1x128xi32, #tpu.memory_space<vmem>> -> memref<128xi32, #tpu.memory_space<vmem>>
      %dma_start3A_121 = arith.constant 0 : i32
      %dma_start3A_122 = arith.constant 0 : i32
      %dma_start3A_123 = tpu.memref_slice %arg2[%dma_start3A_121, %dma_start3A_122] : memref<10000x128xf32, #tpu.memory_space<hbm>> -> memref<10000x128xf32, #tpu.memory_space<hbm>>
      tpu.enqueue_indirect_dma source(%dma_start3A_123 : memref<10000x128xf32, #tpu.memory_space<hbm>>) target(%arg9 : memref<128x128xf32, #tpu.memory_space<vmem>>) offsets(%dma_start3A_120 : memref<128xi32, #tpu.memory_space<vmem>>) semaphore(%arg12 : memref<!tpu.dma_semaphore, #tpu.memory_space<semaphore_mem>>)
      %dma_wait3A = arith.constant 0 : i32
      %dma_wait3A_124 = arith.constant 0 : i32
      %dma_wait3A_125 = tpu.memref_slice %arg2[%dma_wait3A, %dma_wait3A_124] : memref<10000x128xf32, #tpu.memory_space<hbm>> -> memref<128x128xf32, #tpu.memory_space<hbm>>
      %dma_wait3A_126 = arith.constant 0 : i32
      %dma_wait3A_127 = arith.constant 0 : i32
      %dma_wait3A_128 = tpu.memref_slice %arg2[%dma_wait3A_126, %dma_wait3A_127] : memref<10000x128xf32, #tpu.memory_space<hbm>> -> memref<128x128xf32, #tpu.memory_space<hbm>>
      tpu.wait_dma2 semaphore(%arg11 : memref<!tpu.dma_semaphore, #tpu.memory_space<semaphore_mem>>) src(%dma_wait3A_128 : memref<128x128xf32, #tpu.memory_space<hbm>>) dst(%arg8 : memref<128x128xf32, #tpu.memory_space<vmem>>)
      "tpu.region"() ({
        %run_scoped3A = tpu.sem_alloc : memref<!tpu.dma_semaphore, #tpu.memory_space<semaphore_mem>>
        %dma_start3A_142 = arith.constant 0 : i32
        %dma_start3A_143 = tpu.memref_slice %arg7[%mul3A_115, %dma_start3A_142] : memref<40x128xi32, #tpu.memory_space<vmem>> -> memref<1x128xi32, #tpu.memory_space<vmem>>
        %dma_start3A_144 = tpu.memref_squeeze %dma_start3A_143 : memref<1x128xi32, #tpu.memory_space<vmem>> -> memref<128xi32, #tpu.memory_space<vmem>>
        %dma_start3A_145 = arith.constant 0 : i32
        %dma_start3A_146 = arith.constant 0 : i32
        %dma_start3A_147 = tpu.memref_slice %arg10[%dma_start3A_145, %dma_start3A_146] : memref<10240x128xf32, #tpu.memory_space<vmem_shared>> -> memref<10240x128xf32, #tpu.memory_space<vmem_shared>>
        tpu.enqueue_indirect_dma source(%arg8 : memref<128x128xf32, #tpu.memory_space<vmem>>) target(%dma_start3A_147 : memref<10240x128xf32, #tpu.memory_space<vmem_shared>>) offsets(%dma_start3A_144 : memref<128xi32, #tpu.memory_space<vmem>>) semaphore(%run_scoped3A : memref<!tpu.dma_semaphore, #tpu.memory_space<semaphore_mem>>) {add = true}
        %dma_wait3A_148 = arith.constant 0 : i32
        %dma_wait3A_149 = tpu.memref_slice %arg7[%mul3A_115, %dma_wait3A_148] : memref<40x128xi32, #tpu.memory_space<vmem>> -> memref<1x128xi32, #tpu.memory_space<vmem>>
        %dma_wait3A_150 = tpu.memref_squeeze %dma_wait3A_149 : memref<1x128xi32, #tpu.memory_space<vmem>> -> memref<128xi32, #tpu.memory_space<vmem>>
        %dma_wait3A_151 = arith.constant 0 : i32
        %dma_wait3A_152 = arith.constant 0 : i32
        %dma_wait3A_153 = tpu.memref_slice %arg10[%dma_wait3A_151, %dma_wait3A_152] : memref<10240x128xf32, #tpu.memory_space<vmem_shared>> -> memref<10240x128xf32, #tpu.memory_space<vmem_shared>>
        tpu.wait_indirect_dma semaphore(%run_scoped3A : memref<!tpu.dma_semaphore, #tpu.memory_space<semaphore_mem>>) src(%arg8 : memref<128x128xf32, #tpu.memory_space<vmem>>) dst(%dma_wait3A_153 : memref<10240x128xf32, #tpu.memory_space<vmem_shared>>)
        tpu.yield
      }) : () -> ()
      %lt3A_129 = arith.constant 19 : i32
      %lt3A_130 = arith.cmpi slt, %scan3A_113, %lt3A_129 : i32
      %convert_element_type3A_131 = arith.extui %lt3A_130 : i1 to i32
      %cond3A_132 = arith.constant 0 : i32
      %cond3A_133 = arith.cmpi ne, %convert_element_type3A_131, %cond3A_132 : i32
      scf.if %cond3A_133 {
        %add3A_142 = arith.constant 2 : i32
        %add3A_143 = arith.addi %mul3A_115, %add3A_142 : i32
        %dma_start3A_144 = arith.constant 0 : i32
        %dma_start3A_145 = tpu.memref_slice %arg6[%add3A_143, %dma_start3A_144] : memref<40x128xi32, #tpu.memory_space<vmem>> -> memref<1x128xi32, #tpu.memory_space<vmem>>
        %dma_start3A_146 = tpu.memref_squeeze %dma_start3A_145 : memref<1x128xi32, #tpu.memory_space<vmem>> -> memref<128xi32, #tpu.memory_space<vmem>>
        %dma_start3A_147 = arith.constant 0 : i32
        %dma_start3A_148 = arith.constant 0 : i32
        %dma_start3A_149 = tpu.memref_slice %arg2[%dma_start3A_147, %dma_start3A_148] : memref<10000x128xf32, #tpu.memory_space<hbm>> -> memref<10000x128xf32, #tpu.memory_space<hbm>>
        tpu.enqueue_indirect_dma source(%dma_start3A_149 : memref<10000x128xf32, #tpu.memory_space<hbm>>) target(%arg8 : memref<128x128xf32, #tpu.memory_space<vmem>>) offsets(%dma_start3A_146 : memref<128xi32, #tpu.memory_space<vmem>>) semaphore(%arg11 : memref<!tpu.dma_semaphore, #tpu.memory_space<semaphore_mem>>)
      } else {
      }
      %dma_wait3A_134 = arith.constant 0 : i32
      %dma_wait3A_135 = tpu.memref_slice %arg6[%add3A_117, %dma_wait3A_134] : memref<40x128xi32, #tpu.memory_space<vmem>> -> memref<1x128xi32, #tpu.memory_space<vmem>>
      %dma_wait3A_136 = tpu.memref_squeeze %dma_wait3A_135 : memref<1x128xi32, #tpu.memory_space<vmem>> -> memref<128xi32, #tpu.memory_space<vmem>>
      %dma_wait3A_137 = arith.constant 0 : i32
      %dma_wait3A_138 = arith.constant 0 : i32
      %dma_wait3A_139 = tpu.memref_slice %arg2[%dma_wait3A_137, %dma_wait3A_138] : memref<10000x128xf32, #tpu.memory_space<hbm>> -> memref<10000x128xf32, #tpu.memory_space<hbm>>
      tpu.wait_indirect_dma semaphore(%arg12 : memref<!tpu.dma_semaphore, #tpu.memory_space<semaphore_mem>>) src(%dma_wait3A_139 : memref<10000x128xf32, #tpu.memory_space<hbm>>) dst(%arg9 : memref<128x128xf32, #tpu.memory_space<vmem>>)
      %add3A_140 = arith.constant 1 : i32
      %add3A_141 = arith.addi %mul3A_115, %add3A_140 : i32
      "tpu.region"() ({
        %run_scoped3A = tpu.sem_alloc : memref<!tpu.dma_semaphore, #tpu.memory_space<semaphore_mem>>
        %dma_start3A_142 = arith.constant 0 : i32
        %dma_start3A_143 = tpu.memref_slice %arg7[%add3A_141, %dma_start3A_142] : memref<40x128xi32, #tpu.memory_space<vmem>> -> memref<1x128xi32, #tpu.memory_space<vmem>>
        %dma_start3A_144 = tpu.memref_squeeze %dma_start3A_143 : memref<1x128xi32, #tpu.memory_space<vmem>> -> memref<128xi32, #tpu.memory_space<vmem>>
        %dma_start3A_145 = arith.constant 0 : i32
        %dma_start3A_146 = arith.constant 0 : i32
        %dma_start3A_147 = tpu.memref_slice %arg10[%dma_start3A_145, %dma_start3A_146] : memref<10240x128xf32, #tpu.memory_space<vmem_shared>> -> memref<10240x128xf32, #tpu.memory_space<vmem_shared>>
        tpu.enqueue_indirect_dma source(%arg9 : memref<128x128xf32, #tpu.memory_space<vmem>>) target(%dma_start3A_147 : memref<10240x128xf32, #tpu.memory_space<vmem_shared>>) offsets(%dma_start3A_144 : memref<128xi32, #tpu.memory_space<vmem>>) semaphore(%run_scoped3A : memref<!tpu.dma_semaphore, #tpu.memory_space<semaphore_mem>>) {add = true}
        %dma_wait3A_148 = arith.constant 0 : i32
        %dma_wait3A_149 = tpu.memref_slice %arg7[%add3A_141, %dma_wait3A_148] : memref<40x128xi32, #tpu.memory_space<vmem>> -> memref<1x128xi32, #tpu.memory_space<vmem>>
        %dma_wait3A_150 = tpu.memref_squeeze %dma_wait3A_149 : memref<1x128xi32, #tpu.memory_space<vmem>> -> memref<128xi32, #tpu.memory_space<vmem>>
        %dma_wait3A_151 = arith.constant 0 : i32
        %dma_wait3A_152 = arith.constant 0 : i32
        %dma_wait3A_153 = tpu.memref_slice %arg10[%dma_wait3A_151, %dma_wait3A_152] : memref<10240x128xf32, #tpu.memory_space<vmem_shared>> -> memref<10240x128xf32, #tpu.memory_space<vmem_shared>>
        tpu.wait_indirect_dma semaphore(%run_scoped3A : memref<!tpu.dma_semaphore, #tpu.memory_space<semaphore_mem>>) src(%arg9 : memref<128x128xf32, #tpu.memory_space<vmem>>) dst(%dma_wait3A_153 : memref<10240x128xf32, #tpu.memory_space<vmem_shared>>)
        tpu.yield
      }) : () -> ()
    }
    %scan3A_58 = arith.constant 20 : i32
    %barrier3A_59 = arith.constant 0 : index
    tpu.barrier barrier_id(%barrier3A_59)
    %add3A_60 = arith.constant 0 : i32
    %add3A_61 = arith.addi %arg1, %add3A_60 : i32
    %lt3A = arith.constant 125 : i32
    %lt3A_62 = arith.cmpi slt, %add3A_61, %lt3A : i32
    %convert_element_type3A = arith.extui %lt3A_62 : i1 to i32
    %cond3A = arith.constant 0 : i32
    %cond3A_63 = arith.cmpi ne, %convert_element_type3A, %cond3A : i32
    scf.if %cond3A_63 {
      %mul3A_113 = arith.constant 80 : i32
      %mul3A_114 = arith.muli %add3A_61, %mul3A_113 : i32
      "tpu.region"() ({
        %run_scoped3A = tpu.sem_alloc : memref<!tpu.dma_semaphore, #tpu.memory_space<semaphore_mem>>
        %dma_start3A_115 = arith.constant 0 : i32
        %dma_start3A_116 = arith.constant 0 : i32
        %dma_start3A_117 = tpu.memref_slice %arg8[%dma_start3A_115, %dma_start3A_116] : memref<128x128xf32, #tpu.memory_space<vmem>> -> memref<80x128xf32, #tpu.memory_space<vmem>>
        %dma_start3A_118 = arith.constant 0 : i32
        %dma_start3A_119 = tpu.memref_slice %arg10[%mul3A_114, %dma_start3A_118] : memref<10240x128xf32, #tpu.memory_space<vmem_shared>> -> memref<80x128xf32, #tpu.memory_space<vmem_shared>>
        %dma_start3A_120 = arith.constant 0 : i32
        %dma_start3A_121 = arith.constant 0 : i32
        %dma_start3A_122 = tpu.memref_slice %arg8[%dma_start3A_120, %dma_start3A_121] : memref<128x128xf32, #tpu.memory_space<vmem>> -> memref<80x128xf32, #tpu.memory_space<vmem>>
        %dma_start3A_123 = arith.constant 0 : i32
        %dma_start3A_124 = tpu.memref_slice %arg10[%mul3A_114, %dma_start3A_123] : memref<10240x128xf32, #tpu.memory_space<vmem_shared>> -> memref<80x128xf32, #tpu.memory_space<vmem_shared>>
        tpu.enqueue_dma source(%dma_start3A_124 : memref<80x128xf32, #tpu.memory_space<vmem_shared>>) target(%dma_start3A_122 : memref<80x128xf32, #tpu.memory_space<vmem>>) target_semaphore(%run_scoped3A : memref<!tpu.dma_semaphore, #tpu.memory_space<semaphore_mem>>)
        %dma_wait3A = arith.constant 0 : i32
        %dma_wait3A_125 = arith.constant 0 : i32
        %dma_wait3A_126 = tpu.memref_slice %arg8[%dma_wait3A, %dma_wait3A_125] : memref<128x128xf32, #tpu.memory_space<vmem>> -> memref<80x128xf32, #tpu.memory_space<vmem>>
        %dma_wait3A_127 = arith.constant 0 : i32
        %dma_wait3A_128 = tpu.memref_slice %arg10[%mul3A_114, %dma_wait3A_127] : memref<10240x128xf32, #tpu.memory_space<vmem_shared>> -> memref<80x128xf32, #tpu.memory_space<vmem_shared>>
        %dma_wait3A_129 = arith.constant 0 : i32
        %dma_wait3A_130 = arith.constant 0 : i32
        %dma_wait3A_131 = tpu.memref_slice %arg8[%dma_wait3A_129, %dma_wait3A_130] : memref<128x128xf32, #tpu.memory_space<vmem>> -> memref<80x128xf32, #tpu.memory_space<vmem>>
        %dma_wait3A_132 = arith.constant 0 : i32
        %dma_wait3A_133 = tpu.memref_slice %arg10[%mul3A_114, %dma_wait3A_132] : memref<10240x128xf32, #tpu.memory_space<vmem_shared>> -> memref<80x128xf32, #tpu.memory_space<vmem_shared>>
        tpu.wait_dma2 semaphore(%run_scoped3A : memref<!tpu.dma_semaphore, #tpu.memory_space<semaphore_mem>>) src(%dma_wait3A_133 : memref<80x128xf32, #tpu.memory_space<vmem_shared>>) dst(%dma_wait3A_131 : memref<80x128xf32, #tpu.memory_space<vmem>>)
        tpu.yield
      }) : () -> ()
      "tpu.region"() ({
        %run_scoped3A = tpu.sem_alloc : memref<!tpu.dma_semaphore, #tpu.memory_space<semaphore_mem>>
        %dma_start3A_115 = arith.constant 0 : i32
        %dma_start3A_116 = arith.constant 0 : i32
        %dma_start3A_117 = tpu.memref_slice %arg8[%dma_start3A_115, %dma_start3A_116] : memref<128x128xf32, #tpu.memory_space<vmem>> -> memref<80x128xf32, #tpu.memory_space<vmem>>
        %dma_start3A_118 = arith.constant 0 : i32
        %dma_start3A_119 = tpu.memref_slice %arg5[%arg0, %mul3A_114, %dma_start3A_118] : memref<2x10000x128xf32, #tpu.memory_space<hbm>> -> memref<1x80x128xf32, #tpu.memory_space<hbm>>
        %dma_start3A_120 = tpu.memref_squeeze %dma_start3A_119 : memref<1x80x128xf32, #tpu.memory_space<hbm>> -> memref<80x128xf32, #tpu.memory_space<hbm>>
        %dma_start3A_121 = arith.constant 0 : i32
        %dma_start3A_122 = tpu.memref_slice %arg5[%arg0, %mul3A_114, %dma_start3A_121] : memref<2x10000x128xf32, #tpu.memory_space<hbm>> -> memref<1x80x128xf32, #tpu.memory_space<hbm>>
        %dma_start3A_123 = tpu.memref_squeeze %dma_start3A_122 : memref<1x80x128xf32, #tpu.memory_space<hbm>> -> memref<80x128xf32, #tpu.memory_space<hbm>>
        %dma_start3A_124 = arith.constant 0 : i32
        %dma_start3A_125 = arith.constant 0 : i32
        %dma_start3A_126 = tpu.memref_slice %arg8[%dma_start3A_124, %dma_start3A_125] : memref<128x128xf32, #tpu.memory_space<vmem>> -> memref<80x128xf32, #tpu.memory_space<vmem>>
        tpu.enqueue_dma source(%dma_start3A_126 : memref<80x128xf32, #tpu.memory_space<vmem>>) target(%dma_start3A_123 : memref<80x128xf32, #tpu.memory_space<hbm>>) target_semaphore(%run_scoped3A : memref<!tpu.dma_semaphore, #tpu.memory_space<semaphore_mem>>)
        %dma_wait3A = arith.constant 0 : i32
        %dma_wait3A_127 = arith.constant 0 : i32
        %dma_wait3A_128 = tpu.memref_slice %arg8[%dma_wait3A, %dma_wait3A_127] : memref<128x128xf32, #tpu.memory_space<vmem>> -> memref<80x128xf32, #tpu.memory_space<vmem>>
        %dma_wait3A_129 = arith.constant 0 : i32
        %dma_wait3A_130 = tpu.memref_slice %arg5[%arg0, %mul3A_114, %dma_wait3A_129] : memref<2x10000x128xf32, #tpu.memory_space<hbm>> -> memref<1x80x128xf32, #tpu.memory_space<hbm>>
        %dma_wait3A_131 = tpu.memref_squeeze %dma_wait3A_130 : memref<1x80x128xf32, #tpu.memory_space<hbm>> -> memref<80x128xf32, #tpu.memory_space<hbm>>
        %dma_wait3A_132 = arith.constant 0 : i32
        %dma_wait3A_133 = tpu.memref_slice %arg5[%arg0, %mul3A_114, %dma_wait3A_132] : memref<2x10000x128xf32, #tpu.memory_space<hbm>> -> memref<1x80x128xf32, #tpu.memory_space<hbm>>
        %dma_wait3A_134 = tpu.memref_squeeze %dma_wait3A_133 : memref<1x80x128xf32, #tpu.memory_space<hbm>> -> memref<80x128xf32, #tpu.memory_space<hbm>>
        %dma_wait3A_135 = arith.constant 0 : i32
        %dma_wait3A_136 = arith.constant 0 : i32
        %dma_wait3A_137 = tpu.memref_slice %arg8[%dma_wait3A_135, %dma_wait3A_136] : memref<128x128xf32, #tpu.memory_space<vmem>> -> memref<80x128xf32, #tpu.memory_space<vmem>>
        tpu.wait_dma2 semaphore(%run_scoped3A : memref<!tpu.dma_semaphore, #tpu.memory_space<semaphore_mem>>) src(%dma_wait3A_137 : memref<80x128xf32, #tpu.memory_space<vmem>>) dst(%dma_wait3A_134 : memref<80x128xf32, #tpu.memory_space<hbm>>)
        tpu.yield
      }) : () -> ()
    } else {
    }
    %add3A_64 = arith.constant 16 : i32
    %add3A_65 = arith.addi %arg1, %add3A_64 : i32
    %lt3A_66 = arith.constant 125 : i32
    %lt3A_67 = arith.cmpi slt, %add3A_65, %lt3A_66 : i32
    %convert_element_type3A_68 = arith.extui %lt3A_67 : i1 to i32
    %cond3A_69 = arith.constant 0 : i32
    %cond3A_70 = arith.cmpi ne, %convert_element_type3A_68, %cond3A_69 : i32
    scf.if %cond3A_70 {
      %mul3A_113 = arith.constant 80 : i32
      %mul3A_114 = arith.muli %add3A_65, %mul3A_113 : i32
      "tpu.region"() ({
        %run_scoped3A = tpu.sem_alloc : memref<!tpu.dma_semaphore, #tpu.memory_space<semaphore_mem>>
        %dma_start3A_115 = arith.constant 0 : i32
        %dma_start3A_116 = arith.constant 0 : i32
        %dma_start3A_117 = tpu.memref_slice %arg8[%dma_start3A_115, %dma_start3A_116] : memref<128x128xf32, #tpu.memory_space<vmem>> -> memref<80x128xf32, #tpu.memory_space<vmem>>
        %dma_start3A_118 = arith.constant 0 : i32
        %dma_start3A_119 = tpu.memref_slice %arg10[%mul3A_114, %dma_start3A_118] : memref<10240x128xf32, #tpu.memory_space<vmem_shared>> -> memref<80x128xf32, #tpu.memory_space<vmem_shared>>
        %dma_start3A_120 = arith.constant 0 : i32
        %dma_start3A_121 = arith.constant 0 : i32
        %dma_start3A_122 = tpu.memref_slice %arg8[%dma_start3A_120, %dma_start3A_121] : memref<128x128xf32, #tpu.memory_space<vmem>> -> memref<80x128xf32, #tpu.memory_space<vmem>>
        %dma_start3A_123 = arith.constant 0 : i32
        %dma_start3A_124 = tpu.memref_slice %arg10[%mul3A_114, %dma_start3A_123] : memref<10240x128xf32, #tpu.memory_space<vmem_shared>> -> memref<80x128xf32, #tpu.memory_space<vmem_shared>>
        tpu.enqueue_dma source(%dma_start3A_124 : memref<80x128xf32, #tpu.memory_space<vmem_shared>>) target(%dma_start3A_122 : memref<80x128xf32, #tpu.memory_space<vmem>>) target_semaphore(%run_scoped3A : memref<!tpu.dma_semaphore, #tpu.memory_space<semaphore_mem>>)
        %dma_wait3A = arith.constant 0 : i32
        %dma_wait3A_125 = arith.constant 0 : i32
        %dma_wait3A_126 = tpu.memref_slice %arg8[%dma_wait3A, %dma_wait3A_125] : memref<128x128xf32, #tpu.memory_space<vmem>> -> memref<80x128xf32, #tpu.memory_space<vmem>>
        %dma_wait3A_127 = arith.constant 0 : i32
        %dma_wait3A_128 = tpu.memref_slice %arg10[%mul3A_114, %dma_wait3A_127] : memref<10240x128xf32, #tpu.memory_space<vmem_shared>> -> memref<80x128xf32, #tpu.memory_space<vmem_shared>>
        %dma_wait3A_129 = arith.constant 0 : i32
        %dma_wait3A_130 = arith.constant 0 : i32
        %dma_wait3A_131 = tpu.memref_slice %arg8[%dma_wait3A_129, %dma_wait3A_130] : memref<128x128xf32, #tpu.memory_space<vmem>> -> memref<80x128xf32, #tpu.memory_space<vmem>>
        %dma_wait3A_132 = arith.constant 0 : i32
        %dma_wait3A_133 = tpu.memref_slice %arg10[%mul3A_114, %dma_wait3A_132] : memref<10240x128xf32, #tpu.memory_space<vmem_shared>> -> memref<80x128xf32, #tpu.memory_space<vmem_shared>>
        tpu.wait_dma2 semaphore(%run_scoped3A : memref<!tpu.dma_semaphore, #tpu.memory_space<semaphore_mem>>) src(%dma_wait3A_133 : memref<80x128xf32, #tpu.memory_space<vmem_shared>>) dst(%dma_wait3A_131 : memref<80x128xf32, #tpu.memory_space<vmem>>)
        tpu.yield
      }) : () -> ()
      "tpu.region"() ({
        %run_scoped3A = tpu.sem_alloc : memref<!tpu.dma_semaphore, #tpu.memory_space<semaphore_mem>>
        %dma_start3A_115 = arith.constant 0 : i32
        %dma_start3A_116 = arith.constant 0 : i32
        %dma_start3A_117 = tpu.memref_slice %arg8[%dma_start3A_115, %dma_start3A_116] : memref<128x128xf32, #tpu.memory_space<vmem>> -> memref<80x128xf32, #tpu.memory_space<vmem>>
        %dma_start3A_118 = arith.constant 0 : i32
        %dma_start3A_119 = tpu.memref_slice %arg5[%arg0, %mul3A_114, %dma_start3A_118] : memref<2x10000x128xf32, #tpu.memory_space<hbm>> -> memref<1x80x128xf32, #tpu.memory_space<hbm>>
        %dma_start3A_120 = tpu.memref_squeeze %dma_start3A_119 : memref<1x80x128xf32, #tpu.memory_space<hbm>> -> memref<80x128xf32, #tpu.memory_space<hbm>>
        %dma_start3A_121 = arith.constant 0 : i32
        %dma_start3A_122 = tpu.memref_slice %arg5[%arg0, %mul3A_114, %dma_start3A_121] : memref<2x10000x128xf32, #tpu.memory_space<hbm>> -> memref<1x80x128xf32, #tpu.memory_space<hbm>>
        %dma_start3A_123 = tpu.memref_squeeze %dma_start3A_122 : memref<1x80x128xf32, #tpu.memory_space<hbm>> -> memref<80x128xf32, #tpu.memory_space<hbm>>
        %dma_start3A_124 = arith.constant 0 : i32
        %dma_start3A_125 = arith.constant 0 : i32
        %dma_start3A_126 = tpu.memref_slice %arg8[%dma_start3A_124, %dma_start3A_125] : memref<128x128xf32, #tpu.memory_space<vmem>> -> memref<80x128xf32, #tpu.memory_space<vmem>>
        tpu.enqueue_dma source(%dma_start3A_126 : memref<80x128xf32, #tpu.memory_space<vmem>>) target(%dma_start3A_123 : memref<80x128xf32, #tpu.memory_space<hbm>>) target_semaphore(%run_scoped3A : memref<!tpu.dma_semaphore, #tpu.memory_space<semaphore_mem>>)
        %dma_wait3A = arith.constant 0 : i32
        %dma_wait3A_127 = arith.constant 0 : i32
        %dma_wait3A_128 = tpu.memref_slice %arg8[%dma_wait3A, %dma_wait3A_127] : memref<128x128xf32, #tpu.memory_space<vmem>> -> memref<80x128xf32, #tpu.memory_space<vmem>>
        %dma_wait3A_129 = arith.constant 0 : i32
        %dma_wait3A_130 = tpu.memref_slice %arg5[%arg0, %mul3A_114, %dma_wait3A_129] : memref<2x10000x128xf32, #tpu.memory_space<hbm>> -> memref<1x80x128xf32, #tpu.memory_space<hbm>>
        %dma_wait3A_131 = tpu.memref_squeeze %dma_wait3A_130 : memref<1x80x128xf32, #tpu.memory_space<hbm>> -> memref<80x128xf32, #tpu.memory_space<hbm>>
        %dma_wait3A_132 = arith.constant 0 : i32
        %dma_wait3A_133 = tpu.memref_slice %arg5[%arg0, %mul3A_114, %dma_wait3A_132] : memref<2x10000x128xf32, #tpu.memory_space<hbm>> -> memref<1x80x128xf32, #tpu.memory_space<hbm>>
        %dma_wait3A_134 = tpu.memref_squeeze %dma_wait3A_133 : memref<1x80x128xf32, #tpu.memory_space<hbm>> -> memref<80x128xf32, #tpu.memory_space<hbm>>
        %dma_wait3A_135 = arith.constant 0 : i32
        %dma_wait3A_136 = arith.constant 0 : i32
        %dma_wait3A_137 = tpu.memref_slice %arg8[%dma_wait3A_135, %dma_wait3A_136] : memref<128x128xf32, #tpu.memory_space<vmem>> -> memref<80x128xf32, #tpu.memory_space<vmem>>
        tpu.wait_dma2 semaphore(%run_scoped3A : memref<!tpu.dma_semaphore, #tpu.memory_space<semaphore_mem>>) src(%dma_wait3A_137 : memref<80x128xf32, #tpu.memory_space<vmem>>) dst(%dma_wait3A_134 : memref<80x128xf32, #tpu.memory_space<hbm>>)
        tpu.yield
      }) : () -> ()
    } else {
    }
    %add3A_71 = arith.constant 32 : i32
    %add3A_72 = arith.addi %arg1, %add3A_71 : i32
    %lt3A_73 = arith.constant 125 : i32
    %lt3A_74 = arith.cmpi slt, %add3A_72, %lt3A_73 : i32
    %convert_element_type3A_75 = arith.extui %lt3A_74 : i1 to i32
    %cond3A_76 = arith.constant 0 : i32
    %cond3A_77 = arith.cmpi ne, %convert_element_type3A_75, %cond3A_76 : i32
    scf.if %cond3A_77 {
      %mul3A_113 = arith.constant 80 : i32
      %mul3A_114 = arith.muli %add3A_72, %mul3A_113 : i32
      "tpu.region"() ({
        %run_scoped3A = tpu.sem_alloc : memref<!tpu.dma_semaphore, #tpu.memory_space<semaphore_mem>>
        %dma_start3A_115 = arith.constant 0 : i32
        %dma_start3A_116 = arith.constant 0 : i32
        %dma_start3A_117 = tpu.memref_slice %arg8[%dma_start3A_115, %dma_start3A_116] : memref<128x128xf32, #tpu.memory_space<vmem>> -> memref<80x128xf32, #tpu.memory_space<vmem>>
        %dma_start3A_118 = arith.constant 0 : i32
        %dma_start3A_119 = tpu.memref_slice %arg10[%mul3A_114, %dma_start3A_118] : memref<10240x128xf32, #tpu.memory_space<vmem_shared>> -> memref<80x128xf32, #tpu.memory_space<vmem_shared>>
        %dma_start3A_120 = arith.constant 0 : i32
        %dma_start3A_121 = arith.constant 0 : i32
        %dma_start3A_122 = tpu.memref_slice %arg8[%dma_start3A_120, %dma_start3A_121] : memref<128x128xf32, #tpu.memory_space<vmem>> -> memref<80x128xf32, #tpu.memory_space<vmem>>
        %dma_start3A_123 = arith.constant 0 : i32
        %dma_start3A_124 = tpu.memref_slice %arg10[%mul3A_114, %dma_start3A_123] : memref<10240x128xf32, #tpu.memory_space<vmem_shared>> -> memref<80x128xf32, #tpu.memory_space<vmem_shared>>
        tpu.enqueue_dma source(%dma_start3A_124 : memref<80x128xf32, #tpu.memory_space<vmem_shared>>) target(%dma_start3A_122 : memref<80x128xf32, #tpu.memory_space<vmem>>) target_semaphore(%run_scoped3A : memref<!tpu.dma_semaphore, #tpu.memory_space<semaphore_mem>>)
        %dma_wait3A = arith.constant 0 : i32
        %dma_wait3A_125 = arith.constant 0 : i32
        %dma_wait3A_126 = tpu.memref_slice %arg8[%dma_wait3A, %dma_wait3A_125] : memref<128x128xf32, #tpu.memory_space<vmem>> -> memref<80x128xf32, #tpu.memory_space<vmem>>
        %dma_wait3A_127 = arith.constant 0 : i32
        %dma_wait3A_128 = tpu.memref_slice %arg10[%mul3A_114, %dma_wait3A_127] : memref<10240x128xf32, #tpu.memory_space<vmem_shared>> -> memref<80x128xf32, #tpu.memory_space<vmem_shared>>
        %dma_wait3A_129 = arith.constant 0 : i32
        %dma_wait3A_130 = arith.constant 0 : i32
        %dma_wait3A_131 = tpu.memref_slice %arg8[%dma_wait3A_129, %dma_wait3A_130] : memref<128x128xf32, #tpu.memory_space<vmem>> -> memref<80x128xf32, #tpu.memory_space<vmem>>
        %dma_wait3A_132 = arith.constant 0 : i32
        %dma_wait3A_133 = tpu.memref_slice %arg10[%mul3A_114, %dma_wait3A_132] : memref<10240x128xf32, #tpu.memory_space<vmem_shared>> -> memref<80x128xf32, #tpu.memory_space<vmem_shared>>
        tpu.wait_dma2 semaphore(%run_scoped3A : memref<!tpu.dma_semaphore, #tpu.memory_space<semaphore_mem>>) src(%dma_wait3A_133 : memref<80x128xf32, #tpu.memory_space<vmem_shared>>) dst(%dma_wait3A_131 : memref<80x128xf32, #tpu.memory_space<vmem>>)
        tpu.yield
      }) : () -> ()
      "tpu.region"() ({
        %run_scoped3A = tpu.sem_alloc : memref<!tpu.dma_semaphore, #tpu.memory_space<semaphore_mem>>
        %dma_start3A_115 = arith.constant 0 : i32
        %dma_start3A_116 = arith.constant 0 : i32
        %dma_start3A_117 = tpu.memref_slice %arg8[%dma_start3A_115, %dma_start3A_116] : memref<128x128xf32, #tpu.memory_space<vmem>> -> memref<80x128xf32, #tpu.memory_space<vmem>>
        %dma_start3A_118 = arith.constant 0 : i32
        %dma_start3A_119 = tpu.memref_slice %arg5[%arg0, %mul3A_114, %dma_start3A_118] : memref<2x10000x128xf32, #tpu.memory_space<hbm>> -> memref<1x80x128xf32, #tpu.memory_space<hbm>>
        %dma_start3A_120 = tpu.memref_squeeze %dma_start3A_119 : memref<1x80x128xf32, #tpu.memory_space<hbm>> -> memref<80x128xf32, #tpu.memory_space<hbm>>
        %dma_start3A_121 = arith.constant 0 : i32
        %dma_start3A_122 = tpu.memref_slice %arg5[%arg0, %mul3A_114, %dma_start3A_121] : memref<2x10000x128xf32, #tpu.memory_space<hbm>> -> memref<1x80x128xf32, #tpu.memory_space<hbm>>
        %dma_start3A_123 = tpu.memref_squeeze %dma_start3A_122 : memref<1x80x128xf32, #tpu.memory_space<hbm>> -> memref<80x128xf32, #tpu.memory_space<hbm>>
        %dma_start3A_124 = arith.constant 0 : i32
        %dma_start3A_125 = arith.constant 0 : i32
        %dma_start3A_126 = tpu.memref_slice %arg8[%dma_start3A_124, %dma_start3A_125] : memref<128x128xf32, #tpu.memory_space<vmem>> -> memref<80x128xf32, #tpu.memory_space<vmem>>
        tpu.enqueue_dma source(%dma_start3A_126 : memref<80x128xf32, #tpu.memory_space<vmem>>) target(%dma_start3A_123 : memref<80x128xf32, #tpu.memory_space<hbm>>) target_semaphore(%run_scoped3A : memref<!tpu.dma_semaphore, #tpu.memory_space<semaphore_mem>>)
        %dma_wait3A = arith.constant 0 : i32
        %dma_wait3A_127 = arith.constant 0 : i32
        %dma_wait3A_128 = tpu.memref_slice %arg8[%dma_wait3A, %dma_wait3A_127] : memref<128x128xf32, #tpu.memory_space<vmem>> -> memref<80x128xf32, #tpu.memory_space<vmem>>
        %dma_wait3A_129 = arith.constant 0 : i32
        %dma_wait3A_130 = tpu.memref_slice %arg5[%arg0, %mul3A_114, %dma_wait3A_129] : memref<2x10000x128xf32, #tpu.memory_space<hbm>> -> memref<1x80x128xf32, #tpu.memory_space<hbm>>
        %dma_wait3A_131 = tpu.memref_squeeze %dma_wait3A_130 : memref<1x80x128xf32, #tpu.memory_space<hbm>> -> memref<80x128xf32, #tpu.memory_space<hbm>>
        %dma_wait3A_132 = arith.constant 0 : i32
        %dma_wait3A_133 = tpu.memref_slice %arg5[%arg0, %mul3A_114, %dma_wait3A_132] : memref<2x10000x128xf32, #tpu.memory_space<hbm>> -> memref<1x80x128xf32, #tpu.memory_space<hbm>>
        %dma_wait3A_134 = tpu.memref_squeeze %dma_wait3A_133 : memref<1x80x128xf32, #tpu.memory_space<hbm>> -> memref<80x128xf32, #tpu.memory_space<hbm>>
        %dma_wait3A_135 = arith.constant 0 : i32
        %dma_wait3A_136 = arith.constant 0 : i32
        %dma_wait3A_137 = tpu.memref_slice %arg8[%dma_wait3A_135, %dma_wait3A_136] : memref<128x128xf32, #tpu.memory_space<vmem>> -> memref<80x128xf32, #tpu.memory_space<vmem>>
        tpu.wait_dma2 semaphore(%run_scoped3A : memref<!tpu.dma_semaphore, #tpu.memory_space<semaphore_mem>>) src(%dma_wait3A_137 : memref<80x128xf32, #tpu.memory_space<vmem>>) dst(%dma_wait3A_134 : memref<80x128xf32, #tpu.memory_space<hbm>>)
        tpu.yield
      }) : () -> ()
    } else {
    }
    %add3A_78 = arith.constant 48 : i32
    %add3A_79 = arith.addi %arg1, %add3A_78 : i32
    %lt3A_80 = arith.constant 125 : i32
    %lt3A_81 = arith.cmpi slt, %add3A_79, %lt3A_80 : i32
    %convert_element_type3A_82 = arith.extui %lt3A_81 : i1 to i32
    %cond3A_83 = arith.constant 0 : i32
    %cond3A_84 = arith.cmpi ne, %convert_element_type3A_82, %cond3A_83 : i32
    scf.if %cond3A_84 {
      %mul3A_113 = arith.constant 80 : i32
      %mul3A_114 = arith.muli %add3A_79, %mul3A_113 : i32
      "tpu.region"() ({
        %run_scoped3A = tpu.sem_alloc : memref<!tpu.dma_semaphore, #tpu.memory_space<semaphore_mem>>
        %dma_start3A_115 = arith.constant 0 : i32
        %dma_start3A_116 = arith.constant 0 : i32
        %dma_start3A_117 = tpu.memref_slice %arg8[%dma_start3A_115, %dma_start3A_116] : memref<128x128xf32, #tpu.memory_space<vmem>> -> memref<80x128xf32, #tpu.memory_space<vmem>>
        %dma_start3A_118 = arith.constant 0 : i32
        %dma_start3A_119 = tpu.memref_slice %arg10[%mul3A_114, %dma_start3A_118] : memref<10240x128xf32, #tpu.memory_space<vmem_shared>> -> memref<80x128xf32, #tpu.memory_space<vmem_shared>>
        %dma_start3A_120 = arith.constant 0 : i32
        %dma_start3A_121 = arith.constant 0 : i32
        %dma_start3A_122 = tpu.memref_slice %arg8[%dma_start3A_120, %dma_start3A_121] : memref<128x128xf32, #tpu.memory_space<vmem>> -> memref<80x128xf32, #tpu.memory_space<vmem>>
        %dma_start3A_123 = arith.constant 0 : i32
        %dma_start3A_124 = tpu.memref_slice %arg10[%mul3A_114, %dma_start3A_123] : memref<10240x128xf32, #tpu.memory_space<vmem_shared>> -> memref<80x128xf32, #tpu.memory_space<vmem_shared>>
        tpu.enqueue_dma source(%dma_start3A_124 : memref<80x128xf32, #tpu.memory_space<vmem_shared>>) target(%dma_start3A_122 : memref<80x128xf32, #tpu.memory_space<vmem>>) target_semaphore(%run_scoped3A : memref<!tpu.dma_semaphore, #tpu.memory_space<semaphore_mem>>)
        %dma_wait3A = arith.constant 0 : i32
        %dma_wait3A_125 = arith.constant 0 : i32
        %dma_wait3A_126 = tpu.memref_slice %arg8[%dma_wait3A, %dma_wait3A_125] : memref<128x128xf32, #tpu.memory_space<vmem>> -> memref<80x128xf32, #tpu.memory_space<vmem>>
        %dma_wait3A_127 = arith.constant 0 : i32
        %dma_wait3A_128 = tpu.memref_slice %arg10[%mul3A_114, %dma_wait3A_127] : memref<10240x128xf32, #tpu.memory_space<vmem_shared>> -> memref<80x128xf32, #tpu.memory_space<vmem_shared>>
        %dma_wait3A_129 = arith.constant 0 : i32
        %dma_wait3A_130 = arith.constant 0 : i32
        %dma_wait3A_131 = tpu.memref_slice %arg8[%dma_wait3A_129, %dma_wait3A_130] : memref<128x128xf32, #tpu.memory_space<vmem>> -> memref<80x128xf32, #tpu.memory_space<vmem>>
        %dma_wait3A_132 = arith.constant 0 : i32
        %dma_wait3A_133 = tpu.memref_slice %arg10[%mul3A_114, %dma_wait3A_132] : memref<10240x128xf32, #tpu.memory_space<vmem_shared>> -> memref<80x128xf32, #tpu.memory_space<vmem_shared>>
        tpu.wait_dma2 semaphore(%run_scoped3A : memref<!tpu.dma_semaphore, #tpu.memory_space<semaphore_mem>>) src(%dma_wait3A_133 : memref<80x128xf32, #tpu.memory_space<vmem_shared>>) dst(%dma_wait3A_131 : memref<80x128xf32, #tpu.memory_space<vmem>>)
        tpu.yield
      }) : () -> ()
      "tpu.region"() ({
        %run_scoped3A = tpu.sem_alloc : memref<!tpu.dma_semaphore, #tpu.memory_space<semaphore_mem>>
        %dma_start3A_115 = arith.constant 0 : i32
        %dma_start3A_116 = arith.constant 0 : i32
        %dma_start3A_117 = tpu.memref_slice %arg8[%dma_start3A_115, %dma_start3A_116] : memref<128x128xf32, #tpu.memory_space<vmem>> -> memref<80x128xf32, #tpu.memory_space<vmem>>
        %dma_start3A_118 = arith.constant 0 : i32
        %dma_start3A_119 = tpu.memref_slice %arg5[%arg0, %mul3A_114, %dma_start3A_118] : memref<2x10000x128xf32, #tpu.memory_space<hbm>> -> memref<1x80x128xf32, #tpu.memory_space<hbm>>
        %dma_start3A_120 = tpu.memref_squeeze %dma_start3A_119 : memref<1x80x128xf32, #tpu.memory_space<hbm>> -> memref<80x128xf32, #tpu.memory_space<hbm>>
        %dma_start3A_121 = arith.constant 0 : i32
        %dma_start3A_122 = tpu.memref_slice %arg5[%arg0, %mul3A_114, %dma_start3A_121] : memref<2x10000x128xf32, #tpu.memory_space<hbm>> -> memref<1x80x128xf32, #tpu.memory_space<hbm>>
        %dma_start3A_123 = tpu.memref_squeeze %dma_start3A_122 : memref<1x80x128xf32, #tpu.memory_space<hbm>> -> memref<80x128xf32, #tpu.memory_space<hbm>>
        %dma_start3A_124 = arith.constant 0 : i32
        %dma_start3A_125 = arith.constant 0 : i32
        %dma_start3A_126 = tpu.memref_slice %arg8[%dma_start3A_124, %dma_start3A_125] : memref<128x128xf32, #tpu.memory_space<vmem>> -> memref<80x128xf32, #tpu.memory_space<vmem>>
        tpu.enqueue_dma source(%dma_start3A_126 : memref<80x128xf32, #tpu.memory_space<vmem>>) target(%dma_start3A_123 : memref<80x128xf32, #tpu.memory_space<hbm>>) target_semaphore(%run_scoped3A : memref<!tpu.dma_semaphore, #tpu.memory_space<semaphore_mem>>)
        %dma_wait3A = arith.constant 0 : i32
        %dma_wait3A_127 = arith.constant 0 : i32
        %dma_wait3A_128 = tpu.memref_slice %arg8[%dma_wait3A, %dma_wait3A_127] : memref<128x128xf32, #tpu.memory_space<vmem>> -> memref<80x128xf32, #tpu.memory_space<vmem>>
        %dma_wait3A_129 = arith.constant 0 : i32
        %dma_wait3A_130 = tpu.memref_slice %arg5[%arg0, %mul3A_114, %dma_wait3A_129] : memref<2x10000x128xf32, #tpu.memory_space<hbm>> -> memref<1x80x128xf32, #tpu.memory_space<hbm>>
        %dma_wait3A_131 = tpu.memref_squeeze %dma_wait3A_130 : memref<1x80x128xf32, #tpu.memory_space<hbm>> -> memref<80x128xf32, #tpu.memory_space<hbm>>
        %dma_wait3A_132 = arith.constant 0 : i32
        %dma_wait3A_133 = tpu.memref_slice %arg5[%arg0, %mul3A_114, %dma_wait3A_132] : memref<2x10000x128xf32, #tpu.memory_space<hbm>> -> memref<1x80x128xf32, #tpu.memory_space<hbm>>
        %dma_wait3A_134 = tpu.memref_squeeze %dma_wait3A_133 : memref<1x80x128xf32, #tpu.memory_space<hbm>> -> memref<80x128xf32, #tpu.memory_space<hbm>>
        %dma_wait3A_135 = arith.constant 0 : i32
        %dma_wait3A_136 = arith.constant 0 : i32
        %dma_wait3A_137 = tpu.memref_slice %arg8[%dma_wait3A_135, %dma_wait3A_136] : memref<128x128xf32, #tpu.memory_space<vmem>> -> memref<80x128xf32, #tpu.memory_space<vmem>>
        tpu.wait_dma2 semaphore(%run_scoped3A : memref<!tpu.dma_semaphore, #tpu.memory_space<semaphore_mem>>) src(%dma_wait3A_137 : memref<80x128xf32, #tpu.memory_space<vmem>>) dst(%dma_wait3A_134 : memref<80x128xf32, #tpu.memory_space<hbm>>)
        tpu.yield
      }) : () -> ()
    } else {
    }
    %add3A_85 = arith.constant 64 : i32
    %add3A_86 = arith.addi %arg1, %add3A_85 : i32
    %lt3A_87 = arith.constant 125 : i32
    %lt3A_88 = arith.cmpi slt, %add3A_86, %lt3A_87 : i32
    %convert_element_type3A_89 = arith.extui %lt3A_88 : i1 to i32
    %cond3A_90 = arith.constant 0 : i32
    %cond3A_91 = arith.cmpi ne, %convert_element_type3A_89, %cond3A_90 : i32
    scf.if %cond3A_91 {
      %mul3A_113 = arith.constant 80 : i32
      %mul3A_114 = arith.muli %add3A_86, %mul3A_113 : i32
      "tpu.region"() ({
        %run_scoped3A = tpu.sem_alloc : memref<!tpu.dma_semaphore, #tpu.memory_space<semaphore_mem>>
        %dma_start3A_115 = arith.constant 0 : i32
        %dma_start3A_116 = arith.constant 0 : i32
        %dma_start3A_117 = tpu.memref_slice %arg8[%dma_start3A_115, %dma_start3A_116] : memref<128x128xf32, #tpu.memory_space<vmem>> -> memref<80x128xf32, #tpu.memory_space<vmem>>
        %dma_start3A_118 = arith.constant 0 : i32
        %dma_start3A_119 = tpu.memref_slice %arg10[%mul3A_114, %dma_start3A_118] : memref<10240x128xf32, #tpu.memory_space<vmem_shared>> -> memref<80x128xf32, #tpu.memory_space<vmem_shared>>
        %dma_start3A_120 = arith.constant 0 : i32
        %dma_start3A_121 = arith.constant 0 : i32
        %dma_start3A_122 = tpu.memref_slice %arg8[%dma_start3A_120, %dma_start3A_121] : memref<128x128xf32, #tpu.memory_space<vmem>> -> memref<80x128xf32, #tpu.memory_space<vmem>>
        %dma_start3A_123 = arith.constant 0 : i32
        %dma_start3A_124 = tpu.memref_slice %arg10[%mul3A_114, %dma_start3A_123] : memref<10240x128xf32, #tpu.memory_space<vmem_shared>> -> memref<80x128xf32, #tpu.memory_space<vmem_shared>>
        tpu.enqueue_dma source(%dma_start3A_124 : memref<80x128xf32, #tpu.memory_space<vmem_shared>>) target(%dma_start3A_122 : memref<80x128xf32, #tpu.memory_space<vmem>>) target_semaphore(%run_scoped3A : memref<!tpu.dma_semaphore, #tpu.memory_space<semaphore_mem>>)
        %dma_wait3A = arith.constant 0 : i32
        %dma_wait3A_125 = arith.constant 0 : i32
        %dma_wait3A_126 = tpu.memref_slice %arg8[%dma_wait3A, %dma_wait3A_125] : memref<128x128xf32, #tpu.memory_space<vmem>> -> memref<80x128xf32, #tpu.memory_space<vmem>>
        %dma_wait3A_127 = arith.constant 0 : i32
        %dma_wait3A_128 = tpu.memref_slice %arg10[%mul3A_114, %dma_wait3A_127] : memref<10240x128xf32, #tpu.memory_space<vmem_shared>> -> memref<80x128xf32, #tpu.memory_space<vmem_shared>>
        %dma_wait3A_129 = arith.constant 0 : i32
        %dma_wait3A_130 = arith.constant 0 : i32
        %dma_wait3A_131 = tpu.memref_slice %arg8[%dma_wait3A_129, %dma_wait3A_130] : memref<128x128xf32, #tpu.memory_space<vmem>> -> memref<80x128xf32, #tpu.memory_space<vmem>>
        %dma_wait3A_132 = arith.constant 0 : i32
        %dma_wait3A_133 = tpu.memref_slice %arg10[%mul3A_114, %dma_wait3A_132] : memref<10240x128xf32, #tpu.memory_space<vmem_shared>> -> memref<80x128xf32, #tpu.memory_space<vmem_shared>>
        tpu.wait_dma2 semaphore(%run_scoped3A : memref<!tpu.dma_semaphore, #tpu.memory_space<semaphore_mem>>) src(%dma_wait3A_133 : memref<80x128xf32, #tpu.memory_space<vmem_shared>>) dst(%dma_wait3A_131 : memref<80x128xf32, #tpu.memory_space<vmem>>)
        tpu.yield
      }) : () -> ()
      "tpu.region"() ({
        %run_scoped3A = tpu.sem_alloc : memref<!tpu.dma_semaphore, #tpu.memory_space<semaphore_mem>>
        %dma_start3A_115 = arith.constant 0 : i32
        %dma_start3A_116 = arith.constant 0 : i32
        %dma_start3A_117 = tpu.memref_slice %arg8[%dma_start3A_115, %dma_start3A_116] : memref<128x128xf32, #tpu.memory_space<vmem>> -> memref<80x128xf32, #tpu.memory_space<vmem>>
        %dma_start3A_118 = arith.constant 0 : i32
        %dma_start3A_119 = tpu.memref_slice %arg5[%arg0, %mul3A_114, %dma_start3A_118] : memref<2x10000x128xf32, #tpu.memory_space<hbm>> -> memref<1x80x128xf32, #tpu.memory_space<hbm>>
        %dma_start3A_120 = tpu.memref_squeeze %dma_start3A_119 : memref<1x80x128xf32, #tpu.memory_space<hbm>> -> memref<80x128xf32, #tpu.memory_space<hbm>>
        %dma_start3A_121 = arith.constant 0 : i32
        %dma_start3A_122 = tpu.memref_slice %arg5[%arg0, %mul3A_114, %dma_start3A_121] : memref<2x10000x128xf32, #tpu.memory_space<hbm>> -> memref<1x80x128xf32, #tpu.memory_space<hbm>>
        %dma_start3A_123 = tpu.memref_squeeze %dma_start3A_122 : memref<1x80x128xf32, #tpu.memory_space<hbm>> -> memref<80x128xf32, #tpu.memory_space<hbm>>
        %dma_start3A_124 = arith.constant 0 : i32
        %dma_start3A_125 = arith.constant 0 : i32
        %dma_start3A_126 = tpu.memref_slice %arg8[%dma_start3A_124, %dma_start3A_125] : memref<128x128xf32, #tpu.memory_space<vmem>> -> memref<80x128xf32, #tpu.memory_space<vmem>>
        tpu.enqueue_dma source(%dma_start3A_126 : memref<80x128xf32, #tpu.memory_space<vmem>>) target(%dma_start3A_123 : memref<80x128xf32, #tpu.memory_space<hbm>>) target_semaphore(%run_scoped3A : memref<!tpu.dma_semaphore, #tpu.memory_space<semaphore_mem>>)
        %dma_wait3A = arith.constant 0 : i32
        %dma_wait3A_127 = arith.constant 0 : i32
        %dma_wait3A_128 = tpu.memref_slice %arg8[%dma_wait3A, %dma_wait3A_127] : memref<128x128xf32, #tpu.memory_space<vmem>> -> memref<80x128xf32, #tpu.memory_space<vmem>>
        %dma_wait3A_129 = arith.constant 0 : i32
        %dma_wait3A_130 = tpu.memref_slice %arg5[%arg0, %mul3A_114, %dma_wait3A_129] : memref<2x10000x128xf32, #tpu.memory_space<hbm>> -> memref<1x80x128xf32, #tpu.memory_space<hbm>>
        %dma_wait3A_131 = tpu.memref_squeeze %dma_wait3A_130 : memref<1x80x128xf32, #tpu.memory_space<hbm>> -> memref<80x128xf32, #tpu.memory_space<hbm>>
        %dma_wait3A_132 = arith.constant 0 : i32
        %dma_wait3A_133 = tpu.memref_slice %arg5[%arg0, %mul3A_114, %dma_wait3A_132] : memref<2x10000x128xf32, #tpu.memory_space<hbm>> -> memref<1x80x128xf32, #tpu.memory_space<hbm>>
        %dma_wait3A_134 = tpu.memref_squeeze %dma_wait3A_133 : memref<1x80x128xf32, #tpu.memory_space<hbm>> -> memref<80x128xf32, #tpu.memory_space<hbm>>
        %dma_wait3A_135 = arith.constant 0 : i32
        %dma_wait3A_136 = arith.constant 0 : i32
        %dma_wait3A_137 = tpu.memref_slice %arg8[%dma_wait3A_135, %dma_wait3A_136] : memref<128x128xf32, #tpu.memory_space<vmem>> -> memref<80x128xf32, #tpu.memory_space<vmem>>
        tpu.wait_dma2 semaphore(%run_scoped3A : memref<!tpu.dma_semaphore, #tpu.memory_space<semaphore_mem>>) src(%dma_wait3A_137 : memref<80x128xf32, #tpu.memory_space<vmem>>) dst(%dma_wait3A_134 : memref<80x128xf32, #tpu.memory_space<hbm>>)
        tpu.yield
      }) : () -> ()
    } else {
    }
    %add3A_92 = arith.constant 80 : i32
    %add3A_93 = arith.addi %arg1, %add3A_92 : i32
    %lt3A_94 = arith.constant 125 : i32
    %lt3A_95 = arith.cmpi slt, %add3A_93, %lt3A_94 : i32
    %convert_element_type3A_96 = arith.extui %lt3A_95 : i1 to i32
    %cond3A_97 = arith.constant 0 : i32
    %cond3A_98 = arith.cmpi ne, %convert_element_type3A_96, %cond3A_97 : i32
    scf.if %cond3A_98 {
      %mul3A_113 = arith.constant 80 : i32
      %mul3A_114 = arith.muli %add3A_93, %mul3A_113 : i32
      "tpu.region"() ({
        %run_scoped3A = tpu.sem_alloc : memref<!tpu.dma_semaphore, #tpu.memory_space<semaphore_mem>>
        %dma_start3A_115 = arith.constant 0 : i32
        %dma_start3A_116 = arith.constant 0 : i32
        %dma_start3A_117 = tpu.memref_slice %arg8[%dma_start3A_115, %dma_start3A_116] : memref<128x128xf32, #tpu.memory_space<vmem>> -> memref<80x128xf32, #tpu.memory_space<vmem>>
        %dma_start3A_118 = arith.constant 0 : i32
        %dma_start3A_119 = tpu.memref_slice %arg10[%mul3A_114, %dma_start3A_118] : memref<10240x128xf32, #tpu.memory_space<vmem_shared>> -> memref<80x128xf32, #tpu.memory_space<vmem_shared>>
        %dma_start3A_120 = arith.constant 0 : i32
        %dma_start3A_121 = arith.constant 0 : i32
        %dma_start3A_122 = tpu.memref_slice %arg8[%dma_start3A_120, %dma_start3A_121] : memref<128x128xf32, #tpu.memory_space<vmem>> -> memref<80x128xf32, #tpu.memory_space<vmem>>
        %dma_start3A_123 = arith.constant 0 : i32
        %dma_start3A_124 = tpu.memref_slice %arg10[%mul3A_114, %dma_start3A_123] : memref<10240x128xf32, #tpu.memory_space<vmem_shared>> -> memref<80x128xf32, #tpu.memory_space<vmem_shared>>
        tpu.enqueue_dma source(%dma_start3A_124 : memref<80x128xf32, #tpu.memory_space<vmem_shared>>) target(%dma_start3A_122 : memref<80x128xf32, #tpu.memory_space<vmem>>) target_semaphore(%run_scoped3A : memref<!tpu.dma_semaphore, #tpu.memory_space<semaphore_mem>>)
        %dma_wait3A = arith.constant 0 : i32
        %dma_wait3A_125 = arith.constant 0 : i32
        %dma_wait3A_126 = tpu.memref_slice %arg8[%dma_wait3A, %dma_wait3A_125] : memref<128x128xf32, #tpu.memory_space<vmem>> -> memref<80x128xf32, #tpu.memory_space<vmem>>
        %dma_wait3A_127 = arith.constant 0 : i32
        %dma_wait3A_128 = tpu.memref_slice %arg10[%mul3A_114, %dma_wait3A_127] : memref<10240x128xf32, #tpu.memory_space<vmem_shared>> -> memref<80x128xf32, #tpu.memory_space<vmem_shared>>
        %dma_wait3A_129 = arith.constant 0 : i32
        %dma_wait3A_130 = arith.constant 0 : i32
        %dma_wait3A_131 = tpu.memref_slice %arg8[%dma_wait3A_129, %dma_wait3A_130] : memref<128x128xf32, #tpu.memory_space<vmem>> -> memref<80x128xf32, #tpu.memory_space<vmem>>
        %dma_wait3A_132 = arith.constant 0 : i32
        %dma_wait3A_133 = tpu.memref_slice %arg10[%mul3A_114, %dma_wait3A_132] : memref<10240x128xf32, #tpu.memory_space<vmem_shared>> -> memref<80x128xf32, #tpu.memory_space<vmem_shared>>
        tpu.wait_dma2 semaphore(%run_scoped3A : memref<!tpu.dma_semaphore, #tpu.memory_space<semaphore_mem>>) src(%dma_wait3A_133 : memref<80x128xf32, #tpu.memory_space<vmem_shared>>) dst(%dma_wait3A_131 : memref<80x128xf32, #tpu.memory_space<vmem>>)
        tpu.yield
      }) : () -> ()
      "tpu.region"() ({
        %run_scoped3A = tpu.sem_alloc : memref<!tpu.dma_semaphore, #tpu.memory_space<semaphore_mem>>
        %dma_start3A_115 = arith.constant 0 : i32
        %dma_start3A_116 = arith.constant 0 : i32
        %dma_start3A_117 = tpu.memref_slice %arg8[%dma_start3A_115, %dma_start3A_116] : memref<128x128xf32, #tpu.memory_space<vmem>> -> memref<80x128xf32, #tpu.memory_space<vmem>>
        %dma_start3A_118 = arith.constant 0 : i32
        %dma_start3A_119 = tpu.memref_slice %arg5[%arg0, %mul3A_114, %dma_start3A_118] : memref<2x10000x128xf32, #tpu.memory_space<hbm>> -> memref<1x80x128xf32, #tpu.memory_space<hbm>>
        %dma_start3A_120 = tpu.memref_squeeze %dma_start3A_119 : memref<1x80x128xf32, #tpu.memory_space<hbm>> -> memref<80x128xf32, #tpu.memory_space<hbm>>
        %dma_start3A_121 = arith.constant 0 : i32
        %dma_start3A_122 = tpu.memref_slice %arg5[%arg0, %mul3A_114, %dma_start3A_121] : memref<2x10000x128xf32, #tpu.memory_space<hbm>> -> memref<1x80x128xf32, #tpu.memory_space<hbm>>
        %dma_start3A_123 = tpu.memref_squeeze %dma_start3A_122 : memref<1x80x128xf32, #tpu.memory_space<hbm>> -> memref<80x128xf32, #tpu.memory_space<hbm>>
        %dma_start3A_124 = arith.constant 0 : i32
        %dma_start3A_125 = arith.constant 0 : i32
        %dma_start3A_126 = tpu.memref_slice %arg8[%dma_start3A_124, %dma_start3A_125] : memref<128x128xf32, #tpu.memory_space<vmem>> -> memref<80x128xf32, #tpu.memory_space<vmem>>
        tpu.enqueue_dma source(%dma_start3A_126 : memref<80x128xf32, #tpu.memory_space<vmem>>) target(%dma_start3A_123 : memref<80x128xf32, #tpu.memory_space<hbm>>) target_semaphore(%run_scoped3A : memref<!tpu.dma_semaphore, #tpu.memory_space<semaphore_mem>>)
        %dma_wait3A = arith.constant 0 : i32
        %dma_wait3A_127 = arith.constant 0 : i32
        %dma_wait3A_128 = tpu.memref_slice %arg8[%dma_wait3A, %dma_wait3A_127] : memref<128x128xf32, #tpu.memory_space<vmem>> -> memref<80x128xf32, #tpu.memory_space<vmem>>
        %dma_wait3A_129 = arith.constant 0 : i32
        %dma_wait3A_130 = tpu.memref_slice %arg5[%arg0, %mul3A_114, %dma_wait3A_129] : memref<2x10000x128xf32, #tpu.memory_space<hbm>> -> memref<1x80x128xf32, #tpu.memory_space<hbm>>
        %dma_wait3A_131 = tpu.memref_squeeze %dma_wait3A_130 : memref<1x80x128xf32, #tpu.memory_space<hbm>> -> memref<80x128xf32, #tpu.memory_space<hbm>>
        %dma_wait3A_132 = arith.constant 0 : i32
        %dma_wait3A_133 = tpu.memref_slice %arg5[%arg0, %mul3A_114, %dma_wait3A_132] : memref<2x10000x128xf32, #tpu.memory_space<hbm>> -> memref<1x80x128xf32, #tpu.memory_space<hbm>>
        %dma_wait3A_134 = tpu.memref_squeeze %dma_wait3A_133 : memref<1x80x128xf32, #tpu.memory_space<hbm>> -> memref<80x128xf32, #tpu.memory_space<hbm>>
        %dma_wait3A_135 = arith.constant 0 : i32
        %dma_wait3A_136 = arith.constant 0 : i32
        %dma_wait3A_137 = tpu.memref_slice %arg8[%dma_wait3A_135, %dma_wait3A_136] : memref<128x128xf32, #tpu.memory_space<vmem>> -> memref<80x128xf32, #tpu.memory_space<vmem>>
        tpu.wait_dma2 semaphore(%run_scoped3A : memref<!tpu.dma_semaphore, #tpu.memory_space<semaphore_mem>>) src(%dma_wait3A_137 : memref<80x128xf32, #tpu.memory_space<vmem>>) dst(%dma_wait3A_134 : memref<80x128xf32, #tpu.memory_space<hbm>>)
        tpu.yield
      }) : () -> ()
    } else {
    }
    %add3A_99 = arith.constant 96 : i32
    %add3A_100 = arith.addi %arg1, %add3A_99 : i32
    %lt3A_101 = arith.constant 125 : i32
    %lt3A_102 = arith.cmpi slt, %add3A_100, %lt3A_101 : i32
    %convert_element_type3A_103 = arith.extui %lt3A_102 : i1 to i32
    %cond3A_104 = arith.constant 0 : i32
    %cond3A_105 = arith.cmpi ne, %convert_element_type3A_103, %cond3A_104 : i32
    scf.if %cond3A_105 {
      %mul3A_113 = arith.constant 80 : i32
      %mul3A_114 = arith.muli %add3A_100, %mul3A_113 : i32
      "tpu.region"() ({
        %run_scoped3A = tpu.sem_alloc : memref<!tpu.dma_semaphore, #tpu.memory_space<semaphore_mem>>
        %dma_start3A_115 = arith.constant 0 : i32
        %dma_start3A_116 = arith.constant 0 : i32
        %dma_start3A_117 = tpu.memref_slice %arg8[%dma_start3A_115, %dma_start3A_116] : memref<128x128xf32, #tpu.memory_space<vmem>> -> memref<80x128xf32, #tpu.memory_space<vmem>>
        %dma_start3A_118 = arith.constant 0 : i32
        %dma_start3A_119 = tpu.memref_slice %arg10[%mul3A_114, %dma_start3A_118] : memref<10240x128xf32, #tpu.memory_space<vmem_shared>> -> memref<80x128xf32, #tpu.memory_space<vmem_shared>>
        %dma_start3A_120 = arith.constant 0 : i32
        %dma_start3A_121 = arith.constant 0 : i32
        %dma_start3A_122 = tpu.memref_slice %arg8[%dma_start3A_120, %dma_start3A_121] : memref<128x128xf32, #tpu.memory_space<vmem>> -> memref<80x128xf32, #tpu.memory_space<vmem>>
        %dma_start3A_123 = arith.constant 0 : i32
        %dma_start3A_124 = tpu.memref_slice %arg10[%mul3A_114, %dma_start3A_123] : memref<10240x128xf32, #tpu.memory_space<vmem_shared>> -> memref<80x128xf32, #tpu.memory_space<vmem_shared>>
        tpu.enqueue_dma source(%dma_start3A_124 : memref<80x128xf32, #tpu.memory_space<vmem_shared>>) target(%dma_start3A_122 : memref<80x128xf32, #tpu.memory_space<vmem>>) target_semaphore(%run_scoped3A : memref<!tpu.dma_semaphore, #tpu.memory_space<semaphore_mem>>)
        %dma_wait3A = arith.constant 0 : i32
        %dma_wait3A_125 = arith.constant 0 : i32
        %dma_wait3A_126 = tpu.memref_slice %arg8[%dma_wait3A, %dma_wait3A_125] : memref<128x128xf32, #tpu.memory_space<vmem>> -> memref<80x128xf32, #tpu.memory_space<vmem>>
        %dma_wait3A_127 = arith.constant 0 : i32
        %dma_wait3A_128 = tpu.memref_slice %arg10[%mul3A_114, %dma_wait3A_127] : memref<10240x128xf32, #tpu.memory_space<vmem_shared>> -> memref<80x128xf32, #tpu.memory_space<vmem_shared>>
        %dma_wait3A_129 = arith.constant 0 : i32
        %dma_wait3A_130 = arith.constant 0 : i32
        %dma_wait3A_131 = tpu.memref_slice %arg8[%dma_wait3A_129, %dma_wait3A_130] : memref<128x128xf32, #tpu.memory_space<vmem>> -> memref<80x128xf32, #tpu.memory_space<vmem>>
        %dma_wait3A_132 = arith.constant 0 : i32
        %dma_wait3A_133 = tpu.memref_slice %arg10[%mul3A_114, %dma_wait3A_132] : memref<10240x128xf32, #tpu.memory_space<vmem_shared>> -> memref<80x128xf32, #tpu.memory_space<vmem_shared>>
        tpu.wait_dma2 semaphore(%run_scoped3A : memref<!tpu.dma_semaphore, #tpu.memory_space<semaphore_mem>>) src(%dma_wait3A_133 : memref<80x128xf32, #tpu.memory_space<vmem_shared>>) dst(%dma_wait3A_131 : memref<80x128xf32, #tpu.memory_space<vmem>>)
        tpu.yield
      }) : () -> ()
      "tpu.region"() ({
        %run_scoped3A = tpu.sem_alloc : memref<!tpu.dma_semaphore, #tpu.memory_space<semaphore_mem>>
        %dma_start3A_115 = arith.constant 0 : i32
        %dma_start3A_116 = arith.constant 0 : i32
        %dma_start3A_117 = tpu.memref_slice %arg8[%dma_start3A_115, %dma_start3A_116] : memref<128x128xf32, #tpu.memory_space<vmem>> -> memref<80x128xf32, #tpu.memory_space<vmem>>
        %dma_start3A_118 = arith.constant 0 : i32
        %dma_start3A_119 = tpu.memref_slice %arg5[%arg0, %mul3A_114, %dma_start3A_118] : memref<2x10000x128xf32, #tpu.memory_space<hbm>> -> memref<1x80x128xf32, #tpu.memory_space<hbm>>
        %dma_start3A_120 = tpu.memref_squeeze %dma_start3A_119 : memref<1x80x128xf32, #tpu.memory_space<hbm>> -> memref<80x128xf32, #tpu.memory_space<hbm>>
        %dma_start3A_121 = arith.constant 0 : i32
        %dma_start3A_122 = tpu.memref_slice %arg5[%arg0, %mul3A_114, %dma_start3A_121] : memref<2x10000x128xf32, #tpu.memory_space<hbm>> -> memref<1x80x128xf32, #tpu.memory_space<hbm>>
        %dma_start3A_123 = tpu.memref_squeeze %dma_start3A_122 : memref<1x80x128xf32, #tpu.memory_space<hbm>> -> memref<80x128xf32, #tpu.memory_space<hbm>>
        %dma_start3A_124 = arith.constant 0 : i32
        %dma_start3A_125 = arith.constant 0 : i32
        %dma_start3A_126 = tpu.memref_slice %arg8[%dma_start3A_124, %dma_start3A_125] : memref<128x128xf32, #tpu.memory_space<vmem>> -> memref<80x128xf32, #tpu.memory_space<vmem>>
        tpu.enqueue_dma source(%dma_start3A_126 : memref<80x128xf32, #tpu.memory_space<vmem>>) target(%dma_start3A_123 : memref<80x128xf32, #tpu.memory_space<hbm>>) target_semaphore(%run_scoped3A : memref<!tpu.dma_semaphore, #tpu.memory_space<semaphore_mem>>)
        %dma_wait3A = arith.constant 0 : i32
        %dma_wait3A_127 = arith.constant 0 : i32
        %dma_wait3A_128 = tpu.memref_slice %arg8[%dma_wait3A, %dma_wait3A_127] : memref<128x128xf32, #tpu.memory_space<vmem>> -> memref<80x128xf32, #tpu.memory_space<vmem>>
        %dma_wait3A_129 = arith.constant 0 : i32
        %dma_wait3A_130 = tpu.memref_slice %arg5[%arg0, %mul3A_114, %dma_wait3A_129] : memref<2x10000x128xf32, #tpu.memory_space<hbm>> -> memref<1x80x128xf32, #tpu.memory_space<hbm>>
        %dma_wait3A_131 = tpu.memref_squeeze %dma_wait3A_130 : memref<1x80x128xf32, #tpu.memory_space<hbm>> -> memref<80x128xf32, #tpu.memory_space<hbm>>
        %dma_wait3A_132 = arith.constant 0 : i32
        %dma_wait3A_133 = tpu.memref_slice %arg5[%arg0, %mul3A_114, %dma_wait3A_132] : memref<2x10000x128xf32, #tpu.memory_space<hbm>> -> memref<1x80x128xf32, #tpu.memory_space<hbm>>
        %dma_wait3A_134 = tpu.memref_squeeze %dma_wait3A_133 : memref<1x80x128xf32, #tpu.memory_space<hbm>> -> memref<80x128xf32, #tpu.memory_space<hbm>>
        %dma_wait3A_135 = arith.constant 0 : i32
        %dma_wait3A_136 = arith.constant 0 : i32
        %dma_wait3A_137 = tpu.memref_slice %arg8[%dma_wait3A_135, %dma_wait3A_136] : memref<128x128xf32, #tpu.memory_space<vmem>> -> memref<80x128xf32, #tpu.memory_space<vmem>>
        tpu.wait_dma2 semaphore(%run_scoped3A : memref<!tpu.dma_semaphore, #tpu.memory_space<semaphore_mem>>) src(%dma_wait3A_137 : memref<80x128xf32, #tpu.memory_space<vmem>>) dst(%dma_wait3A_134 : memref<80x128xf32, #tpu.memory_space<hbm>>)
        tpu.yield
      }) : () -> ()
    } else {
    }
    %add3A_106 = arith.constant 112 : i32
    %add3A_107 = arith.addi %arg1, %add3A_106 : i32
    %lt3A_108 = arith.constant 125 : i32
    %lt3A_109 = arith.cmpi slt, %add3A_107, %lt3A_108 : i32
    %convert_element_type3A_110 = arith.extui %lt3A_109 : i1 to i32
    %cond3A_111 = arith.constant 0 : i32
    %cond3A_112 = arith.cmpi ne, %convert_element_type3A_110, %cond3A_111 : i32
    scf.if %cond3A_112 {
      %mul3A_113 = arith.constant 80 : i32
      %mul3A_114 = arith.muli %add3A_107, %mul3A_113 : i32
      "tpu.region"() ({
        %run_scoped3A = tpu.sem_alloc : memref<!tpu.dma_semaphore, #tpu.memory_space<semaphore_mem>>
        %dma_start3A_115 = arith.constant 0 : i32
        %dma_start3A_116 = arith.constant 0 : i32
        %dma_start3A_117 = tpu.memref_slice %arg8[%dma_start3A_115, %dma_start3A_116] : memref<128x128xf32, #tpu.memory_space<vmem>> -> memref<80x128xf32, #tpu.memory_space<vmem>>
        %dma_start3A_118 = arith.constant 0 : i32
        %dma_start3A_119 = tpu.memref_slice %arg10[%mul3A_114, %dma_start3A_118] : memref<10240x128xf32, #tpu.memory_space<vmem_shared>> -> memref<80x128xf32, #tpu.memory_space<vmem_shared>>
        %dma_start3A_120 = arith.constant 0 : i32
        %dma_start3A_121 = arith.constant 0 : i32
        %dma_start3A_122 = tpu.memref_slice %arg8[%dma_start3A_120, %dma_start3A_121] : memref<128x128xf32, #tpu.memory_space<vmem>> -> memref<80x128xf32, #tpu.memory_space<vmem>>
        %dma_start3A_123 = arith.constant 0 : i32
        %dma_start3A_124 = tpu.memref_slice %arg10[%mul3A_114, %dma_start3A_123] : memref<10240x128xf32, #tpu.memory_space<vmem_shared>> -> memref<80x128xf32, #tpu.memory_space<vmem_shared>>
        tpu.enqueue_dma source(%dma_start3A_124 : memref<80x128xf32, #tpu.memory_space<vmem_shared>>) target(%dma_start3A_122 : memref<80x128xf32, #tpu.memory_space<vmem>>) target_semaphore(%run_scoped3A : memref<!tpu.dma_semaphore, #tpu.memory_space<semaphore_mem>>)
        %dma_wait3A = arith.constant 0 : i32
        %dma_wait3A_125 = arith.constant 0 : i32
        %dma_wait3A_126 = tpu.memref_slice %arg8[%dma_wait3A, %dma_wait3A_125] : memref<128x128xf32, #tpu.memory_space<vmem>> -> memref<80x128xf32, #tpu.memory_space<vmem>>
        %dma_wait3A_127 = arith.constant 0 : i32
        %dma_wait3A_128 = tpu.memref_slice %arg10[%mul3A_114, %dma_wait3A_127] : memref<10240x128xf32, #tpu.memory_space<vmem_shared>> -> memref<80x128xf32, #tpu.memory_space<vmem_shared>>
        %dma_wait3A_129 = arith.constant 0 : i32
        %dma_wait3A_130 = arith.constant 0 : i32
        %dma_wait3A_131 = tpu.memref_slice %arg8[%dma_wait3A_129, %dma_wait3A_130] : memref<128x128xf32, #tpu.memory_space<vmem>> -> memref<80x128xf32, #tpu.memory_space<vmem>>
        %dma_wait3A_132 = arith.constant 0 : i32
        %dma_wait3A_133 = tpu.memref_slice %arg10[%mul3A_114, %dma_wait3A_132] : memref<10240x128xf32, #tpu.memory_space<vmem_shared>> -> memref<80x128xf32, #tpu.memory_space<vmem_shared>>
        tpu.wait_dma2 semaphore(%run_scoped3A : memref<!tpu.dma_semaphore, #tpu.memory_space<semaphore_mem>>) src(%dma_wait3A_133 : memref<80x128xf32, #tpu.memory_space<vmem_shared>>) dst(%dma_wait3A_131 : memref<80x128xf32, #tpu.memory_space<vmem>>)
        tpu.yield
      }) : () -> ()
      "tpu.region"() ({
        %run_scoped3A = tpu.sem_alloc : memref<!tpu.dma_semaphore, #tpu.memory_space<semaphore_mem>>
        %dma_start3A_115 = arith.constant 0 : i32
        %dma_start3A_116 = arith.constant 0 : i32
        %dma_start3A_117 = tpu.memref_slice %arg8[%dma_start3A_115, %dma_start3A_116] : memref<128x128xf32, #tpu.memory_space<vmem>> -> memref<80x128xf32, #tpu.memory_space<vmem>>
        %dma_start3A_118 = arith.constant 0 : i32
        %dma_start3A_119 = tpu.memref_slice %arg5[%arg0, %mul3A_114, %dma_start3A_118] : memref<2x10000x128xf32, #tpu.memory_space<hbm>> -> memref<1x80x128xf32, #tpu.memory_space<hbm>>
        %dma_start3A_120 = tpu.memref_squeeze %dma_start3A_119 : memref<1x80x128xf32, #tpu.memory_space<hbm>> -> memref<80x128xf32, #tpu.memory_space<hbm>>
        %dma_start3A_121 = arith.constant 0 : i32
        %dma_start3A_122 = tpu.memref_slice %arg5[%arg0, %mul3A_114, %dma_start3A_121] : memref<2x10000x128xf32, #tpu.memory_space<hbm>> -> memref<1x80x128xf32, #tpu.memory_space<hbm>>
        %dma_start3A_123 = tpu.memref_squeeze %dma_start3A_122 : memref<1x80x128xf32, #tpu.memory_space<hbm>> -> memref<80x128xf32, #tpu.memory_space<hbm>>
        %dma_start3A_124 = arith.constant 0 : i32
        %dma_start3A_125 = arith.constant 0 : i32
        %dma_start3A_126 = tpu.memref_slice %arg8[%dma_start3A_124, %dma_start3A_125] : memref<128x128xf32, #tpu.memory_space<vmem>> -> memref<80x128xf32, #tpu.memory_space<vmem>>
        tpu.enqueue_dma source(%dma_start3A_126 : memref<80x128xf32, #tpu.memory_space<vmem>>) target(%dma_start3A_123 : memref<80x128xf32, #tpu.memory_space<hbm>>) target_semaphore(%run_scoped3A : memref<!tpu.dma_semaphore, #tpu.memory_space<semaphore_mem>>)
        %dma_wait3A = arith.constant 0 : i32
        %dma_wait3A_127 = arith.constant 0 : i32
        %dma_wait3A_128 = tpu.memref_slice %arg8[%dma_wait3A, %dma_wait3A_127] : memref<128x128xf32, #tpu.memory_space<vmem>> -> memref<80x128xf32, #tpu.memory_space<vmem>>
        %dma_wait3A_129 = arith.constant 0 : i32
        %dma_wait3A_130 = tpu.memref_slice %arg5[%arg0, %mul3A_114, %dma_wait3A_129] : memref<2x10000x128xf32, #tpu.memory_space<hbm>> -> memref<1x80x128xf32, #tpu.memory_space<hbm>>
        %dma_wait3A_131 = tpu.memref_squeeze %dma_wait3A_130 : memref<1x80x128xf32, #tpu.memory_space<hbm>> -> memref<80x128xf32, #tpu.memory_space<hbm>>
        %dma_wait3A_132 = arith.constant 0 : i32
        %dma_wait3A_133 = tpu.memref_slice %arg5[%arg0, %mul3A_114, %dma_wait3A_132] : memref<2x10000x128xf32, #tpu.memory_space<hbm>> -> memref<1x80x128xf32, #tpu.memory_space<hbm>>
        %dma_wait3A_134 = tpu.memref_squeeze %dma_wait3A_133 : memref<1x80x128xf32, #tpu.memory_space<hbm>> -> memref<80x128xf32, #tpu.memory_space<hbm>>
        %dma_wait3A_135 = arith.constant 0 : i32
        %dma_wait3A_136 = arith.constant 0 : i32
        %dma_wait3A_137 = tpu.memref_slice %arg8[%dma_wait3A_135, %dma_wait3A_136] : memref<128x128xf32, #tpu.memory_space<vmem>> -> memref<80x128xf32, #tpu.memory_space<vmem>>
        tpu.wait_dma2 semaphore(%run_scoped3A : memref<!tpu.dma_semaphore, #tpu.memory_space<semaphore_mem>>) src(%dma_wait3A_137 : memref<80x128xf32, #tpu.memory_space<vmem>>) dst(%dma_wait3A_134 : memref<80x128xf32, #tpu.memory_space<hbm>>)
        tpu.yield
      }) : () -> ()
    } else {
    }
    return
  }
}

module attributes {stable_mosaic.version = 14 : i64} {
  func.func @_stage1_body(%arg0: i32, %arg1: memref<1000x128xf32, #tpu.memory_space<vmem>>, %arg2: memref<1000x1xf32, #tpu.memory_space<vmem>>, %arg3: memref<1000x1xf32, #tpu.memory_space<vmem>>, %arg4: memref<1000x1xf32, #tpu.memory_space<vmem>>, %arg5: memref<1000x1xf32, #tpu.memory_space<vmem>>, %arg6: memref<1000x128xf32, #tpu.memory_space<vmem>>, %arg7: memref<1000x1xf32, #tpu.memory_space<vmem>>, %arg8: memref<1000x1xf32, #tpu.memory_space<vmem>>) attributes {dimension_semantics = [#tpu.dimension_semantics<arbitrary>], iteration_bounds = array<i64: 10>, scalar_prefetch = 0 : i64, scratch_operands = 0 : i64, tpu.core_type = #tpu.core_type<tc>, window_params = [{transform_indices = @transform_0, window_bounds = array<i64: 1000, 128>}, {transform_indices = @transform_1, window_bounds = array<i64: 1000, 1>}, {transform_indices = @transform_2, window_bounds = array<i64: 1000, 1>}, {transform_indices = @transform_3, window_bounds = array<i64: 1000, 1>}, {transform_indices = @transform_4, window_bounds = array<i64: 1000, 1>}, {transform_indices = @transform_5, window_bounds = array<i64: 1000, 128>}, {transform_indices = @transform_6, window_bounds = array<i64: 1000, 1>}, {transform_indices = @transform_7, window_bounds = array<i64: 1000, 1>}]} {
    %get3A = arith.constant 0 : index
    %get3A_0 = arith.constant 0 : index
    %get3A_1 = vector.load %arg2[%get3A, %get3A_0] : memref<1000x1xf32, #tpu.memory_space<vmem>>, vector<1000x1xf32>
    %get3A_2 = arith.constant 0 : index
    %get3A_3 = arith.constant 0 : index
    %get3A_4 = vector.load %arg3[%get3A_2, %get3A_3] : memref<1000x1xf32, #tpu.memory_space<vmem>>, vector<1000x1xf32>
    %add3A = arith.addf %get3A_1, %get3A_4 : vector<1000x1xf32>
    %get3A_5 = arith.constant 0 : index
    %get3A_6 = arith.constant 0 : index
    %get3A_7 = vector.load %arg4[%get3A_5, %get3A_6] : memref<1000x1xf32, #tpu.memory_space<vmem>>, vector<1000x1xf32>
    %get3A_8 = arith.constant 0 : index
    %get3A_9 = arith.constant 0 : index
    %get3A_10 = vector.load %arg5[%get3A_8, %get3A_9] : memref<1000x1xf32, #tpu.memory_space<vmem>>, vector<1000x1xf32>
    %add3A_11 = arith.addf %get3A_7, %get3A_10 : vector<1000x1xf32>
    %max3A = arith.constant 1.000000e+00 : f32
    %max3A_12 = vector.broadcast %max3A : f32 to vector<1000x1xf32>
    %max3A_13 = arith.maximumf %add3A, %max3A_12 : vector<1000x1xf32>
    %rsqrt3A = math.rsqrt %max3A_13 : vector<1000x1xf32>
    %max3A_14 = arith.constant 1.000000e+00 : f32
    %max3A_15 = vector.broadcast %max3A_14 : f32 to vector<1000x1xf32>
    %max3A_16 = arith.maximumf %add3A_11, %max3A_15 : vector<1000x1xf32>
    %rsqrt3A_17 = math.rsqrt %max3A_16 : vector<1000x1xf32>
    %get3A_18 = arith.constant 0 : index
    %get3A_19 = arith.constant 0 : index
    %get3A_20 = vector.load %arg1[%get3A_18, %get3A_19] : memref<1000x128xf32, #tpu.memory_space<vmem>>, vector<1000x128xf32>
    %mul3A = vector.broadcast %rsqrt3A : vector<1000x1xf32> to vector<1000x128xf32>
    %mul3A_21 = arith.mulf %get3A_20, %mul3A : vector<1000x128xf32>
    %swap3A = arith.constant 0 : index
    %swap3A_22 = arith.constant 0 : index
    %swap3A_23 = vector.load %arg6[%swap3A, %swap3A_22] : memref<1000x128xf32, #tpu.memory_space<vmem>>, vector<1000x128xf32>
    tpu.vector_store %arg6[%swap3A, %swap3A_22], %mul3A_21 {strides = array<i32>} : memref<1000x128xf32, #tpu.memory_space<vmem>>, vector<1000x128xf32>,
    %swap3A_24 = arith.constant 0 : index
    %swap3A_25 = arith.constant 0 : index
    %swap3A_26 = vector.load %arg7[%swap3A_24, %swap3A_25] : memref<1000x1xf32, #tpu.memory_space<vmem>>, vector<1000x1xf32>
    tpu.vector_store %arg7[%swap3A_24, %swap3A_25], %rsqrt3A {strides = array<i32>} : memref<1000x1xf32, #tpu.memory_space<vmem>>, vector<1000x1xf32>,
    %swap3A_27 = arith.constant 0 : index
    %swap3A_28 = arith.constant 0 : index
    %swap3A_29 = vector.load %arg8[%swap3A_27, %swap3A_28] : memref<1000x1xf32, #tpu.memory_space<vmem>>, vector<1000x1xf32>
    tpu.vector_store %arg8[%swap3A_27, %swap3A_28], %rsqrt3A_17 {strides = array<i32>} : memref<1000x1xf32, #tpu.memory_space<vmem>>, vector<1000x1xf32>,
    return
  }
  func.func @transform_0(%arg0: i32) -> (i32, i32) {
    %c0_i32 = arith.constant 0 : i32
    %c0_i32_0 = arith.constant 0 : i32
    return %arg0, %c0_i32 : i32, i32
  }
  func.func @transform_1(%arg0: i32) -> (i32, i32) {
    %c0_i32 = arith.constant 0 : i32
    %c0_i32_0 = arith.constant 0 : i32
    return %arg0, %c0_i32 : i32, i32
  }
  func.func @transform_2(%arg0: i32) -> (i32, i32) {
    %c0_i32 = arith.constant 0 : i32
    %c0_i32_0 = arith.constant 0 : i32
    return %arg0, %c0_i32 : i32, i32
  }
  func.func @transform_3(%arg0: i32) -> (i32, i32) {
    %c0_i32 = arith.constant 0 : i32
    %c0_i32_0 = arith.constant 0 : i32
    return %arg0, %c0_i32 : i32, i32
  }
  func.func @transform_4(%arg0: i32) -> (i32, i32) {
    %c0_i32 = arith.constant 0 : i32
    %c0_i32_0 = arith.constant 0 : i32
    return %arg0, %c0_i32 : i32, i32
  }
  func.func @transform_5(%arg0: i32) -> (i32, i32) {
    %c0_i32 = arith.constant 0 : i32
    %c0_i32_0 = arith.constant 0 : i32
    return %arg0, %c0_i32 : i32, i32
  }
  func.func @transform_6(%arg0: i32) -> (i32, i32) {
    %c0_i32 = arith.constant 0 : i32
    %c0_i32_0 = arith.constant 0 : i32
    return %arg0, %c0_i32 : i32, i32
  }
  func.func @transform_7(%arg0: i32) -> (i32, i32) {
    %c0_i32 = arith.constant 0 : i32
    %c0_i32_0 = arith.constant 0 : i32
    return %arg0, %c0_i32 : i32, i32
  }
}

module attributes {stable_mosaic.version = 14 : i64} {
  func.func @_stage2_body(%arg0: i32, %arg1: memref<2x1000x128xf32, #tpu.memory_space<vmem>>, %arg2: memref<1000x1xf32, #tpu.memory_space<vmem>>, %arg3: memref<1000x1xf32, #tpu.memory_space<vmem>>, %arg4: memref<1x128xf32, #tpu.memory_space<vmem>>, %arg5: memref<128x128xf32, #tpu.memory_space<vmem>>, %arg6: memref<1000x128xf32, #tpu.memory_space<vmem>>) attributes {dimension_semantics = [#tpu.dimension_semantics<arbitrary>], iteration_bounds = array<i64: 10>, scalar_prefetch = 0 : i64, scratch_operands = 0 : i64, tpu.core_type = #tpu.core_type<tc>, window_params = [{transform_indices = @transform_0, window_bounds = array<i64: 2, 1000, 128>}, {transform_indices = @transform_1, window_bounds = array<i64: 1000, 1>}, {transform_indices = @transform_2, window_bounds = array<i64: 1000, 1>}, {pipeline_mode = #tpu.pipeline_mode<synchronous>, transform_indices = @transform_3, window_bounds = array<i64: 1, 128>}, {pipeline_mode = #tpu.pipeline_mode<synchronous>, transform_indices = @transform_4, window_bounds = array<i64: 128, 128>}, {transform_indices = @transform_5, window_bounds = array<i64: 1000, 128>}]} {
    %get3A = arith.constant 0 : index
    %get3A_0 = arith.constant 0 : index
    %get3A_1 = arith.constant 0 : index
    %get3A_2 = vector.load %arg1[%get3A, %get3A_0, %get3A_1] : memref<2x1000x128xf32, #tpu.memory_space<vmem>>, vector<1x1000x128xf32>
    %get3A_3 = vector.shape_cast %get3A_2 : vector<1x1000x128xf32> to vector<1000x128xf32>
    %get3A_4 = arith.constant 1 : index
    %get3A_5 = arith.constant 0 : index
    %get3A_6 = arith.constant 0 : index
    %get3A_7 = vector.load %arg1[%get3A_4, %get3A_5, %get3A_6] : memref<2x1000x128xf32, #tpu.memory_space<vmem>>, vector<1x1000x128xf32>
    %get3A_8 = vector.shape_cast %get3A_7 : vector<1x1000x128xf32> to vector<1000x128xf32>
    %add3A = arith.addf %get3A_3, %get3A_8 : vector<1000x128xf32>
    %get3A_9 = arith.constant 0 : index
    %get3A_10 = arith.constant 0 : index
    %get3A_11 = vector.load %arg2[%get3A_9, %get3A_10] : memref<1000x1xf32, #tpu.memory_space<vmem>>, vector<1000x1xf32>
    %mul3A = vector.broadcast %get3A_11 : vector<1000x1xf32> to vector<1000x128xf32>
    %mul3A_12 = arith.mulf %add3A, %mul3A : vector<1000x128xf32>
    %get3A_13 = arith.constant 0 : index
    %get3A_14 = arith.constant 0 : index
    %get3A_15 = vector.load %arg5[%get3A_13, %get3A_14] : memref<128x128xf32, #tpu.memory_space<vmem>>, vector<128x128xf32>
    %dot_general3A = arith.constant dense<0.000000e+00> : vector<1000x128xf32>
    %dot_general3A_16 = tpu.matmul %mul3A_12, %get3A_15, %dot_general3A {dimension_numbers = #tpu.dot_dimension_numbers<[1], [0], [0], [1], [0, 0, 1, 1], [], []>, precision = #tpu.contract_precision<fp32>, transpose_lhs_hint = false} : vector<1000x128xf32>, vector<128x128xf32>, vector<1000x128xf32> -> vector<1000x128xf32>
    %get3A_17 = arith.constant 0 : index
    %get3A_18 = arith.constant 0 : index
    %get3A_19 = vector.load %arg4[%get3A_17, %get3A_18] : memref<1x128xf32, #tpu.memory_space<vmem>>, vector<1x128xf32>
    %add3A_20 = vector.broadcast %get3A_19 : vector<1x128xf32> to vector<1000x128xf32>
    %add3A_21 = arith.addf %dot_general3A_16, %add3A_20 : vector<1000x128xf32>
    %max3A = arith.constant 0.000000e+00 : f32
    %max3A_22 = vector.broadcast %max3A : f32 to vector<1000x128xf32>
    %max3A_23 = arith.maximumf %add3A_21, %max3A_22 : vector<1000x128xf32>
    %get3A_24 = arith.constant 0 : index
    %get3A_25 = arith.constant 0 : index
    %get3A_26 = vector.load %arg3[%get3A_24, %get3A_25] : memref<1000x1xf32, #tpu.memory_space<vmem>>, vector<1000x1xf32>
    %mul3A_27 = vector.broadcast %get3A_26 : vector<1000x1xf32> to vector<1000x128xf32>
    %mul3A_28 = arith.mulf %max3A_23, %mul3A_27 : vector<1000x128xf32>
    %swap3A = arith.constant 0 : index
    %swap3A_29 = arith.constant 0 : index
    %swap3A_30 = vector.load %arg6[%swap3A, %swap3A_29] : memref<1000x128xf32, #tpu.memory_space<vmem>>, vector<1000x128xf32>
    tpu.vector_store %arg6[%swap3A, %swap3A_29], %mul3A_28 {strides = array<i32>} : memref<1000x128xf32, #tpu.memory_space<vmem>>, vector<1000x128xf32>,
    return
  }
  func.func @transform_0(%arg0: i32) -> (i32, i32, i32) {
    %c0_i32 = arith.constant 0 : i32
    %c0_i32_0 = arith.constant 0 : i32
    %c0_i32_1 = arith.constant 0 : i32
    return %c0_i32, %arg0, %c0_i32_0 : i32, i32, i32
  }
  func.func @transform_1(%arg0: i32) -> (i32, i32) {
    %c0_i32 = arith.constant 0 : i32
    %c0_i32_0 = arith.constant 0 : i32
    return %arg0, %c0_i32 : i32, i32
  }
  func.func @transform_2(%arg0: i32) -> (i32, i32) {
    %c0_i32 = arith.constant 0 : i32
    %c0_i32_0 = arith.constant 0 : i32
    return %arg0, %c0_i32 : i32, i32
  }
  func.func @transform_3(%arg0: i32) -> (i32, i32) {
    %c0_i32 = arith.constant 0 : i32
    %c0_i32_0 = arith.constant 0 : i32
    %c0_i32_1 = arith.constant 0 : i32
    return %c0_i32, %c0_i32_0 : i32, i32
  }
  func.func @transform_4(%arg0: i32) -> (i32, i32) {
    %c0_i32 = arith.constant 0 : i32
    %c0_i32_0 = arith.constant 0 : i32
    %c0_i32_1 = arith.constant 0 : i32
    return %c0_i32, %c0_i32_0 : i32, i32
  }
  func.func @transform_5(%arg0: i32) -> (i32, i32) {
    %c0_i32 = arith.constant 0 : i32
    %c0_i32_0 = arith.constant 0 : i32
    return %arg0, %c0_i32 : i32, i32
  }
}

module attributes {stable_mosaic.version = 14 : i64} {
  func.func @_stage3_body(%arg0: i32, %arg1: memref<2x1000x128xf32, #tpu.memory_space<vmem>>, %arg2: memref<1000x1xf32, #tpu.memory_space<vmem>>, %arg3: memref<1x128xf32, #tpu.memory_space<vmem>>, %arg4: memref<128x128xf32, #tpu.memory_space<vmem>>, %arg5: memref<128x1xf32, #tpu.memory_space<vmem>>, %arg6: memref<1x1xf32, #tpu.memory_space<vmem>>, %arg7: memref<1x1xf32, #tpu.memory_space<vmem>>, %arg8: memref<1x128xf32, #tpu.memory_space<vmem>>) attributes {dimension_semantics = [#tpu.dimension_semantics<arbitrary>], iteration_bounds = array<i64: 10>, scalar_prefetch = 0 : i64, scratch_operands = 1 : i64, tpu.core_type = #tpu.core_type<tc>, window_params = [{transform_indices = @transform_0, window_bounds = array<i64: 2, 1000, 128>}, {transform_indices = @transform_1, window_bounds = array<i64: 1000, 1>}, {pipeline_mode = #tpu.pipeline_mode<synchronous>, transform_indices = @transform_2, window_bounds = array<i64: 1, 128>}, {pipeline_mode = #tpu.pipeline_mode<synchronous>, transform_indices = @transform_3, window_bounds = array<i64: 128, 128>}, {pipeline_mode = #tpu.pipeline_mode<synchronous>, transform_indices = @transform_4, window_bounds = array<i64: 128, 1>}, {pipeline_mode = #tpu.pipeline_mode<synchronous>, transform_indices = @transform_5, window_bounds = array<i64: 1, 1>}, {pipeline_mode = #tpu.pipeline_mode<synchronous>, transform_indices = @transform_6, window_bounds = array<i64: 1, 1>}]} {
    %eq3A = arith.constant 0 : i32
    %eq3A_0 = arith.cmpi eq, %arg0, %eq3A : i32
    %convert_element_type3A = arith.extui %eq3A_0 : i1 to i32
    %cond3A = arith.constant 0 : i32
    %cond3A_1 = arith.cmpi ne, %convert_element_type3A, %cond3A : i32
    scf.if %cond3A_1 {
      %broadcast_in_dim3A_38 = arith.constant 0.000000e+00 : f32
      %broadcast_in_dim3A_39 = vector.broadcast %broadcast_in_dim3A_38 : f32 to vector<1x128xf32>
      %swap3A_40 = arith.constant 0 : index
      %swap3A_41 = arith.constant 0 : index
      %swap3A_42 = vector.load %arg8[%swap3A_40, %swap3A_41] : memref<1x128xf32, #tpu.memory_space<vmem>>, vector<1x128xf32>
      tpu.vector_store %arg8[%swap3A_40, %swap3A_41], %broadcast_in_dim3A_39 {strides = array<i32>} : memref<1x128xf32, #tpu.memory_space<vmem>>, vector<1x128xf32>,
    } else {
    }
    %get3A = arith.constant 0 : index
    %get3A_2 = arith.constant 0 : index
    %get3A_3 = arith.constant 0 : index
    %get3A_4 = vector.load %arg1[%get3A, %get3A_2, %get3A_3] : memref<2x1000x128xf32, #tpu.memory_space<vmem>>, vector<1x1000x128xf32>
    %get3A_5 = vector.shape_cast %get3A_4 : vector<1x1000x128xf32> to vector<1000x128xf32>
    %get3A_6 = arith.constant 1 : index
    %get3A_7 = arith.constant 0 : index
    %get3A_8 = arith.constant 0 : index
    %get3A_9 = vector.load %arg1[%get3A_6, %get3A_7, %get3A_8] : memref<2x1000x128xf32, #tpu.memory_space<vmem>>, vector<1x1000x128xf32>
    %get3A_10 = vector.shape_cast %get3A_9 : vector<1x1000x128xf32> to vector<1000x128xf32>
    %add3A = arith.addf %get3A_5, %get3A_10 : vector<1000x128xf32>
    %get3A_11 = arith.constant 0 : index
    %get3A_12 = arith.constant 0 : index
    %get3A_13 = vector.load %arg2[%get3A_11, %get3A_12] : memref<1000x1xf32, #tpu.memory_space<vmem>>, vector<1000x1xf32>
    %mul3A = vector.broadcast %get3A_13 : vector<1000x1xf32> to vector<1000x128xf32>
    %mul3A_14 = arith.mulf %add3A, %mul3A : vector<1000x128xf32>
    %get3A_15 = arith.constant 0 : index
    %get3A_16 = arith.constant 0 : index
    %get3A_17 = vector.load %arg4[%get3A_15, %get3A_16] : memref<128x128xf32, #tpu.memory_space<vmem>>, vector<128x128xf32>
    %dot_general3A = arith.constant dense<0.000000e+00> : vector<1000x128xf32>
    %dot_general3A_18 = tpu.matmul %mul3A_14, %get3A_17, %dot_general3A {dimension_numbers = #tpu.dot_dimension_numbers<[1], [0], [0], [1], [0, 0, 1, 1], [], []>, precision = #tpu.contract_precision<fp32>, transpose_lhs_hint = false} : vector<1000x128xf32>, vector<128x128xf32>, vector<1000x128xf32> -> vector<1000x128xf32>
    %get3A_19 = arith.constant 0 : index
    %get3A_20 = arith.constant 0 : index
    %get3A_21 = vector.load %arg3[%get3A_19, %get3A_20] : memref<1x128xf32, #tpu.memory_space<vmem>>, vector<1x128xf32>
    %add3A_22 = vector.broadcast %get3A_21 : vector<1x128xf32> to vector<1000x128xf32>
    %add3A_23 = arith.addf %dot_general3A_18, %add3A_22 : vector<1000x128xf32>
    %max3A = arith.constant 0.000000e+00 : f32
    %max3A_24 = vector.broadcast %max3A : f32 to vector<1000x128xf32>
    %max3A_25 = arith.maximumf %add3A_23, %max3A_24 : vector<1000x128xf32>
    %get3A_26 = arith.constant 0 : index
    %get3A_27 = arith.constant 0 : index
    %get3A_28 = vector.load %arg8[%get3A_26, %get3A_27] : memref<1x128xf32, #tpu.memory_space<vmem>>, vector<1x128xf32>
    %reduce_sum3A = arith.constant dense<0.000000e+00> : vector<128xf32>
    %reduce_sum3A_29 = vector.multi_reduction <add>, %max3A_25, %reduce_sum3A [0] : vector<1000x128xf32> to vector<128xf32>
    %broadcast_in_dim3A = vector.shape_cast %reduce_sum3A_29 : vector<128xf32> to vector<1x128xf32>
    %add3A_30 = arith.addf %get3A_28, %broadcast_in_dim3A : vector<1x128xf32>
    %swap3A = arith.constant 0 : index
    %swap3A_31 = arith.constant 0 : index
    %swap3A_32 = vector.load %arg8[%swap3A, %swap3A_31] : memref<1x128xf32, #tpu.memory_space<vmem>>, vector<1x128xf32>
    tpu.vector_store %arg8[%swap3A, %swap3A_31], %add3A_30 {strides = array<i32>} : memref<1x128xf32, #tpu.memory_space<vmem>>, vector<1x128xf32>,
    %eq3A_33 = arith.constant 9 : i32
    %eq3A_34 = arith.cmpi eq, %arg0, %eq3A_33 : i32
    %convert_element_type3A_35 = arith.extui %eq3A_34 : i1 to i32
    %cond3A_36 = arith.constant 0 : i32
    %cond3A_37 = arith.cmpi ne, %convert_element_type3A_35, %cond3A_36 : i32
    scf.if %cond3A_37 {
      %get3A_38 = arith.constant 0 : index
      %get3A_39 = arith.constant 0 : index
      %get3A_40 = vector.load %arg8[%get3A_38, %get3A_39] : memref<1x128xf32, #tpu.memory_space<vmem>>, vector<1x128xf32>
      %div3A = arith.constant 1.000000e+04 : f32
      %div3A_41 = vector.broadcast %div3A : f32 to vector<1x128xf32>
      %div3A_42 = arith.divf %get3A_40, %div3A_41 : vector<1x128xf32>
      %get3A_43 = arith.constant 0 : index
      %get3A_44 = arith.constant 0 : index
      %get3A_45 = vector.load %arg5[%get3A_43, %get3A_44] : memref<128x1xf32, #tpu.memory_space<vmem>>, vector<128x1xf32>
      %dot_general3A_46 = arith.constant dense<0.000000e+00> : vector<1x1xf32>
      %dot_general3A_47 = tpu.matmul %div3A_42, %get3A_45, %dot_general3A_46 {dimension_numbers = #tpu.dot_dimension_numbers<[1], [0], [0], [1], [0, 0, 1, 1], [], []>, precision = #tpu.contract_precision<fp32>, transpose_lhs_hint = false} : vector<1x128xf32>, vector<128x1xf32>, vector<1x1xf32> -> vector<1x1xf32>
      %get3A_48 = arith.constant 0 : index
      %get3A_49 = arith.constant 0 : index
      %get3A_50 = vector.load %arg6[%get3A_48, %get3A_49] : memref<1x1xf32, #tpu.memory_space<vmem>>, vector<1x1xf32>
      %add3A_51 = arith.addf %dot_general3A_47, %get3A_50 : vector<1x1xf32>
      %swap3A_52 = arith.constant 0 : index
      %swap3A_53 = arith.constant 0 : index
      %swap3A_54 = vector.load %arg7[%swap3A_52, %swap3A_53] : memref<1x1xf32, #tpu.memory_space<vmem>>, vector<1x1xf32>
      tpu.vector_store %arg7[%swap3A_52, %swap3A_53], %add3A_51 {strides = array<i32>} : memref<1x1xf32, #tpu.memory_space<vmem>>, vector<1x1xf32>,
    } else {
    }
    return
  }
  func.func @transform_0(%arg0: i32) -> (i32, i32, i32) {
    %c0_i32 = arith.constant 0 : i32
    %c0_i32_0 = arith.constant 0 : i32
    %c0_i32_1 = arith.constant 0 : i32
    return %c0_i32, %arg0, %c0_i32_0 : i32, i32, i32
  }
  func.func @transform_1(%arg0: i32) -> (i32, i32) {
    %c0_i32 = arith.constant 0 : i32
    %c0_i32_0 = arith.constant 0 : i32
    return %arg0, %c0_i32 : i32, i32
  }
  func.func @transform_2(%arg0: i32) -> (i32, i32) {
    %c0_i32 = arith.constant 0 : i32
    %c0_i32_0 = arith.constant 0 : i32
    %c0_i32_1 = arith.constant 0 : i32
    return %c0_i32, %c0_i32_0 : i32, i32
  }
  func.func @transform_3(%arg0: i32) -> (i32, i32) {
    %c0_i32 = arith.constant 0 : i32
    %c0_i32_0 = arith.constant 0 : i32
    %c0_i32_1 = arith.constant 0 : i32
    return %c0_i32, %c0_i32_0 : i32, i32
  }
  func.func @transform_4(%arg0: i32) -> (i32, i32) {
    %c0_i32 = arith.constant 0 : i32
    %c0_i32_0 = arith.constant 0 : i32
    %c0_i32_1 = arith.constant 0 : i32
    return %c0_i32, %c0_i32_0 : i32, i32
  }
  func.func @transform_5(%arg0: i32) -> (i32, i32) {
    %c0_i32 = arith.constant 0 : i32
    %c0_i32_0 = arith.constant 0 : i32
    %c0_i32_1 = arith.constant 0 : i32
    return %c0_i32, %c0_i32_0 : i32, i32
  }
  func.func @transform_6(%arg0: i32) -> (i32, i32) {
    %c0_i32 = arith.constant 0 : i32
    %c0_i32_0 = arith.constant 0 : i32
    %c0_i32_1 = arith.constant 0 : i32
    return %c0_i32, %c0_i32_0 : i32, i32
  }
}

</mosaic_0001>

<sc_bundles>
// kernel: kernel.11.cloned.1.call-start
scs
__scs_entry_jumppad:
0x0: {  	(pc) =	sbr.rel $0x88, $3  }
0x1: {  	(tag) =	ssettag $0x0;
	lr =	simm.s32 $0x1  }
0x2: {  	[smem:$0x3F99] =	sst lr;
	_ =	strace $0xD0000000  }
0x3: {  	_ = 	snop  }
0x4: {  	_ = 	snop  }
0x5: {  	_ = 	snop  }
0x6: {  	_ = 	snop  }
0x7: {  	_ = 	snop  }
__scs_overlays_trampoline_lowered:
0x8: {  	[smem:$0x3FA8] =	sst s0  }
0x9: {  	[smem:$0x3FA9] =	sst s1  }
0xa: {  	[smem:$0x3FAA] =	sst s2  }
0xb: {  	[smem:$0x3FAB] =	sst s3  }
0xc: {  	[smem:$0x3FAC] =	sst s4  }
0xd: {  	[smem:$0x3FAD] =	sst s5  }
0xe: {  	[smem:$0x3FAE] =	sst s6  }
0xf: {  	[smem:$0x3FAF] =	sst s7  }
0x10: {  	[smem:$0x3FB0] =	sst s8  }
0x11: {  	[smem:$0x3FB1] =	sst s9;
	s0 =	simm.s32 @!p0 $0x0  }
0x12: {  	s1 =	sld [smem:$0x3F97];
	s0 =	simm.s32 @p0 $0x1  }
0x13: {  	[smem:$0x3FB2] =	sst s0;
	s0 =	simm.s32 @!p1 $0x0  }
0x14: {  	s2 =	sld [smem:$0x3F96];
	s0 =	simm.s32 @p1 $0x1  }
0x15: {  	[smem:$0x3FB3] =	sst s0;
	s0 =	simm.s32 @!p2 $0x0  }
0x16: {  	s3 =	sld [smem:$0x3FDB];
	s0 =	simm.s32 @p2 $0x1  }
0x17: {  	s4 =	simm.s32 $0x1BF5;
	[smem:$0x3FB5] =	sst s0  }
0x18: {  	s0 =	sld [smem:$0x3F98];
	_ =	swait.ge [sflag:s4], $0x0  }
0x19: {  	s7 =	sld [smem:$0x3F99]  }
0x1a: {  	s8 =	sadd.s32 $0xFFFFE003, lr  }
0x1b: {  	s9 =	sadd.s32 $0xFFFFFEF7, lr;
	s5 =	simm.s32 $0xFFFFFFFF;
	p2 =	slt.u32 s8, $0xFFFFF086  }
0x1c: {  	p1 =	slt.u32 s9, $0xF7A;
	s5 =	simm.s32 @!p2 $0x0  }
0x1d: {  	s5 =	simm.s32 @p1 $0x1;
	p0 =	seq.s32 s7, s2  }
0x1e: {  	s7 =	smul.u32 @!p0 $0xF7A, s2;
	p2 =	seq.s32 @!p0 s5, $0x0  }
0x1f: {  	s9 =	smul.u32 $0xF7A, s1;
	s8 =	simm.s32 @!p0 $0x1BF5;
	p2 =	por !p2, p0  }
0x20: {  	[sflag:s8] =	ssyncset.s32 @!p0 $0xFFFFF086;
	s6 =	sadd.s32 @!p0 s3, s7;
	s7 =	simm.s32 @!p0 $0x108  }
0x21: {  	s3 =	sadd.s32 s3, s9;
	s6 =	sadd.s32 @!p0 $0x88, s6;
	s7 =	simm.s32 @p2 $0x1082  }
0x22: {  	[simem:s7], [sflag:s8] =	dma.local @!p0 [hbm:s6], $0xF7A  }
0x23: {  	s9 =	sor.u32 $0xD0000000, s2;
	s6 =	simm.s32 $0x108;
	_ =	swait.ge @!p0 [sflag:s8], $0x0  }
0x24: {  	s3 =	sadd.s32 $0x88, s3;
	s6 =	simm.s32 @!p1 $0x1082;
	[sflag:s4] =	ssyncset.s32 $0xFFFFF086  }
0x25: {  	[simem:s6], [sflag:s4] =	dma.local [hbm:s3], $0xF7A  }
0x26: {  	[smem:$0x3F99] =	sst s1;
	(tag) =	ssettag s2;
	_ =	strace s9  }
0x27: {  	s1 =	sld [smem:$0x3FA9]  }
0x28: {  	s2 =	sld [smem:$0x3FAA]  }
0x29: {  	s4 =	sld [smem:$0x3FAC]  }
0x2a: {  	p0 =	seq.s32 s5, $0x0;
	s5 =	sld [smem:$0x3FAD]  }
0x2b: {  	s6 =	sld [smem:$0x3FAE]  }
0x2c: {  	s7 =	sld [smem:$0x3FAF]  }
0x2d: {  	s3 =	simm.s32 $0x108;
	s8 =	sld [smem:$0x3FB0]  }
0x2e: {  	s3 =	simm.s32 @!p0 $0x1082;
	s9 =	sld [smem:$0x3FB1]  }
0x2f: {  	lr =	sadd.s32 s0, s3;
	s0 =	sld [smem:$0x3FA8]  }
0x30: {  	s3 =	sld [smem:$0x3FAB]  }
0x31: {  	[smem:$0x3FB4] =	sst s10  }
0x32: {  	s10 =	sld [smem:$0x3FB2];
	_ =	sdelay $0x3  }
0x33: {  	p0 =	seq.s32 s10, $0x1;
	s10 =	sld [smem:$0x3FB4];
	_ =	sdelay $0x3  }
0x34: {  	[smem:$0x3FB4] =	sst s10  }
0x35: {  	s10 =	sld [smem:$0x3FB3];
	_ =	sdelay $0x3  }
0x36: {  	p1 =	seq.s32 s10, $0x1;
	s10 =	sld [smem:$0x3FB4];
	_ =	sdelay $0x3  }
0x37: {  	[smem:$0x3FB4] =	sst s10  }
0x38: {  	s10 =	sld [smem:$0x3FB5]  }
0x39: {  	_ = 	snop;
	(pc) =	sbr.ind lr, $3  }
0x3a: {  	_ = 	snop  }
0x3b: {  	_ = 	snop  }
0x3c: {  	p2 =	seq.s32 s10, $0x1;
	s10 =	sld [smem:$0x3FB4]  }
0x3d: {  	_ =	shalt  }
0x3e: {  	_ =	shalt  }
0x3f: {  	_ =	shalt  }
0x40: {  	_ =	shalt  }
0x41: {  	_ =	shalt  }
0x42: {  	_ =	shalt  }
0x43: {  	_ =	shalt  }
0x44: {  	_ =	shalt  }
0x45: {  	_ =	shalt  }
0x46: {  	_ =	shalt  }
0x47: {  	_ =	shalt  }
0x48: {  	_ =	shalt  }
0x49: {  	_ =	shalt  }
0x4a: {  	_ =	shalt  }
0x4b: {  	_ =	shalt  }
0x4c: {  	_ =	shalt  }
0x4d: {  	_ =	shalt  }
0x4e: {  	_ =	shalt  }
0x4f: {  	_ =	shalt  }
0x50: {  	_ =	shalt  }
0x51: {  	_ =	shalt  }
0x52: {  	_ =	shalt  }
0x53: {  	_ =	shalt  }
0x54: {  	_ =	shalt  }
0x55: {  	_ =	shalt  }
0x56: {  	_ =	shalt  }
0x57: {  	_ =	shalt  }
0x58: {  	_ =	shalt  }
0x59: {  	_ =	shalt  }
0x5a: {  	_ =	shalt  }
0x5b: {  	_ =	shalt  }
0x5c: {  	_ =	shalt  }
0x5d: {  	_ =	shalt  }
0x5e: {  	_ =	shalt  }
0x5f: {  	_ =	shalt  }
0x60: {  	_ =	shalt  }
0x61: {  	_ =	shalt  }
0x62: {  	_ =	shalt  }
0x63: {  	_ =	shalt  }
0x64: {  	_ =	shalt  }
0x65: {  	_ =	shalt  }
0x66: {  	_ =	shalt  }
0x67: {  	_ =	shalt  }
0x68: {  	_ =	shalt  }
0x69: {  	_ =	shalt  }
0x6a: {  	_ =	shalt  }
0x6b: {  	_ =	shalt  }
0x6c: {  	_ =	shalt  }
0x6d: {  	_ =	shalt  }
0x6e: {  	_ =	shalt  }
0x6f: {  	_ =	shalt  }
0x70: {  	_ =	shalt  }
0x71: {  	_ =	shalt  }
0x72: {  	_ =	shalt  }
0x73: {  	_ =	shalt  }
0x74: {  	_ =	shalt  }
0x75: {  	_ =	shalt  }
0x76: {  	_ =	shalt  }
0x77: {  	_ =	shalt  }
0x78: {  	_ =	shalt  }
0x79: {  	_ =	shalt  }
0x7a: {  	_ =	shalt  }
0x7b: {  	_ =	shalt  }
0x7c: {  	_ =	shalt  }
0x7d: {  	_ =	shalt  }
0x7e: {  	_ =	shalt  }
0x7f: {  	_ =	shalt  }
0x80: {  	_ =	shalt  }
0x81: {  	_ =	shalt  }
0x82: {  	_ =	shalt  }
0x83: {  	_ =	shalt  }
0x84: {  	_ =	shalt  }
0x85: {  	_ =	shalt  }
0x86: {  	_ =	shalt  }
0x87: {  	_ =	shalt  }
.Lfunc_end0:
.L_simem_size_0:
called_computation.1_lowered:
.L_overlay_start_0:
0x88: {  	s2 =	sld [smem:$0x3FD9]  }
0x89: {  	s3 =	sld [smem:$0x3FFE];
	_ =	sdelay $0x1  }
0x8a: {  	s1 =	srdreg.scid  }
0x8b: {  	s0 =	sand.u32 $0x1, s1  }
0x8c: {  	s16 =	sshll.u32 s0, $0xA;
	s2 =	sadd.s32 s3, s2  }
0x8d: {  	s2 =	sadd.s32 s2, s16  }
0x8e: {  	[smem:$0x3FC0] =	sst s2  }
0x8f: {  	_ = 	snop  }
0x90: {  	(tm) =	ssettm $0x1  }
0x91: {  	s17 =	sld [smem:$0x3FFB];
	_ =	sdelay $0x3  }
0x92: {  	_ =	strace s17  }
0x93: {  	s2 =	sld [smem:$0x3FFC];
	_ =	sdelay $0x3  }
0x94: {  	_ =	strace s2  }
0x95: {  	s2 =	sld [smem:$0x3FFD];
	_ =	sdelay $0x3  }
0x96: {  	_ =	strace s2  }
0x97: {  	_ =	strace $0x8FFFFFFF  }
0x98: {  	s18 =	sld [smem:$0x3FDB];
	_ =	sdelay $0x1  }
0x99: {  	s19 =	simm.s32 $_scs_section_size  }
0x9a: {  	s4 =	simm.s32 $_size__tile_overlayer_lowered;
	s5 =	simm.s32 $_tile_overlayer_lowered  }
0x9b: {  	s22 =	simm.s32 $0x1BFF;
	s21 =	sshll.u32 s5, $0x1;
	s2 =	sadd.s32 s19, s18  }
0x9c: {  	s6 =	simm.s32 $0x0;
	s20 =	sshll.u32 s4, $0x1;
	s4 =	sadd.s32 s21, s2  }
0x9d: {  	[timem:s6], [sflag:s22] =	dma.local [hbm:s4], s20  }
0x9e: {  	_ =	swait.ge [sflag:s22], s20  }
0x9f: {  	s3 =	ssub.s32 $0x0, s20;
	[sflag:s22] =	ssyncset.done $0x0  }
0xa0: {  	[sflag:s22] =	ssyncadd.s32 s3;
	_ =	sdelay $0x1  }
0xa1: {  	s23 =	simm.s32 $0x1B8B  }
0xa2: {  	_ =	swait.ge [sflag:s23], $0x1  }
0xa3: {  	[sflag:s23] =	ssyncset.done $0x0  }
0xa4: {  	s25 =	simm.s32 $0x1B8E;
	s24 =	sld [smem:$0x3FFE];
	[sflag:s23] =	ssyncadd.s32 $0xFFFFFFFF  }
0xa5: {  	s26 =	simm.s32 $execute0_lowered;
	[smem:$0x3FD2] =	sst s25  }
0xa6: {  	s4 =	sshll.u32 s26, $0x1;
	_ =	strace $0x80000049;
	[dreg:$0x1] =	wrdreg $0xFFFFFFFF  }
0xa7: {  	s28 =	simm.s32 $_size_execute0_lowered;
	s2 =	sadd.s32 s2, s4;
	[dreg:$0x0] =	wrdreg $0x0  }
0xa8: {  	s4 =	sshll.u32 s28, $0x1;
	[dreg:$0x2] =	wrdreg s2  }
0xa9: {  	[dreg:$0x3] =	wrdreg s4  }
0xaa: {  	[dreg:$0x4] =	wrdreg $0xC0  }
0xab: {  	_ =	task [dreg:s6], $0x5FFFF  }
0xac: {  	[dreg:$0x1] =	wrdreg $0xFFFFFFFF  }
0xad: {  	[dreg:$0x0] =	wrdreg $0x60  }
0xae: {  	[dreg:$0x2] =	wrdreg s24  }
0xaf: {  	[dreg:$0x3] =	wrdreg $0xA8000  }
0xb0: {  	[dreg:$0x4] =	wrdreg $0x9  }
0xb1: {  	_ =	task.clear_ibuf [dreg:s6], $0x5FFFF;
	_ =	strace $0x90000049  }
0xb2: {  	s29 =	simm.s32 $0x9;
	_ =	strace $0x8000004B  }
0xb3: {  	_ =	swait.ge [sflag:s29], $0x1  }
0xb4: {  	[sflag:s29] =	ssyncadd.s32 $0xFFFFFFFF  }
0xb5: {  	_ =	strace $0x9000004B  }
0xb6: {  	_ =	sfence  }
0xb7: {  	s30 =	sld [smem:$0x0];
	_ =	sdelay $0x2  }
0xb8: {  	s31 =	sshll.u32 s1, $0xD;
	s1 =	sshrl.u32 s1, $0x2  }
0xb9: {  	s3 =	sand.u32 $0x4000, s31;
	s1 =	sadd.s32 s1, s30  }
0xba: {  	s0 =	sor.u32 s3, s0;
	s1 =	sshll.u32 s1, $0x11  }
0xbb: {  	s0 =	sor.u32 s1, s0  }
0xbc: {  	s0 =	sadd.s32 $0x8F2B, s0  }
0xbd: {  	[sflag:s0] =	ssyncadd.remote.s32 $0x1  }
0xbe: {  	_ =	sfence.sel $0xFFFF  }
0xbf: {  	[dreg:$0x0] =	wrdreg $0xFFFFFFFF;
	(pc) =	sbr.abs _section_cstart, $3  }
0xc0: {  	[dreg:$0x1] =	wrdreg $0xFFFFFFFF  }
0xc1: {  	_ =	task.clear_ibuf [dreg:s6], $0x2FFFF;
	_ =	strace $0x9FFFFFFF  }
0xc2: {  	(tm) =	ssettm $0x7FFFFFFF  }
0xc3: {  	_ =	shalt  }
tec
execute0_lowered:
.L_overlay_start_1:
0x0: {  	(tag) =	ssettag $0x1  }
0x1: {  	s1 =	rddreg [dreg:$0x0]  }
0x2: {  	s2 =	rddreg [dreg:$0x1];
	s3 =	simm.s32 $0x0;
	s0 =	srdreg.scid  }
0x3: {  	s16 =	stileid.u32;
	[smem:$0x7FF] =	sst s3  }
0x4: {  	s4 =	sand.u32 $0x1, s0;
	s22 =	sshll.u32 s16, $0x1;
	s5 =	sadd.s32 $0xC200, s1  }
0x5: {  	s8 =	sadd.s32 $0x16200, s1;
	s11 =	sor.u32 $0x30, s16;
	s12 =	smul.u32 $0x2800, s16  }
0x6: {  	s0 =	sor.u32 s4, s22;
	s6 =	ssub.s32 $0x2, s4;
	s4 =	smul.u32 $0x138800, s4  }
0x7: {  	s13 =	sor.u32 $0x40, s16;
	s25 =	sor.u32 $0x70, s16;
	s24 =	smul.u32 $0x2800, s11  }
0x8: {  	s21 =	sadd.s32 $0x47400, s1;
	p0 =	sgt.u32 s16, $0xC;
	s18 =	smul.u32 $0x2800, s25  }
0x9: {  	_ =	strace $0x8000004A;
	s7 =	smul.u32 $0x500, s0;
	s9 =	sshrl.u32 s6, $0x1  }
0xa: {  	s10 =	smul.u32 $0x2800, s0;
	s0 =	ssub.s32 s6, s9;
	s6 =	sor.u32 $0x10, s16  }
0xb: {  	s9 =	sor.u32 $0x20, s16;
	s19 =	sadd.s32 s12, s4;
	s14 =	smul.u32 $0x2800, s6  }
0xc: {  	s10 =	sshrl.u32 s10, $0x3;
	s15 =	sadd.s32 s5, s7;
	s23 =	smul.u32 $0x2800, s9  }
0xd: {  	s7 =	sadd.s32 s8, s7;
	s19 =	sshrl.u32 s19, $0x3;
	s31 =	smax.u32 s0, $0x1  }
0xe: {  	s0 =	simm.s32 $0x2800;
	[dreg:$0x3] =	wrdreg s15;
	s10 =	sadd.s32 $0x280, s10  }
0xf: {  	[dreg:$0x4] =	wrdreg s7;
	s22 =	sadd.s32 s21, s19;
	s5 =	sadd.s32 s5, s10  }
0x10: {  	s26 =	sadd.s32 s8, s10;
	s8 =	smul.u32 $0x2800, s13;
	[dreg:$0x7] =	wrdreg s22  }
0x11: {  	s10 =	sor.u32 $0x50, s16;
	s14 =	sadd.s32 s4, s14;
	[dreg:$0x5] =	wrdreg s5  }
0x12: {  	s15 =	sadd.s32 s4, s23;
	s22 =	sshll.u32 s6, $0xE;
	[dreg:$0x6] =	wrdreg s26  }
0x13: {  	s20 =	smul.u32 $0x2800, s10;
	s26 =	sor.u32 $0x60, s16;
	s5 =	sadd.s32 s4, s24  }
0x14: {  	s23 =	sshrl.u32 s14, $0x3;
	s24 =	sshrl.u32 s15, $0x3;
	s17 =	smul.u32 $0x2800, s26  }
0x15: {  	s7 =	sadd.s32 s4, s8;
	s8 =	sadd.s32 $0x20200, s1;
	s1 =	sadd.s32 s21, s23  }
0x16: {  	s5 =	sshrl.u32 s5, $0x3;
	s23 =	sadd.s32 s22, s2;
	s12 =	sadd.s32 s4, s20  }
0x17: {  	[dreg:$0x8] =	wrdreg s1;
	s1 =	sadd.s32 s21, s24;
	s5 =	sadd.s32 s21, s5  }
0x18: {  	s14 =	sshrl.u32 s7, $0x3;
	[dreg:$0x10] =	wrdreg s23;
	s24 =	smul.u32 $0xA000, s6  }
0x19: {  	s7 =	sshll.u32 s9, $0xE;
	s6 =	simm.s32 $0x6800;
	s17 =	sadd.s32 s4, s17  }
0x1a: {  	[dreg:$0x9] =	wrdreg s1;
	s1 =	sadd.s32 s21, s14;
	s14 =	smul.u32 $0xA000, s16  }
0x1b: {  	s4 =	sadd.s32 s4, s18;
	[dreg:$0xa] =	wrdreg s5;
	s18 =	smul.u32 $0xA000, s11  }
0x1c: {  	s15 =	sshrl.u32 s12, $0x3;
	s12 =	sshll.u32 s11, $0xE;
	s11 =	smul.u32 $0xA000, s13  }
0x1d: {  	[dreg:$0xb] =	wrdreg s1;
	s17 =	sshrl.u32 s17, $0x3;
	s1 =	sadd.s32 s21, s15  }
0x1e: {  	s20 =	sshrl.u32 s4, $0x3;
	s15 =	smul.u32 $0xA000, s9;
	s9 =	sshll.u32 s13, $0xE  }
0x1f: {  	s13 =	smul.u32 $0xA000, s26;
	[dreg:$0xc] =	wrdreg s1;
	s19 =	sadd.s32 s21, s17  }
0x20: {  	s1 =	sadd.s32 s21, s20;
	s21 =	sshll.u32 s16, $0xE;
	s20 =	sadd.s32 s12, s2  }
0x21: {  	s17 =	sshrl.u32 s14, $0x2;
	s12 =	smul.u32 $0xA000, s10;
	s14 =	sshrl.u32 s18, $0x2  }
0x22: {  	s5 =	sshrl.u32 s11, $0x2;
	s10 =	simm.s32 $0x1380;
	[dreg:$0xd] =	wrdreg s19  }
0x23: {  	s11 =	simm.s32 $0x2700;
	[dreg:$0xe] =	wrdreg s1;
	s1 =	sadd.s32 s21, s2  }
0x24: {  	s19 =	sadd.s32 s7, s2;
	s21 =	sadd.s32 s9, s2;
	s22 =	sadd.s32 s17, s2  }
0x25: {  	s4 =	sshrl.u32 s15, $0x2;
	s15 =	smul.u32 $0xA000, s25;
	s25 =	sadd.s32 s14, s2  }
0x26: {  	s26 =	sadd.s32 s5, s2;
	s5 =	simm.s32 $0x80;
	s7 =	simm.s32 $0x1  }
0x27: {  	s9 =	simm.s32 $0x2;
	[dreg:$0xf] =	wrdreg s1;
	s1 =	sshrl.u32 s24, $0x2  }
0x28: {  	s24 =	sadd.s32 s4, s2;
	s17 =	sshrl.u32 s12, $0x2;
	s4 =	simm.s32 $0x1400  }
0x29: {  	s12 =	simm.s32 $0x2780;
	s23 =	sadd.s32 s1, s2;
	s28 =	sadd.s32 s17, s2  }
0x2a: {  	s1 =	sshrl.u32 s13, $0x2;
	s18 =	sshrl.u32 s15, $0x2;
	s13 =	simm.s32 $0x0  }
0x2b: {  	v0 =	vimm.f32 $0.0e+00;
	s29 =	sadd.s32 s1, s2;
	s30 =	sadd.s32 s18, s2;
	s1 =	simm.s32 $0x3  }
.LBB2_1:
0x2c: {  	s14 =	sand.u32 $0xFE00, s3  }
0x2d: {  	s15 =	sand.u32 $0x70, s3;
	s16 =	sshrl.u32 s14, $0x2  }
0x2e: {  	s14 =	simm.s32 $0x40;
	s16 =	sor.u32 s15, s16;
	s15 =	simm.s32 $0x0  }
.LBB2_2:
0x2f: {  	p1 =	sne.s32 s14, $0xFFC0  }
0x30: {  	[tilespmem:s16+$0x2800] =	vst v0;
	s15 =	sadd.s32 $0x10, s15;
	s16 =	smov.u32 s14;
	s14 =	sadd.s32 $0x40, s14  }
.Ltmp0:
0x31: {  	(pc) =	sbr.rel @p1 .LBB2_2-.Ltmp0, $4  }
0x32: {  	_ = 	snop  }
0x33: {  	s16 =	sand.u32 $0xFE00, s16  }
0x34: {  	s17 =	sand.u32 $0x70, s15;
	s16 =	sshrl.u32 s16, $0x2  }
0x35: {  	s16 =	sor.u32 s17, s16  }
0x36: {  	[tilespmem:s16+$0x2800] =	vst v0;
	s14 =	rddreg [dreg:$0xf]  }
0x37: {  	[spmem:s14] =	stream.linear.scatter [tilespmem:s0], [sflag:$0x3], $0x4000, $0x38;
	[tilespmem:$0x1E800] =	vst v63  }
0x38: {  	_ =	swait.ge [sflag:s1], $0x4000  }
0x39: {  	[sflag:s1] =	ssyncset.done $0x0  }
0x3a: {  	s16 =	rddreg [dreg:$0x10];
	[sflag:s1] =	ssyncadd.s32 $0xFFFFC000  }
0x3b: {  	[spmem:s16] =	stream.linear.scatter [tilespmem:s0], [sflag:$0x3], $0x4000, $0x38;
	[tilespmem:$0x1E800] =	vst v63  }
0x3c: {  	_ =	swait.ge [sflag:s1], $0x4000  }
0x3d: {  	[sflag:s1] =	ssyncset.done $0x0  }
0x3e: {  	[sflag:s1] =	ssyncadd.s32 $0xFFFFC000  }
0x3f: {  	[spmem:s19] =	stream.linear.scatter [tilespmem:s0], [sflag:$0x3], $0x4000, $0x38;
	[tilespmem:$0x1E800] =	vst v63  }
0x40: {  	_ =	swait.ge [sflag:s1], $0x4000  }
0x41: {  	[sflag:s1] =	ssyncset.done $0x0  }
0x42: {  	[sflag:s1] =	ssyncadd.s32 $0xFFFFC000  }
0x43: {  	[spmem:s20] =	stream.linear.scatter [tilespmem:s0], [sflag:$0x3], $0x4000, $0x38;
	[tilespmem:$0x1E800] =	vst v63  }
0x44: {  	_ =	swait.ge [sflag:s1], $0x4000  }
0x45: {  	[sflag:s1] =	ssyncset.done $0x0  }
0x46: {  	[sflag:s1] =	ssyncadd.s32 $0xFFFFC000  }
0x47: {  	[spmem:s21] =	stream.linear.scatter [tilespmem:s0], [sflag:$0x3], $0x4000, $0x38;
	[tilespmem:$0x1E800] =	vst v63  }
0x48: {  	_ =	swait.ge [sflag:s1], $0x4000  }
0x49: {  	[sflag:s1] =	ssyncset.done $0x0  }
0x4a: {  	[sflag:s1] =	ssyncadd.s32 $0xFFFFC000  }
0x4b: {  	[bflag:$0x0] =	sbarrier.arrive $0xFFFF  }
0x4c: {  	s17 =	simm.s32 $0x0;
	s15 =	rddreg [dreg:$0x3]  }
0x4d: {  	[tilespmem:s17], [sflag:$0x3] =	stream.linear.gather [hbm4b:s15+s17], $0x1400, $0x38;
	[tilespmem:$0x1E800] =	vst v63  }
0x4e: {  	_ =	swait.ge [sflag:s1], $0x1400  }
0x4f: {  	[sflag:s1] =	ssyncset.done $0x0  }
0x50: {  	s18 =	rddreg [dreg:$0x4];
	[sflag:s1] =	ssyncadd.s32 $0xFFFFEC00  }
0x51: {  	[tilespmem:s4], [sflag:$0x3] =	stream.linear.gather [hbm4b:s18+s17], $0x1400, $0x38;
	[tilespmem:$0x1E800] =	vst v63  }
0x52: {  	_ =	swait.ge [sflag:s1], $0x1400  }
0x53: {  	[sflag:s1] =	ssyncset.done $0x0  }
0x54: {  	[sflag:s1] =	ssyncadd.s32 $0xFFFFEC00  }
0x55: {  	[tilespmem:s0], [sflag:$0x1] =	stream.indirect.gather [hbm4b:s8+s5], $0x80, s17, s5, $0xb8;
	[tilespmem:$0x1E800] =	vst v63  }
0x56: {  	s15 =	simm.s32 $0x80  }
0x57: {  	[tilespmem:s6], [sflag:$0x2] =	stream.indirect.gather [hbm4b:s8+s5], $0x80, s15, s5, $0xb8;
	[tilespmem:$0x1E800] =	vst v63  }
0x58: {  	_ =	swait.ge [sflag:s7], $0x4000  }
0x59: {  	[sflag:s7] =	ssyncset.done $0x0  }
0x5a: {  	s16 =	simm.s32 $0x1400;
	[sflag:s7] =	ssyncadd.s32 $0xFFFFC000  }
0x5b: {  	[spmem:s2] =	stream.indirect.scatter.add.f32 [tilespmem:s0], [sflag:$0x3], $0x80, s16, s5, $0xb8;
	[tilespmem:$0x1E800] =	vst v63  }
0x5c: {  	_ =	swait.ge [sflag:s1], $0x4000  }
0x5d: {  	[sflag:s1] =	ssyncset.done $0x0  }
0x5e: {  	s17 =	simm.s32 $0x100;
	[sflag:s1] =	ssyncadd.s32 $0xFFFFC000  }
0x5f: {  	[tilespmem:s0], [sflag:$0x1] =	stream.indirect.gather [hbm4b:s8+s5], $0x80, s17, s5, $0xb8;
	[tilespmem:$0x1E800] =	vst v63  }
0x60: {  	_ =	swait.ge [sflag:s9], $0x4000  }
0x61: {  	[sflag:s9] =	ssyncset.done $0x0  }
0x62: {  	s18 =	simm.s32 $0x1480;
	[sflag:s9] =	ssyncadd.s32 $0xFFFFC000  }
0x63: {  	[spmem:s2] =	stream.indirect.scatter.add.f32 [tilespmem:s6], [sflag:$0x3], $0x80, s18, s5, $0xb8;
	[tilespmem:$0x1E800] =	vst v63  }
0x64: {  	_ =	swait.ge [sflag:s1], $0x4000  }
0x65: {  	s14 =	simm.s32 $0x100;
	s15 =	simm.s32 $0x800;
	[sflag:s1] =	ssyncset.done $0x0  }
.LBB2_4:
0x66: {  	s16 =	sadd.s32 $0x80, s14  }
0x67: {  	[sflag:s1] =	ssyncadd.s32 $0xFFFFC000;
	s17 =	smov.u32 s15;
	s18 =	sadd.s32 $0x400, s15  }
0x68: {  	[tilespmem:s6], [sflag:$0x2] =	stream.indirect.gather [hbm4b:s8+s5], $0x80, s16, s5, $0xb8;
	[tilespmem:$0x1E800] =	vst v63  }
0x69: {  	p1 =	sne.s32 s15, $0x4800;
	_ =	swait.ge [sflag:s7], $0x4000  }
0x6a: {  	[sflag:s7] =	ssyncset.done $0x0  }
0x6b: {  	s15 =	sadd.s32 $0x1400, s14;
	[sflag:s7] =	ssyncadd.s32 $0xFFFFC000  }
0x6c: {  	[spmem:s2] =	stream.indirect.scatter.add.f32 [tilespmem:s0], [sflag:$0x3], $0x80, s15, s5, $0xb8;
	[tilespmem:$0x1E800] =	vst v63  }
0x6d: {  	_ =	swait.ge [sflag:s1], $0x4000  }
0x6e: {  	[sflag:s1] =	ssyncset.done $0x0  }
0x6f: {  	s15 =	sadd.s32 $0x100, s14;
	[sflag:s1] =	ssyncadd.s32 $0xFFFFC000  }
0x70: {  	[tilespmem:s0], [sflag:$0x1] =	stream.indirect.gather [hbm4b:s8+s5], $0x80, s15, s5, $0xb8;
	[tilespmem:$0x1E800] =	vst v63  }
0x71: {  	_ =	swait.ge [sflag:s9], $0x4000  }
.Ltmp1:
0x72: {  	[sflag:s9] =	ssyncset.done $0x0;
	(pc) =	sbr.rel @p1 .LBB2_4-.Ltmp1, $4  }
0x73: {  	s14 =	sadd.s32 $0x1480, s14;
	[sflag:s9] =	ssyncadd.s32 $0xFFFFC000  }
0x74: {  	[spmem:s2] =	stream.indirect.scatter.add.f32 [tilespmem:s6], [sflag:$0x3], $0x80, s14, s5, $0xb8;
	[tilespmem:$0x1E800] =	vst v63  }
0x75: {  	_ =	swait.ge [sflag:s1], $0x4000  }
0x76: {  	s15 =	smov.u32 s18;
	s14 =	sshra.s32 s17, $0x2;
	[sflag:s1] =	ssyncset.done $0x0  }
0x77: {  	s15 =	sadd.s32 $0x80, s14;
	[sflag:s1] =	ssyncadd.s32 $0xFFFFC000  }
0x78: {  	[tilespmem:s6], [sflag:$0x2] =	stream.indirect.gather [hbm4b:s8+s5], $0x80, s15, s5, $0xb8;
	[tilespmem:$0x1E800] =	vst v63  }
0x79: {  	_ =	swait.ge [sflag:s7], $0x4000  }
0x7a: {  	[sflag:s7] =	ssyncset.done $0x0  }
0x7b: {  	s17 =	sadd.s32 $0x1400, s14;
	[sflag:s7] =	ssyncadd.s32 $0xFFFFC000  }
0x7c: {  	[spmem:s2] =	stream.indirect.scatter.add.f32 [tilespmem:s0], [sflag:$0x3], $0x80, s17, s5, $0xb8;
	[tilespmem:$0x1E800] =	vst v63  }
0x7d: {  	_ =	swait.ge [sflag:s1], $0x4000  }
0x7e: {  	[sflag:s1] =	ssyncset.done $0x0  }
0x7f: {  	s18 =	sadd.s32 $0x100, s14;
	[sflag:s1] =	ssyncadd.s32 $0xFFFFC000  }
0x80: {  	[tilespmem:s0], [sflag:$0x1] =	stream.indirect.gather [hbm4b:s8+s5], $0x80, s18, s5, $0xb8;
	[tilespmem:$0x1E800] =	vst v63  }
0x81: {  	_ =	swait.ge [sflag:s9], $0x4000  }
0x82: {  	[sflag:s9] =	ssyncset.done $0x0  }
0x83: {  	s15 =	sadd.s32 $0x1480, s14;
	[sflag:s9] =	ssyncadd.s32 $0xFFFFC000  }
0x84: {  	[spmem:s2] =	stream.indirect.scatter.add.f32 [tilespmem:s6], [sflag:$0x3], $0x80, s15, s5, $0xb8;
	[tilespmem:$0x1E800] =	vst v63  }
0x85: {  	_ =	swait.ge [sflag:s1], $0x4000  }
0x86: {  	[sflag:s1] =	ssyncset.done $0x0  }
0x87: {  	[sflag:s1] =	ssyncadd.s32 $0xFFFFC000  }
0x88: {  	[tilespmem:s6], [sflag:$0x2] =	stream.indirect.gather [hbm4b:s8+s5], $0x80, s10, s5, $0xb8;
	[tilespmem:$0x1E800] =	vst v63  }
0x89: {  	_ =	swait.ge [sflag:s7], $0x4000  }
0x8a: {  	[sflag:s7] =	ssyncset.done $0x0  }
0x8b: {  	[sflag:s7] =	ssyncadd.s32 $0xFFFFC000  }
0x8c: {  	[spmem:s2] =	stream.indirect.scatter.add.f32 [tilespmem:s0], [sflag:$0x3], $0x80, s11, s5, $0xb8;
	[tilespmem:$0x1E800] =	vst v63  }
0x8d: {  	_ =	swait.ge [sflag:s1], $0x4000  }
0x8e: {  	[sflag:s1] =	ssyncset.done $0x0  }
0x8f: {  	[sflag:s1] =	ssyncadd.s32 $0xFFFFC000  }
0x90: {  	_ =	swait.ge [sflag:s9], $0x4000  }
0x91: {  	[sflag:s9] =	ssyncset.done $0x0  }
0x92: {  	[sflag:s9] =	ssyncadd.s32 $0xFFFFC000  }
0x93: {  	[spmem:s2] =	stream.indirect.scatter.add.f32 [tilespmem:s6], [sflag:$0x3], $0x80, s12, s5, $0xb8;
	[tilespmem:$0x1E800] =	vst v63  }
0x94: {  	_ =	swait.ge [sflag:s1], $0x4000  }
0x95: {  	[sflag:s1] =	ssyncset.done $0x0  }
0x96: {  	s16 =	simm.s32 $0x0;
	s17 =	rddreg [dreg:$0x5];
	[sflag:s1] =	ssyncadd.s32 $0xFFFFC000  }
0x97: {  	[tilespmem:s16], [sflag:$0x3] =	stream.linear.gather [hbm4b:s17+s16], $0x1400, $0x38;
	[tilespmem:$0x1E800] =	vst v63  }
0x98: {  	_ =	swait.ge [sflag:s1], $0x1400  }
0x99: {  	[sflag:s1] =	ssyncset.done $0x0  }
0x9a: {  	s18 =	rddreg [dreg:$0x6];
	[sflag:s1] =	ssyncadd.s32 $0xFFFFEC00  }
0x9b: {  	[tilespmem:s4], [sflag:$0x3] =	stream.linear.gather [hbm4b:s18+s16], $0x1400, $0x38;
	[tilespmem:$0x1E800] =	vst v63  }
0x9c: {  	_ =	swait.ge [sflag:s1], $0x1400  }
0x9d: {  	[sflag:s1] =	ssyncset.done $0x0  }
0x9e: {  	[sflag:s1] =	ssyncadd.s32 $0xFFFFEC00  }
0x9f: {  	[tilespmem:s0], [sflag:$0x1] =	stream.indirect.gather [hbm4b:s8+s5], $0x80, s16, s5, $0xb8;
	[tilespmem:$0x1E800] =	vst v63  }
0xa0: {  	s15 =	simm.s32 $0x80  }
0xa1: {  	[tilespmem:s6], [sflag:$0x2] =	stream.indirect.gather [hbm4b:s8+s5], $0x80, s15, s5, $0xb8;
	[tilespmem:$0x1E800] =	vst v63  }
0xa2: {  	_ =	swait.ge [sflag:s7], $0x4000  }
0xa3: {  	[sflag:s7] =	ssyncset.done $0x0  }
0xa4: {  	s16 =	simm.s32 $0x1400;
	[sflag:s7] =	ssyncadd.s32 $0xFFFFC000  }
0xa5: {  	[spmem:s2] =	stream.indirect.scatter.add.f32 [tilespmem:s0], [sflag:$0x3], $0x80, s16, s5, $0xb8;
	[tilespmem:$0x1E800] =	vst v63  }
0xa6: {  	_ =	swait.ge [sflag:s1], $0x4000  }
0xa7: {  	[sflag:s1] =	ssyncset.done $0x0  }
0xa8: {  	s17 =	simm.s32 $0x100;
	[sflag:s1] =	ssyncadd.s32 $0xFFFFC000  }
0xa9: {  	[tilespmem:s0], [sflag:$0x1] =	stream.indirect.gather [hbm4b:s8+s5], $0x80, s17, s5, $0xb8;
	[tilespmem:$0x1E800] =	vst v63  }
0xaa: {  	_ =	swait.ge [sflag:s9], $0x4000  }
0xab: {  	[sflag:s9] =	ssyncset.done $0x0  }
0xac: {  	s18 =	simm.s32 $0x1480;
	[sflag:s9] =	ssyncadd.s32 $0xFFFFC000  }
0xad: {  	[spmem:s2] =	stream.indirect.scatter.add.f32 [tilespmem:s6], [sflag:$0x3], $0x80, s18, s5, $0xb8;
	[tilespmem:$0x1E800] =	vst v63  }
0xae: {  	_ =	swait.ge [sflag:s1], $0x4000  }
0xaf: {  	s14 =	simm.s32 $0x100;
	s15 =	simm.s32 $0x800;
	[sflag:s1] =	ssyncset.done $0x0  }
.LBB2_6:
0xb0: {  	s16 =	sadd.s32 $0x80, s14  }
0xb1: {  	[sflag:s1] =	ssyncadd.s32 $0xFFFFC000;
	s17 =	smov.u32 s15;
	s18 =	sadd.s32 $0x400, s15  }
0xb2: {  	[tilespmem:s6], [sflag:$0x2] =	stream.indirect.gather [hbm4b:s8+s5], $0x80, s16, s5, $0xb8;
	[tilespmem:$0x1E800] =	vst v63  }
0xb3: {  	p1 =	sne.s32 s15, $0x4800;
	_ =	swait.ge [sflag:s7], $0x4000  }
0xb4: {  	[sflag:s7] =	ssyncset.done $0x0  }
0xb5: {  	s15 =	sadd.s32 $0x1400, s14;
	[sflag:s7] =	ssyncadd.s32 $0xFFFFC000  }
0xb6: {  	[spmem:s2] =	stream.indirect.scatter.add.f32 [tilespmem:s0], [sflag:$0x3], $0x80, s15, s5, $0xb8;
	[tilespmem:$0x1E800] =	vst v63  }
0xb7: {  	_ =	swait.ge [sflag:s1], $0x4000  }
0xb8: {  	[sflag:s1] =	ssyncset.done $0x0  }
0xb9: {  	s15 =	sadd.s32 $0x100, s14;
	[sflag:s1] =	ssyncadd.s32 $0xFFFFC000  }
0xba: {  	[tilespmem:s0], [sflag:$0x1] =	stream.indirect.gather [hbm4b:s8+s5], $0x80, s15, s5, $0xb8;
	[tilespmem:$0x1E800] =	vst v63  }
0xbb: {  	_ =	swait.ge [sflag:s9], $0x4000  }
.Ltmp2:
0xbc: {  	[sflag:s9] =	ssyncset.done $0x0;
	(pc) =	sbr.rel @p1 .LBB2_6-.Ltmp2, $4  }
0xbd: {  	s14 =	sadd.s32 $0x1480, s14;
	[sflag:s9] =	ssyncadd.s32 $0xFFFFC000  }
0xbe: {  	[spmem:s2] =	stream.indirect.scatter.add.f32 [tilespmem:s6], [sflag:$0x3], $0x80, s14, s5, $0xb8;
	[tilespmem:$0x1E800] =	vst v63  }
0xbf: {  	_ =	swait.ge [sflag:s1], $0x4000  }
0xc0: {  	s15 =	smov.u32 s18;
	s14 =	sshra.s32 s17, $0x2;
	[sflag:s1] =	ssyncset.done $0x0  }
0xc1: {  	s15 =	sadd.s32 $0x80, s14;
	[sflag:s1] =	ssyncadd.s32 $0xFFFFC000  }
0xc2: {  	[tilespmem:s6], [sflag:$0x2] =	stream.indirect.gather [hbm4b:s8+s5], $0x80, s15, s5, $0xb8;
	[tilespmem:$0x1E800] =	vst v63  }
0xc3: {  	_ =	swait.ge [sflag:s7], $0x4000  }
0xc4: {  	[sflag:s7] =	ssyncset.done $0x0  }
0xc5: {  	s17 =	sadd.s32 $0x1400, s14;
	[sflag:s7] =	ssyncadd.s32 $0xFFFFC000  }
0xc6: {  	[spmem:s2] =	stream.indirect.scatter.add.f32 [tilespmem:s0], [sflag:$0x3], $0x80, s17, s5, $0xb8;
	[tilespmem:$0x1E800] =	vst v63  }
0xc7: {  	_ =	swait.ge [sflag:s1], $0x4000  }
0xc8: {  	[sflag:s1] =	ssyncset.done $0x0  }
0xc9: {  	s18 =	sadd.s32 $0x100, s14;
	[sflag:s1] =	ssyncadd.s32 $0xFFFFC000  }
0xca: {  	[tilespmem:s0], [sflag:$0x1] =	stream.indirect.gather [hbm4b:s8+s5], $0x80, s18, s5, $0xb8;
	[tilespmem:$0x1E800] =	vst v63  }
0xcb: {  	_ =	swait.ge [sflag:s9], $0x4000  }
0xcc: {  	[sflag:s9] =	ssyncset.done $0x0  }
0xcd: {  	s15 =	sadd.s32 $0x1480, s14;
	[sflag:s9] =	ssyncadd.s32 $0xFFFFC000  }
0xce: {  	[spmem:s2] =	stream.indirect.scatter.add.f32 [tilespmem:s6], [sflag:$0x3], $0x80, s15, s5, $0xb8;
	[tilespmem:$0x1E800] =	vst v63  }
0xcf: {  	_ =	swait.ge [sflag:s1], $0x4000  }
0xd0: {  	[sflag:s1] =	ssyncset.done $0x0  }
0xd1: {  	[sflag:s1] =	ssyncadd.s32 $0xFFFFC000  }
0xd2: {  	[tilespmem:s6], [sflag:$0x2] =	stream.indirect.gather [hbm4b:s8+s5], $0x80, s10, s5, $0xb8;
	[tilespmem:$0x1E800] =	vst v63  }
0xd3: {  	_ =	swait.ge [sflag:s7], $0x4000  }
0xd4: {  	[sflag:s7] =	ssyncset.done $0x0  }
0xd5: {  	[sflag:s7] =	ssyncadd.s32 $0xFFFFC000  }
0xd6: {  	[spmem:s2] =	stream.indirect.scatter.add.f32 [tilespmem:s0], [sflag:$0x3], $0x80, s11, s5, $0xb8;
	[tilespmem:$0x1E800] =	vst v63  }
0xd7: {  	_ =	swait.ge [sflag:s1], $0x4000  }
0xd8: {  	[sflag:s1] =	ssyncset.done $0x0  }
0xd9: {  	[sflag:s1] =	ssyncadd.s32 $0xFFFFC000  }
0xda: {  	_ =	swait.ge [sflag:s9], $0x4000  }
0xdb: {  	[sflag:s9] =	ssyncset.done $0x0  }
0xdc: {  	[sflag:s9] =	ssyncadd.s32 $0xFFFFC000  }
0xdd: {  	[spmem:s2] =	stream.indirect.scatter.add.f32 [tilespmem:s6], [sflag:$0x3], $0x80, s12, s5, $0xb8;
	[tilespmem:$0x1E800] =	vst v63  }
0xde: {  	_ =	swait.ge [sflag:s1], $0x4000  }
0xdf: {  	[sflag:s1] =	ssyncset.done $0x0  }
0xe0: {  	[sflag:s1] =	ssyncadd.s32 $0xFFFFC000  }
0xe1: {  	[bflag:$0x0] =	sbarrier.arrive $0xFFFF  }
0xe2: {  	[tilespmem:s0], [sflag:$0x3] =	stream.linear.gather [spmem:s22], $0x2800, $0x38;
	[tilespmem:$0x1E800] =	vst v63  }
0xe3: {  	_ =	swait.ge [sflag:s1], $0x2800  }
0xe4: {  	[sflag:s1] =	ssyncset.done $0x0  }
0xe5: {  	s16 =	rddreg [dreg:$0x7];
	[sflag:s1] =	ssyncadd.s32 $0xFFFFD800  }
0xe6: {  	[hbm4b:s16+s3] =	stream.linear.scatter [tilespmem:s0], [sflag:$0x3], $0x2800, $0x38;
	[tilespmem:$0x1E800] =	vst v63  }
0xe7: {  	_ =	swait.ge [sflag:s1], $0x2800  }
0xe8: {  	[sflag:s1] =	ssyncset.done $0x0  }
0xe9: {  	[sflag:s1] =	ssyncadd.s32 $0xFFFFD800  }
0xea: {  	[tilespmem:s0], [sflag:$0x3] =	stream.linear.gather [spmem:s23], $0x2800, $0x38;
	[tilespmem:$0x1E800] =	vst v63  }
0xeb: {  	_ =	swait.ge [sflag:s1], $0x2800  }
0xec: {  	[sflag:s1] =	ssyncset.done $0x0  }
0xed: {  	s17 =	rddreg [dreg:$0x8];
	[sflag:s1] =	ssyncadd.s32 $0xFFFFD800  }
0xee: {  	[hbm4b:s17+s3] =	stream.linear.scatter [tilespmem:s0], [sflag:$0x3], $0x2800, $0x38;
	[tilespmem:$0x1E800] =	vst v63  }
0xef: {  	_ =	swait.ge [sflag:s1], $0x2800  }
0xf0: {  	[sflag:s1] =	ssyncset.done $0x0  }
0xf1: {  	[sflag:s1] =	ssyncadd.s32 $0xFFFFD800  }
0xf2: {  	[tilespmem:s0], [sflag:$0x3] =	stream.linear.gather [spmem:s24], $0x2800, $0x38;
	[tilespmem:$0x1E800] =	vst v63  }
0xf3: {  	_ =	swait.ge [sflag:s1], $0x2800  }
0xf4: {  	[sflag:s1] =	ssyncset.done $0x0  }
0xf5: {  	s18 =	rddreg [dreg:$0x9];
	[sflag:s1] =	ssyncadd.s32 $0xFFFFD800  }
0xf6: {  	[hbm4b:s18+s3] =	stream.linear.scatter [tilespmem:s0], [sflag:$0x3], $0x2800, $0x38;
	[tilespmem:$0x1E800] =	vst v63  }
0xf7: {  	_ =	swait.ge [sflag:s1], $0x2800  }
0xf8: {  	[sflag:s1] =	ssyncset.done $0x0  }
0xf9: {  	[sflag:s1] =	ssyncadd.s32 $0xFFFFD800  }
0xfa: {  	[tilespmem:s0], [sflag:$0x3] =	stream.linear.gather [spmem:s25], $0x2800, $0x38;
	[tilespmem:$0x1E800] =	vst v63  }
0xfb: {  	_ =	swait.ge [sflag:s1], $0x2800  }
0xfc: {  	[sflag:s1] =	ssyncset.done $0x0  }
0xfd: {  	s15 =	rddreg [dreg:$0xa];
	[sflag:s1] =	ssyncadd.s32 $0xFFFFD800  }
0xfe: {  	[hbm4b:s15+s3] =	stream.linear.scatter [tilespmem:s0], [sflag:$0x3], $0x2800, $0x38;
	[tilespmem:$0x1E800] =	vst v63  }
0xff: {  	_ =	swait.ge [sflag:s1], $0x2800  }
0x100: {  	[sflag:s1] =	ssyncset.done $0x0  }
0x101: {  	[sflag:s1] =	ssyncadd.s32 $0xFFFFD800  }
0x102: {  	[tilespmem:s0], [sflag:$0x3] =	stream.linear.gather [spmem:s26], $0x2800, $0x38;
	[tilespmem:$0x1E800] =	vst v63  }
0x103: {  	_ =	swait.ge [sflag:s1], $0x2800  }
0x104: {  	[sflag:s1] =	ssyncset.done $0x0  }
0x105: {  	s16 =	rddreg [dreg:$0xb];
	[sflag:s1] =	ssyncadd.s32 $0xFFFFD800  }
0x106: {  	[hbm4b:s16+s3] =	stream.linear.scatter [tilespmem:s0], [sflag:$0x3], $0x2800, $0x38;
	[tilespmem:$0x1E800] =	vst v63  }
0x107: {  	_ =	swait.ge [sflag:s1], $0x2800  }
0x108: {  	[sflag:s1] =	ssyncset.done $0x0  }
0x109: {  	[sflag:s1] =	ssyncadd.s32 $0xFFFFD800  }
0x10a: {  	[tilespmem:s0], [sflag:$0x3] =	stream.linear.gather [spmem:s28], $0x2800, $0x38;
	[tilespmem:$0x1E800] =	vst v63  }
0x10b: {  	_ =	swait.ge [sflag:s1], $0x2800  }
0x10c: {  	[sflag:s1] =	ssyncset.done $0x0  }
0x10d: {  	s17 =	rddreg [dreg:$0xc];
	[sflag:s1] =	ssyncadd.s32 $0xFFFFD800  }
0x10e: {  	[hbm4b:s17+s3] =	stream.linear.scatter [tilespmem:s0], [sflag:$0x3], $0x2800, $0x38;
	[tilespmem:$0x1E800] =	vst v63  }
0x10f: {  	_ =	swait.ge [sflag:s1], $0x2800  }
0x110: {  	[sflag:s1] =	ssyncset.done $0x0  }
0x111: {  	[sflag:s1] =	ssyncadd.s32 $0xFFFFD800  }
0x112: {  	[tilespmem:s0], [sflag:$0x3] =	stream.linear.gather [spmem:s29], $0x2800, $0x38;
	[tilespmem:$0x1E800] =	vst v63  }
0x113: {  	_ =	swait.ge [sflag:s1], $0x2800  }
0x114: {  	[sflag:s1] =	ssyncset.done $0x0  }
0x115: {  	s18 =	rddreg [dreg:$0xd];
	[sflag:s1] =	ssyncadd.s32 $0xFFFFD800  }
0x116: {  	[hbm4b:s18+s3] =	stream.linear.scatter [tilespmem:s0], [sflag:$0x3], $0x2800, $0x38;
	[tilespmem:$0x1E800] =	vst v63  }
0x117: {  	_ =	swait.ge [sflag:s1], $0x2800  }
0x118: {  	[sflag:s1] =	ssyncset.done $0x0  }
0x119: {  	s14 =	simm.s32 @!p0 $0x2800;
	s15 =	simm.s32 @!p0 $0x3;
	[sflag:s1] =	ssyncadd.s32 $0xFFFFD800  }
0x11a: {  	[tilespmem:s14], [sflag:$0x3] =	stream.linear.gather @!p0 [spmem:s30], $0x2800, $0x38;
	[tilespmem:$0x1E800] =	vst v63  }
0x11b: {  	s13 =	sadd.s32 $0x1, s13;
	_ =	swait.ge @!p0 [sflag:s15], $0x2800  }
0x11c: {  	p1 =	sne.s32 s13, s31;
	s16 =	simm.s32 @!p0 $0x0;
	[sflag:s15] =	ssyncset.done @!p0 $0x0  }
.Ltmp3:
0x11d: {  	s17 =	rddreg [dreg:$0xe];
	[sflag:s15] =	ssyncadd.s32 @!p0 $0xFFFFD800;
	(pc) =	sbr.rel @p1 .LBB2_1-.Ltmp3, $4  }
0x11e: {  	[hbm4b:s17+s16] =	stream.linear.scatter @!p0 [tilespmem:s14], [sflag:$0x3], $0x2800, $0x38;
	[tilespmem:$0x1E800] =	vst v63  }
0x11f: {  	_ =	swait.ge @!p0 [sflag:s15], $0x2800  }
0x120: {  	[sflag:s15] =	ssyncset.done @!p0 $0x0  }
0x121: {  	[sflag:s15] =	ssyncadd.s32 @!p0 $0xFFFFD800  }
0x122: {  	_ =	sfence.sel $0x180000  }
0x123: {  	[bflag:$0x0] =	sbarrier.arrive $0xFFFF  }
0x124: {  	_ =	strace $0x9000004A  }
0x125: {  	s0 =	stileid.u32;
	[bflag:$0x2] =	sbarrier.arrive $0xFFFF  }
0x126: {  	p0 =	sne.s32 s0, $0x0;
	s0 =	rddreg [dreg:$0x2]  }
0x127: {  	s0 =	sadd.s32 @!p0 $0x100000, s0  }
0x128: {  	[sflag:s0] =	ssyncadd.tile.s32 @!p0 $0x1;
	_ =	shalt  }
.Lfunc_end2:
_tile_overlayer_lowered:
.L_overlay_start_2:
0x129: {  	(tag) =	ssettag $0x2  }
0x12a: {  	s0 =	rddreg [dreg:$0x0];
	s2 =	stileid.u32  }
0x12b: {  	s1 =	rddreg [dreg:$0x1];
	p0 =	sne.s32 s2, $0x0  }
0x12c: {  	s3 =	rddreg [dreg:$0x2];
	[bflag:$0x3] =	sbarrier.arrive $0xFFFF;
	s2 =	simm.s32 @!p0 $0x1C03  }
0x12d: {  	[timem:s3], [sflag:s2] =	dma.local @!p0 [hbm:s0], s1  }
0x12e: {  	s0 =	simm.s32 @!p0 $0x3  }
0x12f: {  	_ =	swait.ge @!p0 [sflag:s0], s1  }
0x130: {  	s1 =	ssub.s32 @!p0 $0x0, s1;
	[sflag:s0] =	ssyncset.done @!p0 $0x0  }
0x131: {  	[sflag:s0] =	ssyncadd.s32 @!p0 s1  }
0x132: {  	[bflag:$0x3] =	sbarrier.arrive $0xFFFF  }
0x133: {  	_ =	shalt  }

// kernel: kernel.14.cloned.1.call-start
scs
__scs_entry_jumppad:
0x0: {  	(pc) =	sbr.rel $0x88, $3  }
0x1: {  	(tag) =	ssettag $0x0;
	lr =	simm.s32 $0x1  }
0x2: {  	[smem:$0x3F99] =	sst lr;
	_ =	strace $0xD0000000  }
0x3: {  	_ = 	snop  }
0x4: {  	_ = 	snop  }
0x5: {  	_ = 	snop  }
0x6: {  	_ = 	snop  }
0x7: {  	_ = 	snop  }
__scs_overlays_trampoline_lowered:
0x8: {  	[smem:$0x3FA8] =	sst s0  }
0x9: {  	[smem:$0x3FA9] =	sst s1  }
0xa: {  	[smem:$0x3FAA] =	sst s2  }
0xb: {  	[smem:$0x3FAB] =	sst s3  }
0xc: {  	[smem:$0x3FAC] =	sst s4  }
0xd: {  	[smem:$0x3FAD] =	sst s5  }
0xe: {  	[smem:$0x3FAE] =	sst s6  }
0xf: {  	[smem:$0x3FAF] =	sst s7  }
0x10: {  	[smem:$0x3FB0] =	sst s8  }
0x11: {  	[smem:$0x3FB1] =	sst s9;
	s0 =	simm.s32 @!p0 $0x0  }
0x12: {  	s1 =	sld [smem:$0x3F97];
	s0 =	simm.s32 @p0 $0x1  }
0x13: {  	[smem:$0x3FB2] =	sst s0;
	s0 =	simm.s32 @!p1 $0x0  }
0x14: {  	s2 =	sld [smem:$0x3F96];
	s0 =	simm.s32 @p1 $0x1  }
0x15: {  	[smem:$0x3FB3] =	sst s0;
	s0 =	simm.s32 @!p2 $0x0  }
0x16: {  	s3 =	sld [smem:$0x3FDB];
	s0 =	simm.s32 @p2 $0x1  }
0x17: {  	s4 =	simm.s32 $0x1BF5;
	[smem:$0x3FB5] =	sst s0  }
0x18: {  	s0 =	sld [smem:$0x3F98];
	_ =	swait.ge [sflag:s4], $0x0  }
0x19: {  	s7 =	sld [smem:$0x3F99]  }
0x1a: {  	s8 =	sadd.s32 $0xFFFFE003, lr  }
0x1b: {  	s9 =	sadd.s32 $0xFFFFFEF7, lr;
	s5 =	simm.s32 $0xFFFFFFFF;
	p2 =	slt.u32 s8, $0xFFFFF086  }
0x1c: {  	p1 =	slt.u32 s9, $0xF7A;
	s5 =	simm.s32 @!p2 $0x0  }
0x1d: {  	s5 =	simm.s32 @p1 $0x1;
	p0 =	seq.s32 s7, s2  }
0x1e: {  	s7 =	smul.u32 @!p0 $0xF7A, s2;
	p2 =	seq.s32 @!p0 s5, $0x0  }
0x1f: {  	s9 =	smul.u32 $0xF7A, s1;
	s8 =	simm.s32 @!p0 $0x1BF5;
	p2 =	por !p2, p0  }
0x20: {  	[sflag:s8] =	ssyncset.s32 @!p0 $0xFFFFF086;
	s6 =	sadd.s32 @!p0 s3, s7;
	s7 =	simm.s32 @!p0 $0x108  }
0x21: {  	s3 =	sadd.s32 s3, s9;
	s6 =	sadd.s32 @!p0 $0x88, s6;
	s7 =	simm.s32 @p2 $0x1082  }
0x22: {  	[simem:s7], [sflag:s8] =	dma.local @!p0 [hbm:s6], $0xF7A  }
0x23: {  	s9 =	sor.u32 $0xD0000000, s2;
	s6 =	simm.s32 $0x108;
	_ =	swait.ge @!p0 [sflag:s8], $0x0  }
0x24: {  	s3 =	sadd.s32 $0x88, s3;
	s6 =	simm.s32 @!p1 $0x1082;
	[sflag:s4] =	ssyncset.s32 $0xFFFFF086  }
0x25: {  	[simem:s6], [sflag:s4] =	dma.local [hbm:s3], $0xF7A  }
0x26: {  	[smem:$0x3F99] =	sst s1;
	(tag) =	ssettag s2;
	_ =	strace s9  }
0x27: {  	s1 =	sld [smem:$0x3FA9]  }
0x28: {  	s2 =	sld [smem:$0x3FAA]  }
0x29: {  	s4 =	sld [smem:$0x3FAC]  }
0x2a: {  	p0 =	seq.s32 s5, $0x0;
	s5 =	sld [smem:$0x3FAD]  }
0x2b: {  	s6 =	sld [smem:$0x3FAE]  }
0x2c: {  	s7 =	sld [smem:$0x3FAF]  }
0x2d: {  	s3 =	simm.s32 $0x108;
	s8 =	sld [smem:$0x3FB0]  }
0x2e: {  	s3 =	simm.s32 @!p0 $0x1082;
	s9 =	sld [smem:$0x3FB1]  }
0x2f: {  	lr =	sadd.s32 s0, s3;
	s0 =	sld [smem:$0x3FA8]  }
0x30: {  	s3 =	sld [smem:$0x3FAB]  }
0x31: {  	[smem:$0x3FB4] =	sst s10  }
0x32: {  	s10 =	sld [smem:$0x3FB2];
	_ =	sdelay $0x3  }
0x33: {  	p0 =	seq.s32 s10, $0x1;
	s10 =	sld [smem:$0x3FB4];
	_ =	sdelay $0x3  }
0x34: {  	[smem:$0x3FB4] =	sst s10  }
0x35: {  	s10 =	sld [smem:$0x3FB3];
	_ =	sdelay $0x3  }
0x36: {  	p1 =	seq.s32 s10, $0x1;
	s10 =	sld [smem:$0x3FB4];
	_ =	sdelay $0x3  }
0x37: {  	[smem:$0x3FB4] =	sst s10  }
0x38: {  	s10 =	sld [smem:$0x3FB5]  }
0x39: {  	_ = 	snop;
	(pc) =	sbr.ind lr, $3  }
0x3a: {  	_ = 	snop  }
0x3b: {  	_ = 	snop  }
0x3c: {  	p2 =	seq.s32 s10, $0x1;
	s10 =	sld [smem:$0x3FB4]  }
0x3d: {  	_ =	shalt  }
0x3e: {  	_ =	shalt  }
0x3f: {  	_ =	shalt  }
0x40: {  	_ =	shalt  }
0x41: {  	_ =	shalt  }
0x42: {  	_ =	shalt  }
0x43: {  	_ =	shalt  }
0x44: {  	_ =	shalt  }
0x45: {  	_ =	shalt  }
0x46: {  	_ =	shalt  }
0x47: {  	_ =	shalt  }
0x48: {  	_ =	shalt  }
0x49: {  	_ =	shalt  }
0x4a: {  	_ =	shalt  }
0x4b: {  	_ =	shalt  }
0x4c: {  	_ =	shalt  }
0x4d: {  	_ =	shalt  }
0x4e: {  	_ =	shalt  }
0x4f: {  	_ =	shalt  }
0x50: {  	_ =	shalt  }
0x51: {  	_ =	shalt  }
0x52: {  	_ =	shalt  }
0x53: {  	_ =	shalt  }
0x54: {  	_ =	shalt  }
0x55: {  	_ =	shalt  }
0x56: {  	_ =	shalt  }
0x57: {  	_ =	shalt  }
0x58: {  	_ =	shalt  }
0x59: {  	_ =	shalt  }
0x5a: {  	_ =	shalt  }
0x5b: {  	_ =	shalt  }
0x5c: {  	_ =	shalt  }
0x5d: {  	_ =	shalt  }
0x5e: {  	_ =	shalt  }
0x5f: {  	_ =	shalt  }
0x60: {  	_ =	shalt  }
0x61: {  	_ =	shalt  }
0x62: {  	_ =	shalt  }
0x63: {  	_ =	shalt  }
0x64: {  	_ =	shalt  }
0x65: {  	_ =	shalt  }
0x66: {  	_ =	shalt  }
0x67: {  	_ =	shalt  }
0x68: {  	_ =	shalt  }
0x69: {  	_ =	shalt  }
0x6a: {  	_ =	shalt  }
0x6b: {  	_ =	shalt  }
0x6c: {  	_ =	shalt  }
0x6d: {  	_ =	shalt  }
0x6e: {  	_ =	shalt  }
0x6f: {  	_ =	shalt  }
0x70: {  	_ =	shalt  }
0x71: {  	_ =	shalt  }
0x72: {  	_ =	shalt  }
0x73: {  	_ =	shalt  }
0x74: {  	_ =	shalt  }
0x75: {  	_ =	shalt  }
0x76: {  	_ =	shalt  }
0x77: {  	_ =	shalt  }
0x78: {  	_ =	shalt  }
0x79: {  	_ =	shalt  }
0x7a: {  	_ =	shalt  }
0x7b: {  	_ =	shalt  }
0x7c: {  	_ =	shalt  }
0x7d: {  	_ =	shalt  }
0x7e: {  	_ =	shalt  }
0x7f: {  	_ =	shalt  }
0x80: {  	_ =	shalt  }
0x81: {  	_ =	shalt  }
0x82: {  	_ =	shalt  }
0x83: {  	_ =	shalt  }
0x84: {  	_ =	shalt  }
0x85: {  	_ =	shalt  }
0x86: {  	_ =	shalt  }
0x87: {  	_ =	shalt  }
.Lfunc_end0:
.L_simem_size_0:
called_computation.2_lowered:
.L_overlay_start_0:
0x88: {  	s2 =	sld [smem:$0x3FD9]  }
0x89: {  	s3 =	sld [smem:$0x3FFE];
	_ =	sdelay $0x1  }
0x8a: {  	s1 =	srdreg.scid  }
0x8b: {  	s0 =	sand.u32 $0x1, s1  }
0x8c: {  	s16 =	sshll.u32 s0, $0xA;
	s2 =	sadd.s32 s3, s2  }
0x8d: {  	s2 =	sadd.s32 s2, s16  }
0x8e: {  	[smem:$0x3FC0] =	sst s2  }
0x8f: {  	_ = 	snop  }
0x90: {  	(tm) =	ssettm $0x1  }
0x91: {  	s17 =	sld [smem:$0x3FFB];
	_ =	sdelay $0x3  }
0x92: {  	_ =	strace s17  }
0x93: {  	s2 =	sld [smem:$0x3FFC];
	_ =	sdelay $0x3  }
0x94: {  	_ =	strace s2  }
0x95: {  	s2 =	sld [smem:$0x3FFD];
	_ =	sdelay $0x3  }
0x96: {  	_ =	strace s2  }
0x97: {  	_ =	strace $0x8FFFFFFF  }
0x98: {  	s18 =	sld [smem:$0x3FDB];
	_ =	sdelay $0x1  }
0x99: {  	s19 =	simm.s32 $_scs_section_size  }
0x9a: {  	s4 =	simm.s32 $_size__tile_overlayer_lowered;
	s5 =	simm.s32 $_tile_overlayer_lowered  }
0x9b: {  	s22 =	simm.s32 $0x1BFF;
	s21 =	sshll.u32 s5, $0x1;
	s2 =	sadd.s32 s19, s18  }
0x9c: {  	s6 =	simm.s32 $0x0;
	s20 =	sshll.u32 s4, $0x1;
	s4 =	sadd.s32 s21, s2  }
0x9d: {  	[timem:s6], [sflag:s22] =	dma.local [hbm:s4], s20  }
0x9e: {  	_ =	swait.ge [sflag:s22], s20  }
0x9f: {  	s3 =	ssub.s32 $0x0, s20;
	[sflag:s22] =	ssyncset.done $0x0  }
0xa0: {  	[sflag:s22] =	ssyncadd.s32 s3;
	_ =	sdelay $0x1  }
0xa1: {  	s23 =	simm.s32 $0x1B8B  }
0xa2: {  	_ =	swait.ge [sflag:s23], $0x1  }
0xa3: {  	[sflag:s23] =	ssyncset.done $0x0  }
0xa4: {  	s25 =	simm.s32 $0x1B8E;
	s24 =	sld [smem:$0x3FFE];
	[sflag:s23] =	ssyncadd.s32 $0xFFFFFFFF  }
0xa5: {  	s26 =	simm.s32 $execute0_lowered;
	[smem:$0x3FD2] =	sst s25  }
0xa6: {  	s4 =	sshll.u32 s26, $0x1;
	_ =	strace $0x8000004C;
	[dreg:$0x1] =	wrdreg $0xFFFFFFFF  }
0xa7: {  	s28 =	simm.s32 $_size_execute0_lowered;
	s2 =	sadd.s32 s2, s4;
	[dreg:$0x0] =	wrdreg $0x0  }
0xa8: {  	s4 =	sshll.u32 s28, $0x1;
	[dreg:$0x2] =	wrdreg s2  }
0xa9: {  	[dreg:$0x3] =	wrdreg s4  }
0xaa: {  	[dreg:$0x4] =	wrdreg $0xC0  }
0xab: {  	_ =	task [dreg:s6], $0x5FFFF  }
0xac: {  	[dreg:$0x1] =	wrdreg $0xFFFFFFFF  }
0xad: {  	[dreg:$0x0] =	wrdreg $0x60  }
0xae: {  	[dreg:$0x2] =	wrdreg s24  }
0xaf: {  	[dreg:$0x3] =	wrdreg $0xA8000  }
0xb0: {  	[dreg:$0x4] =	wrdreg $0x9  }
0xb1: {  	_ =	task.clear_ibuf [dreg:s6], $0x5FFFF;
	_ =	strace $0x9000004C  }
0xb2: {  	s29 =	simm.s32 $0x9;
	_ =	strace $0x8000004E  }
0xb3: {  	_ =	swait.ge [sflag:s29], $0x1  }
0xb4: {  	[sflag:s29] =	ssyncadd.s32 $0xFFFFFFFF  }
0xb5: {  	_ =	strace $0x9000004E  }
0xb6: {  	_ =	sfence  }
0xb7: {  	s30 =	sld [smem:$0x0];
	_ =	sdelay $0x2  }
0xb8: {  	s31 =	sshll.u32 s1, $0xD;
	s1 =	sshrl.u32 s1, $0x2  }
0xb9: {  	s3 =	sand.u32 $0x4000, s31;
	s1 =	sadd.s32 s1, s30  }
0xba: {  	s0 =	sor.u32 s3, s0;
	s1 =	sshll.u32 s1, $0x11  }
0xbb: {  	s0 =	sor.u32 s1, s0  }
0xbc: {  	s0 =	sadd.s32 $0x8F2B, s0  }
0xbd: {  	[sflag:s0] =	ssyncadd.remote.s32 $0x1  }
0xbe: {  	_ =	sfence.sel $0xFFFF  }
0xbf: {  	[dreg:$0x0] =	wrdreg $0xFFFFFFFF;
	(pc) =	sbr.abs _section_cstart, $3  }
0xc0: {  	[dreg:$0x1] =	wrdreg $0xFFFFFFFF  }
0xc1: {  	_ =	task.clear_ibuf [dreg:s6], $0x2FFFF;
	_ =	strace $0x9FFFFFFF  }
0xc2: {  	(tm) =	ssettm $0x7FFFFFFF  }
0xc3: {  	_ =	shalt  }
tec
execute0_lowered:
.L_overlay_start_1:
0x0: {  	(tag) =	ssettag $0x1  }
0x1: {  	s1 =	rddreg [dreg:$0x0]  }
0x2: {  	s2 =	rddreg [dreg:$0x1];
	s3 =	simm.s32 $0x0;
	s0 =	srdreg.scid  }
0x3: {  	s16 =	stileid.u32;
	[smem:$0x7FF] =	sst s3  }
0x4: {  	s4 =	sand.u32 $0x1, s0;
	s22 =	sshll.u32 s16, $0x1;
	s5 =	sadd.s32 $0xC200, s1  }
0x5: {  	s8 =	sadd.s32 $0x16200, s1;
	s11 =	sor.u32 $0x30, s16;
	s12 =	smul.u32 $0x2800, s16  }
0x6: {  	s0 =	sor.u32 s4, s22;
	s6 =	ssub.s32 $0x2, s4;
	s4 =	smul.u32 $0x138800, s4  }
0x7: {  	s13 =	sor.u32 $0x40, s16;
	s25 =	sor.u32 $0x70, s16;
	s24 =	smul.u32 $0x2800, s11  }
0x8: {  	s21 =	sadd.s32 $0x47400, s1;
	p0 =	sgt.u32 s16, $0xC;
	s18 =	smul.u32 $0x2800, s25  }
0x9: {  	_ =	strace $0x8000004D;
	s7 =	smul.u32 $0x500, s0;
	s9 =	sshrl.u32 s6, $0x1  }
0xa: {  	s10 =	smul.u32 $0x2800, s0;
	s0 =	ssub.s32 s6, s9;
	s6 =	sor.u32 $0x10, s16  }
0xb: {  	s9 =	sor.u32 $0x20, s16;
	s19 =	sadd.s32 s12, s4;
	s14 =	smul.u32 $0x2800, s6  }
0xc: {  	s10 =	sshrl.u32 s10, $0x3;
	s15 =	sadd.s32 s5, s7;
	s23 =	smul.u32 $0x2800, s9  }
0xd: {  	s7 =	sadd.s32 s8, s7;
	s19 =	sshrl.u32 s19, $0x3;
	s31 =	smax.u32 s0, $0x1  }
0xe: {  	s0 =	simm.s32 $0x2800;
	[dreg:$0x3] =	wrdreg s15;
	s10 =	sadd.s32 $0x280, s10  }
0xf: {  	[dreg:$0x4] =	wrdreg s7;
	s22 =	sadd.s32 s21, s19;
	s5 =	sadd.s32 s5, s10  }
0x10: {  	s26 =	sadd.s32 s8, s10;
	s8 =	smul.u32 $0x2800, s13;
	[dreg:$0x7] =	wrdreg s22  }
0x11: {  	s10 =	sor.u32 $0x50, s16;
	s14 =	sadd.s32 s4, s14;
	[dreg:$0x5] =	wrdreg s5  }
0x12: {  	s15 =	sadd.s32 s4, s23;
	s22 =	sshll.u32 s6, $0xE;
	[dreg:$0x6] =	wrdreg s26  }
0x13: {  	s20 =	smul.u32 $0x2800, s10;
	s26 =	sor.u32 $0x60, s16;
	s5 =	sadd.s32 s4, s24  }
0x14: {  	s23 =	sshrl.u32 s14, $0x3;
	s24 =	sshrl.u32 s15, $0x3;
	s17 =	smul.u32 $0x2800, s26  }
0x15: {  	s7 =	sadd.s32 s4, s8;
	s8 =	sadd.s32 $0x20200, s1;
	s1 =	sadd.s32 s21, s23  }
0x16: {  	s5 =	sshrl.u32 s5, $0x3;
	s23 =	sadd.s32 s22, s2;
	s12 =	sadd.s32 s4, s20  }
0x17: {  	[dreg:$0x8] =	wrdreg s1;
	s1 =	sadd.s32 s21, s24;
	s5 =	sadd.s32 s21, s5  }
0x18: {  	s14 =	sshrl.u32 s7, $0x3;
	[dreg:$0x10] =	wrdreg s23;
	s24 =	smul.u32 $0xA000, s6  }
0x19: {  	s7 =	sshll.u32 s9, $0xE;
	s6 =	simm.s32 $0x6800;
	s17 =	sadd.s32 s4, s17  }
0x1a: {  	[dreg:$0x9] =	wrdreg s1;
	s1 =	sadd.s32 s21, s14;
	s14 =	smul.u32 $0xA000, s16  }
0x1b: {  	s4 =	sadd.s32 s4, s18;
	[dreg:$0xa] =	wrdreg s5;
	s18 =	smul.u32 $0xA000, s11  }
0x1c: {  	s15 =	sshrl.u32 s12, $0x3;
	s12 =	sshll.u32 s11, $0xE;
	s11 =	smul.u32 $0xA000, s13  }
0x1d: {  	[dreg:$0xb] =	wrdreg s1;
	s17 =	sshrl.u32 s17, $0x3;
	s1 =	sadd.s32 s21, s15  }
0x1e: {  	s20 =	sshrl.u32 s4, $0x3;
	s15 =	smul.u32 $0xA000, s9;
	s9 =	sshll.u32 s13, $0xE  }
0x1f: {  	s13 =	smul.u32 $0xA000, s26;
	[dreg:$0xc] =	wrdreg s1;
	s19 =	sadd.s32 s21, s17  }
0x20: {  	s1 =	sadd.s32 s21, s20;
	s21 =	sshll.u32 s16, $0xE;
	s20 =	sadd.s32 s12, s2  }
0x21: {  	s17 =	sshrl.u32 s14, $0x2;
	s12 =	smul.u32 $0xA000, s10;
	s14 =	sshrl.u32 s18, $0x2  }
0x22: {  	s5 =	sshrl.u32 s11, $0x2;
	s10 =	simm.s32 $0x1380;
	[dreg:$0xd] =	wrdreg s19  }
0x23: {  	s11 =	simm.s32 $0x2700;
	[dreg:$0xe] =	wrdreg s1;
	s1 =	sadd.s32 s21, s2  }
0x24: {  	s19 =	sadd.s32 s7, s2;
	s21 =	sadd.s32 s9, s2;
	s22 =	sadd.s32 s17, s2  }
0x25: {  	s4 =	sshrl.u32 s15, $0x2;
	s15 =	smul.u32 $0xA000, s25;
	s25 =	sadd.s32 s14, s2  }
0x26: {  	s26 =	sadd.s32 s5, s2;
	s5 =	simm.s32 $0x80;
	s7 =	simm.s32 $0x1  }
0x27: {  	s9 =	simm.s32 $0x2;
	[dreg:$0xf] =	wrdreg s1;
	s1 =	sshrl.u32 s24, $0x2  }
0x28: {  	s24 =	sadd.s32 s4, s2;
	s17 =	sshrl.u32 s12, $0x2;
	s4 =	simm.s32 $0x1400  }
0x29: {  	s12 =	simm.s32 $0x2780;
	s23 =	sadd.s32 s1, s2;
	s28 =	sadd.s32 s17, s2  }
0x2a: {  	s1 =	sshrl.u32 s13, $0x2;
	s18 =	sshrl.u32 s15, $0x2;
	s13 =	simm.s32 $0x0  }
0x2b: {  	v0 =	vimm.f32 $0.0e+00;
	s29 =	sadd.s32 s1, s2;
	s30 =	sadd.s32 s18, s2;
	s1 =	simm.s32 $0x3  }
.LBB2_1:
0x2c: {  	s14 =	sand.u32 $0xFE00, s3  }
0x2d: {  	s15 =	sand.u32 $0x70, s3;
	s16 =	sshrl.u32 s14, $0x2  }
0x2e: {  	s14 =	simm.s32 $0x40;
	s16 =	sor.u32 s15, s16;
	s15 =	simm.s32 $0x0  }
.LBB2_2:
0x2f: {  	p1 =	sne.s32 s14, $0xFFC0  }
0x30: {  	[tilespmem:s16+$0x2800] =	vst v0;
	s15 =	sadd.s32 $0x10, s15;
	s16 =	smov.u32 s14;
	s14 =	sadd.s32 $0x40, s14  }
.Ltmp0:
0x31: {  	(pc) =	sbr.rel @p1 .LBB2_2-.Ltmp0, $4  }
0x32: {  	_ = 	snop  }
0x33: {  	s16 =	sand.u32 $0xFE00, s16  }
0x34: {  	s17 =	sand.u32 $0x70, s15;
	s16 =	sshrl.u32 s16, $0x2  }
0x35: {  	s16 =	sor.u32 s17, s16  }
0x36: {  	[tilespmem:s16+$0x2800] =	vst v0;
	s14 =	rddreg [dreg:$0xf]  }
0x37: {  	[spmem:s14] =	stream.linear.scatter [tilespmem:s0], [sflag:$0x3], $0x4000, $0x38;
	[tilespmem:$0x1E800] =	vst v63  }
0x38: {  	_ =	swait.ge [sflag:s1], $0x4000  }
0x39: {  	[sflag:s1] =	ssyncset.done $0x0  }
0x3a: {  	s16 =	rddreg [dreg:$0x10];
	[sflag:s1] =	ssyncadd.s32 $0xFFFFC000  }
0x3b: {  	[spmem:s16] =	stream.linear.scatter [tilespmem:s0], [sflag:$0x3], $0x4000, $0x38;
	[tilespmem:$0x1E800] =	vst v63  }
0x3c: {  	_ =	swait.ge [sflag:s1], $0x4000  }
0x3d: {  	[sflag:s1] =	ssyncset.done $0x0  }
0x3e: {  	[sflag:s1] =	ssyncadd.s32 $0xFFFFC000  }
0x3f: {  	[spmem:s19] =	stream.linear.scatter [tilespmem:s0], [sflag:$0x3], $0x4000, $0x38;
	[tilespmem:$0x1E800] =	vst v63  }
0x40: {  	_ =	swait.ge [sflag:s1], $0x4000  }
0x41: {  	[sflag:s1] =	ssyncset.done $0x0  }
0x42: {  	[sflag:s1] =	ssyncadd.s32 $0xFFFFC000  }
0x43: {  	[spmem:s20] =	stream.linear.scatter [tilespmem:s0], [sflag:$0x3], $0x4000, $0x38;
	[tilespmem:$0x1E800] =	vst v63  }
0x44: {  	_ =	swait.ge [sflag:s1], $0x4000  }
0x45: {  	[sflag:s1] =	ssyncset.done $0x0  }
0x46: {  	[sflag:s1] =	ssyncadd.s32 $0xFFFFC000  }
0x47: {  	[spmem:s21] =	stream.linear.scatter [tilespmem:s0], [sflag:$0x3], $0x4000, $0x38;
	[tilespmem:$0x1E800] =	vst v63  }
0x48: {  	_ =	swait.ge [sflag:s1], $0x4000  }
0x49: {  	[sflag:s1] =	ssyncset.done $0x0  }
0x4a: {  	[sflag:s1] =	ssyncadd.s32 $0xFFFFC000  }
0x4b: {  	[bflag:$0x0] =	sbarrier.arrive $0xFFFF  }
0x4c: {  	s17 =	simm.s32 $0x0;
	s15 =	rddreg [dreg:$0x3]  }
0x4d: {  	[tilespmem:s17], [sflag:$0x3] =	stream.linear.gather [hbm4b:s15+s17], $0x1400, $0x38;
	[tilespmem:$0x1E800] =	vst v63  }
0x4e: {  	_ =	swait.ge [sflag:s1], $0x1400  }
0x4f: {  	[sflag:s1] =	ssyncset.done $0x0  }
0x50: {  	s18 =	rddreg [dreg:$0x4];
	[sflag:s1] =	ssyncadd.s32 $0xFFFFEC00  }
0x51: {  	[tilespmem:s4], [sflag:$0x3] =	stream.linear.gather [hbm4b:s18+s17], $0x1400, $0x38;
	[tilespmem:$0x1E800] =	vst v63  }
0x52: {  	_ =	swait.ge [sflag:s1], $0x1400  }
0x53: {  	[sflag:s1] =	ssyncset.done $0x0  }
0x54: {  	[sflag:s1] =	ssyncadd.s32 $0xFFFFEC00  }
0x55: {  	[tilespmem:s0], [sflag:$0x1] =	stream.indirect.gather [hbm4b:s8+s5], $0x80, s17, s5, $0xb8;
	[tilespmem:$0x1E800] =	vst v63  }
0x56: {  	s15 =	simm.s32 $0x80  }
0x57: {  	[tilespmem:s6], [sflag:$0x2] =	stream.indirect.gather [hbm4b:s8+s5], $0x80, s15, s5, $0xb8;
	[tilespmem:$0x1E800] =	vst v63  }
0x58: {  	_ =	swait.ge [sflag:s7], $0x4000  }
0x59: {  	[sflag:s7] =	ssyncset.done $0x0  }
0x5a: {  	s16 =	simm.s32 $0x1400;
	[sflag:s7] =	ssyncadd.s32 $0xFFFFC000  }
0x5b: {  	[spmem:s2] =	stream.indirect.scatter.add.f32 [tilespmem:s0], [sflag:$0x3], $0x80, s16, s5, $0xb8;
	[tilespmem:$0x1E800] =	vst v63  }
0x5c: {  	_ =	swait.ge [sflag:s1], $0x4000  }
0x5d: {  	[sflag:s1] =	ssyncset.done $0x0  }
0x5e: {  	s17 =	simm.s32 $0x100;
	[sflag:s1] =	ssyncadd.s32 $0xFFFFC000  }
0x5f: {  	[tilespmem:s0], [sflag:$0x1] =	stream.indirect.gather [hbm4b:s8+s5], $0x80, s17, s5, $0xb8;
	[tilespmem:$0x1E800] =	vst v63  }
0x60: {  	_ =	swait.ge [sflag:s9], $0x4000  }
0x61: {  	[sflag:s9] =	ssyncset.done $0x0  }
0x62: {  	s18 =	simm.s32 $0x1480;
	[sflag:s9] =	ssyncadd.s32 $0xFFFFC000  }
0x63: {  	[spmem:s2] =	stream.indirect.scatter.add.f32 [tilespmem:s6], [sflag:$0x3], $0x80, s18, s5, $0xb8;
	[tilespmem:$0x1E800] =	vst v63  }
0x64: {  	_ =	swait.ge [sflag:s1], $0x4000  }
0x65: {  	s14 =	simm.s32 $0x100;
	s15 =	simm.s32 $0x800;
	[sflag:s1] =	ssyncset.done $0x0  }
.LBB2_4:
0x66: {  	s16 =	sadd.s32 $0x80, s14  }
0x67: {  	[sflag:s1] =	ssyncadd.s32 $0xFFFFC000;
	s17 =	smov.u32 s15;
	s18 =	sadd.s32 $0x400, s15  }
0x68: {  	[tilespmem:s6], [sflag:$0x2] =	stream.indirect.gather [hbm4b:s8+s5], $0x80, s16, s5, $0xb8;
	[tilespmem:$0x1E800] =	vst v63  }
0x69: {  	p1 =	sne.s32 s15, $0x4800;
	_ =	swait.ge [sflag:s7], $0x4000  }
0x6a: {  	[sflag:s7] =	ssyncset.done $0x0  }
0x6b: {  	s15 =	sadd.s32 $0x1400, s14;
	[sflag:s7] =	ssyncadd.s32 $0xFFFFC000  }
0x6c: {  	[spmem:s2] =	stream.indirect.scatter.add.f32 [tilespmem:s0], [sflag:$0x3], $0x80, s15, s5, $0xb8;
	[tilespmem:$0x1E800] =	vst v63  }
0x6d: {  	_ =	swait.ge [sflag:s1], $0x4000  }
0x6e: {  	[sflag:s1] =	ssyncset.done $0x0  }
0x6f: {  	s15 =	sadd.s32 $0x100, s14;
	[sflag:s1] =	ssyncadd.s32 $0xFFFFC000  }
0x70: {  	[tilespmem:s0], [sflag:$0x1] =	stream.indirect.gather [hbm4b:s8+s5], $0x80, s15, s5, $0xb8;
	[tilespmem:$0x1E800] =	vst v63  }
0x71: {  	_ =	swait.ge [sflag:s9], $0x4000  }
.Ltmp1:
0x72: {  	[sflag:s9] =	ssyncset.done $0x0;
	(pc) =	sbr.rel @p1 .LBB2_4-.Ltmp1, $4  }
0x73: {  	s14 =	sadd.s32 $0x1480, s14;
	[sflag:s9] =	ssyncadd.s32 $0xFFFFC000  }
0x74: {  	[spmem:s2] =	stream.indirect.scatter.add.f32 [tilespmem:s6], [sflag:$0x3], $0x80, s14, s5, $0xb8;
	[tilespmem:$0x1E800] =	vst v63  }
0x75: {  	_ =	swait.ge [sflag:s1], $0x4000  }
0x76: {  	s15 =	smov.u32 s18;
	s14 =	sshra.s32 s17, $0x2;
	[sflag:s1] =	ssyncset.done $0x0  }
0x77: {  	s15 =	sadd.s32 $0x80, s14;
	[sflag:s1] =	ssyncadd.s32 $0xFFFFC000  }
0x78: {  	[tilespmem:s6], [sflag:$0x2] =	stream.indirect.gather [hbm4b:s8+s5], $0x80, s15, s5, $0xb8;
	[tilespmem:$0x1E800] =	vst v63  }
0x79: {  	_ =	swait.ge [sflag:s7], $0x4000  }
0x7a: {  	[sflag:s7] =	ssyncset.done $0x0  }
0x7b: {  	s17 =	sadd.s32 $0x1400, s14;
	[sflag:s7] =	ssyncadd.s32 $0xFFFFC000  }
0x7c: {  	[spmem:s2] =	stream.indirect.scatter.add.f32 [tilespmem:s0], [sflag:$0x3], $0x80, s17, s5, $0xb8;
	[tilespmem:$0x1E800] =	vst v63  }
0x7d: {  	_ =	swait.ge [sflag:s1], $0x4000  }
0x7e: {  	[sflag:s1] =	ssyncset.done $0x0  }
0x7f: {  	s18 =	sadd.s32 $0x100, s14;
	[sflag:s1] =	ssyncadd.s32 $0xFFFFC000  }
0x80: {  	[tilespmem:s0], [sflag:$0x1] =	stream.indirect.gather [hbm4b:s8+s5], $0x80, s18, s5, $0xb8;
	[tilespmem:$0x1E800] =	vst v63  }
0x81: {  	_ =	swait.ge [sflag:s9], $0x4000  }
0x82: {  	[sflag:s9] =	ssyncset.done $0x0  }
0x83: {  	s15 =	sadd.s32 $0x1480, s14;
	[sflag:s9] =	ssyncadd.s32 $0xFFFFC000  }
0x84: {  	[spmem:s2] =	stream.indirect.scatter.add.f32 [tilespmem:s6], [sflag:$0x3], $0x80, s15, s5, $0xb8;
	[tilespmem:$0x1E800] =	vst v63  }
0x85: {  	_ =	swait.ge [sflag:s1], $0x4000  }
0x86: {  	[sflag:s1] =	ssyncset.done $0x0  }
0x87: {  	[sflag:s1] =	ssyncadd.s32 $0xFFFFC000  }
0x88: {  	[tilespmem:s6], [sflag:$0x2] =	stream.indirect.gather [hbm4b:s8+s5], $0x80, s10, s5, $0xb8;
	[tilespmem:$0x1E800] =	vst v63  }
0x89: {  	_ =	swait.ge [sflag:s7], $0x4000  }
0x8a: {  	[sflag:s7] =	ssyncset.done $0x0  }
0x8b: {  	[sflag:s7] =	ssyncadd.s32 $0xFFFFC000  }
0x8c: {  	[spmem:s2] =	stream.indirect.scatter.add.f32 [tilespmem:s0], [sflag:$0x3], $0x80, s11, s5, $0xb8;
	[tilespmem:$0x1E800] =	vst v63  }
0x8d: {  	_ =	swait.ge [sflag:s1], $0x4000  }
0x8e: {  	[sflag:s1] =	ssyncset.done $0x0  }
0x8f: {  	[sflag:s1] =	ssyncadd.s32 $0xFFFFC000  }
0x90: {  	_ =	swait.ge [sflag:s9], $0x4000  }
0x91: {  	[sflag:s9] =	ssyncset.done $0x0  }
0x92: {  	[sflag:s9] =	ssyncadd.s32 $0xFFFFC000  }
0x93: {  	[spmem:s2] =	stream.indirect.scatter.add.f32 [tilespmem:s6], [sflag:$0x3], $0x80, s12, s5, $0xb8;
	[tilespmem:$0x1E800] =	vst v63  }
0x94: {  	_ =	swait.ge [sflag:s1], $0x4000  }
0x95: {  	[sflag:s1] =	ssyncset.done $0x0  }
0x96: {  	s16 =	simm.s32 $0x0;
	s17 =	rddreg [dreg:$0x5];
	[sflag:s1] =	ssyncadd.s32 $0xFFFFC000  }
0x97: {  	[tilespmem:s16], [sflag:$0x3] =	stream.linear.gather [hbm4b:s17+s16], $0x1400, $0x38;
	[tilespmem:$0x1E800] =	vst v63  }
0x98: {  	_ =	swait.ge [sflag:s1], $0x1400  }
0x99: {  	[sflag:s1] =	ssyncset.done $0x0  }
0x9a: {  	s18 =	rddreg [dreg:$0x6];
	[sflag:s1] =	ssyncadd.s32 $0xFFFFEC00  }
0x9b: {  	[tilespmem:s4], [sflag:$0x3] =	stream.linear.gather [hbm4b:s18+s16], $0x1400, $0x38;
	[tilespmem:$0x1E800] =	vst v63  }
0x9c: {  	_ =	swait.ge [sflag:s1], $0x1400  }
0x9d: {  	[sflag:s1] =	ssyncset.done $0x0  }
0x9e: {  	[sflag:s1] =	ssyncadd.s32 $0xFFFFEC00  }
0x9f: {  	[tilespmem:s0], [sflag:$0x1] =	stream.indirect.gather [hbm4b:s8+s5], $0x80, s16, s5, $0xb8;
	[tilespmem:$0x1E800] =	vst v63  }
0xa0: {  	s15 =	simm.s32 $0x80  }
0xa1: {  	[tilespmem:s6], [sflag:$0x2] =	stream.indirect.gather [hbm4b:s8+s5], $0x80, s15, s5, $0xb8;
	[tilespmem:$0x1E800] =	vst v63  }
0xa2: {  	_ =	swait.ge [sflag:s7], $0x4000  }
0xa3: {  	[sflag:s7] =	ssyncset.done $0x0  }
0xa4: {  	s16 =	simm.s32 $0x1400;
	[sflag:s7] =	ssyncadd.s32 $0xFFFFC000  }
0xa5: {  	[spmem:s2] =	stream.indirect.scatter.add.f32 [tilespmem:s0], [sflag:$0x3], $0x80, s16, s5, $0xb8;
	[tilespmem:$0x1E800] =	vst v63  }
0xa6: {  	_ =	swait.ge [sflag:s1], $0x4000  }
0xa7: {  	[sflag:s1] =	ssyncset.done $0x0  }
0xa8: {  	s17 =	simm.s32 $0x100;
	[sflag:s1] =	ssyncadd.s32 $0xFFFFC000  }
0xa9: {  	[tilespmem:s0], [sflag:$0x1] =	stream.indirect.gather [hbm4b:s8+s5], $0x80, s17, s5, $0xb8;
	[tilespmem:$0x1E800] =	vst v63  }
0xaa: {  	_ =	swait.ge [sflag:s9], $0x4000  }
0xab: {  	[sflag:s9] =	ssyncset.done $0x0  }
0xac: {  	s18 =	simm.s32 $0x1480;
	[sflag:s9] =	ssyncadd.s32 $0xFFFFC000  }
0xad: {  	[spmem:s2] =	stream.indirect.scatter.add.f32 [tilespmem:s6], [sflag:$0x3], $0x80, s18, s5, $0xb8;
	[tilespmem:$0x1E800] =	vst v63  }
0xae: {  	_ =	swait.ge [sflag:s1], $0x4000  }
0xaf: {  	s14 =	simm.s32 $0x100;
	s15 =	simm.s32 $0x800;
	[sflag:s1] =	ssyncset.done $0x0  }
.LBB2_6:
0xb0: {  	s16 =	sadd.s32 $0x80, s14  }
0xb1: {  	[sflag:s1] =	ssyncadd.s32 $0xFFFFC000;
	s17 =	smov.u32 s15;
	s18 =	sadd.s32 $0x400, s15  }
0xb2: {  	[tilespmem:s6], [sflag:$0x2] =	stream.indirect.gather [hbm4b:s8+s5], $0x80, s16, s5, $0xb8;
	[tilespmem:$0x1E800] =	vst v63  }
0xb3: {  	p1 =	sne.s32 s15, $0x4800;
	_ =	swait.ge [sflag:s7], $0x4000  }
0xb4: {  	[sflag:s7] =	ssyncset.done $0x0  }
0xb5: {  	s15 =	sadd.s32 $0x1400, s14;
	[sflag:s7] =	ssyncadd.s32 $0xFFFFC000  }
0xb6: {  	[spmem:s2] =	stream.indirect.scatter.add.f32 [tilespmem:s0], [sflag:$0x3], $0x80, s15, s5, $0xb8;
	[tilespmem:$0x1E800] =	vst v63  }
0xb7: {  	_ =	swait.ge [sflag:s1], $0x4000  }
0xb8: {  	[sflag:s1] =	ssyncset.done $0x0  }
0xb9: {  	s15 =	sadd.s32 $0x100, s14;
	[sflag:s1] =	ssyncadd.s32 $0xFFFFC000  }
0xba: {  	[tilespmem:s0], [sflag:$0x1] =	stream.indirect.gather [hbm4b:s8+s5], $0x80, s15, s5, $0xb8;
	[tilespmem:$0x1E800] =	vst v63  }
0xbb: {  	_ =	swait.ge [sflag:s9], $0x4000  }
.Ltmp2:
0xbc: {  	[sflag:s9] =	ssyncset.done $0x0;
	(pc) =	sbr.rel @p1 .LBB2_6-.Ltmp2, $4  }
0xbd: {  	s14 =	sadd.s32 $0x1480, s14;
	[sflag:s9] =	ssyncadd.s32 $0xFFFFC000  }
0xbe: {  	[spmem:s2] =	stream.indirect.scatter.add.f32 [tilespmem:s6], [sflag:$0x3], $0x80, s14, s5, $0xb8;
	[tilespmem:$0x1E800] =	vst v63  }
0xbf: {  	_ =	swait.ge [sflag:s1], $0x4000  }
0xc0: {  	s15 =	smov.u32 s18;
	s14 =	sshra.s32 s17, $0x2;
	[sflag:s1] =	ssyncset.done $0x0  }
0xc1: {  	s15 =	sadd.s32 $0x80, s14;
	[sflag:s1] =	ssyncadd.s32 $0xFFFFC000  }
0xc2: {  	[tilespmem:s6], [sflag:$0x2] =	stream.indirect.gather [hbm4b:s8+s5], $0x80, s15, s5, $0xb8;
	[tilespmem:$0x1E800] =	vst v63  }
0xc3: {  	_ =	swait.ge [sflag:s7], $0x4000  }
0xc4: {  	[sflag:s7] =	ssyncset.done $0x0  }
0xc5: {  	s17 =	sadd.s32 $0x1400, s14;
	[sflag:s7] =	ssyncadd.s32 $0xFFFFC000  }
0xc6: {  	[spmem:s2] =	stream.indirect.scatter.add.f32 [tilespmem:s0], [sflag:$0x3], $0x80, s17, s5, $0xb8;
	[tilespmem:$0x1E800] =	vst v63  }
0xc7: {  	_ =	swait.ge [sflag:s1], $0x4000  }
0xc8: {  	[sflag:s1] =	ssyncset.done $0x0  }
0xc9: {  	s18 =	sadd.s32 $0x100, s14;
	[sflag:s1] =	ssyncadd.s32 $0xFFFFC000  }
0xca: {  	[tilespmem:s0], [sflag:$0x1] =	stream.indirect.gather [hbm4b:s8+s5], $0x80, s18, s5, $0xb8;
	[tilespmem:$0x1E800] =	vst v63  }
0xcb: {  	_ =	swait.ge [sflag:s9], $0x4000  }
0xcc: {  	[sflag:s9] =	ssyncset.done $0x0  }
0xcd: {  	s15 =	sadd.s32 $0x1480, s14;
	[sflag:s9] =	ssyncadd.s32 $0xFFFFC000  }
0xce: {  	[spmem:s2] =	stream.indirect.scatter.add.f32 [tilespmem:s6], [sflag:$0x3], $0x80, s15, s5, $0xb8;
	[tilespmem:$0x1E800] =	vst v63  }
0xcf: {  	_ =	swait.ge [sflag:s1], $0x4000  }
0xd0: {  	[sflag:s1] =	ssyncset.done $0x0  }
0xd1: {  	[sflag:s1] =	ssyncadd.s32 $0xFFFFC000  }
0xd2: {  	[tilespmem:s6], [sflag:$0x2] =	stream.indirect.gather [hbm4b:s8+s5], $0x80, s10, s5, $0xb8;
	[tilespmem:$0x1E800] =	vst v63  }
0xd3: {  	_ =	swait.ge [sflag:s7], $0x4000  }
0xd4: {  	[sflag:s7] =	ssyncset.done $0x0  }
0xd5: {  	[sflag:s7] =	ssyncadd.s32 $0xFFFFC000  }
0xd6: {  	[spmem:s2] =	stream.indirect.scatter.add.f32 [tilespmem:s0], [sflag:$0x3], $0x80, s11, s5, $0xb8;
	[tilespmem:$0x1E800] =	vst v63  }
0xd7: {  	_ =	swait.ge [sflag:s1], $0x4000  }
0xd8: {  	[sflag:s1] =	ssyncset.done $0x0  }
0xd9: {  	[sflag:s1] =	ssyncadd.s32 $0xFFFFC000  }
0xda: {  	_ =	swait.ge [sflag:s9], $0x4000  }
0xdb: {  	[sflag:s9] =	ssyncset.done $0x0  }
0xdc: {  	[sflag:s9] =	ssyncadd.s32 $0xFFFFC000  }
0xdd: {  	[spmem:s2] =	stream.indirect.scatter.add.f32 [tilespmem:s6], [sflag:$0x3], $0x80, s12, s5, $0xb8;
	[tilespmem:$0x1E800] =	vst v63  }
0xde: {  	_ =	swait.ge [sflag:s1], $0x4000  }
0xdf: {  	[sflag:s1] =	ssyncset.done $0x0  }
0xe0: {  	[sflag:s1] =	ssyncadd.s32 $0xFFFFC000  }
0xe1: {  	[bflag:$0x0] =	sbarrier.arrive $0xFFFF  }
0xe2: {  	[tilespmem:s0], [sflag:$0x3] =	stream.linear.gather [spmem:s22], $0x2800, $0x38;
	[tilespmem:$0x1E800] =	vst v63  }
0xe3: {  	_ =	swait.ge [sflag:s1], $0x2800  }
0xe4: {  	[sflag:s1] =	ssyncset.done $0x0  }
0xe5: {  	s16 =	rddreg [dreg:$0x7];
	[sflag:s1] =	ssyncadd.s32 $0xFFFFD800  }
0xe6: {  	[hbm4b:s16+s3] =	stream.linear.scatter [tilespmem:s0], [sflag:$0x3], $0x2800, $0x38;
	[tilespmem:$0x1E800] =	vst v63  }
0xe7: {  	_ =	swait.ge [sflag:s1], $0x2800  }
0xe8: {  	[sflag:s1] =	ssyncset.done $0x0  }
0xe9: {  	[sflag:s1] =	ssyncadd.s32 $0xFFFFD800  }
0xea: {  	[tilespmem:s0], [sflag:$0x3] =	stream.linear.gather [spmem:s23], $0x2800, $0x38;
	[tilespmem:$0x1E800] =	vst v63  }
0xeb: {  	_ =	swait.ge [sflag:s1], $0x2800  }
0xec: {  	[sflag:s1] =	ssyncset.done $0x0  }
0xed: {  	s17 =	rddreg [dreg:$0x8];
	[sflag:s1] =	ssyncadd.s32 $0xFFFFD800  }
0xee: {  	[hbm4b:s17+s3] =	stream.linear.scatter [tilespmem:s0], [sflag:$0x3], $0x2800, $0x38;
	[tilespmem:$0x1E800] =	vst v63  }
0xef: {  	_ =	swait.ge [sflag:s1], $0x2800  }
0xf0: {  	[sflag:s1] =	ssyncset.done $0x0  }
0xf1: {  	[sflag:s1] =	ssyncadd.s32 $0xFFFFD800  }
0xf2: {  	[tilespmem:s0], [sflag:$0x3] =	stream.linear.gather [spmem:s24], $0x2800, $0x38;
	[tilespmem:$0x1E800] =	vst v63  }
0xf3: {  	_ =	swait.ge [sflag:s1], $0x2800  }
0xf4: {  	[sflag:s1] =	ssyncset.done $0x0  }
0xf5: {  	s18 =	rddreg [dreg:$0x9];
	[sflag:s1] =	ssyncadd.s32 $0xFFFFD800  }
0xf6: {  	[hbm4b:s18+s3] =	stream.linear.scatter [tilespmem:s0], [sflag:$0x3], $0x2800, $0x38;
	[tilespmem:$0x1E800] =	vst v63  }
0xf7: {  	_ =	swait.ge [sflag:s1], $0x2800  }
0xf8: {  	[sflag:s1] =	ssyncset.done $0x0  }
0xf9: {  	[sflag:s1] =	ssyncadd.s32 $0xFFFFD800  }
0xfa: {  	[tilespmem:s0], [sflag:$0x3] =	stream.linear.gather [spmem:s25], $0x2800, $0x38;
	[tilespmem:$0x1E800] =	vst v63  }
0xfb: {  	_ =	swait.ge [sflag:s1], $0x2800  }
0xfc: {  	[sflag:s1] =	ssyncset.done $0x0  }
0xfd: {  	s15 =	rddreg [dreg:$0xa];
	[sflag:s1] =	ssyncadd.s32 $0xFFFFD800  }
0xfe: {  	[hbm4b:s15+s3] =	stream.linear.scatter [tilespmem:s0], [sflag:$0x3], $0x2800, $0x38;
	[tilespmem:$0x1E800] =	vst v63  }
0xff: {  	_ =	swait.ge [sflag:s1], $0x2800  }
0x100: {  	[sflag:s1] =	ssyncset.done $0x0  }
0x101: {  	[sflag:s1] =	ssyncadd.s32 $0xFFFFD800  }
0x102: {  	[tilespmem:s0], [sflag:$0x3] =	stream.linear.gather [spmem:s26], $0x2800, $0x38;
	[tilespmem:$0x1E800] =	vst v63  }
0x103: {  	_ =	swait.ge [sflag:s1], $0x2800  }
0x104: {  	[sflag:s1] =	ssyncset.done $0x0  }
0x105: {  	s16 =	rddreg [dreg:$0xb];
	[sflag:s1] =	ssyncadd.s32 $0xFFFFD800  }
0x106: {  	[hbm4b:s16+s3] =	stream.linear.scatter [tilespmem:s0], [sflag:$0x3], $0x2800, $0x38;
	[tilespmem:$0x1E800] =	vst v63  }
0x107: {  	_ =	swait.ge [sflag:s1], $0x2800  }
0x108: {  	[sflag:s1] =	ssyncset.done $0x0  }
0x109: {  	[sflag:s1] =	ssyncadd.s32 $0xFFFFD800  }
0x10a: {  	[tilespmem:s0], [sflag:$0x3] =	stream.linear.gather [spmem:s28], $0x2800, $0x38;
	[tilespmem:$0x1E800] =	vst v63  }
0x10b: {  	_ =	swait.ge [sflag:s1], $0x2800  }
0x10c: {  	[sflag:s1] =	ssyncset.done $0x0  }
0x10d: {  	s17 =	rddreg [dreg:$0xc];
	[sflag:s1] =	ssyncadd.s32 $0xFFFFD800  }
0x10e: {  	[hbm4b:s17+s3] =	stream.linear.scatter [tilespmem:s0], [sflag:$0x3], $0x2800, $0x38;
	[tilespmem:$0x1E800] =	vst v63  }
0x10f: {  	_ =	swait.ge [sflag:s1], $0x2800  }
0x110: {  	[sflag:s1] =	ssyncset.done $0x0  }
0x111: {  	[sflag:s1] =	ssyncadd.s32 $0xFFFFD800  }
0x112: {  	[tilespmem:s0], [sflag:$0x3] =	stream.linear.gather [spmem:s29], $0x2800, $0x38;
	[tilespmem:$0x1E800] =	vst v63  }
0x113: {  	_ =	swait.ge [sflag:s1], $0x2800  }
0x114: {  	[sflag:s1] =	ssyncset.done $0x0  }
0x115: {  	s18 =	rddreg [dreg:$0xd];
	[sflag:s1] =	ssyncadd.s32 $0xFFFFD800  }
0x116: {  	[hbm4b:s18+s3] =	stream.linear.scatter [tilespmem:s0], [sflag:$0x3], $0x2800, $0x38;
	[tilespmem:$0x1E800] =	vst v63  }
0x117: {  	_ =	swait.ge [sflag:s1], $0x2800  }
0x118: {  	[sflag:s1] =	ssyncset.done $0x0  }
0x119: {  	s14 =	simm.s32 @!p0 $0x2800;
	s15 =	simm.s32 @!p0 $0x3;
	[sflag:s1] =	ssyncadd.s32 $0xFFFFD800  }
0x11a: {  	[tilespmem:s14], [sflag:$0x3] =	stream.linear.gather @!p0 [spmem:s30], $0x2800, $0x38;
	[tilespmem:$0x1E800] =	vst v63  }
0x11b: {  	s13 =	sadd.s32 $0x1, s13;
	_ =	swait.ge @!p0 [sflag:s15], $0x2800  }
0x11c: {  	p1 =	sne.s32 s13, s31;
	s16 =	simm.s32 @!p0 $0x0;
	[sflag:s15] =	ssyncset.done @!p0 $0x0  }
.Ltmp3:
0x11d: {  	s17 =	rddreg [dreg:$0xe];
	[sflag:s15] =	ssyncadd.s32 @!p0 $0xFFFFD800;
	(pc) =	sbr.rel @p1 .LBB2_1-.Ltmp3, $4  }
0x11e: {  	[hbm4b:s17+s16] =	stream.linear.scatter @!p0 [tilespmem:s14], [sflag:$0x3], $0x2800, $0x38;
	[tilespmem:$0x1E800] =	vst v63  }
0x11f: {  	_ =	swait.ge @!p0 [sflag:s15], $0x2800  }
0x120: {  	[sflag:s15] =	ssyncset.done @!p0 $0x0  }
0x121: {  	[sflag:s15] =	ssyncadd.s32 @!p0 $0xFFFFD800  }
0x122: {  	_ =	sfence.sel $0x180000  }
0x123: {  	[bflag:$0x0] =	sbarrier.arrive $0xFFFF  }
0x124: {  	_ =	strace $0x9000004D  }
0x125: {  	s0 =	stileid.u32;
	[bflag:$0x2] =	sbarrier.arrive $0xFFFF  }
0x126: {  	p0 =	sne.s32 s0, $0x0;
	s0 =	rddreg [dreg:$0x2]  }
0x127: {  	s0 =	sadd.s32 @!p0 $0x100000, s0  }
0x128: {  	[sflag:s0] =	ssyncadd.tile.s32 @!p0 $0x1;
	_ =	shalt  }
.Lfunc_end2:
_tile_overlayer_lowered:
.L_overlay_start_2:
0x129: {  	(tag) =	ssettag $0x2  }
0x12a: {  	s0 =	rddreg [dreg:$0x0];
	s2 =	stileid.u32  }
0x12b: {  	s1 =	rddreg [dreg:$0x1];
	p0 =	sne.s32 s2, $0x0  }
0x12c: {  	s3 =	rddreg [dreg:$0x2];
	[bflag:$0x3] =	sbarrier.arrive $0xFFFF;
	s2 =	simm.s32 @!p0 $0x1C03  }
0x12d: {  	[timem:s3], [sflag:s2] =	dma.local @!p0 [hbm:s0], s1  }
0x12e: {  	s0 =	simm.s32 @!p0 $0x3  }
0x12f: {  	_ =	swait.ge @!p0 [sflag:s0], s1  }
0x130: {  	s1 =	ssub.s32 @!p0 $0x0, s1;
	[sflag:s0] =	ssyncset.done @!p0 $0x0  }
0x131: {  	[sflag:s0] =	ssyncadd.s32 @!p0 s1  }
0x132: {  	[bflag:$0x3] =	sbarrier.arrive $0xFFFF  }
0x133: {  	_ =	shalt  }

// kernel: kernel.8.cloned.1.call-start
scs
__scs_entry_jumppad:
0x0: {  	(pc) =	sbr.rel $0x88, $3  }
0x1: {  	(tag) =	ssettag $0x0;
	lr =	simm.s32 $0x1  }
0x2: {  	[smem:$0x3F99] =	sst lr;
	_ =	strace $0xD0000000  }
0x3: {  	_ = 	snop  }
0x4: {  	_ = 	snop  }
0x5: {  	_ = 	snop  }
0x6: {  	_ = 	snop  }
0x7: {  	_ = 	snop  }
__scs_overlays_trampoline_lowered:
0x8: {  	[smem:$0x3FA8] =	sst s0  }
0x9: {  	[smem:$0x3FA9] =	sst s1  }
0xa: {  	[smem:$0x3FAA] =	sst s2  }
0xb: {  	[smem:$0x3FAB] =	sst s3  }
0xc: {  	[smem:$0x3FAC] =	sst s4  }
0xd: {  	[smem:$0x3FAD] =	sst s5  }
0xe: {  	[smem:$0x3FAE] =	sst s6  }
0xf: {  	[smem:$0x3FAF] =	sst s7  }
0x10: {  	[smem:$0x3FB0] =	sst s8  }
0x11: {  	[smem:$0x3FB1] =	sst s9;
	s0 =	simm.s32 @!p0 $0x0  }
0x12: {  	s1 =	sld [smem:$0x3F97];
	s0 =	simm.s32 @p0 $0x1  }
0x13: {  	[smem:$0x3FB2] =	sst s0;
	s0 =	simm.s32 @!p1 $0x0  }
0x14: {  	s2 =	sld [smem:$0x3F96];
	s0 =	simm.s32 @p1 $0x1  }
0x15: {  	[smem:$0x3FB3] =	sst s0;
	s0 =	simm.s32 @!p2 $0x0  }
0x16: {  	s3 =	sld [smem:$0x3FDB];
	s0 =	simm.s32 @p2 $0x1  }
0x17: {  	s4 =	simm.s32 $0x1BF5;
	[smem:$0x3FB5] =	sst s0  }
0x18: {  	s0 =	sld [smem:$0x3F98];
	_ =	swait.ge [sflag:s4], $0x0  }
0x19: {  	s7 =	sld [smem:$0x3F99]  }
0x1a: {  	s8 =	sadd.s32 $0xFFFFE003, lr  }
0x1b: {  	s9 =	sadd.s32 $0xFFFFFEF7, lr;
	s5 =	simm.s32 $0xFFFFFFFF;
	p2 =	slt.u32 s8, $0xFFFFF086  }
0x1c: {  	p1 =	slt.u32 s9, $0xF7A;
	s5 =	simm.s32 @!p2 $0x0  }
0x1d: {  	s5 =	simm.s32 @p1 $0x1;
	p0 =	seq.s32 s7, s2  }
0x1e: {  	s7 =	smul.u32 @!p0 $0xF7A, s2;
	p2 =	seq.s32 @!p0 s5, $0x0  }
0x1f: {  	s9 =	smul.u32 $0xF7A, s1;
	s8 =	simm.s32 @!p0 $0x1BF5;
	p2 =	por !p2, p0  }
0x20: {  	[sflag:s8] =	ssyncset.s32 @!p0 $0xFFFFF086;
	s6 =	sadd.s32 @!p0 s3, s7;
	s7 =	simm.s32 @!p0 $0x108  }
0x21: {  	s3 =	sadd.s32 s3, s9;
	s6 =	sadd.s32 @!p0 $0x88, s6;
	s7 =	simm.s32 @p2 $0x1082  }
0x22: {  	[simem:s7], [sflag:s8] =	dma.local @!p0 [hbm:s6], $0xF7A  }
0x23: {  	s9 =	sor.u32 $0xD0000000, s2;
	s6 =	simm.s32 $0x108;
	_ =	swait.ge @!p0 [sflag:s8], $0x0  }
0x24: {  	s3 =	sadd.s32 $0x88, s3;
	s6 =	simm.s32 @!p1 $0x1082;
	[sflag:s4] =	ssyncset.s32 $0xFFFFF086  }
0x25: {  	[simem:s6], [sflag:s4] =	dma.local [hbm:s3], $0xF7A  }
0x26: {  	[smem:$0x3F99] =	sst s1;
	(tag) =	ssettag s2;
	_ =	strace s9  }
0x27: {  	s1 =	sld [smem:$0x3FA9]  }
0x28: {  	s2 =	sld [smem:$0x3FAA]  }
0x29: {  	s4 =	sld [smem:$0x3FAC]  }
0x2a: {  	p0 =	seq.s32 s5, $0x0;
	s5 =	sld [smem:$0x3FAD]  }
0x2b: {  	s6 =	sld [smem:$0x3FAE]  }
0x2c: {  	s7 =	sld [smem:$0x3FAF]  }
0x2d: {  	s3 =	simm.s32 $0x108;
	s8 =	sld [smem:$0x3FB0]  }
0x2e: {  	s3 =	simm.s32 @!p0 $0x1082;
	s9 =	sld [smem:$0x3FB1]  }
0x2f: {  	lr =	sadd.s32 s0, s3;
	s0 =	sld [smem:$0x3FA8]  }
0x30: {  	s3 =	sld [smem:$0x3FAB]  }
0x31: {  	[smem:$0x3FB4] =	sst s10  }
0x32: {  	s10 =	sld [smem:$0x3FB2];
	_ =	sdelay $0x3  }
0x33: {  	p0 =	seq.s32 s10, $0x1;
	s10 =	sld [smem:$0x3FB4];
	_ =	sdelay $0x3  }
0x34: {  	[smem:$0x3FB4] =	sst s10  }
0x35: {  	s10 =	sld [smem:$0x3FB3];
	_ =	sdelay $0x3  }
0x36: {  	p1 =	seq.s32 s10, $0x1;
	s10 =	sld [smem:$0x3FB4];
	_ =	sdelay $0x3  }
0x37: {  	[smem:$0x3FB4] =	sst s10  }
0x38: {  	s10 =	sld [smem:$0x3FB5]  }
0x39: {  	_ = 	snop;
	(pc) =	sbr.ind lr, $3  }
0x3a: {  	_ = 	snop  }
0x3b: {  	_ = 	snop  }
0x3c: {  	p2 =	seq.s32 s10, $0x1;
	s10 =	sld [smem:$0x3FB4]  }
0x3d: {  	_ =	shalt  }
0x3e: {  	_ =	shalt  }
0x3f: {  	_ =	shalt  }
0x40: {  	_ =	shalt  }
0x41: {  	_ =	shalt  }
0x42: {  	_ =	shalt  }
0x43: {  	_ =	shalt  }
0x44: {  	_ =	shalt  }
0x45: {  	_ =	shalt  }
0x46: {  	_ =	shalt  }
0x47: {  	_ =	shalt  }
0x48: {  	_ =	shalt  }
0x49: {  	_ =	shalt  }
0x4a: {  	_ =	shalt  }
0x4b: {  	_ =	shalt  }
0x4c: {  	_ =	shalt  }
0x4d: {  	_ =	shalt  }
0x4e: {  	_ =	shalt  }
0x4f: {  	_ =	shalt  }
0x50: {  	_ =	shalt  }
0x51: {  	_ =	shalt  }
0x52: {  	_ =	shalt  }
0x53: {  	_ =	shalt  }
0x54: {  	_ =	shalt  }
0x55: {  	_ =	shalt  }
0x56: {  	_ =	shalt  }
0x57: {  	_ =	shalt  }
0x58: {  	_ =	shalt  }
0x59: {  	_ =	shalt  }
0x5a: {  	_ =	shalt  }
0x5b: {  	_ =	shalt  }
0x5c: {  	_ =	shalt  }
0x5d: {  	_ =	shalt  }
0x5e: {  	_ =	shalt  }
0x5f: {  	_ =	shalt  }
0x60: {  	_ =	shalt  }
0x61: {  	_ =	shalt  }
0x62: {  	_ =	shalt  }
0x63: {  	_ =	shalt  }
0x64: {  	_ =	shalt  }
0x65: {  	_ =	shalt  }
0x66: {  	_ =	shalt  }
0x67: {  	_ =	shalt  }
0x68: {  	_ =	shalt  }
0x69: {  	_ =	shalt  }
0x6a: {  	_ =	shalt  }
0x6b: {  	_ =	shalt  }
0x6c: {  	_ =	shalt  }
0x6d: {  	_ =	shalt  }
0x6e: {  	_ =	shalt  }
0x6f: {  	_ =	shalt  }
0x70: {  	_ =	shalt  }
0x71: {  	_ =	shalt  }
0x72: {  	_ =	shalt  }
0x73: {  	_ =	shalt  }
0x74: {  	_ =	shalt  }
0x75: {  	_ =	shalt  }
0x76: {  	_ =	shalt  }
0x77: {  	_ =	shalt  }
0x78: {  	_ =	shalt  }
0x79: {  	_ =	shalt  }
0x7a: {  	_ =	shalt  }
0x7b: {  	_ =	shalt  }
0x7c: {  	_ =	shalt  }
0x7d: {  	_ =	shalt  }
0x7e: {  	_ =	shalt  }
0x7f: {  	_ =	shalt  }
0x80: {  	_ =	shalt  }
0x81: {  	_ =	shalt  }
0x82: {  	_ =	shalt  }
0x83: {  	_ =	shalt  }
0x84: {  	_ =	shalt  }
0x85: {  	_ =	shalt  }
0x86: {  	_ =	shalt  }
0x87: {  	_ =	shalt  }
.Lfunc_end0:
.L_simem_size_0:
called_computation_lowered:
.L_overlay_start_0:
0x88: {  	s2 =	sld [smem:$0x3FD9]  }
0x89: {  	s3 =	sld [smem:$0x3FFE];
	_ =	sdelay $0x1  }
0x8a: {  	s1 =	srdreg.scid  }
0x8b: {  	s0 =	sand.u32 $0x1, s1  }
0x8c: {  	s16 =	sshll.u32 s0, $0xA;
	s2 =	sadd.s32 s3, s2  }
0x8d: {  	s2 =	sadd.s32 s2, s16  }
0x8e: {  	[smem:$0x3FC0] =	sst s2  }
0x8f: {  	_ = 	snop  }
0x90: {  	(tm) =	ssettm $0x1  }
0x91: {  	s17 =	sld [smem:$0x3FFB];
	_ =	sdelay $0x3  }
0x92: {  	_ =	strace s17  }
0x93: {  	s2 =	sld [smem:$0x3FFC];
	_ =	sdelay $0x3  }
0x94: {  	_ =	strace s2  }
0x95: {  	s2 =	sld [smem:$0x3FFD];
	_ =	sdelay $0x3  }
0x96: {  	_ =	strace s2  }
0x97: {  	_ =	strace $0x8FFFFFFF  }
0x98: {  	s18 =	sld [smem:$0x3FDB];
	_ =	sdelay $0x1  }
0x99: {  	s19 =	simm.s32 $_scs_section_size  }
0x9a: {  	s4 =	simm.s32 $_size__tile_overlayer_lowered;
	s5 =	simm.s32 $_tile_overlayer_lowered  }
0x9b: {  	s22 =	simm.s32 $0x1BFF;
	s21 =	sshll.u32 s5, $0x1;
	s2 =	sadd.s32 s19, s18  }
0x9c: {  	s6 =	simm.s32 $0x0;
	s20 =	sshll.u32 s4, $0x1;
	s4 =	sadd.s32 s21, s2  }
0x9d: {  	[timem:s6], [sflag:s22] =	dma.local [hbm:s4], s20  }
0x9e: {  	_ =	swait.ge [sflag:s22], s20  }
0x9f: {  	s3 =	ssub.s32 $0x0, s20;
	[sflag:s22] =	ssyncset.done $0x0  }
0xa0: {  	[sflag:s22] =	ssyncadd.s32 s3;
	_ =	sdelay $0x1  }
0xa1: {  	s23 =	simm.s32 $0x1B8B  }
0xa2: {  	_ =	swait.ge [sflag:s23], $0x1  }
0xa3: {  	[sflag:s23] =	ssyncset.done $0x0  }
0xa4: {  	s25 =	simm.s32 $0x1B8E;
	s24 =	sld [smem:$0x3FFE];
	[sflag:s23] =	ssyncadd.s32 $0xFFFFFFFF  }
0xa5: {  	s26 =	simm.s32 $execute0_lowered;
	[smem:$0x3FD2] =	sst s25  }
0xa6: {  	s4 =	sshll.u32 s26, $0x1;
	_ =	strace $0x80000046;
	[dreg:$0x1] =	wrdreg $0xFFFFFFFF  }
0xa7: {  	s28 =	simm.s32 $_size_execute0_lowered;
	s2 =	sadd.s32 s2, s4;
	[dreg:$0x0] =	wrdreg $0x0  }
0xa8: {  	s4 =	sshll.u32 s28, $0x1;
	[dreg:$0x2] =	wrdreg s2  }
0xa9: {  	[dreg:$0x3] =	wrdreg s4  }
0xaa: {  	[dreg:$0x4] =	wrdreg $0xC0  }
0xab: {  	_ =	task [dreg:s6], $0x5FFFF  }
0xac: {  	[dreg:$0x1] =	wrdreg $0xFFFFFFFF  }
0xad: {  	[dreg:$0x0] =	wrdreg $0x60  }
0xae: {  	[dreg:$0x2] =	wrdreg s24  }
0xaf: {  	[dreg:$0x3] =	wrdreg $0x54800  }
0xb0: {  	[dreg:$0x4] =	wrdreg $0x57300  }
0xb1: {  	[dreg:$0x5] =	wrdreg $0x9  }
0xb2: {  	_ =	task.clear_ibuf [dreg:s6], $0x6FFFF;
	_ =	strace $0x90000046  }
0xb3: {  	s29 =	simm.s32 $0x9;
	_ =	strace $0x80000048  }
0xb4: {  	_ =	swait.ge [sflag:s29], $0x1  }
0xb5: {  	[sflag:s29] =	ssyncadd.s32 $0xFFFFFFFF  }
0xb6: {  	_ =	strace $0x90000048  }
0xb7: {  	_ =	sfence  }
0xb8: {  	s30 =	sld [smem:$0x0];
	_ =	sdelay $0x2  }
0xb9: {  	s31 =	sshll.u32 s1, $0xD;
	s1 =	sshrl.u32 s1, $0x2  }
0xba: {  	s3 =	sand.u32 $0x4000, s31;
	s1 =	sadd.s32 s1, s30  }
0xbb: {  	s0 =	sor.u32 s3, s0;
	s1 =	sshll.u32 s1, $0x11  }
0xbc: {  	s0 =	sor.u32 s1, s0  }
0xbd: {  	s0 =	sadd.s32 $0x8F2B, s0  }
0xbe: {  	[sflag:s0] =	ssyncadd.remote.s32 $0x1  }
0xbf: {  	_ =	sfence.sel $0xFFFF  }
0xc0: {  	[dreg:$0x0] =	wrdreg $0xFFFFFFFF;
	(pc) =	sbr.abs _section_cstart, $3  }
0xc1: {  	[dreg:$0x1] =	wrdreg $0xFFFFFFFF  }
0xc2: {  	_ =	task.clear_ibuf [dreg:s6], $0x2FFFF;
	_ =	strace $0x9FFFFFFF  }
0xc3: {  	(tm) =	ssettm $0x7FFFFFFF  }
tec
execute0_lowered:
.L_overlay_start_1:
0x0: {  	(tag) =	ssettag $0x1  }
0x1: {  	s5 =	rddreg [dreg:$0x0]  }
0x2: {  	s2 =	rddreg [dreg:$0x1]  }
0x3: {  	s3 =	rddreg [dreg:$0x2]  }
0x4: {  	s0 =	rddreg [dreg:$0x3];
	s4 =	srdreg.scid  }
0x5: {  	s1 =	stileid.u32;
	s13 =	simm.s32 $0x2800;
	s14 =	simm.s32 $0x80  }
0x6: {  	s15 =	simm.s32 $0x5000;
	s16 =	simm.s32 $0x1;
	s17 =	simm.s32 $0x2  }
0x7: {  	s18 =	simm.s32 $0x0;
	s6 =	sand.u32 $0x1, s4;
	s7 =	sshll.u32 s1, $0x1  }
0x8: {  	s8 =	smul.u32 $0x3E8, s1;
	s4 =	simm.s32 $0x0;
	p0 =	sgt.u32 s1, $0xA  }
0x9: {  	p1 =	sgt.u32 s1, $0x9;
	s7 =	sor.u32 s6, s7;
	s9 =	smul.u32 $0x4E20, s6  }
0xa: {  	[smem:$0x7FF] =	sst s4;
	s6 =	ssub.s32 $0x2, s6;
	s7 =	smul.u32 $0x500, s7  }
0xb: {  	_ =	strace $0x80000047;
	s10 =	sshrl.u32 s6, $0x1;
	s9 =	sadd.s32 s8, s9  }
0xc: {  	s12 =	ssub.s32 s6, s10;
	s7 =	sadd.s32 s7, s5;
	s9 =	sshrl.u32 s9, $0x3  }
0xd: {  	s11 =	sadd.s32 s9, s5;
	s5 =	sadd.s32 $0x2200, s7;
	s6 =	sadd.s32 $0x16200, s7  }
0xe: {  	s7 =	sadd.s32 s8, s2;
	s8 =	sadd.s32 s8, s3;
	s9 =	sadd.s32 $0x20200, s11  }
0xf: {  	v0 =	vimm.f32 $1.000000000e+00;
	v1 =	vimm.f32 $0.0e+00;
	s10 =	sadd.s32 $0x206E2, s11;
	s11 =	smax.u32 s12, $0x1;
	s12 =	simm.s32 $0x3  }
.LBB2_1:
0x10: {  	[tilespmem:$0x5000] =	vst v0  }
0x11: {  	[tilespmem:$0x5010] =	vst v0  }
0x12: {  	[tilespmem:$0x5020] =	vst v0  }
0x13: {  	[tilespmem:$0x5030] =	vst v0  }
0x14: {  	[tilespmem:$0x5040] =	vst v0  }
0x15: {  	[tilespmem:$0x5050] =	vst v0  }
0x16: {  	[tilespmem:$0x5060] =	vst v0  }
0x17: {  	[tilespmem:$0x5070] =	vst v0;
	s19 =	simm.s32 $0x40;
	s20 =	simm.s32 $0x0  }
.LBB2_2:
0x18: {  	p2 =	sne.s32 s19, $0xFC0;
	[tilespmem:s20+$0x5080] =	vst v1;
	s20 =	smov.u32 s19;
	s19 =	sadd.s32 $0x40, s19  }
.Ltmp0:
0x19: {  	(pc) =	sbr.rel @p2 .LBB2_2-.Ltmp0, $2  }
0x1a: {  	_ =	sdelay $0x2  }
0x1b: {  	s20 =	sshra.s32 s20, $0x2  }
0x1c: {  	[tilespmem:s20+$0x5080] =	vst v1  }
0x1d: {  	[tilespmem:s4], [sflag:$0x3] =	stream.linear.gather [hbm4b:s5+s4], $0x2800, $0x38;
	[tilespmem:$0x59E0] =	vst v63  }
0x1e: {  	_ =	swait.ge [sflag:s12], $0x2800  }
0x1f: {  	[sflag:s12] =	ssyncset.done $0x0  }
0x20: {  	[sflag:s12] =	ssyncadd.s32 $0xFFFFD800  }
0x21: {  	[tilespmem:s13], [sflag:$0x3] =	stream.linear.gather [hbm4b:s6+s4], $0x2800, $0x38;
	[tilespmem:$0x59E0] =	vst v63  }
0x22: {  	_ =	swait.ge [sflag:s12], $0x2800  }
0x23: {  	[sflag:s12] =	ssyncset.done $0x0  }
0x24: {  	s19 =	simm.s32 @!p0 $0x5080;
	s20 =	simm.s32 @!p0 $0x3;
	[sflag:s12] =	ssyncadd.s32 $0xFFFFD800  }
0x25: {  	[spmem:s7] =	stream.linear.scatter @!p0 [tilespmem:s19], [sflag:$0x3], $0x3E8, $0x38;
	[tilespmem:$0x59E0] =	vst v63  }
0x26: {  	_ =	swait.ge @!p0 [sflag:s20], $0x3E8  }
0x27: {  	[sflag:s20] =	ssyncset.done @!p0 $0x0  }
0x28: {  	[sflag:s20] =	ssyncadd.s32 @!p0 $0xFFFFFC18  }
0x29: {  	[spmem:s8] =	stream.linear.scatter @!p0 [tilespmem:s19], [sflag:$0x3], $0x3E8, $0x38;
	[tilespmem:$0x59E0] =	vst v63  }
0x2a: {  	_ =	swait.ge @!p0 [sflag:s20], $0x3E8  }
0x2b: {  	[sflag:s20] =	ssyncset.done @!p0 $0x0  }
0x2c: {  	[sflag:s20] =	ssyncadd.s32 @!p0 $0xFFFFFC18  }
0x2d: {  	s26 =	simm.s32 $0x0;
	[bflag:$0x0] =	sbarrier.arrive $0xFFFF  }
0x2e: {  	[spmem:s2] =	stream.indirect.scatter.add.f32 [tilespmem:s15], [sflag:$0x1], $0x1, s26, s14, $0xb8;
	[tilespmem:$0x59E0] =	vst v63  }
0x2f: {  	s28 =	simm.s32 $0x2800  }
0x30: {  	[spmem:s3] =	stream.indirect.scatter.add.f32 [tilespmem:s15], [sflag:$0x2], $0x1, s28, s14, $0xb8;
	[tilespmem:$0x59E0] =	vst v63  }
0x31: {  	s29 =	simm.s32 $0x80  }
0x32: {  	[spmem:s2] =	stream.indirect.scatter.add.f32 [tilespmem:s15], [sflag:$0x1], $0x1, s29, s14, $0xb8;
	[tilespmem:$0x59E0] =	vst v63  }
0x33: {  	s30 =	simm.s32 $0x2880  }
0x34: {  	[spmem:s3] =	stream.indirect.scatter.add.f32 [tilespmem:s15], [sflag:$0x2], $0x1, s30, s14, $0xb8;
	[tilespmem:$0x59E0] =	vst v63  }
0x35: {  	s31 =	simm.s32 $0x100  }
0x36: {  	[spmem:s2] =	stream.indirect.scatter.add.f32 [tilespmem:s15], [sflag:$0x1], $0x1, s31, s14, $0xb8;
	[tilespmem:$0x59E0] =	vst v63  }
0x37: {  	s20 =	simm.s32 $0x2900  }
0x38: {  	[spmem:s3] =	stream.indirect.scatter.add.f32 [tilespmem:s15], [sflag:$0x2], $0x1, s20, s14, $0xb8;
	[tilespmem:$0x59E0] =	vst v63  }
0x39: {  	s21 =	simm.s32 $0x180  }
0x3a: {  	[spmem:s2] =	stream.indirect.scatter.add.f32 [tilespmem:s15], [sflag:$0x1], $0x1, s21, s14, $0xb8;
	[tilespmem:$0x59E0] =	vst v63  }
0x3b: {  	s22 =	simm.s32 $0x2980  }
0x3c: {  	[spmem:s3] =	stream.indirect.scatter.add.f32 [tilespmem:s15], [sflag:$0x2], $0x1, s22, s14, $0xb8;
	[tilespmem:$0x59E0] =	vst v63  }
0x3d: {  	s23 =	simm.s32 $0x200  }
0x3e: {  	[spmem:s2] =	stream.indirect.scatter.add.f32 [tilespmem:s15], [sflag:$0x1], $0x1, s23, s14, $0xb8;
	[tilespmem:$0x59E0] =	vst v63  }
0x3f: {  	s24 =	simm.s32 $0x2A00  }
0x40: {  	[spmem:s3] =	stream.indirect.scatter.add.f32 [tilespmem:s15], [sflag:$0x2], $0x1, s24, s14, $0xb8;
	[tilespmem:$0x59E0] =	vst v63  }
0x41: {  	s25 =	simm.s32 $0x280  }
0x42: {  	[spmem:s2] =	stream.indirect.scatter.add.f32 [tilespmem:s15], [sflag:$0x1], $0x1, s25, s14, $0xb8;
	[tilespmem:$0x59E0] =	vst v63  }
0x43: {  	s26 =	simm.s32 $0x2A80  }
0x44: {  	[spmem:s3] =	stream.indirect.scatter.add.f32 [tilespmem:s15], [sflag:$0x2], $0x1, s26, s14, $0xb8;
	[tilespmem:$0x59E0] =	vst v63  }
0x45: {  	s28 =	simm.s32 $0x300  }
0x46: {  	[spmem:s2] =	stream.indirect.scatter.add.f32 [tilespmem:s15], [sflag:$0x1], $0x1, s28, s14, $0xb8;
	[tilespmem:$0x59E0] =	vst v63  }
0x47: {  	s29 =	simm.s32 $0x2B00  }
0x48: {  	[spmem:s3] =	stream.indirect.scatter.add.f32 [tilespmem:s15], [sflag:$0x2], $0x1, s29, s14, $0xb8;
	[tilespmem:$0x59E0] =	vst v63  }
0x49: {  	s30 =	simm.s32 $0x380  }
0x4a: {  	[spmem:s2] =	stream.indirect.scatter.add.f32 [tilespmem:s15], [sflag:$0x1], $0x1, s30, s14, $0xb8;
	[tilespmem:$0x59E0] =	vst v63  }
0x4b: {  	s31 =	simm.s32 $0x2B80  }
0x4c: {  	[spmem:s3] =	stream.indirect.scatter.add.f32 [tilespmem:s15], [sflag:$0x2], $0x1, s31, s14, $0xb8;
	[tilespmem:$0x59E0] =	vst v63  }
0x4d: {  	_ =	swait.ge [sflag:s16], $0x80  }
0x4e: {  	[sflag:s16] =	ssyncset.done $0x0  }
0x4f: {  	[sflag:s16] =	ssyncadd.s32 $0xFFFFFF80  }
0x50: {  	_ =	swait.ge [sflag:s17], $0x80  }
0x51: {  	[sflag:s17] =	ssyncset.done $0x0  }
0x52: {  	[sflag:s17] =	ssyncadd.s32 $0xFFFFFF80  }
0x53: {  	_ =	swait.ge [sflag:s16], $0x80  }
0x54: {  	[sflag:s16] =	ssyncset.done $0x0  }
0x55: {  	[sflag:s16] =	ssyncadd.s32 $0xFFFFFF80  }
0x56: {  	_ =	swait.ge [sflag:s17], $0x80  }
0x57: {  	[sflag:s17] =	ssyncset.done $0x0  }
0x58: {  	[sflag:s17] =	ssyncadd.s32 $0xFFFFFF80  }
0x59: {  	_ =	swait.ge [sflag:s16], $0x80  }
0x5a: {  	[sflag:s16] =	ssyncset.done $0x0  }
0x5b: {  	[sflag:s16] =	ssyncadd.s32 $0xFFFFFF80  }
0x5c: {  	_ =	swait.ge [sflag:s17], $0x80  }
0x5d: {  	[sflag:s17] =	ssyncset.done $0x0  }
0x5e: {  	[sflag:s17] =	ssyncadd.s32 $0xFFFFFF80  }
0x5f: {  	_ =	swait.ge [sflag:s16], $0x80  }
0x60: {  	[sflag:s16] =	ssyncset.done $0x0  }
0x61: {  	[sflag:s16] =	ssyncadd.s32 $0xFFFFFF80  }
0x62: {  	_ =	swait.ge [sflag:s17], $0x80  }
0x63: {  	[sflag:s17] =	ssyncset.done $0x0  }
0x64: {  	[sflag:s17] =	ssyncadd.s32 $0xFFFFFF80  }
0x65: {  	_ =	swait.ge [sflag:s16], $0x80  }
0x66: {  	[sflag:s16] =	ssyncset.done $0x0  }
0x67: {  	[sflag:s16] =	ssyncadd.s32 $0xFFFFFF80  }
0x68: {  	_ =	swait.ge [sflag:s17], $0x80  }
0x69: {  	[sflag:s17] =	ssyncset.done $0x0  }
0x6a: {  	[sflag:s17] =	ssyncadd.s32 $0xFFFFFF80  }
0x6b: {  	_ =	swait.ge [sflag:s16], $0x80  }
0x6c: {  	[sflag:s16] =	ssyncset.done $0x0  }
0x6d: {  	[sflag:s16] =	ssyncadd.s32 $0xFFFFFF80  }
0x6e: {  	_ =	swait.ge [sflag:s17], $0x80  }
0x6f: {  	[sflag:s17] =	ssyncset.done $0x0  }
0x70: {  	[sflag:s17] =	ssyncadd.s32 $0xFFFFFF80  }
0x71: {  	_ =	swait.ge [sflag:s16], $0x80  }
0x72: {  	[sflag:s16] =	ssyncset.done $0x0  }
0x73: {  	[sflag:s16] =	ssyncadd.s32 $0xFFFFFF80  }
0x74: {  	_ =	swait.ge [sflag:s17], $0x80  }
0x75: {  	[sflag:s17] =	ssyncset.done $0x0  }
0x76: {  	[sflag:s17] =	ssyncadd.s32 $0xFFFFFF80  }
0x77: {  	_ =	swait.ge [sflag:s16], $0x80  }
0x78: {  	[sflag:s16] =	ssyncset.done $0x0  }
0x79: {  	[sflag:s16] =	ssyncadd.s32 $0xFFFFFF80  }
0x7a: {  	_ =	swait.ge [sflag:s17], $0x80  }
0x7b: {  	s19 =	simm.s32 $0x1000;
	s22 =	simm.s32 $0x2000;
	[sflag:s17] =	ssyncset.done $0x0  }
.LBB2_4:
0x7c: {  	s21 =	sshra.s32 s19, $0x2  }
0x7d: {  	[sflag:s17] =	ssyncadd.s32 $0xFFFFFF80;
	s19 =	smov.u32 s22;
	s20 =	sadd.s32 $0x1000, s22  }
0x7e: {  	[spmem:s2] =	stream.indirect.scatter.add.f32 [tilespmem:s15], [sflag:$0x1], $0x1, s21, s14, $0xb8;
	[tilespmem:$0x59E0] =	vst v63  }
0x7f: {  	p2 =	sne.s32 s22, $0x9000;
	s22 =	sadd.s32 $0x2800, s21  }
0x80: {  	[spmem:s3] =	stream.indirect.scatter.add.f32 [tilespmem:s15], [sflag:$0x2], $0x1, s22, s14, $0xb8;
	[tilespmem:$0x59E0] =	vst v63  }
0x81: {  	s22 =	sadd.s32 $0x80, s21  }
0x82: {  	[spmem:s2] =	stream.indirect.scatter.add.f32 [tilespmem:s15], [sflag:$0x1], $0x1, s22, s14, $0xb8;
	[tilespmem:$0x59E0] =	vst v63  }
0x83: {  	s22 =	sadd.s32 $0x2880, s21  }
0x84: {  	[spmem:s3] =	stream.indirect.scatter.add.f32 [tilespmem:s15], [sflag:$0x2], $0x1, s22, s14, $0xb8;
	[tilespmem:$0x59E0] =	vst v63  }
0x85: {  	s22 =	sadd.s32 $0x100, s21  }
0x86: {  	[spmem:s2] =	stream.indirect.scatter.add.f32 [tilespmem:s15], [sflag:$0x1], $0x1, s22, s14, $0xb8;
	[tilespmem:$0x59E0] =	vst v63  }
0x87: {  	s22 =	sadd.s32 $0x2900, s21  }
0x88: {  	[spmem:s3] =	stream.indirect.scatter.add.f32 [tilespmem:s15], [sflag:$0x2], $0x1, s22, s14, $0xb8;
	[tilespmem:$0x59E0] =	vst v63  }
0x89: {  	s22 =	sadd.s32 $0x180, s21  }
0x8a: {  	[spmem:s2] =	stream.indirect.scatter.add.f32 [tilespmem:s15], [sflag:$0x1], $0x1, s22, s14, $0xb8;
	[tilespmem:$0x59E0] =	vst v63  }
0x8b: {  	s22 =	sadd.s32 $0x2980, s21  }
0x8c: {  	[spmem:s3] =	stream.indirect.scatter.add.f32 [tilespmem:s15], [sflag:$0x2], $0x1, s22, s14, $0xb8;
	[tilespmem:$0x59E0] =	vst v63  }
0x8d: {  	s22 =	sadd.s32 $0x200, s21  }
0x8e: {  	[spmem:s2] =	stream.indirect.scatter.add.f32 [tilespmem:s15], [sflag:$0x1], $0x1, s22, s14, $0xb8;
	[tilespmem:$0x59E0] =	vst v63  }
0x8f: {  	s22 =	sadd.s32 $0x2A00, s21  }
0x90: {  	[spmem:s3] =	stream.indirect.scatter.add.f32 [tilespmem:s15], [sflag:$0x2], $0x1, s22, s14, $0xb8;
	[tilespmem:$0x59E0] =	vst v63  }
0x91: {  	s22 =	sadd.s32 $0x280, s21  }
0x92: {  	[spmem:s2] =	stream.indirect.scatter.add.f32 [tilespmem:s15], [sflag:$0x1], $0x1, s22, s14, $0xb8;
	[tilespmem:$0x59E0] =	vst v63  }
0x93: {  	s22 =	sadd.s32 $0x2A80, s21  }
0x94: {  	[spmem:s3] =	stream.indirect.scatter.add.f32 [tilespmem:s15], [sflag:$0x2], $0x1, s22, s14, $0xb8;
	[tilespmem:$0x59E0] =	vst v63  }
0x95: {  	s22 =	sadd.s32 $0x300, s21  }
0x96: {  	[spmem:s2] =	stream.indirect.scatter.add.f32 [tilespmem:s15], [sflag:$0x1], $0x1, s22, s14, $0xb8;
	[tilespmem:$0x59E0] =	vst v63  }
0x97: {  	s22 =	sadd.s32 $0x2B00, s21  }
0x98: {  	[spmem:s3] =	stream.indirect.scatter.add.f32 [tilespmem:s15], [sflag:$0x2], $0x1, s22, s14, $0xb8;
	[tilespmem:$0x59E0] =	vst v63  }
0x99: {  	s22 =	sadd.s32 $0x380, s21  }
0x9a: {  	[spmem:s2] =	stream.indirect.scatter.add.f32 [tilespmem:s15], [sflag:$0x1], $0x1, s22, s14, $0xb8;
	[tilespmem:$0x59E0] =	vst v63  }
0x9b: {  	s21 =	sadd.s32 $0x2B80, s21  }
0x9c: {  	[spmem:s3] =	stream.indirect.scatter.add.f32 [tilespmem:s15], [sflag:$0x2], $0x1, s21, s14, $0xb8;
	[tilespmem:$0x59E0] =	vst v63  }
0x9d: {  	_ =	swait.ge [sflag:s16], $0x80  }
0x9e: {  	[sflag:s16] =	ssyncset.done $0x0  }
0x9f: {  	[sflag:s16] =	ssyncadd.s32 $0xFFFFFF80  }
0xa0: {  	_ =	swait.ge [sflag:s17], $0x80  }
0xa1: {  	[sflag:s17] =	ssyncset.done $0x0  }
0xa2: {  	[sflag:s17] =	ssyncadd.s32 $0xFFFFFF80  }
0xa3: {  	_ =	swait.ge [sflag:s16], $0x80  }
0xa4: {  	[sflag:s16] =	ssyncset.done $0x0  }
0xa5: {  	[sflag:s16] =	ssyncadd.s32 $0xFFFFFF80  }
0xa6: {  	_ =	swait.ge [sflag:s17], $0x80  }
0xa7: {  	[sflag:s17] =	ssyncset.done $0x0  }
0xa8: {  	[sflag:s17] =	ssyncadd.s32 $0xFFFFFF80  }
0xa9: {  	_ =	swait.ge [sflag:s16], $0x80  }
0xaa: {  	[sflag:s16] =	ssyncset.done $0x0  }
0xab: {  	[sflag:s16] =	ssyncadd.s32 $0xFFFFFF80  }
0xac: {  	_ =	swait.ge [sflag:s17], $0x80  }
0xad: {  	[sflag:s17] =	ssyncset.done $0x0  }
0xae: {  	[sflag:s17] =	ssyncadd.s32 $0xFFFFFF80  }
0xaf: {  	_ =	swait.ge [sflag:s16], $0x80  }
0xb0: {  	[sflag:s16] =	ssyncset.done $0x0  }
0xb1: {  	[sflag:s16] =	ssyncadd.s32 $0xFFFFFF80  }
0xb2: {  	_ =	swait.ge [sflag:s17], $0x80  }
0xb3: {  	[sflag:s17] =	ssyncset.done $0x0  }
0xb4: {  	[sflag:s17] =	ssyncadd.s32 $0xFFFFFF80  }
0xb5: {  	_ =	swait.ge [sflag:s16], $0x80  }
0xb6: {  	[sflag:s16] =	ssyncset.done $0x0  }
0xb7: {  	[sflag:s16] =	ssyncadd.s32 $0xFFFFFF80  }
0xb8: {  	_ =	swait.ge [sflag:s17], $0x80  }
0xb9: {  	[sflag:s17] =	ssyncset.done $0x0  }
0xba: {  	[sflag:s17] =	ssyncadd.s32 $0xFFFFFF80  }
0xbb: {  	_ =	swait.ge [sflag:s16], $0x80  }
0xbc: {  	[sflag:s16] =	ssyncset.done $0x0  }
0xbd: {  	[sflag:s16] =	ssyncadd.s32 $0xFFFFFF80  }
0xbe: {  	_ =	swait.ge [sflag:s17], $0x80  }
0xbf: {  	[sflag:s17] =	ssyncset.done $0x0  }
0xc0: {  	[sflag:s17] =	ssyncadd.s32 $0xFFFFFF80  }
0xc1: {  	_ =	swait.ge [sflag:s16], $0x80  }
0xc2: {  	[sflag:s16] =	ssyncset.done $0x0  }
0xc3: {  	[sflag:s16] =	ssyncadd.s32 $0xFFFFFF80  }
0xc4: {  	_ =	swait.ge [sflag:s17], $0x80  }
0xc5: {  	[sflag:s17] =	ssyncset.done $0x0  }
0xc6: {  	[sflag:s17] =	ssyncadd.s32 $0xFFFFFF80  }
.Ltmp1:
0xc7: {  	_ =	swait.ge [sflag:s16], $0x80;
	(pc) =	sbr.rel @p2 .LBB2_4-.Ltmp1, $4  }
0xc8: {  	[sflag:s16] =	ssyncset.done $0x0  }
0xc9: {  	[sflag:s16] =	ssyncadd.s32 $0xFFFFFF80  }
0xca: {  	_ =	swait.ge [sflag:s17], $0x80  }
0xcb: {  	s22 =	smov.u32 s20;
	[sflag:s17] =	ssyncset.done $0x0  }
0xcc: {  	s19 =	sshra.s32 s19, $0x2;
	[sflag:s17] =	ssyncadd.s32 $0xFFFFFF80  }
0xcd: {  	[spmem:s2] =	stream.indirect.scatter.add.f32 [tilespmem:s15], [sflag:$0x1], $0x1, s19, s14, $0xb8;
	[tilespmem:$0x59E0] =	vst v63  }
0xce: {  	s20 =	sadd.s32 $0x2800, s19  }
0xcf: {  	[spmem:s3] =	stream.indirect.scatter.add.f32 [tilespmem:s15], [sflag:$0x2], $0x1, s20, s14, $0xb8;
	[tilespmem:$0x59E0] =	vst v63  }
0xd0: {  	s29 =	sadd.s32 $0x80, s19  }
0xd1: {  	[spmem:s2] =	stream.indirect.scatter.add.f32 [tilespmem:s15], [sflag:$0x1], $0x1, s29, s14, $0xb8;
	[tilespmem:$0x59E0] =	vst v63  }
0xd2: {  	s30 =	sadd.s32 $0x2880, s19  }
0xd3: {  	[spmem:s3] =	stream.indirect.scatter.add.f32 [tilespmem:s15], [sflag:$0x2], $0x1, s30, s14, $0xb8;
	[tilespmem:$0x59E0] =	vst v63  }
0xd4: {  	s31 =	sadd.s32 $0x100, s19  }
0xd5: {  	[spmem:s2] =	stream.indirect.scatter.add.f32 [tilespmem:s15], [sflag:$0x1], $0x1, s31, s14, $0xb8;
	[tilespmem:$0x59E0] =	vst v63  }
0xd6: {  	s21 =	sadd.s32 $0x2900, s19  }
0xd7: {  	[spmem:s3] =	stream.indirect.scatter.add.f32 [tilespmem:s15], [sflag:$0x2], $0x1, s21, s14, $0xb8;
	[tilespmem:$0x59E0] =	vst v63  }
0xd8: {  	s22 =	sadd.s32 $0x180, s19  }
0xd9: {  	[spmem:s2] =	stream.indirect.scatter.add.f32 [tilespmem:s15], [sflag:$0x1], $0x1, s22, s14, $0xb8;
	[tilespmem:$0x59E0] =	vst v63  }
0xda: {  	s23 =	sadd.s32 $0x2980, s19  }
0xdb: {  	[spmem:s3] =	stream.indirect.scatter.add.f32 [tilespmem:s15], [sflag:$0x2], $0x1, s23, s14, $0xb8;
	[tilespmem:$0x59E0] =	vst v63  }
0xdc: {  	s24 =	sadd.s32 $0x200, s19  }
0xdd: {  	[spmem:s2] =	stream.indirect.scatter.add.f32 [tilespmem:s15], [sflag:$0x1], $0x1, s24, s14, $0xb8;
	[tilespmem:$0x59E0] =	vst v63  }
0xde: {  	s25 =	sadd.s32 $0x2A00, s19  }
0xdf: {  	[spmem:s3] =	stream.indirect.scatter.add.f32 [tilespmem:s15], [sflag:$0x2], $0x1, s25, s14, $0xb8;
	[tilespmem:$0x59E0] =	vst v63  }
0xe0: {  	s26 =	sadd.s32 $0x280, s19  }
0xe1: {  	[spmem:s2] =	stream.indirect.scatter.add.f32 [tilespmem:s15], [sflag:$0x1], $0x1, s26, s14, $0xb8;
	[tilespmem:$0x59E0] =	vst v63  }
0xe2: {  	s28 =	sadd.s32 $0x2A80, s19  }
0xe3: {  	[spmem:s3] =	stream.indirect.scatter.add.f32 [tilespmem:s15], [sflag:$0x2], $0x1, s28, s14, $0xb8;
	[tilespmem:$0x59E0] =	vst v63  }
0xe4: {  	s29 =	sadd.s32 $0x300, s19  }
0xe5: {  	[spmem:s2] =	stream.indirect.scatter.add.f32 [tilespmem:s15], [sflag:$0x1], $0x1, s29, s14, $0xb8;
	[tilespmem:$0x59E0] =	vst v63  }
0xe6: {  	s30 =	sadd.s32 $0x2B00, s19  }
0xe7: {  	[spmem:s3] =	stream.indirect.scatter.add.f32 [tilespmem:s15], [sflag:$0x2], $0x1, s30, s14, $0xb8;
	[tilespmem:$0x59E0] =	vst v63  }
0xe8: {  	s31 =	sadd.s32 $0x380, s19  }
0xe9: {  	[spmem:s2] =	stream.indirect.scatter.add.f32 [tilespmem:s15], [sflag:$0x1], $0x1, s31, s14, $0xb8;
	[tilespmem:$0x59E0] =	vst v63  }
0xea: {  	s19 =	sadd.s32 $0x2B80, s19  }
0xeb: {  	[spmem:s3] =	stream.indirect.scatter.add.f32 [tilespmem:s15], [sflag:$0x2], $0x1, s19, s14, $0xb8;
	[tilespmem:$0x59E0] =	vst v63  }
0xec: {  	_ =	swait.ge [sflag:s16], $0x80  }
0xed: {  	[sflag:s16] =	ssyncset.done $0x0  }
0xee: {  	[sflag:s16] =	ssyncadd.s32 $0xFFFFFF80  }
0xef: {  	_ =	swait.ge [sflag:s17], $0x80  }
0xf0: {  	[sflag:s17] =	ssyncset.done $0x0  }
0xf1: {  	[sflag:s17] =	ssyncadd.s32 $0xFFFFFF80  }
0xf2: {  	_ =	swait.ge [sflag:s16], $0x80  }
0xf3: {  	[sflag:s16] =	ssyncset.done $0x0  }
0xf4: {  	[sflag:s16] =	ssyncadd.s32 $0xFFFFFF80  }
0xf5: {  	_ =	swait.ge [sflag:s17], $0x80  }
0xf6: {  	[sflag:s17] =	ssyncset.done $0x0  }
0xf7: {  	[sflag:s17] =	ssyncadd.s32 $0xFFFFFF80  }
0xf8: {  	_ =	swait.ge [sflag:s16], $0x80  }
0xf9: {  	[sflag:s16] =	ssyncset.done $0x0  }
0xfa: {  	[sflag:s16] =	ssyncadd.s32 $0xFFFFFF80  }
0xfb: {  	_ =	swait.ge [sflag:s17], $0x80  }
0xfc: {  	[sflag:s17] =	ssyncset.done $0x0  }
0xfd: {  	[sflag:s17] =	ssyncadd.s32 $0xFFFFFF80  }
0xfe: {  	_ =	swait.ge [sflag:s16], $0x80  }
0xff: {  	[sflag:s16] =	ssyncset.done $0x0  }
0x100: {  	[sflag:s16] =	ssyncadd.s32 $0xFFFFFF80  }
0x101: {  	_ =	swait.ge [sflag:s17], $0x80  }
0x102: {  	[sflag:s17] =	ssyncset.done $0x0  }
0x103: {  	[sflag:s17] =	ssyncadd.s32 $0xFFFFFF80  }
0x104: {  	_ =	swait.ge [sflag:s16], $0x80  }
0x105: {  	[sflag:s16] =	ssyncset.done $0x0  }
0x106: {  	[sflag:s16] =	ssyncadd.s32 $0xFFFFFF80  }
0x107: {  	_ =	swait.ge [sflag:s17], $0x80  }
0x108: {  	[sflag:s17] =	ssyncset.done $0x0  }
0x109: {  	[sflag:s17] =	ssyncadd.s32 $0xFFFFFF80  }
0x10a: {  	_ =	swait.ge [sflag:s16], $0x80  }
0x10b: {  	[sflag:s16] =	ssyncset.done $0x0  }
0x10c: {  	[sflag:s16] =	ssyncadd.s32 $0xFFFFFF80  }
0x10d: {  	_ =	swait.ge [sflag:s17], $0x80  }
0x10e: {  	[sflag:s17] =	ssyncset.done $0x0  }
0x10f: {  	[sflag:s17] =	ssyncadd.s32 $0xFFFFFF80  }
0x110: {  	_ =	swait.ge [sflag:s16], $0x80  }
0x111: {  	[sflag:s16] =	ssyncset.done $0x0  }
0x112: {  	[sflag:s16] =	ssyncadd.s32 $0xFFFFFF80  }
0x113: {  	_ =	swait.ge [sflag:s17], $0x80  }
0x114: {  	[sflag:s17] =	ssyncset.done $0x0  }
0x115: {  	[sflag:s17] =	ssyncadd.s32 $0xFFFFFF80  }
0x116: {  	_ =	swait.ge [sflag:s16], $0x80  }
0x117: {  	[sflag:s16] =	ssyncset.done $0x0  }
0x118: {  	[sflag:s16] =	ssyncadd.s32 $0xFFFFFF80  }
0x119: {  	_ =	swait.ge [sflag:s17], $0x80  }
0x11a: {  	[sflag:s17] =	ssyncset.done $0x0  }
0x11b: {  	[sflag:s17] =	ssyncadd.s32 $0xFFFFFF80  }
0x11c: {  	s20 =	simm.s32 @!p1 $0x3;
	s19 =	simm.s32 @!p1 $0x5080;
	[bflag:$0x0] =	sbarrier.arrive $0xFFFF  }
0x11d: {  	[tilespmem:s19], [sflag:$0x3] =	stream.linear.gather @!p1 [spmem:s7], $0x3E8, $0x38;
	[tilespmem:$0x59E0] =	vst v63  }
0x11e: {  	_ =	swait.ge @!p1 [sflag:s20], $0x3E8  }
0x11f: {  	[sflag:s20] =	ssyncset.done @!p1 $0x0  }
0x120: {  	s21 =	simm.s32 @!p1 $0x0;
	[sflag:s20] =	ssyncadd.s32 @!p1 $0xFFFFFC18  }
0x121: {  	[hbm4b:s9+s21] =	stream.linear.scatter @!p1 [tilespmem:s19], [sflag:$0x3], $0x3E8, $0x38;
	[tilespmem:$0x59E0] =	vst v63  }
0x122: {  	_ =	swait.ge @!p1 [sflag:s20], $0x3E8  }
0x123: {  	[sflag:s20] =	ssyncset.done @!p1 $0x0  }
0x124: {  	[sflag:s20] =	ssyncadd.s32 @!p1 $0xFFFFFC18  }
0x125: {  	[tilespmem:s19], [sflag:$0x3] =	stream.linear.gather @!p1 [spmem:s8], $0x3E8, $0x38;
	[tilespmem:$0x59E0] =	vst v63  }
0x126: {  	s18 =	sadd.s32 $0x1, s18;
	_ =	swait.ge @!p1 [sflag:s20], $0x3E8  }
0x127: {  	p2 =	sne.s32 s18, s11;
	[sflag:s20] =	ssyncset.done @!p1 $0x0  }
.Ltmp2:
0x128: {  	[sflag:s20] =	ssyncadd.s32 @!p1 $0xFFFFFC18;
	(pc) =	sbr.rel @p2 .LBB2_1-.Ltmp2, $4  }
0x129: {  	[hbm4b:s10+s21] =	stream.linear.scatter @!p1 [tilespmem:s19], [sflag:$0x3], $0x3E8, $0x38;
	[tilespmem:$0x59E0] =	vst v63  }
0x12a: {  	_ =	swait.ge @!p1 [sflag:s20], $0x3E8  }
0x12b: {  	[sflag:s20] =	ssyncset.done @!p1 $0x0  }
0x12c: {  	[sflag:s20] =	ssyncadd.s32 @!p1 $0xFFFFFC18  }
0x12d: {  	_ =	sfence.sel $0x180000  }
0x12e: {  	[bflag:$0x0] =	sbarrier.arrive $0xFFFF  }
0x12f: {  	p0 =	sne.s32 s1, $0x0;
	_ =	strace $0x90000047  }
0x130: {  	s0 =	sadd.s32 @!p0 $0x100000, s0;
	[bflag:$0x2] =	sbarrier.arrive $0xFFFF  }
0x131: {  	[sflag:s0] =	ssyncadd.tile.s32 @!p0 $0x1;
	_ =	shalt  }
.Lfunc_end2:
_tile_overlayer_lowered:
.L_overlay_start_2:
0x132: {  	(tag) =	ssettag $0x2  }
0x133: {  	s0 =	rddreg [dreg:$0x0];
	s2 =	stileid.u32  }
0x134: {  	s1 =	rddreg [dreg:$0x1];
	p0 =	sne.s32 s2, $0x0  }
0x135: {  	s3 =	rddreg [dreg:$0x2];
	[bflag:$0x3] =	sbarrier.arrive $0xFFFF;
	s2 =	simm.s32 @!p0 $0x1C03  }
0x136: {  	[timem:s3], [sflag:s2] =	dma.local @!p0 [hbm:s0], s1  }
0x137: {  	s0 =	simm.s32 @!p0 $0x3  }
0x138: {  	_ =	swait.ge @!p0 [sflag:s0], s1  }
0x139: {  	s1 =	ssub.s32 @!p0 $0x0, s1;
	[sflag:s0] =	ssyncset.done @!p0 $0x0  }
0x13a: {  	[sflag:s0] =	ssyncadd.s32 @!p0 s1  }
0x13b: {  	[bflag:$0x3] =	sbarrier.arrive $0xFFFF  }
0x13c: {  	_ =	shalt  }

</sc_bundles>
